<compile_context>
chip_gen: v7x
topology: tpu7x:2x2x1
jax: 0.10.2.dev20260603
libtpu: 0.0.44.dev20260713+nightly
codegen_flags: <defaults>
</compile_context>

<pallas_src>
import functools
import numpy as np
import jax
import jax.numpy as jnp
from jax import lax
from jax.experimental import pallas as pl
from jax.experimental.pallas import tpu as pltpu
from jax.experimental.pallas import tpu_sc as plsc

_N = 10000
_E = 160000
_C = 32
_A = 8
_O = 32
_Q = 16
_K = 16
_NB = 8
_EA = 16
_MAX_R = 6.0
_SILU_NORM = 1.6768
_EMB_C = 1.14136 * float(np.exp(2.0))
_SQRT_NB = float(np.sqrt(_NB))
_INV_S24 = 1.0 / float(np.sqrt(_NB + _EA))
_INV_S128 = 1.0 / float(np.sqrt(128.0))
_INV_S32 = 1.0 / float(np.sqrt(_C))
_QD_SCALE = 1.0 / (_C * float(np.sqrt(_Q * _K)))
_SI_SCALE = 1.0 / float(np.sqrt(_C * _A))

_BN = 1000
_BE = 1280

_NW = 32
_EPW = _E // _NW
_NPT = _N // 16


def _sus(x):
    safe = jnp.where(x > 0.0, x, 1.0)
    return jnp.where(x > 0.0, jnp.exp(-1.0 / safe), 0.0)


def _silu(x):
    return x / (1.0 + jnp.exp(-x))


def _prep_table_body(x_ref, pos_ref, wq_ref, wdot_ref, t_ref):
    x = x_ref[...]
    wqd = jnp.dot(wq_ref[...], wdot_ref[...], preferred_element_type=jnp.float32)
    qd = jnp.dot(x, wqd, preferred_element_type=jnp.float32) * _QD_SCALE
    t_ref[...] = jnp.concatenate(
        [x, qd, pos_ref[...], jnp.zeros((_BN, 128 - _C - _K - 3), jnp.float32)],
        axis=1)


def _prep_table(x, pos, W_q, W_dot):
    grid = (_N // _BN,)
    return pl.pallas_call(
        _prep_table_body,
        grid=grid,
        in_specs=[
            pl.BlockSpec((_BN, _C), lambda i: (i, 0)),
            pl.BlockSpec((_BN, 3), lambda i: (i, 0)),
            pl.BlockSpec((_C, _Q), lambda i: (0, 0)),
            pl.BlockSpec((_Q, _K), lambda i: (0, 0)),
        ],
        out_specs=pl.BlockSpec((_BN, 128), lambda i: (i, 0)),
        out_shape=jax.ShapeDtypeStruct((_N, 128), jnp.float32),
    )(x, pos, W_q, W_dot)


def _prep_si_body(x_ref, na_ref, wsi_ref, si_ref):
    x = x_ref[...]
    na = na_ref[...]
    xa = jnp.concatenate([x * na[:, a:a + 1] for a in range(_A)], axis=1)
    si_ref[...] = jnp.dot(xa, wsi_ref[...], preferred_element_type=jnp.float32) * _SI_SCALE


def _prep_si(x, node_attr, wsi2):
    grid = (_N // _BN,)
    return pl.pallas_call(
        _prep_si_body,
        grid=grid,
        in_specs=[
            pl.BlockSpec((_BN, _C), lambda i: (i, 0)),
            pl.BlockSpec((_BN, _A), lambda i: (i, 0)),
            pl.BlockSpec((_A * _C, _O), lambda i: (0, 0)),
        ],
        out_specs=pl.BlockSpec((_BN, _O), lambda i: (i, 0)),
        out_shape=jax.ShapeDtypeStruct((_N, _O), jnp.float32),
    )(x, node_attr, wsi2)


def _pick_chunk(epw, cap=440):
  for g in range(cap, 7, -8):
    if epw % g == 0 and g % 8 == 0:
      return g
  raise ValueError(epw)


@functools.cache
def _build_sc_gather(e0, ne):
  epw = ne // _NW
  gch = _pick_chunk(epw)
  nch = epw // gch
  mesh = plsc.VectorSubcoreMesh(core_axis_name="c", subcore_axis_name="s")

  @functools.partial(
    pl.kernel,
    mesh=mesh,
    out_type=(
        jax.ShapeDtypeStruct((ne, 128), jnp.float32),
        jax.ShapeDtypeStruct((ne, 128), jnp.float32),
    ),
    scratch_types=[
        pltpu.VMEM((epw,), jnp.int32),
        pltpu.VMEM((epw,), jnp.int32),
        pltpu.VMEM((gch, 128), jnp.float32),
        pltpu.VMEM((gch, 128), jnp.float32),
        pltpu.SemaphoreType.DMA,
        pltpu.SemaphoreType.DMA,
    ],
    compiler_params=pltpu.CompilerParams(needs_layout_passes=False),
  )
  def _sc_gather(src_h, dst_h, tt, gs_out, gd_out, src_v, dst_v, sbuf, dbuf,
                 sem1, sem2):
    wid = lax.axis_index("s") * 2 + lax.axis_index("c")
    base = wid * epw
    pltpu.sync_copy(src_h.at[pl.ds(e0 + base, epw)], src_v)
    pltpu.sync_copy(dst_h.at[pl.ds(e0 + base, epw)], dst_v)

    def chunk_body(ci, carry):
        off = ci * gch
        cp1 = pltpu.async_copy(tt.at[src_v.at[pl.ds(off, gch)]], sbuf, sem1)
        cp2 = pltpu.async_copy(tt.at[dst_v.at[pl.ds(off, gch)]], dbuf, sem2)
        cp1.wait()
        pltpu.sync_copy(sbuf, gs_out.at[pl.ds(base + off, gch)])
        cp2.wait()
        pltpu.sync_copy(dbuf, gd_out.at[pl.ds(base + off, gch)])
        return carry

    lax.fori_loop(0, nch, chunk_body, 0)

  return _sc_gather


def _edge_body(gs_ref, gd_ref, eat_ref, w1e_ref, w1a_ref, w2k_ref,
               w2v_ref, out_ref):
    f32 = jnp.float32
    bf16 = jnp.bfloat16
    gs = gs_ref[...]
    gd = gd_ref[...]

    px_r = lax.broadcasted_iota(jnp.int32, (128, _C), 0)
    px_c = lax.broadcasted_iota(jnp.int32, (128, _C), 1)
    Px = (px_r == px_c).astype(f32)
    pq_r = lax.broadcasted_iota(jnp.int32, (128, _K), 0)
    pq_c = lax.broadcasted_iota(jnp.int32, (128, _K), 1)
    Pq = (pq_r == pq_c + _C).astype(f32)
    pp_r = lax.broadcasted_iota(jnp.int32, (128, 1), 0)
    Pp = ((pp_r >= _C + _K) & (pp_r < _C + _K + 3)).astype(f32)

    xs = jnp.dot(gs, Px, preferred_element_type=f32)
    qd = jnp.dot(gd, Pq, preferred_element_type=f32)
    dp = gs - gd
    l2 = jnp.dot(dp * dp, Pp, preferred_element_type=f32) + 1e-24
    elen = jnp.sqrt(l2)

    jcol = lax.broadcasted_iota(jnp.int32, (_BE, _NB), 1).astype(f32)
    vals = (jcol + 1.0) * (_MAX_R / (_NB + 1))
    diff = (elen - vals) * ((_NB + 1) / _MAX_R)
    dd = 1.0 - diff * diff
    inside = dd > 0.0
    dd_safe = jnp.where(inside, dd, 1.0)
    emb = jnp.where(inside,
                    (_EMB_C * _SQRT_NB) * jnp.exp(-2.0 / dd_safe), 0.0)

    pre = (jnp.dot(emb, w1e_ref[...], preferred_element_type=f32)
           + lax.dot_general(eat_ref[...], w1a_ref[...],
                             (((0,), (0,)), ((), ())),
                             preferred_element_type=f32))
    h = _silu(pre * _INV_S24) * _SILU_NORM
    hk = h[:, 0:128]
    hv = h[:, 128:256]
    wk2 = jnp.dot(hk, w2k_ref[...], preferred_element_type=f32) * _INV_S128
    wv2 = jnp.dot(hv.astype(bf16), w2v_ref[...].astype(bf16),
                  preferred_element_type=f32) * _INV_S128

    rk_r = lax.broadcasted_iota(jnp.int32, (_C, _C * _K), 0)
    rk_c = lax.broadcasted_iota(jnp.int32, (_C, _C * _K), 1)
    Rk = (rk_c // _K == rk_r).astype(f32)
    sk_r = lax.broadcasted_iota(jnp.int32, (_C * _K, _K), 0)
    sk_c = lax.broadcasted_iota(jnp.int32, (_C * _K, _K), 1)
    Sk = (sk_r % _K == sk_c).astype(f32)
    xs_k = jnp.dot(xs, Rk, preferred_element_type=f32)
    kraw = jnp.dot(wk2 * xs_k, Sk, preferred_element_type=f32)

    rv_r = lax.broadcasted_iota(jnp.int32, (_C, _C * _O), 0)
    rv_c = lax.broadcasted_iota(jnp.int32, (_C, _C * _O), 1)
    Rv = (rv_c // _O == rv_r).astype(bf16)
    sv_r = lax.broadcasted_iota(jnp.int32, (_C * _O, _O), 0)
    sv_c = lax.broadcasted_iota(jnp.int32, (_C * _O, _O), 1)
    Sv = (sv_r % _O == sv_c).astype(bf16)
    xs_v = jnp.dot(xs.astype(bf16), Rv, preferred_element_type=f32)
    vraw = jnp.dot((wv2 * xs_v).astype(bf16), Sv,
                   preferred_element_type=f32)

    temp = jnp.sum(qd * kraw, axis=1, keepdims=True)
    ewc = _sus(10.0 * (1.0 - elen * (1.0 / _MAX_R)))
    t2 = ewc * temp
    expv = jnp.exp(t2)
    sexp = jnp.exp(0.5 * t2)
    num = sexp * vraw * _INV_S32
    out_ref[...] = jnp.concatenate(
        [num, expv, jnp.zeros((_BE, 95), f32)], axis=1)


def _edge_pass(gs, gd, ea_t, w1e, w1a, W2_k, W2_v, blk0):
    ne = gs.shape[0]
    grid = (ne // _BE,)
    return pl.pallas_call(
        _edge_body,
        grid=grid,
        in_specs=[
            pl.BlockSpec((_BE, 128), lambda i: (i, 0)),
            pl.BlockSpec((_BE, 128), lambda i: (i, 0)),
            pl.BlockSpec((_EA, _BE), lambda i: (0, i + blk0)),
            pl.BlockSpec((_NB, 256), lambda i: (0, 0)),
            pl.BlockSpec((_EA, 256), lambda i: (0, 0)),
            pl.BlockSpec((128, _C * _K), lambda i: (0, 0)),
            pl.BlockSpec((128, _C * _O), lambda i: (0, 0)),
        ],
        out_specs=pl.BlockSpec((_BE, 128), lambda i: (i, 0)),
        out_shape=jax.ShapeDtypeStruct((ne, 128), jnp.float32),
    )(gs, gd, ea_t, w1e, w1a, W2_k, W2_v)


@functools.cache
def _build_sc_scatterN(spec):
  epws = [ne // _NW for (_, ne) in spec]
  budget = 376
  gchs = []
  for epw in epws:
    cap = max(8, (budget // len(epws)) - (budget // len(epws)) % 8)
    gchs.append(_pick_chunk(epw, cap))
  k = len(spec)
  mesh = plsc.VectorSubcoreMesh(core_axis_name="c", subcore_axis_name="s")

  scratch = []
  for i in range(k):
    scratch.append(pltpu.VMEM((gchs[i],), jnp.int32))
    scratch.append(pltpu.VMEM((gchs[i], 128), jnp.float32))
  scratch += [
      pltpu.VMEM((8, 128), jnp.float32),
      pltpu.VMEM_SHARED((_N, 128), jnp.float32),
      pltpu.SemaphoreType.DMA,
  ]

  @functools.partial(
    pl.kernel,
    mesh=mesh,
    out_type=jax.ShapeDtypeStruct((2, _N, 128), jnp.float32),
    scratch_types=scratch,
    compiler_params=pltpu.CompilerParams(needs_layout_passes=False),
  )
  def _sc_scatter(dst_h, *args):
    rows = args[0:k]
    out_h = args[k]
    bufs = args[k + 1:k + 1 + 2 * k]
    zb = args[k + 1 + 2 * k]
    table = args[k + 2 + 2 * k]
    cid = lax.axis_index("c")
    sid = lax.axis_index("s")
    wid = sid * 2 + cid

    zero16 = jnp.zeros((16,), jnp.float32)

    def zb_body(i, carry):
        r = i // 8
        c = (i % 8) * 16
        zb[r, pl.ds(c, 16)] = zero16
        return carry

    lax.fori_loop(0, 8 * 8, zb_body, 0)

    def zt_body(j, carry):
        pltpu.sync_copy(zb, table.at[pl.ds(sid * 632 + j * 8, 8)])
        return carry

    @pl.when(sid < 15)
    def _():
        lax.fori_loop(0, 79, zt_body, 0)

    @pl.when(sid == 15)
    def _():
        lax.fori_loop(0, 65, zt_body, 0)

    plsc.subcore_barrier()

    for i in range(k):
        e0, _ = spec[i]
        epw, gch = epws[i], gchs[i]
        dstc, rowsv = bufs[2 * i], bufs[2 * i + 1]
        rows_h = rows[i]

        def chunk_body(ci, carry, e0=e0, epw=epw, gch=gch, dstc=dstc,
                       rowsv=rowsv, rows_h=rows_h):
            off = wid * epw + ci * gch
            pltpu.sync_copy(dst_h.at[pl.ds(e0 + off, gch)], dstc)
            pltpu.sync_copy(rows_h.at[pl.ds(off, gch)], rowsv)
            pltpu.sync_copy(rowsv, table.at[dstc], add=True)
            return carry

        lax.fori_loop(0, epw // gch, chunk_body, 0)

    plsc.subcore_barrier()

    @pl.when(sid < 15)
    def _():
        pltpu.sync_copy(table.at[pl.ds(sid * 632, 632)],
                        out_h.at[cid, pl.ds(sid * 632, 632)])

    @pl.when(sid == 15)
    def _():
        pltpu.sync_copy(table.at[pl.ds(15 * 632, 520)],
                        out_h.at[cid, pl.ds(15 * 632, 520)])

  return _sc_scatter


def _combine_body(a0_ref, a1_ref, b0_ref, b1_ref, c0_ref, c1_ref, si_ref,
                  out_ref):
    s = ((a0_ref[0] + a1_ref[0]) + (b0_ref[0] + b1_ref[0])
         + (c0_ref[0] + c1_ref[0]))
    z = s[:, 32:33]
    zz = jnp.where(z == 0.0, 1.0, z)
    out_ref[...] = si_ref[...] + s[:, 0:_O] * lax.rsqrt(zz)


def _combine(s48a, s48b, s48c, si):
    grid = (_N // _BN,)
    return pl.pallas_call(
        _combine_body,
        grid=grid,
        in_specs=[
            pl.BlockSpec((1, _BN, 128), lambda i: (0, i, 0)),
            pl.BlockSpec((1, _BN, 128), lambda i: (1, i, 0)),
            pl.BlockSpec((1, _BN, 128), lambda i: (0, i, 0)),
            pl.BlockSpec((1, _BN, 128), lambda i: (1, i, 0)),
            pl.BlockSpec((1, _BN, 128), lambda i: (0, i, 0)),
            pl.BlockSpec((1, _BN, 128), lambda i: (1, i, 0)),
            pl.BlockSpec((_BN, _O), lambda i: (i, 0)),
        ],
        out_specs=pl.BlockSpec((_BN, _O), lambda i: (i, 0)),
        out_shape=jax.ShapeDtypeStruct((_N, _O), jnp.float32),
    )(s48a, s48a, s48b, s48b, s48c, s48c, si)


def kernel(x, pos, node_attr, edge_index, edge_attr, batch, W_q, W_si,
           W1_k, W2_k, W1_v, W2_v, W_dot):
    wsi2 = jnp.transpose(W_si, (1, 0, 2)).reshape(_A * _C, _O)
    src = edge_index[0]
    dst = edge_index[1]
    ea_t = jnp.transpose(edge_attr)
    w1kv = jnp.concatenate([W1_k, W1_v], axis=1)
    w1e = w1kv[:_NB]
    w1a = w1kv[_NB:]
    tt = _prep_table(x, pos, W_q, W_dot)
    si = _prep_si(x, node_attr, wsi2)
    sizes = (8 * _BE, 46 * _BE, 50 * _BE, 21 * _BE)
    starts = (0, sizes[0], sizes[0] + sizes[1], sizes[0] + sizes[1] + sizes[2])
    outs = []
    for e0, ne in zip(starts, sizes):
        gs_c, gd_c = _build_sc_gather(e0, ne)(src, dst, tt)
        outs.append(_edge_pass(gs_c, gd_c, ea_t, w1e, w1a, W2_k, W2_v,
                               e0 // _BE))
    s48a = _build_sc_scatterN(tuple(zip(starts[:2], sizes[:2])))(
        dst, outs[0], outs[1])
    s48b = _build_sc_scatterN(((starts[2], sizes[2]),))(dst, outs[2])
    s48c = _build_sc_scatterN(((starts[3], sizes[3]),))(dst, outs[3])
    return _combine(s48a, s48b, s48c, si)

# --- scband reference (transcript-rebuilt; emitter-appended) ---
"""Pipeline reference for scband-transformer-layer-with-bond-10273561772407 (READ-ONLY COPY).

The authoritative reference and input builder live on the scoring server;
editing this copy changes nothing except your own understanding.
"""

import jax, jax.numpy as jnp
import numpy as np

N = 10000
E = 160000
C = 32   # irreps_input: 32x0e
A = 8    # irreps_node_attr: 8x0e
O = 32   # irreps_output: 32x0e
Q = 16   # irreps_query: 16x0e
K = 16   # irreps_key: 16x0e
NB = 8   # number_of_basis
EA = 16  # edge_attr_dim
H = 128  # fc hidden
MAX_R = 6.0
SILU_NORM = 1.6768  # e3nn normalize2mom constant for silu


def sus(x):
    # e3nn soft_unit_step: exp(-1/x) for x>0 else 0
    safe = jnp.where(x > 0.0, x, 1.0)
    return jnp.where(x > 0.0, jnp.exp(-1.0 / safe), 0.0)


def soft_one_hot_linspace(x):
    # e3nn soft_one_hot_linspace, basis='smooth_finite', cutoff=True
    values = jnp.linspace(0.0, MAX_R, NB + 2)[1:-1]
    step = MAX_R / (NB + 1)
    diff = (x[:, None] - values[None, :]) / step
    return 1.14136 * float(np.exp(2.0)) * sus(diff + 1.0) * sus(1.0 - diff)


def spherical_harmonics(vec):
    # l=0,1,2 real spherical harmonics, normalize=True, 'component' normalization (e3nn convention)
    n = jnp.sqrt(jnp.sum(vec * vec, axis=1) + 1e-24)
    v = vec / n[:, None]
    x, y, z = v[:, 0], v[:, 1], v[:, 2]
    s3 = float(np.sqrt(3.0)); s5 = float(np.sqrt(5.0)); s15 = float(np.sqrt(15.0))
    x2, y2, z2 = x * x, y * y, z * z
    sh = jnp.stack([
        jnp.ones_like(x),
        s3 * x, s3 * y, s3 * z,
        s15 * x * z, s15 * x * y, s5 * (y2 - 0.5 * (x2 + z2)), s15 * y * z, 0.5 * s15 * (z2 - x2)
    ], axis=1)
    return sh


def fcnet(inp, W1, W2):
    # e3nn FullyConnectedNet([in, 128, out], act=silu): variance-normalized linear layers, no bias
    h = jax.nn.silu(inp @ W1 / np.sqrt(inp.shape[1])) * SILU_NORM
    return h @ W2 / np.sqrt(W1.shape[1])


def setup_inputs(seed: int = 0):
    key = jax.random.key(seed)
    ks = jax.random.split(key, 12)
    x = jax.random.normal(ks[0], (N, C), dtype=jnp.float32)
    pos = jax.random.normal(ks[1], (N, 3), dtype=jnp.float32)
    node_attr = jax.random.normal(ks[2], (N, A), dtype=jnp.float32)
    edge_index = jax.random.randint(ks[3], (2, E), 0, N, dtype=jnp.int32)
    edge_attr = jax.random.normal(ks[4], (E, EA), dtype=jnp.float32)
    batch = jnp.zeros((N,), dtype=jnp.int32)
    W_q = jax.random.normal(ks[5], (C, Q), dtype=jnp.float32)
    W_si = jax.random.normal(ks[6], (C, A, O), dtype=jnp.float32)
    W1_k = jax.random.normal(ks[7], (NB + EA, H), dtype=jnp.float32)
    W2_k = jax.random.normal(ks[8], (H, C * K), dtype=jnp.float32)
    W1_v = jax.random.normal(ks[9], (NB + EA, H), dtype=jnp.float32)
    W2_v = jax.random.normal(ks[10], (H, C * O), dtype=jnp.float32)
    W_dot = jax.random.normal(ks[11], (Q, K), dtype=jnp.float32)
    return {"x": x, "pos": pos, "node_attr": node_attr, "edge_index": edge_index,
            "edge_attr": edge_attr, "batch": batch, "W_q": W_q, "W_si": W_si,
            "W1_k": W1_k, "W2_k": W2_k, "W1_v": W1_v, "W2_v": W2_v, "W_dot": W_dot}


def reference(x, pos, node_attr, edge_index, edge_attr, batch, W_q, W_si, W1_k, W2_k, W1_v, W2_v, W_dot):
    src = edge_index[0]
    dst = edge_index[1]
    edge_vec = pos[src] - pos[dst]
    edge_length = jnp.sqrt(jnp.sum(edge_vec * edge_vec, axis=1) + 1e-24)
    emb = soft_one_hot_linspace(edge_length) * float(np.sqrt(NB))
    edge_data = jnp.concatenate([emb, edge_attr], axis=1)
    ewc = sus(10.0 * (1.0 - edge_length / MAX_R))
    sh = spherical_harmonics(edge_vec)
    # h_q: o3.Linear (scalar irreps -> plain variance-normalized linear)
    q = x @ W_q / np.sqrt(C)
    # tp_k / tp_v: FullyConnectedTensorProduct(32x0e, sh, *x0e) -> only the 0e x 0e path couples;
    # per-edge weights from fc nets (shared_weights=False)
    xs = x[src] * sh[:, 0:1]
    wk = fcnet(edge_data, W1_k, W2_k).reshape(-1, C, K)
    k = jnp.einsum('ec,eck->ek', xs, wk) / np.sqrt(C)
    wv = fcnet(edge_data, W1_v, W2_v).reshape(-1, C, O)
    v = jnp.einsum('ec,eco->eo', xs, wv) / np.sqrt(C)
    # dot: FullyConnectedTensorProduct(16x0e, 16x0e -> 0e)
    temp = (jnp.einsum('eq,ek,qk->e', q[dst], k, W_dot) / np.sqrt(Q * K))[:, None]
    expv = jnp.exp(ewc[:, None] * temp)
    z = jax.ops.segment_sum(expv, dst, num_segments=N)
    z = jnp.where(z == 0.0, 1.0, z)
    alpha = expv / z[dst]
    a = jnp.sqrt(jax.nn.relu(alpha) + 1e-14)
    si = jnp.einsum('nc,na,cao->no', x, node_attr, W_si) / np.sqrt(C * A)
    return si + jax.ops.segment_sum(a * v, dst, num_segments=N)

if __name__ == "__main__":
    import jax
    _d = setup_inputs()
    print(jax.jit(kernel)(*tuple(_d.values())))

</pallas_src>

<mosaic_0001>
#map = affine_map<(d0, d1) -> (0)>
#map1 = affine_map<(d0, d1) -> (0, 0)>
module attributes {stable_mosaic.version = 14 : i64} {
  func.func @_sc_gather(%arg0: i32, %arg1: i32, %arg2: memref<160000xi32, #tpu.memory_space<hbm>>, %arg3: memref<160000xi32, #tpu.memory_space<hbm>>, %arg4: memref<10000x128xf32, #tpu.memory_space<hbm>>, %arg5: memref<58880x128xf32, #tpu.memory_space<hbm>>, %arg6: memref<58880x128xf32, #tpu.memory_space<hbm>>, %arg7: memref<1840xi32, #tpu.memory_space<vmem>>, %arg8: memref<1840xi32, #tpu.memory_space<vmem>>, %arg9: memref<368x128xf32, #tpu.memory_space<vmem>>, %arg10: memref<368x128xf32, #tpu.memory_space<vmem>>, %arg11: memref<!tpu.dma_semaphore, #tpu.memory_space<semaphore_mem>>, %arg12: memref<!tpu.dma_semaphore, #tpu.memory_space<semaphore_mem>>) attributes {dimension_semantics = [#tpu.dimension_semantics<core_parallel>, #tpu.dimension_semantics<subcore_parallel>], iteration_bounds = array<i64: 2, 16>, scalar_prefetch = 0 : i64, scratch_operands = 6 : i64, tpu.core_type = #tpu.core_type<sc_vector_subcore>, window_params = [{transform_indices = #map}, {transform_indices = #map}, {transform_indices = #map1}, {transform_indices = #map1}, {transform_indices = #map1}]} {
    %mul3A = arith.constant 2 : i32
    %mul3A_0 = arith.muli %arg1, %mul3A : i32
    %add3A = arith.addi %mul3A_0, %arg0 : i32
    %mul3A_1 = arith.constant 1840 : i32
    %mul3A_2 = arith.muli %add3A, %mul3A_1 : i32
    %add3A_3 = arith.constant 10240 : i32
    %add3A_4 = arith.addi %add3A_3, %mul3A_2 : i32
    "tpu.region"() ({
      %run_scoped3A = tpu.sem_alloc : memref<!tpu.dma_semaphore, #tpu.memory_space<semaphore_mem>>
      %dma_start3A = tpu.memref_slice %arg2[%add3A_4] : memref<160000xi32, #tpu.memory_space<hbm>> -> memref<1840xi32, #tpu.memory_space<hbm>>
      %dma_start3A_12 = tpu.memref_slice %arg2[%add3A_4] : memref<160000xi32, #tpu.memory_space<hbm>> -> memref<1840xi32, #tpu.memory_space<hbm>>
      tpu.enqueue_dma source(%dma_start3A_12 : memref<1840xi32, #tpu.memory_space<hbm>>) target(%arg7 : memref<1840xi32, #tpu.memory_space<vmem>>) target_semaphore(%run_scoped3A : memref<!tpu.dma_semaphore, #tpu.memory_space<semaphore_mem>>)
      %dma_wait3A = tpu.memref_slice %arg2[%add3A_4] : memref<160000xi32, #tpu.memory_space<hbm>> -> memref<1840xi32, #tpu.memory_space<hbm>>
      %dma_wait3A_13 = tpu.memref_slice %arg2[%add3A_4] : memref<160000xi32, #tpu.memory_space<hbm>> -> memref<1840xi32, #tpu.memory_space<hbm>>
      tpu.wait_dma2 semaphore(%run_scoped3A : memref<!tpu.dma_semaphore, #tpu.memory_space<semaphore_mem>>) src(%dma_wait3A_13 : memref<1840xi32, #tpu.memory_space<hbm>>) dst(%arg7 : memref<1840xi32, #tpu.memory_space<vmem>>)
      tpu.yield
    }) : () -> ()
    %add3A_5 = arith.constant 10240 : i32
    %add3A_6 = arith.addi %add3A_5, %mul3A_2 : i32
    "tpu.region"() ({
      %run_scoped3A = tpu.sem_alloc : memref<!tpu.dma_semaphore, #tpu.memory_space<semaphore_mem>>
      %dma_start3A = tpu.memref_slice %arg3[%add3A_6] : memref<160000xi32, #tpu.memory_space<hbm>> -> memref<1840xi32, #tpu.memory_space<hbm>>
      %dma_start3A_12 = tpu.memref_slice %arg3[%add3A_6] : memref<160000xi32, #tpu.memory_space<hbm>> -> memref<1840xi32, #tpu.memory_space<hbm>>
      tpu.enqueue_dma source(%dma_start3A_12 : memref<1840xi32, #tpu.memory_space<hbm>>) target(%arg8 : memref<1840xi32, #tpu.memory_space<vmem>>) target_semaphore(%run_scoped3A : memref<!tpu.dma_semaphore, #tpu.memory_space<semaphore_mem>>)
      %dma_wait3A = tpu.memref_slice %arg3[%add3A_6] : memref<160000xi32, #tpu.memory_space<hbm>> -> memref<1840xi32, #tpu.memory_space<hbm>>
      %dma_wait3A_13 = tpu.memref_slice %arg3[%add3A_6] : memref<160000xi32, #tpu.memory_space<hbm>> -> memref<1840xi32, #tpu.memory_space<hbm>>
      tpu.wait_dma2 semaphore(%run_scoped3A : memref<!tpu.dma_semaphore, #tpu.memory_space<semaphore_mem>>) src(%dma_wait3A_13 : memref<1840xi32, #tpu.memory_space<hbm>>) dst(%arg8 : memref<1840xi32, #tpu.memory_space<vmem>>)
      tpu.yield
    }) : () -> ()
    %scan3A = arith.constant 0 : i32
    %scan3A_7 = arith.constant 0 : i32
    %scan3A_8 = arith.constant 5 : i32
    %scan3A_9 = arith.addi %scan3A_7, %scan3A_8 : i32
    %scan3A_10 = arith.constant 1 : i32
    scf.for %scan3A_12 = %scan3A_7 to %scan3A_9 step %scan3A_10  : i32 {
      %mul3A_13 = arith.constant 368 : i32
      %mul3A_14 = arith.muli %scan3A_12, %mul3A_13 : i32
      %dma_start3A = tpu.memref_slice %arg7[%mul3A_14] : memref<1840xi32, #tpu.memory_space<vmem>> -> memref<368xi32, #tpu.memory_space<vmem>>
      %dma_start3A_15 = arith.constant 0 : i32
      %dma_start3A_16 = arith.constant 0 : i32
      %dma_start3A_17 = tpu.memref_slice %arg4[%dma_start3A_15, %dma_start3A_16] : memref<10000x128xf32, #tpu.memory_space<hbm>> -> memref<10000x128xf32, #tpu.memory_space<hbm>>
      tpu.enqueue_indirect_dma source(%dma_start3A_17 : memref<10000x128xf32, #tpu.memory_space<hbm>>) target(%arg9 : memref<368x128xf32, #tpu.memory_space<vmem>>) offsets(%dma_start3A : memref<368xi32, #tpu.memory_space<vmem>>) semaphore(%arg11 : memref<!tpu.dma_semaphore, #tpu.memory_space<semaphore_mem>>)
      %dma_start3A_18 = tpu.memref_slice %arg8[%mul3A_14] : memref<1840xi32, #tpu.memory_space<vmem>> -> memref<368xi32, #tpu.memory_space<vmem>>
      %dma_start3A_19 = arith.constant 0 : i32
      %dma_start3A_20 = arith.constant 0 : i32
      %dma_start3A_21 = tpu.memref_slice %arg4[%dma_start3A_19, %dma_start3A_20] : memref<10000x128xf32, #tpu.memory_space<hbm>> -> memref<10000x128xf32, #tpu.memory_space<hbm>>
      tpu.enqueue_indirect_dma source(%dma_start3A_21 : memref<10000x128xf32, #tpu.memory_space<hbm>>) target(%arg10 : memref<368x128xf32, #tpu.memory_space<vmem>>) offsets(%dma_start3A_18 : memref<368xi32, #tpu.memory_space<vmem>>) semaphore(%arg12 : memref<!tpu.dma_semaphore, #tpu.memory_space<semaphore_mem>>)
      %dma_wait3A = tpu.memref_slice %arg7[%mul3A_14] : memref<1840xi32, #tpu.memory_space<vmem>> -> memref<368xi32, #tpu.memory_space<vmem>>
      %dma_wait3A_22 = arith.constant 0 : i32
      %dma_wait3A_23 = arith.constant 0 : i32
      %dma_wait3A_24 = tpu.memref_slice %arg4[%dma_wait3A_22, %dma_wait3A_23] : memref<10000x128xf32, #tpu.memory_space<hbm>> -> memref<10000x128xf32, #tpu.memory_space<hbm>>
      tpu.wait_indirect_dma semaphore(%arg11 : memref<!tpu.dma_semaphore, #tpu.memory_space<semaphore_mem>>) src(%dma_wait3A_24 : memref<10000x128xf32, #tpu.memory_space<hbm>>) dst(%arg9 : memref<368x128xf32, #tpu.memory_space<vmem>>)
      %add3A_25 = arith.addi %mul3A_2, %mul3A_14 : i32
      "tpu.region"() ({
        %run_scoped3A = tpu.sem_alloc : memref<!tpu.dma_semaphore, #tpu.memory_space<semaphore_mem>>
        %dma_start3A_31 = arith.constant 0 : i32
        %dma_start3A_32 = tpu.memref_slice %arg5[%add3A_25, %dma_start3A_31] : memref<58880x128xf32, #tpu.memory_space<hbm>> -> memref<368x128xf32, #tpu.memory_space<hbm>>
        %dma_start3A_33 = arith.constant 0 : i32
        %dma_start3A_34 = tpu.memref_slice %arg5[%add3A_25, %dma_start3A_33] : memref<58880x128xf32, #tpu.memory_space<hbm>> -> memref<368x128xf32, #tpu.memory_space<hbm>>
        tpu.enqueue_dma source(%arg9 : memref<368x128xf32, #tpu.memory_space<vmem>>) target(%dma_start3A_34 : memref<368x128xf32, #tpu.memory_space<hbm>>) target_semaphore(%run_scoped3A : memref<!tpu.dma_semaphore, #tpu.memory_space<semaphore_mem>>)
        %dma_wait3A_35 = arith.constant 0 : i32
        %dma_wait3A_36 = tpu.memref_slice %arg5[%add3A_25, %dma_wait3A_35] : memref<58880x128xf32, #tpu.memory_space<hbm>> -> memref<368x128xf32, #tpu.memory_space<hbm>>
        %dma_wait3A_37 = arith.constant 0 : i32
        %dma_wait3A_38 = tpu.memref_slice %arg5[%add3A_25, %dma_wait3A_37] : memref<58880x128xf32, #tpu.memory_space<hbm>> -> memref<368x128xf32, #tpu.memory_space<hbm>>
        tpu.wait_dma2 semaphore(%run_scoped3A : memref<!tpu.dma_semaphore, #tpu.memory_space<semaphore_mem>>) src(%arg9 : memref<368x128xf32, #tpu.memory_space<vmem>>) dst(%dma_wait3A_38 : memref<368x128xf32, #tpu.memory_space<hbm>>)
        tpu.yield
      }) : () -> ()
      %dma_wait3A_26 = tpu.memref_slice %arg8[%mul3A_14] : memref<1840xi32, #tpu.memory_space<vmem>> -> memref<368xi32, #tpu.memory_space<vmem>>
      %dma_wait3A_27 = arith.constant 0 : i32
      %dma_wait3A_28 = arith.constant 0 : i32
      %dma_wait3A_29 = tpu.memref_slice %arg4[%dma_wait3A_27, %dma_wait3A_28] : memref<10000x128xf32, #tpu.memory_space<hbm>> -> memref<10000x128xf32, #tpu.memory_space<hbm>>
      tpu.wait_indirect_dma semaphore(%arg12 : memref<!tpu.dma_semaphore, #tpu.memory_space<semaphore_mem>>) src(%dma_wait3A_29 : memref<10000x128xf32, #tpu.memory_space<hbm>>) dst(%arg10 : memref<368x128xf32, #tpu.memory_space<vmem>>)
      %add3A_30 = arith.addi %mul3A_2, %mul3A_14 : i32
      "tpu.region"() ({
        %run_scoped3A = tpu.sem_alloc : memref<!tpu.dma_semaphore, #tpu.memory_space<semaphore_mem>>
        %dma_start3A_31 = arith.constant 0 : i32
        %dma_start3A_32 = tpu.memref_slice %arg6[%add3A_30, %dma_start3A_31] : memref<58880x128xf32, #tpu.memory_space<hbm>> -> memref<368x128xf32, #tpu.memory_space<hbm>>
        %dma_start3A_33 = arith.constant 0 : i32
        %dma_start3A_34 = tpu.memref_slice %arg6[%add3A_30, %dma_start3A_33] : memref<58880x128xf32, #tpu.memory_space<hbm>> -> memref<368x128xf32, #tpu.memory_space<hbm>>
        tpu.enqueue_dma source(%arg10 : memref<368x128xf32, #tpu.memory_space<vmem>>) target(%dma_start3A_34 : memref<368x128xf32, #tpu.memory_space<hbm>>) target_semaphore(%run_scoped3A : memref<!tpu.dma_semaphore, #tpu.memory_space<semaphore_mem>>)
        %dma_wait3A_35 = arith.constant 0 : i32
        %dma_wait3A_36 = tpu.memref_slice %arg6[%add3A_30, %dma_wait3A_35] : memref<58880x128xf32, #tpu.memory_space<hbm>> -> memref<368x128xf32, #tpu.memory_space<hbm>>
        %dma_wait3A_37 = arith.constant 0 : i32
        %dma_wait3A_38 = tpu.memref_slice %arg6[%add3A_30, %dma_wait3A_37] : memref<58880x128xf32, #tpu.memory_space<hbm>> -> memref<368x128xf32, #tpu.memory_space<hbm>>
        tpu.wait_dma2 semaphore(%run_scoped3A : memref<!tpu.dma_semaphore, #tpu.memory_space<semaphore_mem>>) src(%arg10 : memref<368x128xf32, #tpu.memory_space<vmem>>) dst(%dma_wait3A_38 : memref<368x128xf32, #tpu.memory_space<hbm>>)
        tpu.yield
      }) : () -> ()
    }
    %scan3A_11 = arith.constant 5 : i32
    return
  }
}

#map = affine_map<(d0, d1) -> (0)>
#map1 = affine_map<(d0, d1) -> (0, 0)>
module attributes {stable_mosaic.version = 14 : i64} {
  func.func @_sc_gather(%arg0: i32, %arg1: i32, %arg2: memref<160000xi32, #tpu.memory_space<hbm>>, %arg3: memref<160000xi32, #tpu.memory_space<hbm>>, %arg4: memref<10000x128xf32, #tpu.memory_space<hbm>>, %arg5: memref<26880x128xf32, #tpu.memory_space<hbm>>, %arg6: memref<26880x128xf32, #tpu.memory_space<hbm>>, %arg7: memref<840xi32, #tpu.memory_space<vmem>>, %arg8: memref<840xi32, #tpu.memory_space<vmem>>, %arg9: memref<280x128xf32, #tpu.memory_space<vmem>>, %arg10: memref<280x128xf32, #tpu.memory_space<vmem>>, %arg11: memref<!tpu.dma_semaphore, #tpu.memory_space<semaphore_mem>>, %arg12: memref<!tpu.dma_semaphore, #tpu.memory_space<semaphore_mem>>) attributes {dimension_semantics = [#tpu.dimension_semantics<core_parallel>, #tpu.dimension_semantics<subcore_parallel>], iteration_bounds = array<i64: 2, 16>, scalar_prefetch = 0 : i64, scratch_operands = 6 : i64, tpu.core_type = #tpu.core_type<sc_vector_subcore>, window_params = [{transform_indices = #map}, {transform_indices = #map}, {transform_indices = #map1}, {transform_indices = #map1}, {transform_indices = #map1}]} {
    %mul3A = arith.constant 2 : i32
    %mul3A_0 = arith.muli %arg1, %mul3A : i32
    %add3A = arith.addi %mul3A_0, %arg0 : i32
    %mul3A_1 = arith.constant 840 : i32
    %mul3A_2 = arith.muli %add3A, %mul3A_1 : i32
    %add3A_3 = arith.constant 133120 : i32
    %add3A_4 = arith.addi %add3A_3, %mul3A_2 : i32
    "tpu.region"() ({
      %run_scoped3A = tpu.sem_alloc : memref<!tpu.dma_semaphore, #tpu.memory_space<semaphore_mem>>
      %dma_start3A = tpu.memref_slice %arg2[%add3A_4] : memref<160000xi32, #tpu.memory_space<hbm>> -> memref<840xi32, #tpu.memory_space<hbm>>
      %dma_start3A_12 = tpu.memref_slice %arg2[%add3A_4] : memref<160000xi32, #tpu.memory_space<hbm>> -> memref<840xi32, #tpu.memory_space<hbm>>
      tpu.enqueue_dma source(%dma_start3A_12 : memref<840xi32, #tpu.memory_space<hbm>>) target(%arg7 : memref<840xi32, #tpu.memory_space<vmem>>) target_semaphore(%run_scoped3A : memref<!tpu.dma_semaphore, #tpu.memory_space<semaphore_mem>>)
      %dma_wait3A = tpu.memref_slice %arg2[%add3A_4] : memref<160000xi32, #tpu.memory_space<hbm>> -> memref<840xi32, #tpu.memory_space<hbm>>
      %dma_wait3A_13 = tpu.memref_slice %arg2[%add3A_4] : memref<160000xi32, #tpu.memory_space<hbm>> -> memref<840xi32, #tpu.memory_space<hbm>>
      tpu.wait_dma2 semaphore(%run_scoped3A : memref<!tpu.dma_semaphore, #tpu.memory_space<semaphore_mem>>) src(%dma_wait3A_13 : memref<840xi32, #tpu.memory_space<hbm>>) dst(%arg7 : memref<840xi32, #tpu.memory_space<vmem>>)
      tpu.yield
    }) : () -> ()
    %add3A_5 = arith.constant 133120 : i32
    %add3A_6 = arith.addi %add3A_5, %mul3A_2 : i32
    "tpu.region"() ({
      %run_scoped3A = tpu.sem_alloc : memref<!tpu.dma_semaphore, #tpu.memory_space<semaphore_mem>>
      %dma_start3A = tpu.memref_slice %arg3[%add3A_6] : memref<160000xi32, #tpu.memory_space<hbm>> -> memref<840xi32, #tpu.memory_space<hbm>>
      %dma_start3A_12 = tpu.memref_slice %arg3[%add3A_6] : memref<160000xi32, #tpu.memory_space<hbm>> -> memref<840xi32, #tpu.memory_space<hbm>>
      tpu.enqueue_dma source(%dma_start3A_12 : memref<840xi32, #tpu.memory_space<hbm>>) target(%arg8 : memref<840xi32, #tpu.memory_space<vmem>>) target_semaphore(%run_scoped3A : memref<!tpu.dma_semaphore, #tpu.memory_space<semaphore_mem>>)
      %dma_wait3A = tpu.memref_slice %arg3[%add3A_6] : memref<160000xi32, #tpu.memory_space<hbm>> -> memref<840xi32, #tpu.memory_space<hbm>>
      %dma_wait3A_13 = tpu.memref_slice %arg3[%add3A_6] : memref<160000xi32, #tpu.memory_space<hbm>> -> memref<840xi32, #tpu.memory_space<hbm>>
      tpu.wait_dma2 semaphore(%run_scoped3A : memref<!tpu.dma_semaphore, #tpu.memory_space<semaphore_mem>>) src(%dma_wait3A_13 : memref<840xi32, #tpu.memory_space<hbm>>) dst(%arg8 : memref<840xi32, #tpu.memory_space<vmem>>)
      tpu.yield
    }) : () -> ()
    %scan3A = arith.constant 0 : i32
    %scan3A_7 = arith.constant 0 : i32
    %scan3A_8 = arith.constant 3 : i32
    %scan3A_9 = arith.addi %scan3A_7, %scan3A_8 : i32
    %scan3A_10 = arith.constant 1 : i32
    scf.for %scan3A_12 = %scan3A_7 to %scan3A_9 step %scan3A_10  : i32 {
      %mul3A_13 = arith.constant 280 : i32
      %mul3A_14 = arith.muli %scan3A_12, %mul3A_13 : i32
      %dma_start3A = tpu.memref_slice %arg7[%mul3A_14] : memref<840xi32, #tpu.memory_space<vmem>> -> memref<280xi32, #tpu.memory_space<vmem>>
      %dma_start3A_15 = arith.constant 0 : i32
      %dma_start3A_16 = arith.constant 0 : i32
      %dma_start3A_17 = tpu.memref_slice %arg4[%dma_start3A_15, %dma_start3A_16] : memref<10000x128xf32, #tpu.memory_space<hbm>> -> memref<10000x128xf32, #tpu.memory_space<hbm>>
      tpu.enqueue_indirect_dma source(%dma_start3A_17 : memref<10000x128xf32, #tpu.memory_space<hbm>>) target(%arg9 : memref<280x128xf32, #tpu.memory_space<vmem>>) offsets(%dma_start3A : memref<280xi32, #tpu.memory_space<vmem>>) semaphore(%arg11 : memref<!tpu.dma_semaphore, #tpu.memory_space<semaphore_mem>>)
      %dma_start3A_18 = tpu.memref_slice %arg8[%mul3A_14] : memref<840xi32, #tpu.memory_space<vmem>> -> memref<280xi32, #tpu.memory_space<vmem>>
      %dma_start3A_19 = arith.constant 0 : i32
      %dma_start3A_20 = arith.constant 0 : i32
      %dma_start3A_21 = tpu.memref_slice %arg4[%dma_start3A_19, %dma_start3A_20] : memref<10000x128xf32, #tpu.memory_space<hbm>> -> memref<10000x128xf32, #tpu.memory_space<hbm>>
      tpu.enqueue_indirect_dma source(%dma_start3A_21 : memref<10000x128xf32, #tpu.memory_space<hbm>>) target(%arg10 : memref<280x128xf32, #tpu.memory_space<vmem>>) offsets(%dma_start3A_18 : memref<280xi32, #tpu.memory_space<vmem>>) semaphore(%arg12 : memref<!tpu.dma_semaphore, #tpu.memory_space<semaphore_mem>>)
      %dma_wait3A = tpu.memref_slice %arg7[%mul3A_14] : memref<840xi32, #tpu.memory_space<vmem>> -> memref<280xi32, #tpu.memory_space<vmem>>
      %dma_wait3A_22 = arith.constant 0 : i32
      %dma_wait3A_23 = arith.constant 0 : i32
      %dma_wait3A_24 = tpu.memref_slice %arg4[%dma_wait3A_22, %dma_wait3A_23] : memref<10000x128xf32, #tpu.memory_space<hbm>> -> memref<10000x128xf32, #tpu.memory_space<hbm>>
      tpu.wait_indirect_dma semaphore(%arg11 : memref<!tpu.dma_semaphore, #tpu.memory_space<semaphore_mem>>) src(%dma_wait3A_24 : memref<10000x128xf32, #tpu.memory_space<hbm>>) dst(%arg9 : memref<280x128xf32, #tpu.memory_space<vmem>>)
      %add3A_25 = arith.addi %mul3A_2, %mul3A_14 : i32
      "tpu.region"() ({
        %run_scoped3A = tpu.sem_alloc : memref<!tpu.dma_semaphore, #tpu.memory_space<semaphore_mem>>
        %dma_start3A_31 = arith.constant 0 : i32
        %dma_start3A_32 = tpu.memref_slice %arg5[%add3A_25, %dma_start3A_31] : memref<26880x128xf32, #tpu.memory_space<hbm>> -> memref<280x128xf32, #tpu.memory_space<hbm>>
        %dma_start3A_33 = arith.constant 0 : i32
        %dma_start3A_34 = tpu.memref_slice %arg5[%add3A_25, %dma_start3A_33] : memref<26880x128xf32, #tpu.memory_space<hbm>> -> memref<280x128xf32, #tpu.memory_space<hbm>>
        tpu.enqueue_dma source(%arg9 : memref<280x128xf32, #tpu.memory_space<vmem>>) target(%dma_start3A_34 : memref<280x128xf32, #tpu.memory_space<hbm>>) target_semaphore(%run_scoped3A : memref<!tpu.dma_semaphore, #tpu.memory_space<semaphore_mem>>)
        %dma_wait3A_35 = arith.constant 0 : i32
        %dma_wait3A_36 = tpu.memref_slice %arg5[%add3A_25, %dma_wait3A_35] : memref<26880x128xf32, #tpu.memory_space<hbm>> -> memref<280x128xf32, #tpu.memory_space<hbm>>
        %dma_wait3A_37 = arith.constant 0 : i32
        %dma_wait3A_38 = tpu.memref_slice %arg5[%add3A_25, %dma_wait3A_37] : memref<26880x128xf32, #tpu.memory_space<hbm>> -> memref<280x128xf32, #tpu.memory_space<hbm>>
        tpu.wait_dma2 semaphore(%run_scoped3A : memref<!tpu.dma_semaphore, #tpu.memory_space<semaphore_mem>>) src(%arg9 : memref<280x128xf32, #tpu.memory_space<vmem>>) dst(%dma_wait3A_38 : memref<280x128xf32, #tpu.memory_space<hbm>>)
        tpu.yield
      }) : () -> ()
      %dma_wait3A_26 = tpu.memref_slice %arg8[%mul3A_14] : memref<840xi32, #tpu.memory_space<vmem>> -> memref<280xi32, #tpu.memory_space<vmem>>
      %dma_wait3A_27 = arith.constant 0 : i32
      %dma_wait3A_28 = arith.constant 0 : i32
      %dma_wait3A_29 = tpu.memref_slice %arg4[%dma_wait3A_27, %dma_wait3A_28] : memref<10000x128xf32, #tpu.memory_space<hbm>> -> memref<10000x128xf32, #tpu.memory_space<hbm>>
      tpu.wait_indirect_dma semaphore(%arg12 : memref<!tpu.dma_semaphore, #tpu.memory_space<semaphore_mem>>) src(%dma_wait3A_29 : memref<10000x128xf32, #tpu.memory_space<hbm>>) dst(%arg10 : memref<280x128xf32, #tpu.memory_space<vmem>>)
      %add3A_30 = arith.addi %mul3A_2, %mul3A_14 : i32
      "tpu.region"() ({
        %run_scoped3A = tpu.sem_alloc : memref<!tpu.dma_semaphore, #tpu.memory_space<semaphore_mem>>
        %dma_start3A_31 = arith.constant 0 : i32
        %dma_start3A_32 = tpu.memref_slice %arg6[%add3A_30, %dma_start3A_31] : memref<26880x128xf32, #tpu.memory_space<hbm>> -> memref<280x128xf32, #tpu.memory_space<hbm>>
        %dma_start3A_33 = arith.constant 0 : i32
        %dma_start3A_34 = tpu.memref_slice %arg6[%add3A_30, %dma_start3A_33] : memref<26880x128xf32, #tpu.memory_space<hbm>> -> memref<280x128xf32, #tpu.memory_space<hbm>>
        tpu.enqueue_dma source(%arg10 : memref<280x128xf32, #tpu.memory_space<vmem>>) target(%dma_start3A_34 : memref<280x128xf32, #tpu.memory_space<hbm>>) target_semaphore(%run_scoped3A : memref<!tpu.dma_semaphore, #tpu.memory_space<semaphore_mem>>)
        %dma_wait3A_35 = arith.constant 0 : i32
        %dma_wait3A_36 = tpu.memref_slice %arg6[%add3A_30, %dma_wait3A_35] : memref<26880x128xf32, #tpu.memory_space<hbm>> -> memref<280x128xf32, #tpu.memory_space<hbm>>
        %dma_wait3A_37 = arith.constant 0 : i32
        %dma_wait3A_38 = tpu.memref_slice %arg6[%add3A_30, %dma_wait3A_37] : memref<26880x128xf32, #tpu.memory_space<hbm>> -> memref<280x128xf32, #tpu.memory_space<hbm>>
        tpu.wait_dma2 semaphore(%run_scoped3A : memref<!tpu.dma_semaphore, #tpu.memory_space<semaphore_mem>>) src(%arg10 : memref<280x128xf32, #tpu.memory_space<vmem>>) dst(%dma_wait3A_38 : memref<280x128xf32, #tpu.memory_space<hbm>>)
        tpu.yield
      }) : () -> ()
    }
    %scan3A_11 = arith.constant 3 : i32
    return
  }
}

#map = affine_map<(d0, d1) -> (0)>
#map1 = affine_map<(d0, d1) -> (0, 0)>
module attributes {stable_mosaic.version = 14 : i64} {
  func.func @_sc_gather(%arg0: i32, %arg1: i32, %arg2: memref<160000xi32, #tpu.memory_space<hbm>>, %arg3: memref<160000xi32, #tpu.memory_space<hbm>>, %arg4: memref<10000x128xf32, #tpu.memory_space<hbm>>, %arg5: memref<10240x128xf32, #tpu.memory_space<hbm>>, %arg6: memref<10240x128xf32, #tpu.memory_space<hbm>>, %arg7: memref<320xi32, #tpu.memory_space<vmem>>, %arg8: memref<320xi32, #tpu.memory_space<vmem>>, %arg9: memref<320x128xf32, #tpu.memory_space<vmem>>, %arg10: memref<320x128xf32, #tpu.memory_space<vmem>>, %arg11: memref<!tpu.dma_semaphore, #tpu.memory_space<semaphore_mem>>, %arg12: memref<!tpu.dma_semaphore, #tpu.memory_space<semaphore_mem>>) attributes {dimension_semantics = [#tpu.dimension_semantics<core_parallel>, #tpu.dimension_semantics<subcore_parallel>], iteration_bounds = array<i64: 2, 16>, scalar_prefetch = 0 : i64, scratch_operands = 6 : i64, tpu.core_type = #tpu.core_type<sc_vector_subcore>, window_params = [{transform_indices = #map}, {transform_indices = #map}, {transform_indices = #map1}, {transform_indices = #map1}, {transform_indices = #map1}]} {
    %mul3A = arith.constant 2 : i32
    %mul3A_0 = arith.muli %arg1, %mul3A : i32
    %add3A = arith.addi %mul3A_0, %arg0 : i32
    %mul3A_1 = arith.constant 320 : i32
    %mul3A_2 = arith.muli %add3A, %mul3A_1 : i32
    %add3A_3 = arith.constant 0 : i32
    %add3A_4 = arith.addi %add3A_3, %mul3A_2 : i32
    "tpu.region"() ({
      %run_scoped3A = tpu.sem_alloc : memref<!tpu.dma_semaphore, #tpu.memory_space<semaphore_mem>>
      %dma_start3A_27 = tpu.memref_slice %arg2[%add3A_4] : memref<160000xi32, #tpu.memory_space<hbm>> -> memref<320xi32, #tpu.memory_space<hbm>>
      %dma_start3A_28 = tpu.memref_slice %arg2[%add3A_4] : memref<160000xi32, #tpu.memory_space<hbm>> -> memref<320xi32, #tpu.memory_space<hbm>>
      tpu.enqueue_dma source(%dma_start3A_28 : memref<320xi32, #tpu.memory_space<hbm>>) target(%arg7 : memref<320xi32, #tpu.memory_space<vmem>>) target_semaphore(%run_scoped3A : memref<!tpu.dma_semaphore, #tpu.memory_space<semaphore_mem>>)
      %dma_wait3A_29 = tpu.memref_slice %arg2[%add3A_4] : memref<160000xi32, #tpu.memory_space<hbm>> -> memref<320xi32, #tpu.memory_space<hbm>>
      %dma_wait3A_30 = tpu.memref_slice %arg2[%add3A_4] : memref<160000xi32, #tpu.memory_space<hbm>> -> memref<320xi32, #tpu.memory_space<hbm>>
      tpu.wait_dma2 semaphore(%run_scoped3A : memref<!tpu.dma_semaphore, #tpu.memory_space<semaphore_mem>>) src(%dma_wait3A_30 : memref<320xi32, #tpu.memory_space<hbm>>) dst(%arg7 : memref<320xi32, #tpu.memory_space<vmem>>)
      tpu.yield
    }) : () -> ()
    %add3A_5 = arith.constant 0 : i32
    %add3A_6 = arith.addi %add3A_5, %mul3A_2 : i32
    "tpu.region"() ({
      %run_scoped3A = tpu.sem_alloc : memref<!tpu.dma_semaphore, #tpu.memory_space<semaphore_mem>>
      %dma_start3A_27 = tpu.memref_slice %arg3[%add3A_6] : memref<160000xi32, #tpu.memory_space<hbm>> -> memref<320xi32, #tpu.memory_space<hbm>>
      %dma_start3A_28 = tpu.memref_slice %arg3[%add3A_6] : memref<160000xi32, #tpu.memory_space<hbm>> -> memref<320xi32, #tpu.memory_space<hbm>>
      tpu.enqueue_dma source(%dma_start3A_28 : memref<320xi32, #tpu.memory_space<hbm>>) target(%arg8 : memref<320xi32, #tpu.memory_space<vmem>>) target_semaphore(%run_scoped3A : memref<!tpu.dma_semaphore, #tpu.memory_space<semaphore_mem>>)
      %dma_wait3A_29 = tpu.memref_slice %arg3[%add3A_6] : memref<160000xi32, #tpu.memory_space<hbm>> -> memref<320xi32, #tpu.memory_space<hbm>>
      %dma_wait3A_30 = tpu.memref_slice %arg3[%add3A_6] : memref<160000xi32, #tpu.memory_space<hbm>> -> memref<320xi32, #tpu.memory_space<hbm>>
      tpu.wait_dma2 semaphore(%run_scoped3A : memref<!tpu.dma_semaphore, #tpu.memory_space<semaphore_mem>>) src(%dma_wait3A_30 : memref<320xi32, #tpu.memory_space<hbm>>) dst(%arg8 : memref<320xi32, #tpu.memory_space<vmem>>)
      tpu.yield
    }) : () -> ()
    %scan3A = arith.constant 0 : i32
    %scan3A_7 = arith.constant 0 : i32
    %mul3A_8 = arith.constant 320 : i32
    %mul3A_9 = arith.muli %scan3A_7, %mul3A_8 : i32
    %dma_start3A = tpu.memref_slice %arg7[%mul3A_9] : memref<320xi32, #tpu.memory_space<vmem>> -> memref<320xi32, #tpu.memory_space<vmem>>
    %dma_start3A_10 = arith.constant 0 : i32
    %dma_start3A_11 = arith.constant 0 : i32
    %dma_start3A_12 = tpu.memref_slice %arg4[%dma_start3A_10, %dma_start3A_11] : memref<10000x128xf32, #tpu.memory_space<hbm>> -> memref<10000x128xf32, #tpu.memory_space<hbm>>
    tpu.enqueue_indirect_dma source(%dma_start3A_12 : memref<10000x128xf32, #tpu.memory_space<hbm>>) target(%arg9 : memref<320x128xf32, #tpu.memory_space<vmem>>) offsets(%dma_start3A : memref<320xi32, #tpu.memory_space<vmem>>) semaphore(%arg11 : memref<!tpu.dma_semaphore, #tpu.memory_space<semaphore_mem>>)
    %dma_start3A_13 = tpu.memref_slice %arg8[%mul3A_9] : memref<320xi32, #tpu.memory_space<vmem>> -> memref<320xi32, #tpu.memory_space<vmem>>
    %dma_start3A_14 = arith.constant 0 : i32
    %dma_start3A_15 = arith.constant 0 : i32
    %dma_start3A_16 = tpu.memref_slice %arg4[%dma_start3A_14, %dma_start3A_15] : memref<10000x128xf32, #tpu.memory_space<hbm>> -> memref<10000x128xf32, #tpu.memory_space<hbm>>
    tpu.enqueue_indirect_dma source(%dma_start3A_16 : memref<10000x128xf32, #tpu.memory_space<hbm>>) target(%arg10 : memref<320x128xf32, #tpu.memory_space<vmem>>) offsets(%dma_start3A_13 : memref<320xi32, #tpu.memory_space<vmem>>) semaphore(%arg12 : memref<!tpu.dma_semaphore, #tpu.memory_space<semaphore_mem>>)
    %dma_wait3A = tpu.memref_slice %arg7[%mul3A_9] : memref<320xi32, #tpu.memory_space<vmem>> -> memref<320xi32, #tpu.memory_space<vmem>>
    %dma_wait3A_17 = arith.constant 0 : i32
    %dma_wait3A_18 = arith.constant 0 : i32
    %dma_wait3A_19 = tpu.memref_slice %arg4[%dma_wait3A_17, %dma_wait3A_18] : memref<10000x128xf32, #tpu.memory_space<hbm>> -> memref<10000x128xf32, #tpu.memory_space<hbm>>
    tpu.wait_indirect_dma semaphore(%arg11 : memref<!tpu.dma_semaphore, #tpu.memory_space<semaphore_mem>>) src(%dma_wait3A_19 : memref<10000x128xf32, #tpu.memory_space<hbm>>) dst(%arg9 : memref<320x128xf32, #tpu.memory_space<vmem>>)
    %add3A_20 = arith.addi %mul3A_2, %mul3A_9 : i32
    "tpu.region"() ({
      %run_scoped3A = tpu.sem_alloc : memref<!tpu.dma_semaphore, #tpu.memory_space<semaphore_mem>>
      %dma_start3A_27 = arith.constant 0 : i32
      %dma_start3A_28 = tpu.memref_slice %arg5[%add3A_20, %dma_start3A_27] : memref<10240x128xf32, #tpu.memory_space<hbm>> -> memref<320x128xf32, #tpu.memory_space<hbm>>
      %dma_start3A_29 = arith.constant 0 : i32
      %dma_start3A_30 = tpu.memref_slice %arg5[%add3A_20, %dma_start3A_29] : memref<10240x128xf32, #tpu.memory_space<hbm>> -> memref<320x128xf32, #tpu.memory_space<hbm>>
      tpu.enqueue_dma source(%arg9 : memref<320x128xf32, #tpu.memory_space<vmem>>) target(%dma_start3A_30 : memref<320x128xf32, #tpu.memory_space<hbm>>) target_semaphore(%run_scoped3A : memref<!tpu.dma_semaphore, #tpu.memory_space<semaphore_mem>>)
      %dma_wait3A_31 = arith.constant 0 : i32
      %dma_wait3A_32 = tpu.memref_slice %arg5[%add3A_20, %dma_wait3A_31] : memref<10240x128xf32, #tpu.memory_space<hbm>> -> memref<320x128xf32, #tpu.memory_space<hbm>>
      %dma_wait3A_33 = arith.constant 0 : i32
      %dma_wait3A_34 = tpu.memref_slice %arg5[%add3A_20, %dma_wait3A_33] : memref<10240x128xf32, #tpu.memory_space<hbm>> -> memref<320x128xf32, #tpu.memory_space<hbm>>
      tpu.wait_dma2 semaphore(%run_scoped3A : memref<!tpu.dma_semaphore, #tpu.memory_space<semaphore_mem>>) src(%arg9 : memref<320x128xf32, #tpu.memory_space<vmem>>) dst(%dma_wait3A_34 : memref<320x128xf32, #tpu.memory_space<hbm>>)
      tpu.yield
    }) : () -> ()
    %dma_wait3A_21 = tpu.memref_slice %arg8[%mul3A_9] : memref<320xi32, #tpu.memory_space<vmem>> -> memref<320xi32, #tpu.memory_space<vmem>>
    %dma_wait3A_22 = arith.constant 0 : i32
    %dma_wait3A_23 = arith.constant 0 : i32
    %dma_wait3A_24 = tpu.memref_slice %arg4[%dma_wait3A_22, %dma_wait3A_23] : memref<10000x128xf32, #tpu.memory_space<hbm>> -> memref<10000x128xf32, #tpu.memory_space<hbm>>
    tpu.wait_indirect_dma semaphore(%arg12 : memref<!tpu.dma_semaphore, #tpu.memory_space<semaphore_mem>>) src(%dma_wait3A_24 : memref<10000x128xf32, #tpu.memory_space<hbm>>) dst(%arg10 : memref<320x128xf32, #tpu.memory_space<vmem>>)
    %add3A_25 = arith.addi %mul3A_2, %mul3A_9 : i32
    "tpu.region"() ({
      %run_scoped3A = tpu.sem_alloc : memref<!tpu.dma_semaphore, #tpu.memory_space<semaphore_mem>>
      %dma_start3A_27 = arith.constant 0 : i32
      %dma_start3A_28 = tpu.memref_slice %arg6[%add3A_25, %dma_start3A_27] : memref<10240x128xf32, #tpu.memory_space<hbm>> -> memref<320x128xf32, #tpu.memory_space<hbm>>
      %dma_start3A_29 = arith.constant 0 : i32
      %dma_start3A_30 = tpu.memref_slice %arg6[%add3A_25, %dma_start3A_29] : memref<10240x128xf32, #tpu.memory_space<hbm>> -> memref<320x128xf32, #tpu.memory_space<hbm>>
      tpu.enqueue_dma source(%arg10 : memref<320x128xf32, #tpu.memory_space<vmem>>) target(%dma_start3A_30 : memref<320x128xf32, #tpu.memory_space<hbm>>) target_semaphore(%run_scoped3A : memref<!tpu.dma_semaphore, #tpu.memory_space<semaphore_mem>>)
      %dma_wait3A_31 = arith.constant 0 : i32
      %dma_wait3A_32 = tpu.memref_slice %arg6[%add3A_25, %dma_wait3A_31] : memref<10240x128xf32, #tpu.memory_space<hbm>> -> memref<320x128xf32, #tpu.memory_space<hbm>>
      %dma_wait3A_33 = arith.constant 0 : i32
      %dma_wait3A_34 = tpu.memref_slice %arg6[%add3A_25, %dma_wait3A_33] : memref<10240x128xf32, #tpu.memory_space<hbm>> -> memref<320x128xf32, #tpu.memory_space<hbm>>
      tpu.wait_dma2 semaphore(%run_scoped3A : memref<!tpu.dma_semaphore, #tpu.memory_space<semaphore_mem>>) src(%arg10 : memref<320x128xf32, #tpu.memory_space<vmem>>) dst(%dma_wait3A_34 : memref<320x128xf32, #tpu.memory_space<hbm>>)
      tpu.yield
    }) : () -> ()
    %scan3A_26 = arith.constant 1 : i32
    return
  }
}

#map = affine_map<(d0, d1) -> (0)>
#map1 = affine_map<(d0, d1) -> (0, 0)>
module attributes {stable_mosaic.version = 14 : i64} {
  func.func @_sc_gather(%arg0: i32, %arg1: i32, %arg2: memref<160000xi32, #tpu.memory_space<hbm>>, %arg3: memref<160000xi32, #tpu.memory_space<hbm>>, %arg4: memref<10000x128xf32, #tpu.memory_space<hbm>>, %arg5: memref<64000x128xf32, #tpu.memory_space<hbm>>, %arg6: memref<64000x128xf32, #tpu.memory_space<hbm>>, %arg7: memref<2000xi32, #tpu.memory_space<vmem>>, %arg8: memref<2000xi32, #tpu.memory_space<vmem>>, %arg9: memref<400x128xf32, #tpu.memory_space<vmem>>, %arg10: memref<400x128xf32, #tpu.memory_space<vmem>>, %arg11: memref<!tpu.dma_semaphore, #tpu.memory_space<semaphore_mem>>, %arg12: memref<!tpu.dma_semaphore, #tpu.memory_space<semaphore_mem>>) attributes {dimension_semantics = [#tpu.dimension_semantics<core_parallel>, #tpu.dimension_semantics<subcore_parallel>], iteration_bounds = array<i64: 2, 16>, scalar_prefetch = 0 : i64, scratch_operands = 6 : i64, tpu.core_type = #tpu.core_type<sc_vector_subcore>, window_params = [{transform_indices = #map}, {transform_indices = #map}, {transform_indices = #map1}, {transform_indices = #map1}, {transform_indices = #map1}]} {
    %mul3A = arith.constant 2 : i32
    %mul3A_0 = arith.muli %arg1, %mul3A : i32
    %add3A = arith.addi %mul3A_0, %arg0 : i32
    %mul3A_1 = arith.constant 2000 : i32
    %mul3A_2 = arith.muli %add3A, %mul3A_1 : i32
    %add3A_3 = arith.constant 69120 : i32
    %add3A_4 = arith.addi %add3A_3, %mul3A_2 : i32
    "tpu.region"() ({
      %run_scoped3A = tpu.sem_alloc : memref<!tpu.dma_semaphore, #tpu.memory_space<semaphore_mem>>
      %dma_start3A = tpu.memref_slice %arg2[%add3A_4] : memref<160000xi32, #tpu.memory_space<hbm>> -> memref<2000xi32, #tpu.memory_space<hbm>>
      %dma_start3A_12 = tpu.memref_slice %arg2[%add3A_4] : memref<160000xi32, #tpu.memory_space<hbm>> -> memref<2000xi32, #tpu.memory_space<hbm>>
      tpu.enqueue_dma source(%dma_start3A_12 : memref<2000xi32, #tpu.memory_space<hbm>>) target(%arg7 : memref<2000xi32, #tpu.memory_space<vmem>>) target_semaphore(%run_scoped3A : memref<!tpu.dma_semaphore, #tpu.memory_space<semaphore_mem>>)
      %dma_wait3A = tpu.memref_slice %arg2[%add3A_4] : memref<160000xi32, #tpu.memory_space<hbm>> -> memref<2000xi32, #tpu.memory_space<hbm>>
      %dma_wait3A_13 = tpu.memref_slice %arg2[%add3A_4] : memref<160000xi32, #tpu.memory_space<hbm>> -> memref<2000xi32, #tpu.memory_space<hbm>>
      tpu.wait_dma2 semaphore(%run_scoped3A : memref<!tpu.dma_semaphore, #tpu.memory_space<semaphore_mem>>) src(%dma_wait3A_13 : memref<2000xi32, #tpu.memory_space<hbm>>) dst(%arg7 : memref<2000xi32, #tpu.memory_space<vmem>>)
      tpu.yield
    }) : () -> ()
    %add3A_5 = arith.constant 69120 : i32
    %add3A_6 = arith.addi %add3A_5, %mul3A_2 : i32
    "tpu.region"() ({
      %run_scoped3A = tpu.sem_alloc : memref<!tpu.dma_semaphore, #tpu.memory_space<semaphore_mem>>
      %dma_start3A = tpu.memref_slice %arg3[%add3A_6] : memref<160000xi32, #tpu.memory_space<hbm>> -> memref<2000xi32, #tpu.memory_space<hbm>>
      %dma_start3A_12 = tpu.memref_slice %arg3[%add3A_6] : memref<160000xi32, #tpu.memory_space<hbm>> -> memref<2000xi32, #tpu.memory_space<hbm>>
      tpu.enqueue_dma source(%dma_start3A_12 : memref<2000xi32, #tpu.memory_space<hbm>>) target(%arg8 : memref<2000xi32, #tpu.memory_space<vmem>>) target_semaphore(%run_scoped3A : memref<!tpu.dma_semaphore, #tpu.memory_space<semaphore_mem>>)
      %dma_wait3A = tpu.memref_slice %arg3[%add3A_6] : memref<160000xi32, #tpu.memory_space<hbm>> -> memref<2000xi32, #tpu.memory_space<hbm>>
      %dma_wait3A_13 = tpu.memref_slice %arg3[%add3A_6] : memref<160000xi32, #tpu.memory_space<hbm>> -> memref<2000xi32, #tpu.memory_space<hbm>>
      tpu.wait_dma2 semaphore(%run_scoped3A : memref<!tpu.dma_semaphore, #tpu.memory_space<semaphore_mem>>) src(%dma_wait3A_13 : memref<2000xi32, #tpu.memory_space<hbm>>) dst(%arg8 : memref<2000xi32, #tpu.memory_space<vmem>>)
      tpu.yield
    }) : () -> ()
    %scan3A = arith.constant 0 : i32
    %scan3A_7 = arith.constant 0 : i32
    %scan3A_8 = arith.constant 5 : i32
    %scan3A_9 = arith.addi %scan3A_7, %scan3A_8 : i32
    %scan3A_10 = arith.constant 1 : i32
    scf.for %scan3A_12 = %scan3A_7 to %scan3A_9 step %scan3A_10  : i32 {
      %mul3A_13 = arith.constant 400 : i32
      %mul3A_14 = arith.muli %scan3A_12, %mul3A_13 : i32
      %dma_start3A = tpu.memref_slice %arg7[%mul3A_14] : memref<2000xi32, #tpu.memory_space<vmem>> -> memref<400xi32, #tpu.memory_space<vmem>>
      %dma_start3A_15 = arith.constant 0 : i32
      %dma_start3A_16 = arith.constant 0 : i32
      %dma_start3A_17 = tpu.memref_slice %arg4[%dma_start3A_15, %dma_start3A_16] : memref<10000x128xf32, #tpu.memory_space<hbm>> -> memref<10000x128xf32, #tpu.memory_space<hbm>>
      tpu.enqueue_indirect_dma source(%dma_start3A_17 : memref<10000x128xf32, #tpu.memory_space<hbm>>) target(%arg9 : memref<400x128xf32, #tpu.memory_space<vmem>>) offsets(%dma_start3A : memref<400xi32, #tpu.memory_space<vmem>>) semaphore(%arg11 : memref<!tpu.dma_semaphore, #tpu.memory_space<semaphore_mem>>)
      %dma_start3A_18 = tpu.memref_slice %arg8[%mul3A_14] : memref<2000xi32, #tpu.memory_space<vmem>> -> memref<400xi32, #tpu.memory_space<vmem>>
      %dma_start3A_19 = arith.constant 0 : i32
      %dma_start3A_20 = arith.constant 0 : i32
      %dma_start3A_21 = tpu.memref_slice %arg4[%dma_start3A_19, %dma_start3A_20] : memref<10000x128xf32, #tpu.memory_space<hbm>> -> memref<10000x128xf32, #tpu.memory_space<hbm>>
      tpu.enqueue_indirect_dma source(%dma_start3A_21 : memref<10000x128xf32, #tpu.memory_space<hbm>>) target(%arg10 : memref<400x128xf32, #tpu.memory_space<vmem>>) offsets(%dma_start3A_18 : memref<400xi32, #tpu.memory_space<vmem>>) semaphore(%arg12 : memref<!tpu.dma_semaphore, #tpu.memory_space<semaphore_mem>>)
      %dma_wait3A = tpu.memref_slice %arg7[%mul3A_14] : memref<2000xi32, #tpu.memory_space<vmem>> -> memref<400xi32, #tpu.memory_space<vmem>>
      %dma_wait3A_22 = arith.constant 0 : i32
      %dma_wait3A_23 = arith.constant 0 : i32
      %dma_wait3A_24 = tpu.memref_slice %arg4[%dma_wait3A_22, %dma_wait3A_23] : memref<10000x128xf32, #tpu.memory_space<hbm>> -> memref<10000x128xf32, #tpu.memory_space<hbm>>
      tpu.wait_indirect_dma semaphore(%arg11 : memref<!tpu.dma_semaphore, #tpu.memory_space<semaphore_mem>>) src(%dma_wait3A_24 : memref<10000x128xf32, #tpu.memory_space<hbm>>) dst(%arg9 : memref<400x128xf32, #tpu.memory_space<vmem>>)
      %add3A_25 = arith.addi %mul3A_2, %mul3A_14 : i32
      "tpu.region"() ({
        %run_scoped3A = tpu.sem_alloc : memref<!tpu.dma_semaphore, #tpu.memory_space<semaphore_mem>>
        %dma_start3A_31 = arith.constant 0 : i32
        %dma_start3A_32 = tpu.memref_slice %arg5[%add3A_25, %dma_start3A_31] : memref<64000x128xf32, #tpu.memory_space<hbm>> -> memref<400x128xf32, #tpu.memory_space<hbm>>
        %dma_start3A_33 = arith.constant 0 : i32
        %dma_start3A_34 = tpu.memref_slice %arg5[%add3A_25, %dma_start3A_33] : memref<64000x128xf32, #tpu.memory_space<hbm>> -> memref<400x128xf32, #tpu.memory_space<hbm>>
        tpu.enqueue_dma source(%arg9 : memref<400x128xf32, #tpu.memory_space<vmem>>) target(%dma_start3A_34 : memref<400x128xf32, #tpu.memory_space<hbm>>) target_semaphore(%run_scoped3A : memref<!tpu.dma_semaphore, #tpu.memory_space<semaphore_mem>>)
        %dma_wait3A_35 = arith.constant 0 : i32
        %dma_wait3A_36 = tpu.memref_slice %arg5[%add3A_25, %dma_wait3A_35] : memref<64000x128xf32, #tpu.memory_space<hbm>> -> memref<400x128xf32, #tpu.memory_space<hbm>>
        %dma_wait3A_37 = arith.constant 0 : i32
        %dma_wait3A_38 = tpu.memref_slice %arg5[%add3A_25, %dma_wait3A_37] : memref<64000x128xf32, #tpu.memory_space<hbm>> -> memref<400x128xf32, #tpu.memory_space<hbm>>
        tpu.wait_dma2 semaphore(%run_scoped3A : memref<!tpu.dma_semaphore, #tpu.memory_space<semaphore_mem>>) src(%arg9 : memref<400x128xf32, #tpu.memory_space<vmem>>) dst(%dma_wait3A_38 : memref<400x128xf32, #tpu.memory_space<hbm>>)
        tpu.yield
      }) : () -> ()
      %dma_wait3A_26 = tpu.memref_slice %arg8[%mul3A_14] : memref<2000xi32, #tpu.memory_space<vmem>> -> memref<400xi32, #tpu.memory_space<vmem>>
      %dma_wait3A_27 = arith.constant 0 : i32
      %dma_wait3A_28 = arith.constant 0 : i32
      %dma_wait3A_29 = tpu.memref_slice %arg4[%dma_wait3A_27, %dma_wait3A_28] : memref<10000x128xf32, #tpu.memory_space<hbm>> -> memref<10000x128xf32, #tpu.memory_space<hbm>>
      tpu.wait_indirect_dma semaphore(%arg12 : memref<!tpu.dma_semaphore, #tpu.memory_space<semaphore_mem>>) src(%dma_wait3A_29 : memref<10000x128xf32, #tpu.memory_space<hbm>>) dst(%arg10 : memref<400x128xf32, #tpu.memory_space<vmem>>)
      %add3A_30 = arith.addi %mul3A_2, %mul3A_14 : i32
      "tpu.region"() ({
        %run_scoped3A = tpu.sem_alloc : memref<!tpu.dma_semaphore, #tpu.memory_space<semaphore_mem>>
        %dma_start3A_31 = arith.constant 0 : i32
        %dma_start3A_32 = tpu.memref_slice %arg6[%add3A_30, %dma_start3A_31] : memref<64000x128xf32, #tpu.memory_space<hbm>> -> memref<400x128xf32, #tpu.memory_space<hbm>>
        %dma_start3A_33 = arith.constant 0 : i32
        %dma_start3A_34 = tpu.memref_slice %arg6[%add3A_30, %dma_start3A_33] : memref<64000x128xf32, #tpu.memory_space<hbm>> -> memref<400x128xf32, #tpu.memory_space<hbm>>
        tpu.enqueue_dma source(%arg10 : memref<400x128xf32, #tpu.memory_space<vmem>>) target(%dma_start3A_34 : memref<400x128xf32, #tpu.memory_space<hbm>>) target_semaphore(%run_scoped3A : memref<!tpu.dma_semaphore, #tpu.memory_space<semaphore_mem>>)
        %dma_wait3A_35 = arith.constant 0 : i32
        %dma_wait3A_36 = tpu.memref_slice %arg6[%add3A_30, %dma_wait3A_35] : memref<64000x128xf32, #tpu.memory_space<hbm>> -> memref<400x128xf32, #tpu.memory_space<hbm>>
        %dma_wait3A_37 = arith.constant 0 : i32
        %dma_wait3A_38 = tpu.memref_slice %arg6[%add3A_30, %dma_wait3A_37] : memref<64000x128xf32, #tpu.memory_space<hbm>> -> memref<400x128xf32, #tpu.memory_space<hbm>>
        tpu.wait_dma2 semaphore(%run_scoped3A : memref<!tpu.dma_semaphore, #tpu.memory_space<semaphore_mem>>) src(%arg10 : memref<400x128xf32, #tpu.memory_space<vmem>>) dst(%dma_wait3A_38 : memref<400x128xf32, #tpu.memory_space<hbm>>)
        tpu.yield
      }) : () -> ()
    }
    %scan3A_11 = arith.constant 5 : i32
    return
  }
}

#map = affine_map<(d0, d1) -> (0)>
#map1 = affine_map<(d0, d1) -> (0, 0)>
#map2 = affine_map<(d0, d1) -> (0, 0, 0)>
module attributes {stable_mosaic.version = 14 : i64} {
  func.func @_sc_scatter(%arg0: i32, %arg1: i32, %arg2: memref<160000xi32, #tpu.memory_space<hbm>>, %arg3: memref<10240x128xf32, #tpu.memory_space<hbm>>, %arg4: memref<58880x128xf32, #tpu.memory_space<hbm>>, %arg5: memref<2x10000x128xf32, #tpu.memory_space<hbm>>, %arg6: memref<160xi32, #tpu.memory_space<vmem>>, %arg7: memref<160x128xf32, #tpu.memory_space<vmem>>, %arg8: memref<184xi32, #tpu.memory_space<vmem>>, %arg9: memref<184x128xf32, #tpu.memory_space<vmem>>, %arg10: memref<8x128xf32, #tpu.memory_space<vmem>>, %arg11: memref<10000x128xf32, #tpu.memory_space<vmem_shared>>, %arg12: memref<!tpu.dma_semaphore, #tpu.memory_space<semaphore_mem>>) attributes {dimension_semantics = [#tpu.dimension_semantics<core_parallel>, #tpu.dimension_semantics<subcore_parallel>], iteration_bounds = array<i64: 2, 16>, scalar_prefetch = 0 : i64, scratch_operands = 7 : i64, tpu.core_type = #tpu.core_type<sc_vector_subcore>, window_params = [{transform_indices = #map}, {transform_indices = #map1}, {transform_indices = #map1}, {transform_indices = #map2}]} {
    %mul3A = arith.constant 2 : i32
    %mul3A_0 = arith.muli %arg1, %mul3A : i32
    %add3A = arith.addi %mul3A_0, %arg0 : i32
    %broadcast_in_dim3A = arith.constant 0.000000e+00 : f32
    %broadcast_in_dim3A_1 = vector.broadcast %broadcast_in_dim3A : f32 to vector<16xf32>
    %scan3A = arith.constant 0 : i32
    %scan3A_2 = arith.constant 0 : i32
    %scan3A_3 = arith.constant 64 : i32
    %scan3A_4 = arith.addi %scan3A_2, %scan3A_3 : i32
    %scan3A_5 = arith.constant 1 : i32
    scf.for %scan3A_36 = %scan3A_2 to %scan3A_4 step %scan3A_5  : i32 {
      %jit3A = arith.constant 8 : i32
      %div3A = arith.divsi %scan3A_36, %jit3A : i32
      %sign3A = arith.constant 0 : i32
      %sign3A_37 = arith.cmpi sgt, %scan3A_36, %sign3A : i32
      %sign3A_38 = arith.extui %sign3A_37 : i1 to i32
      %sign3A_39 = arith.constant 0 : i32
      %sign3A_40 = arith.cmpi slt, %scan3A_36, %sign3A_39 : i32
      %sign3A_41 = arith.extui %sign3A_40 : i1 to i32
      %sign3A_42 = arith.subi %sign3A_38, %sign3A_41 : i32
      %sign3A_43 = arith.constant 0 : i32
      %sign3A_44 = arith.cmpi sgt, %jit3A, %sign3A_43 : i32
      %sign3A_45 = arith.extui %sign3A_44 : i1 to i32
      %sign3A_46 = arith.constant 0 : i32
      %sign3A_47 = arith.cmpi slt, %jit3A, %sign3A_46 : i32
      %sign3A_48 = arith.extui %sign3A_47 : i1 to i32
      %sign3A_49 = arith.subi %sign3A_45, %sign3A_48 : i32
      %ne3A = arith.cmpi ne, %sign3A_42, %sign3A_49 : i32
      %rem3A = arith.remsi %scan3A_36, %jit3A : i32
      %ne3A_50 = arith.constant 0 : i32
      %ne3A_51 = arith.cmpi ne, %rem3A, %ne3A_50 : i32
      %and3A = arith.andi %ne3A, %ne3A_51 : i1
      %sub3A = arith.constant 1 : i32
      %sub3A_52 = arith.subi %div3A, %sub3A : i32
      %select_n3A = arith.select %and3A, %sub3A_52, %div3A : i32
      %jit3A_53 = arith.constant 8 : i32
      %eq3A_54 = arith.constant 0 : i32
      %eq3A_55 = arith.cmpi eq, %jit3A_53, %eq3A_54 : i32
      %jit3A_56 = arith.constant 1 : i32
      %select_n3A_57 = arith.select %eq3A_55, %jit3A_56, %jit3A_53 : i32
      %rem3A_58 = arith.remsi %scan3A_36, %select_n3A_57 : i32
      %ne3A_59 = arith.constant 0 : i32
      %ne3A_60 = arith.cmpi ne, %rem3A_58, %ne3A_59 : i32
      %lt3A_61 = arith.constant 0 : i32
      %lt3A_62 = arith.cmpi slt, %rem3A_58, %lt3A_61 : i32
      %lt3A_63 = arith.constant 0 : i32
      %lt3A_64 = arith.cmpi slt, %select_n3A_57, %lt3A_63 : i32
      %ne3A_65 = arith.xori %lt3A_62, %lt3A_64 : i1
      %and3A_66 = arith.andi %ne3A_65, %ne3A_60 : i1
      %add3A_67 = arith.addi %rem3A_58, %select_n3A_57 : i32
      %select_n3A_68 = arith.select %and3A_66, %add3A_67, %rem3A_58 : i32
      %mul3A_69 = arith.constant 16 : i32
      %mul3A_70 = arith.muli %select_n3A_68, %mul3A_69 : i32
      %swap3A = arith.index_cast %select_n3A : i32 to index
      %swap3A_71 = arith.index_cast %mul3A_70 : i32 to index
      %swap3A_72 = tpu.vector_load %arg10[%swap3A, %swap3A_71] {strides = array<i32>} : memref<8x128xf32, #tpu.memory_space<vmem>>, vector<16xf32>,
      tpu.vector_store %arg10[%swap3A, %swap3A_71], %broadcast_in_dim3A_1 {strides = array<i32>} : memref<8x128xf32, #tpu.memory_space<vmem>>, vector<16xf32>,
    }
    %scan3A_6 = arith.constant 64 : i32
    %lt3A = arith.constant 15 : i32
    %lt3A_7 = arith.cmpi slt, %arg1, %lt3A : i32
    %convert_element_type3A = arith.extui %lt3A_7 : i1 to i32
    %cond3A = arith.constant 0 : i32
    %cond3A_8 = arith.cmpi ne, %convert_element_type3A, %cond3A : i32
    scf.if %cond3A_8 {
      %scan3A_36 = arith.constant 0 : i32
      %scan3A_37 = arith.constant 0 : i32
      %scan3A_38 = arith.constant 79 : i32
      %scan3A_39 = arith.addi %scan3A_37, %scan3A_38 : i32
      %scan3A_40 = arith.constant 1 : i32
      scf.for %scan3A_42 = %scan3A_37 to %scan3A_39 step %scan3A_40  : i32 {
        %mul3A_43 = arith.constant 632 : i32
        %mul3A_44 = arith.muli %arg1, %mul3A_43 : i32
        %mul3A_45 = arith.constant 8 : i32
        %mul3A_46 = arith.muli %scan3A_42, %mul3A_45 : i32
        %add3A_47 = arith.addi %mul3A_44, %mul3A_46 : i32
        "tpu.region"() ({
          %run_scoped3A = tpu.sem_alloc : memref<!tpu.dma_semaphore, #tpu.memory_space<semaphore_mem>>
          %dma_start3A = arith.constant 0 : i32
          %dma_start3A_48 = tpu.memref_slice %arg11[%add3A_47, %dma_start3A] : memref<10000x128xf32, #tpu.memory_space<vmem_shared>> -> memref<8x128xf32, #tpu.memory_space<vmem_shared>>
          %dma_start3A_49 = arith.constant 0 : i32
          %dma_start3A_50 = tpu.memref_slice %arg11[%add3A_47, %dma_start3A_49] : memref<10000x128xf32, #tpu.memory_space<vmem_shared>> -> memref<8x128xf32, #tpu.memory_space<vmem_shared>>
          tpu.enqueue_dma source(%arg10 : memref<8x128xf32, #tpu.memory_space<vmem>>) target(%dma_start3A_50 : memref<8x128xf32, #tpu.memory_space<vmem_shared>>) target_semaphore(%run_scoped3A : memref<!tpu.dma_semaphore, #tpu.memory_space<semaphore_mem>>)
          %dma_wait3A = arith.constant 0 : i32
          %dma_wait3A_51 = tpu.memref_slice %arg11[%add3A_47, %dma_wait3A] : memref<10000x128xf32, #tpu.memory_space<vmem_shared>> -> memref<8x128xf32, #tpu.memory_space<vmem_shared>>
          %dma_wait3A_52 = arith.constant 0 : i32
          %dma_wait3A_53 = tpu.memref_slice %arg11[%add3A_47, %dma_wait3A_52] : memref<10000x128xf32, #tpu.memory_space<vmem_shared>> -> memref<8x128xf32, #tpu.memory_space<vmem_shared>>
          tpu.wait_dma2 semaphore(%run_scoped3A : memref<!tpu.dma_semaphore, #tpu.memory_space<semaphore_mem>>) src(%arg10 : memref<8x128xf32, #tpu.memory_space<vmem>>) dst(%dma_wait3A_53 : memref<8x128xf32, #tpu.memory_space<vmem_shared>>)
          tpu.yield
        }) : () -> ()
      }
      %scan3A_41 = arith.constant 79 : i32
    } else {
    }
    %eq3A = arith.constant 15 : i32
    %eq3A_9 = arith.cmpi eq, %arg1, %eq3A : i32
    %convert_element_type3A_10 = arith.extui %eq3A_9 : i1 to i32
    %cond3A_11 = arith.constant 0 : i32
    %cond3A_12 = arith.cmpi ne, %convert_element_type3A_10, %cond3A_11 : i32
    scf.if %cond3A_12 {
      %scan3A_36 = arith.constant 0 : i32
      %scan3A_37 = arith.constant 0 : i32
      %scan3A_38 = arith.constant 65 : i32
      %scan3A_39 = arith.addi %scan3A_37, %scan3A_38 : i32
      %scan3A_40 = arith.constant 1 : i32
      scf.for %scan3A_42 = %scan3A_37 to %scan3A_39 step %scan3A_40  : i32 {
        %mul3A_43 = arith.constant 632 : i32
        %mul3A_44 = arith.muli %arg1, %mul3A_43 : i32
        %mul3A_45 = arith.constant 8 : i32
        %mul3A_46 = arith.muli %scan3A_42, %mul3A_45 : i32
        %add3A_47 = arith.addi %mul3A_44, %mul3A_46 : i32
        "tpu.region"() ({
          %run_scoped3A = tpu.sem_alloc : memref<!tpu.dma_semaphore, #tpu.memory_space<semaphore_mem>>
          %dma_start3A = arith.constant 0 : i32
          %dma_start3A_48 = tpu.memref_slice %arg11[%add3A_47, %dma_start3A] : memref<10000x128xf32, #tpu.memory_space<vmem_shared>> -> memref<8x128xf32, #tpu.memory_space<vmem_shared>>
          %dma_start3A_49 = arith.constant 0 : i32
          %dma_start3A_50 = tpu.memref_slice %arg11[%add3A_47, %dma_start3A_49] : memref<10000x128xf32, #tpu.memory_space<vmem_shared>> -> memref<8x128xf32, #tpu.memory_space<vmem_shared>>
          tpu.enqueue_dma source(%arg10 : memref<8x128xf32, #tpu.memory_space<vmem>>) target(%dma_start3A_50 : memref<8x128xf32, #tpu.memory_space<vmem_shared>>) target_semaphore(%run_scoped3A : memref<!tpu.dma_semaphore, #tpu.memory_space<semaphore_mem>>)
          %dma_wait3A = arith.constant 0 : i32
          %dma_wait3A_51 = tpu.memref_slice %arg11[%add3A_47, %dma_wait3A] : memref<10000x128xf32, #tpu.memory_space<vmem_shared>> -> memref<8x128xf32, #tpu.memory_space<vmem_shared>>
          %dma_wait3A_52 = arith.constant 0 : i32
          %dma_wait3A_53 = tpu.memref_slice %arg11[%add3A_47, %dma_wait3A_52] : memref<10000x128xf32, #tpu.memory_space<vmem_shared>> -> memref<8x128xf32, #tpu.memory_space<vmem_shared>>
          tpu.wait_dma2 semaphore(%run_scoped3A : memref<!tpu.dma_semaphore, #tpu.memory_space<semaphore_mem>>) src(%arg10 : memref<8x128xf32, #tpu.memory_space<vmem>>) dst(%dma_wait3A_53 : memref<8x128xf32, #tpu.memory_space<vmem_shared>>)
          tpu.yield
        }) : () -> ()
      }
      %scan3A_41 = arith.constant 65 : i32
    } else {
    }
    %barrier3A = arith.constant 0 : index
    tpu.barrier barrier_id(%barrier3A)
    %scan3A_13 = arith.constant 0 : i32
    %scan3A_14 = arith.constant 0 : i32
    %scan3A_15 = arith.constant 2 : i32
    %scan3A_16 = arith.addi %scan3A_14, %scan3A_15 : i32
    %scan3A_17 = arith.constant 1 : i32
    scf.for %scan3A_36 = %scan3A_14 to %scan3A_16 step %scan3A_17  : i32 {
      %mul3A_37 = arith.constant 320 : i32
      %mul3A_38 = arith.muli %add3A, %mul3A_37 : i32
      %mul3A_39 = arith.constant 160 : i32
      %mul3A_40 = arith.muli %scan3A_36, %mul3A_39 : i32
      %add3A_41 = arith.addi %mul3A_38, %mul3A_40 : i32
      %add3A_42 = arith.constant 0 : i32
      %add3A_43 = arith.addi %add3A_42, %add3A_41 : i32
      "tpu.region"() ({
        %run_scoped3A = tpu.sem_alloc : memref<!tpu.dma_semaphore, #tpu.memory_space<semaphore_mem>>
        %dma_start3A = tpu.memref_slice %arg2[%add3A_43] : memref<160000xi32, #tpu.memory_space<hbm>> -> memref<160xi32, #tpu.memory_space<hbm>>
        %dma_start3A_44 = tpu.memref_slice %arg2[%add3A_43] : memref<160000xi32, #tpu.memory_space<hbm>> -> memref<160xi32, #tpu.memory_space<hbm>>
        tpu.enqueue_dma source(%dma_start3A_44 : memref<160xi32, #tpu.memory_space<hbm>>) target(%arg6 : memref<160xi32, #tpu.memory_space<vmem>>) target_semaphore(%run_scoped3A : memref<!tpu.dma_semaphore, #tpu.memory_space<semaphore_mem>>)
        %dma_wait3A = tpu.memref_slice %arg2[%add3A_43] : memref<160000xi32, #tpu.memory_space<hbm>> -> memref<160xi32, #tpu.memory_space<hbm>>
        %dma_wait3A_45 = tpu.memref_slice %arg2[%add3A_43] : memref<160000xi32, #tpu.memory_space<hbm>> -> memref<160xi32, #tpu.memory_space<hbm>>
        tpu.wait_dma2 semaphore(%run_scoped3A : memref<!tpu.dma_semaphore, #tpu.memory_space<semaphore_mem>>) src(%dma_wait3A_45 : memref<160xi32, #tpu.memory_space<hbm>>) dst(%arg6 : memref<160xi32, #tpu.memory_space<vmem>>)
        tpu.yield
      }) : () -> ()
      "tpu.region"() ({
        %run_scoped3A = tpu.sem_alloc : memref<!tpu.dma_semaphore, #tpu.memory_space<semaphore_mem>>
        %dma_start3A = arith.constant 0 : i32
        %dma_start3A_44 = tpu.memref_slice %arg3[%add3A_41, %dma_start3A] : memref<10240x128xf32, #tpu.memory_space<hbm>> -> memref<160x128xf32, #tpu.memory_space<hbm>>
        %dma_start3A_45 = arith.constant 0 : i32
        %dma_start3A_46 = tpu.memref_slice %arg3[%add3A_41, %dma_start3A_45] : memref<10240x128xf32, #tpu.memory_space<hbm>> -> memref<160x128xf32, #tpu.memory_space<hbm>>
        tpu.enqueue_dma source(%dma_start3A_46 : memref<160x128xf32, #tpu.memory_space<hbm>>) target(%arg7 : memref<160x128xf32, #tpu.memory_space<vmem>>) target_semaphore(%run_scoped3A : memref<!tpu.dma_semaphore, #tpu.memory_space<semaphore_mem>>)
        %dma_wait3A = arith.constant 0 : i32
        %dma_wait3A_47 = tpu.memref_slice %arg3[%add3A_41, %dma_wait3A] : memref<10240x128xf32, #tpu.memory_space<hbm>> -> memref<160x128xf32, #tpu.memory_space<hbm>>
        %dma_wait3A_48 = arith.constant 0 : i32
        %dma_wait3A_49 = tpu.memref_slice %arg3[%add3A_41, %dma_wait3A_48] : memref<10240x128xf32, #tpu.memory_space<hbm>> -> memref<160x128xf32, #tpu.memory_space<hbm>>
        tpu.wait_dma2 semaphore(%run_scoped3A : memref<!tpu.dma_semaphore, #tpu.memory_space<semaphore_mem>>) src(%dma_wait3A_49 : memref<160x128xf32, #tpu.memory_space<hbm>>) dst(%arg7 : memref<160x128xf32, #tpu.memory_space<vmem>>)
        tpu.yield
      }) : () -> ()
      "tpu.region"() ({
        %run_scoped3A = tpu.sem_alloc : memref<!tpu.dma_semaphore, #tpu.memory_space<semaphore_mem>>
        %dma_start3A = arith.constant 0 : i32
        %dma_start3A_44 = arith.constant 0 : i32
        %dma_start3A_45 = tpu.memref_slice %arg11[%dma_start3A, %dma_start3A_44] : memref<10000x128xf32, #tpu.memory_space<vmem_shared>> -> memref<10000x128xf32, #tpu.memory_space<vmem_shared>>
        tpu.enqueue_indirect_dma source(%arg7 : memref<160x128xf32, #tpu.memory_space<vmem>>) target(%dma_start3A_45 : memref<10000x128xf32, #tpu.memory_space<vmem_shared>>) offsets(%arg6 : memref<160xi32, #tpu.memory_space<vmem>>) semaphore(%run_scoped3A : memref<!tpu.dma_semaphore, #tpu.memory_space<semaphore_mem>>) {add = true}
        %dma_wait3A = arith.constant 0 : i32
        %dma_wait3A_46 = arith.constant 0 : i32
        %dma_wait3A_47 = tpu.memref_slice %arg11[%dma_wait3A, %dma_wait3A_46] : memref<10000x128xf32, #tpu.memory_space<vmem_shared>> -> memref<10000x128xf32, #tpu.memory_space<vmem_shared>>
        tpu.wait_indirect_dma semaphore(%run_scoped3A : memref<!tpu.dma_semaphore, #tpu.memory_space<semaphore_mem>>) src(%arg7 : memref<160x128xf32, #tpu.memory_space<vmem>>) dst(%dma_wait3A_47 : memref<10000x128xf32, #tpu.memory_space<vmem_shared>>)
        tpu.yield
      }) : () -> ()
    }
    %scan3A_18 = arith.constant 2 : i32
    %scan3A_19 = arith.constant 0 : i32
    %scan3A_20 = arith.constant 0 : i32
    %scan3A_21 = arith.constant 10 : i32
    %scan3A_22 = arith.addi %scan3A_20, %scan3A_21 : i32
    %scan3A_23 = arith.constant 1 : i32
    scf.for %scan3A_36 = %scan3A_20 to %scan3A_22 step %scan3A_23  : i32 {
      %mul3A_37 = arith.constant 1840 : i32
      %mul3A_38 = arith.muli %add3A, %mul3A_37 : i32
      %mul3A_39 = arith.constant 184 : i32
      %mul3A_40 = arith.muli %scan3A_36, %mul3A_39 : i32
      %add3A_41 = arith.addi %mul3A_38, %mul3A_40 : i32
      %add3A_42 = arith.constant 10240 : i32
      %add3A_43 = arith.addi %add3A_42, %add3A_41 : i32
      "tpu.region"() ({
        %run_scoped3A = tpu.sem_alloc : memref<!tpu.dma_semaphore, #tpu.memory_space<semaphore_mem>>
        %dma_start3A = tpu.memref_slice %arg2[%add3A_43] : memref<160000xi32, #tpu.memory_space<hbm>> -> memref<184xi32, #tpu.memory_space<hbm>>
        %dma_start3A_44 = tpu.memref_slice %arg2[%add3A_43] : memref<160000xi32, #tpu.memory_space<hbm>> -> memref<184xi32, #tpu.memory_space<hbm>>
        tpu.enqueue_dma source(%dma_start3A_44 : memref<184xi32, #tpu.memory_space<hbm>>) target(%arg8 : memref<184xi32, #tpu.memory_space<vmem>>) target_semaphore(%run_scoped3A : memref<!tpu.dma_semaphore, #tpu.memory_space<semaphore_mem>>)
        %dma_wait3A = tpu.memref_slice %arg2[%add3A_43] : memref<160000xi32, #tpu.memory_space<hbm>> -> memref<184xi32, #tpu.memory_space<hbm>>
        %dma_wait3A_45 = tpu.memref_slice %arg2[%add3A_43] : memref<160000xi32, #tpu.memory_space<hbm>> -> memref<184xi32, #tpu.memory_space<hbm>>
        tpu.wait_dma2 semaphore(%run_scoped3A : memref<!tpu.dma_semaphore, #tpu.memory_space<semaphore_mem>>) src(%dma_wait3A_45 : memref<184xi32, #tpu.memory_space<hbm>>) dst(%arg8 : memref<184xi32, #tpu.memory_space<vmem>>)
        tpu.yield
      }) : () -> ()
      "tpu.region"() ({
        %run_scoped3A = tpu.sem_alloc : memref<!tpu.dma_semaphore, #tpu.memory_space<semaphore_mem>>
        %dma_start3A = arith.constant 0 : i32
        %dma_start3A_44 = tpu.memref_slice %arg4[%add3A_41, %dma_start3A] : memref<58880x128xf32, #tpu.memory_space<hbm>> -> memref<184x128xf32, #tpu.memory_space<hbm>>
        %dma_start3A_45 = arith.constant 0 : i32
        %dma_start3A_46 = tpu.memref_slice %arg4[%add3A_41, %dma_start3A_45] : memref<58880x128xf32, #tpu.memory_space<hbm>> -> memref<184x128xf32, #tpu.memory_space<hbm>>
        tpu.enqueue_dma source(%dma_start3A_46 : memref<184x128xf32, #tpu.memory_space<hbm>>) target(%arg9 : memref<184x128xf32, #tpu.memory_space<vmem>>) target_semaphore(%run_scoped3A : memref<!tpu.dma_semaphore, #tpu.memory_space<semaphore_mem>>)
        %dma_wait3A = arith.constant 0 : i32
        %dma_wait3A_47 = tpu.memref_slice %arg4[%add3A_41, %dma_wait3A] : memref<58880x128xf32, #tpu.memory_space<hbm>> -> memref<184x128xf32, #tpu.memory_space<hbm>>
        %dma_wait3A_48 = arith.constant 0 : i32
        %dma_wait3A_49 = tpu.memref_slice %arg4[%add3A_41, %dma_wait3A_48] : memref<58880x128xf32, #tpu.memory_space<hbm>> -> memref<184x128xf32, #tpu.memory_space<hbm>>
        tpu.wait_dma2 semaphore(%run_scoped3A : memref<!tpu.dma_semaphore, #tpu.memory_space<semaphore_mem>>) src(%dma_wait3A_49 : memref<184x128xf32, #tpu.memory_space<hbm>>) dst(%arg9 : memref<184x128xf32, #tpu.memory_space<vmem>>)
        tpu.yield
      }) : () -> ()
      "tpu.region"() ({
        %run_scoped3A = tpu.sem_alloc : memref<!tpu.dma_semaphore, #tpu.memory_space<semaphore_mem>>
        %dma_start3A = arith.constant 0 : i32
        %dma_start3A_44 = arith.constant 0 : i32
        %dma_start3A_45 = tpu.memref_slice %arg11[%dma_start3A, %dma_start3A_44] : memref<10000x128xf32, #tpu.memory_space<vmem_shared>> -> memref<10000x128xf32, #tpu.memory_space<vmem_shared>>
        tpu.enqueue_indirect_dma source(%arg9 : memref<184x128xf32, #tpu.memory_space<vmem>>) target(%dma_start3A_45 : memref<10000x128xf32, #tpu.memory_space<vmem_shared>>) offsets(%arg8 : memref<184xi32, #tpu.memory_space<vmem>>) semaphore(%run_scoped3A : memref<!tpu.dma_semaphore, #tpu.memory_space<semaphore_mem>>) {add = true}
        %dma_wait3A = arith.constant 0 : i32
        %dma_wait3A_46 = arith.constant 0 : i32
        %dma_wait3A_47 = tpu.memref_slice %arg11[%dma_wait3A, %dma_wait3A_46] : memref<10000x128xf32, #tpu.memory_space<vmem_shared>> -> memref<10000x128xf32, #tpu.memory_space<vmem_shared>>
        tpu.wait_indirect_dma semaphore(%run_scoped3A : memref<!tpu.dma_semaphore, #tpu.memory_space<semaphore_mem>>) src(%arg9 : memref<184x128xf32, #tpu.memory_space<vmem>>) dst(%dma_wait3A_47 : memref<10000x128xf32, #tpu.memory_space<vmem_shared>>)
        tpu.yield
      }) : () -> ()
    }
    %scan3A_24 = arith.constant 10 : i32
    %barrier3A_25 = arith.constant 0 : index
    tpu.barrier barrier_id(%barrier3A_25)
    %lt3A_26 = arith.constant 15 : i32
    %lt3A_27 = arith.cmpi slt, %arg1, %lt3A_26 : i32
    %convert_element_type3A_28 = arith.extui %lt3A_27 : i1 to i32
    %cond3A_29 = arith.constant 0 : i32
    %cond3A_30 = arith.cmpi ne, %convert_element_type3A_28, %cond3A_29 : i32
    scf.if %cond3A_30 {
      %mul3A_36 = arith.constant 632 : i32
      %mul3A_37 = arith.muli %arg1, %mul3A_36 : i32
      %mul3A_38 = arith.constant 632 : i32
      %mul3A_39 = arith.muli %arg1, %mul3A_38 : i32
      "tpu.region"() ({
        %run_scoped3A = tpu.sem_alloc : memref<!tpu.dma_semaphore, #tpu.memory_space<semaphore_mem>>
        %dma_start3A = arith.constant 0 : i32
        %dma_start3A_40 = tpu.memref_slice %arg5[%arg0, %mul3A_39, %dma_start3A] : memref<2x10000x128xf32, #tpu.memory_space<hbm>> -> memref<1x632x128xf32, #tpu.memory_space<hbm>>
        %dma_start3A_41 = tpu.memref_squeeze %dma_start3A_40 : memref<1x632x128xf32, #tpu.memory_space<hbm>> -> memref<632x128xf32, #tpu.memory_space<hbm>>
        %dma_start3A_42 = arith.constant 0 : i32
        %dma_start3A_43 = tpu.memref_slice %arg11[%mul3A_37, %dma_start3A_42] : memref<10000x128xf32, #tpu.memory_space<vmem_shared>> -> memref<632x128xf32, #tpu.memory_space<vmem_shared>>
        tpu.enqueue_dma source(%dma_start3A_43 : memref<632x128xf32, #tpu.memory_space<vmem_shared>>) target(%dma_start3A_41 : memref<632x128xf32, #tpu.memory_space<hbm>>) target_semaphore(%run_scoped3A : memref<!tpu.dma_semaphore, #tpu.memory_space<semaphore_mem>>)
        %dma_wait3A = arith.constant 0 : i32
        %dma_wait3A_44 = tpu.memref_slice %arg5[%arg0, %mul3A_39, %dma_wait3A] : memref<2x10000x128xf32, #tpu.memory_space<hbm>> -> memref<1x632x128xf32, #tpu.memory_space<hbm>>
        %dma_wait3A_45 = tpu.memref_squeeze %dma_wait3A_44 : memref<1x632x128xf32, #tpu.memory_space<hbm>> -> memref<632x128xf32, #tpu.memory_space<hbm>>
        %dma_wait3A_46 = arith.constant 0 : i32
        %dma_wait3A_47 = tpu.memref_slice %arg11[%mul3A_37, %dma_wait3A_46] : memref<10000x128xf32, #tpu.memory_space<vmem_shared>> -> memref<632x128xf32, #tpu.memory_space<vmem_shared>>
        tpu.wait_dma2 semaphore(%run_scoped3A : memref<!tpu.dma_semaphore, #tpu.memory_space<semaphore_mem>>) src(%dma_wait3A_47 : memref<632x128xf32, #tpu.memory_space<vmem_shared>>) dst(%dma_wait3A_45 : memref<632x128xf32, #tpu.memory_space<hbm>>)
        tpu.yield
      }) : () -> ()
    } else {
    }
    %eq3A_31 = arith.constant 15 : i32
    %eq3A_32 = arith.cmpi eq, %arg1, %eq3A_31 : i32
    %convert_element_type3A_33 = arith.extui %eq3A_32 : i1 to i32
    %cond3A_34 = arith.constant 0 : i32
    %cond3A_35 = arith.cmpi ne, %convert_element_type3A_33, %cond3A_34 : i32
    scf.if %cond3A_35 {
      "tpu.region"() ({
        %run_scoped3A = tpu.sem_alloc : memref<!tpu.dma_semaphore, #tpu.memory_space<semaphore_mem>>
        %dma_start3A = arith.constant 9480 : i32
        %dma_start3A_36 = arith.constant 0 : i32
        %dma_start3A_37 = tpu.memref_slice %arg5[%arg0, %dma_start3A, %dma_start3A_36] : memref<2x10000x128xf32, #tpu.memory_space<hbm>> -> memref<1x520x128xf32, #tpu.memory_space<hbm>>
        %dma_start3A_38 = tpu.memref_squeeze %dma_start3A_37 : memref<1x520x128xf32, #tpu.memory_space<hbm>> -> memref<520x128xf32, #tpu.memory_space<hbm>>
        %dma_start3A_39 = arith.constant 9480 : i32
        %dma_start3A_40 = arith.constant 0 : i32
        %dma_start3A_41 = tpu.memref_slice %arg11[%dma_start3A_39, %dma_start3A_40] : memref<10000x128xf32, #tpu.memory_space<vmem_shared>> -> memref<520x128xf32, #tpu.memory_space<vmem_shared>>
        tpu.enqueue_dma source(%dma_start3A_41 : memref<520x128xf32, #tpu.memory_space<vmem_shared>>) target(%dma_start3A_38 : memref<520x128xf32, #tpu.memory_space<hbm>>) target_semaphore(%run_scoped3A : memref<!tpu.dma_semaphore, #tpu.memory_space<semaphore_mem>>)
        %dma_wait3A = arith.constant 9480 : i32
        %dma_wait3A_42 = arith.constant 0 : i32
        %dma_wait3A_43 = tpu.memref_slice %arg5[%arg0, %dma_wait3A, %dma_wait3A_42] : memref<2x10000x128xf32, #tpu.memory_space<hbm>> -> memref<1x520x128xf32, #tpu.memory_space<hbm>>
        %dma_wait3A_44 = tpu.memref_squeeze %dma_wait3A_43 : memref<1x520x128xf32, #tpu.memory_space<hbm>> -> memref<520x128xf32, #tpu.memory_space<hbm>>
        %dma_wait3A_45 = arith.constant 9480 : i32
        %dma_wait3A_46 = arith.constant 0 : i32
        %dma_wait3A_47 = tpu.memref_slice %arg11[%dma_wait3A_45, %dma_wait3A_46] : memref<10000x128xf32, #tpu.memory_space<vmem_shared>> -> memref<520x128xf32, #tpu.memory_space<vmem_shared>>
        tpu.wait_dma2 semaphore(%run_scoped3A : memref<!tpu.dma_semaphore, #tpu.memory_space<semaphore_mem>>) src(%dma_wait3A_47 : memref<520x128xf32, #tpu.memory_space<vmem_shared>>) dst(%dma_wait3A_44 : memref<520x128xf32, #tpu.memory_space<hbm>>)
        tpu.yield
      }) : () -> ()
    } else {
    }
    return
  }
}

#map = affine_map<(d0, d1) -> (0)>
#map1 = affine_map<(d0, d1) -> (0, 0)>
#map2 = affine_map<(d0, d1) -> (0, 0, 0)>
module attributes {stable_mosaic.version = 14 : i64} {
  func.func @_sc_scatter(%arg0: i32, %arg1: i32, %arg2: memref<160000xi32, #tpu.memory_space<hbm>>, %arg3: memref<64000x128xf32, #tpu.memory_space<hbm>>, %arg4: memref<2x10000x128xf32, #tpu.memory_space<hbm>>, %arg5: memref<200xi32, #tpu.memory_space<vmem>>, %arg6: memref<200x128xf32, #tpu.memory_space<vmem>>, %arg7: memref<8x128xf32, #tpu.memory_space<vmem>>, %arg8: memref<10000x128xf32, #tpu.memory_space<vmem_shared>>, %arg9: memref<!tpu.dma_semaphore, #tpu.memory_space<semaphore_mem>>) attributes {dimension_semantics = [#tpu.dimension_semantics<core_parallel>, #tpu.dimension_semantics<subcore_parallel>], iteration_bounds = array<i64: 2, 16>, scalar_prefetch = 0 : i64, scratch_operands = 5 : i64, tpu.core_type = #tpu.core_type<sc_vector_subcore>, window_params = [{transform_indices = #map}, {transform_indices = #map1}, {transform_indices = #map2}]} {
    %mul3A = arith.constant 2 : i32
    %mul3A_0 = arith.muli %arg1, %mul3A : i32
    %add3A = arith.addi %mul3A_0, %arg0 : i32
    %broadcast_in_dim3A = arith.constant 0.000000e+00 : f32
    %broadcast_in_dim3A_1 = vector.broadcast %broadcast_in_dim3A : f32 to vector<16xf32>
    %scan3A = arith.constant 0 : i32
    %scan3A_2 = arith.constant 0 : i32
    %scan3A_3 = arith.constant 64 : i32
    %scan3A_4 = arith.addi %scan3A_2, %scan3A_3 : i32
    %scan3A_5 = arith.constant 1 : i32
    scf.for %scan3A_30 = %scan3A_2 to %scan3A_4 step %scan3A_5  : i32 {
      %jit3A = arith.constant 8 : i32
      %div3A = arith.divsi %scan3A_30, %jit3A : i32
      %sign3A = arith.constant 0 : i32
      %sign3A_31 = arith.cmpi sgt, %scan3A_30, %sign3A : i32
      %sign3A_32 = arith.extui %sign3A_31 : i1 to i32
      %sign3A_33 = arith.constant 0 : i32
      %sign3A_34 = arith.cmpi slt, %scan3A_30, %sign3A_33 : i32
      %sign3A_35 = arith.extui %sign3A_34 : i1 to i32
      %sign3A_36 = arith.subi %sign3A_32, %sign3A_35 : i32
      %sign3A_37 = arith.constant 0 : i32
      %sign3A_38 = arith.cmpi sgt, %jit3A, %sign3A_37 : i32
      %sign3A_39 = arith.extui %sign3A_38 : i1 to i32
      %sign3A_40 = arith.constant 0 : i32
      %sign3A_41 = arith.cmpi slt, %jit3A, %sign3A_40 : i32
      %sign3A_42 = arith.extui %sign3A_41 : i1 to i32
      %sign3A_43 = arith.subi %sign3A_39, %sign3A_42 : i32
      %ne3A = arith.cmpi ne, %sign3A_36, %sign3A_43 : i32
      %rem3A = arith.remsi %scan3A_30, %jit3A : i32
      %ne3A_44 = arith.constant 0 : i32
      %ne3A_45 = arith.cmpi ne, %rem3A, %ne3A_44 : i32
      %and3A = arith.andi %ne3A, %ne3A_45 : i1
      %sub3A = arith.constant 1 : i32
      %sub3A_46 = arith.subi %div3A, %sub3A : i32
      %select_n3A = arith.select %and3A, %sub3A_46, %div3A : i32
      %jit3A_47 = arith.constant 8 : i32
      %eq3A_48 = arith.constant 0 : i32
      %eq3A_49 = arith.cmpi eq, %jit3A_47, %eq3A_48 : i32
      %jit3A_50 = arith.constant 1 : i32
      %select_n3A_51 = arith.select %eq3A_49, %jit3A_50, %jit3A_47 : i32
      %rem3A_52 = arith.remsi %scan3A_30, %select_n3A_51 : i32
      %ne3A_53 = arith.constant 0 : i32
      %ne3A_54 = arith.cmpi ne, %rem3A_52, %ne3A_53 : i32
      %lt3A_55 = arith.constant 0 : i32
      %lt3A_56 = arith.cmpi slt, %rem3A_52, %lt3A_55 : i32
      %lt3A_57 = arith.constant 0 : i32
      %lt3A_58 = arith.cmpi slt, %select_n3A_51, %lt3A_57 : i32
      %ne3A_59 = arith.xori %lt3A_56, %lt3A_58 : i1
      %and3A_60 = arith.andi %ne3A_59, %ne3A_54 : i1
      %add3A_61 = arith.addi %rem3A_52, %select_n3A_51 : i32
      %select_n3A_62 = arith.select %and3A_60, %add3A_61, %rem3A_52 : i32
      %mul3A_63 = arith.constant 16 : i32
      %mul3A_64 = arith.muli %select_n3A_62, %mul3A_63 : i32
      %swap3A = arith.index_cast %select_n3A : i32 to index
      %swap3A_65 = arith.index_cast %mul3A_64 : i32 to index
      %swap3A_66 = tpu.vector_load %arg7[%swap3A, %swap3A_65] {strides = array<i32>} : memref<8x128xf32, #tpu.memory_space<vmem>>, vector<16xf32>,
      tpu.vector_store %arg7[%swap3A, %swap3A_65], %broadcast_in_dim3A_1 {strides = array<i32>} : memref<8x128xf32, #tpu.memory_space<vmem>>, vector<16xf32>,
    }
    %scan3A_6 = arith.constant 64 : i32
    %lt3A = arith.constant 15 : i32
    %lt3A_7 = arith.cmpi slt, %arg1, %lt3A : i32
    %convert_element_type3A = arith.extui %lt3A_7 : i1 to i32
    %cond3A = arith.constant 0 : i32
    %cond3A_8 = arith.cmpi ne, %convert_element_type3A, %cond3A : i32
    scf.if %cond3A_8 {
      %scan3A_30 = arith.constant 0 : i32
      %scan3A_31 = arith.constant 0 : i32
      %scan3A_32 = arith.constant 79 : i32
      %scan3A_33 = arith.addi %scan3A_31, %scan3A_32 : i32
      %scan3A_34 = arith.constant 1 : i32
      scf.for %scan3A_36 = %scan3A_31 to %scan3A_33 step %scan3A_34  : i32 {
        %mul3A_37 = arith.constant 632 : i32
        %mul3A_38 = arith.muli %arg1, %mul3A_37 : i32
        %mul3A_39 = arith.constant 8 : i32
        %mul3A_40 = arith.muli %scan3A_36, %mul3A_39 : i32
        %add3A_41 = arith.addi %mul3A_38, %mul3A_40 : i32
        "tpu.region"() ({
          %run_scoped3A = tpu.sem_alloc : memref<!tpu.dma_semaphore, #tpu.memory_space<semaphore_mem>>
          %dma_start3A = arith.constant 0 : i32
          %dma_start3A_42 = tpu.memref_slice %arg8[%add3A_41, %dma_start3A] : memref<10000x128xf32, #tpu.memory_space<vmem_shared>> -> memref<8x128xf32, #tpu.memory_space<vmem_shared>>
          %dma_start3A_43 = arith.constant 0 : i32
          %dma_start3A_44 = tpu.memref_slice %arg8[%add3A_41, %dma_start3A_43] : memref<10000x128xf32, #tpu.memory_space<vmem_shared>> -> memref<8x128xf32, #tpu.memory_space<vmem_shared>>
          tpu.enqueue_dma source(%arg7 : memref<8x128xf32, #tpu.memory_space<vmem>>) target(%dma_start3A_44 : memref<8x128xf32, #tpu.memory_space<vmem_shared>>) target_semaphore(%run_scoped3A : memref<!tpu.dma_semaphore, #tpu.memory_space<semaphore_mem>>)
          %dma_wait3A = arith.constant 0 : i32
          %dma_wait3A_45 = tpu.memref_slice %arg8[%add3A_41, %dma_wait3A] : memref<10000x128xf32, #tpu.memory_space<vmem_shared>> -> memref<8x128xf32, #tpu.memory_space<vmem_shared>>
          %dma_wait3A_46 = arith.constant 0 : i32
          %dma_wait3A_47 = tpu.memref_slice %arg8[%add3A_41, %dma_wait3A_46] : memref<10000x128xf32, #tpu.memory_space<vmem_shared>> -> memref<8x128xf32, #tpu.memory_space<vmem_shared>>
          tpu.wait_dma2 semaphore(%run_scoped3A : memref<!tpu.dma_semaphore, #tpu.memory_space<semaphore_mem>>) src(%arg7 : memref<8x128xf32, #tpu.memory_space<vmem>>) dst(%dma_wait3A_47 : memref<8x128xf32, #tpu.memory_space<vmem_shared>>)
          tpu.yield
        }) : () -> ()
      }
      %scan3A_35 = arith.constant 79 : i32
    } else {
    }
    %eq3A = arith.constant 15 : i32
    %eq3A_9 = arith.cmpi eq, %arg1, %eq3A : i32
    %convert_element_type3A_10 = arith.extui %eq3A_9 : i1 to i32
    %cond3A_11 = arith.constant 0 : i32
    %cond3A_12 = arith.cmpi ne, %convert_element_type3A_10, %cond3A_11 : i32
    scf.if %cond3A_12 {
      %scan3A_30 = arith.constant 0 : i32
      %scan3A_31 = arith.constant 0 : i32
      %scan3A_32 = arith.constant 65 : i32
      %scan3A_33 = arith.addi %scan3A_31, %scan3A_32 : i32
      %scan3A_34 = arith.constant 1 : i32
      scf.for %scan3A_36 = %scan3A_31 to %scan3A_33 step %scan3A_34  : i32 {
        %mul3A_37 = arith.constant 632 : i32
        %mul3A_38 = arith.muli %arg1, %mul3A_37 : i32
        %mul3A_39 = arith.constant 8 : i32
        %mul3A_40 = arith.muli %scan3A_36, %mul3A_39 : i32
        %add3A_41 = arith.addi %mul3A_38, %mul3A_40 : i32
        "tpu.region"() ({
          %run_scoped3A = tpu.sem_alloc : memref<!tpu.dma_semaphore, #tpu.memory_space<semaphore_mem>>
          %dma_start3A = arith.constant 0 : i32
          %dma_start3A_42 = tpu.memref_slice %arg8[%add3A_41, %dma_start3A] : memref<10000x128xf32, #tpu.memory_space<vmem_shared>> -> memref<8x128xf32, #tpu.memory_space<vmem_shared>>
          %dma_start3A_43 = arith.constant 0 : i32
          %dma_start3A_44 = tpu.memref_slice %arg8[%add3A_41, %dma_start3A_43] : memref<10000x128xf32, #tpu.memory_space<vmem_shared>> -> memref<8x128xf32, #tpu.memory_space<vmem_shared>>
          tpu.enqueue_dma source(%arg7 : memref<8x128xf32, #tpu.memory_space<vmem>>) target(%dma_start3A_44 : memref<8x128xf32, #tpu.memory_space<vmem_shared>>) target_semaphore(%run_scoped3A : memref<!tpu.dma_semaphore, #tpu.memory_space<semaphore_mem>>)
          %dma_wait3A = arith.constant 0 : i32
          %dma_wait3A_45 = tpu.memref_slice %arg8[%add3A_41, %dma_wait3A] : memref<10000x128xf32, #tpu.memory_space<vmem_shared>> -> memref<8x128xf32, #tpu.memory_space<vmem_shared>>
          %dma_wait3A_46 = arith.constant 0 : i32
          %dma_wait3A_47 = tpu.memref_slice %arg8[%add3A_41, %dma_wait3A_46] : memref<10000x128xf32, #tpu.memory_space<vmem_shared>> -> memref<8x128xf32, #tpu.memory_space<vmem_shared>>
          tpu.wait_dma2 semaphore(%run_scoped3A : memref<!tpu.dma_semaphore, #tpu.memory_space<semaphore_mem>>) src(%arg7 : memref<8x128xf32, #tpu.memory_space<vmem>>) dst(%dma_wait3A_47 : memref<8x128xf32, #tpu.memory_space<vmem_shared>>)
          tpu.yield
        }) : () -> ()
      }
      %scan3A_35 = arith.constant 65 : i32
    } else {
    }
    %barrier3A = arith.constant 0 : index
    tpu.barrier barrier_id(%barrier3A)
    %scan3A_13 = arith.constant 0 : i32
    %scan3A_14 = arith.constant 0 : i32
    %scan3A_15 = arith.constant 10 : i32
    %scan3A_16 = arith.addi %scan3A_14, %scan3A_15 : i32
    %scan3A_17 = arith.constant 1 : i32
    scf.for %scan3A_30 = %scan3A_14 to %scan3A_16 step %scan3A_17  : i32 {
      %mul3A_31 = arith.constant 2000 : i32
      %mul3A_32 = arith.muli %add3A, %mul3A_31 : i32
      %mul3A_33 = arith.constant 200 : i32
      %mul3A_34 = arith.muli %scan3A_30, %mul3A_33 : i32
      %add3A_35 = arith.addi %mul3A_32, %mul3A_34 : i32
      %add3A_36 = arith.constant 69120 : i32
      %add3A_37 = arith.addi %add3A_36, %add3A_35 : i32
      "tpu.region"() ({
        %run_scoped3A = tpu.sem_alloc : memref<!tpu.dma_semaphore, #tpu.memory_space<semaphore_mem>>
        %dma_start3A = tpu.memref_slice %arg2[%add3A_37] : memref<160000xi32, #tpu.memory_space<hbm>> -> memref<200xi32, #tpu.memory_space<hbm>>
        %dma_start3A_38 = tpu.memref_slice %arg2[%add3A_37] : memref<160000xi32, #tpu.memory_space<hbm>> -> memref<200xi32, #tpu.memory_space<hbm>>
        tpu.enqueue_dma source(%dma_start3A_38 : memref<200xi32, #tpu.memory_space<hbm>>) target(%arg5 : memref<200xi32, #tpu.memory_space<vmem>>) target_semaphore(%run_scoped3A : memref<!tpu.dma_semaphore, #tpu.memory_space<semaphore_mem>>)
        %dma_wait3A = tpu.memref_slice %arg2[%add3A_37] : memref<160000xi32, #tpu.memory_space<hbm>> -> memref<200xi32, #tpu.memory_space<hbm>>
        %dma_wait3A_39 = tpu.memref_slice %arg2[%add3A_37] : memref<160000xi32, #tpu.memory_space<hbm>> -> memref<200xi32, #tpu.memory_space<hbm>>
        tpu.wait_dma2 semaphore(%run_scoped3A : memref<!tpu.dma_semaphore, #tpu.memory_space<semaphore_mem>>) src(%dma_wait3A_39 : memref<200xi32, #tpu.memory_space<hbm>>) dst(%arg5 : memref<200xi32, #tpu.memory_space<vmem>>)
        tpu.yield
      }) : () -> ()
      "tpu.region"() ({
        %run_scoped3A = tpu.sem_alloc : memref<!tpu.dma_semaphore, #tpu.memory_space<semaphore_mem>>
        %dma_start3A = arith.constant 0 : i32
        %dma_start3A_38 = tpu.memref_slice %arg3[%add3A_35, %dma_start3A] : memref<64000x128xf32, #tpu.memory_space<hbm>> -> memref<200x128xf32, #tpu.memory_space<hbm>>
        %dma_start3A_39 = arith.constant 0 : i32
        %dma_start3A_40 = tpu.memref_slice %arg3[%add3A_35, %dma_start3A_39] : memref<64000x128xf32, #tpu.memory_space<hbm>> -> memref<200x128xf32, #tpu.memory_space<hbm>>
        tpu.enqueue_dma source(%dma_start3A_40 : memref<200x128xf32, #tpu.memory_space<hbm>>) target(%arg6 : memref<200x128xf32, #tpu.memory_space<vmem>>) target_semaphore(%run_scoped3A : memref<!tpu.dma_semaphore, #tpu.memory_space<semaphore_mem>>)
        %dma_wait3A = arith.constant 0 : i32
        %dma_wait3A_41 = tpu.memref_slice %arg3[%add3A_35, %dma_wait3A] : memref<64000x128xf32, #tpu.memory_space<hbm>> -> memref<200x128xf32, #tpu.memory_space<hbm>>
        %dma_wait3A_42 = arith.constant 0 : i32
        %dma_wait3A_43 = tpu.memref_slice %arg3[%add3A_35, %dma_wait3A_42] : memref<64000x128xf32, #tpu.memory_space<hbm>> -> memref<200x128xf32, #tpu.memory_space<hbm>>
        tpu.wait_dma2 semaphore(%run_scoped3A : memref<!tpu.dma_semaphore, #tpu.memory_space<semaphore_mem>>) src(%dma_wait3A_43 : memref<200x128xf32, #tpu.memory_space<hbm>>) dst(%arg6 : memref<200x128xf32, #tpu.memory_space<vmem>>)
        tpu.yield
      }) : () -> ()
      "tpu.region"() ({
        %run_scoped3A = tpu.sem_alloc : memref<!tpu.dma_semaphore, #tpu.memory_space<semaphore_mem>>
        %dma_start3A = arith.constant 0 : i32
        %dma_start3A_38 = arith.constant 0 : i32
        %dma_start3A_39 = tpu.memref_slice %arg8[%dma_start3A, %dma_start3A_38] : memref<10000x128xf32, #tpu.memory_space<vmem_shared>> -> memref<10000x128xf32, #tpu.memory_space<vmem_shared>>
        tpu.enqueue_indirect_dma source(%arg6 : memref<200x128xf32, #tpu.memory_space<vmem>>) target(%dma_start3A_39 : memref<10000x128xf32, #tpu.memory_space<vmem_shared>>) offsets(%arg5 : memref<200xi32, #tpu.memory_space<vmem>>) semaphore(%run_scoped3A : memref<!tpu.dma_semaphore, #tpu.memory_space<semaphore_mem>>) {add = true}
        %dma_wait3A = arith.constant 0 : i32
        %dma_wait3A_40 = arith.constant 0 : i32
        %dma_wait3A_41 = tpu.memref_slice %arg8[%dma_wait3A, %dma_wait3A_40] : memref<10000x128xf32, #tpu.memory_space<vmem_shared>> -> memref<10000x128xf32, #tpu.memory_space<vmem_shared>>
        tpu.wait_indirect_dma semaphore(%run_scoped3A : memref<!tpu.dma_semaphore, #tpu.memory_space<semaphore_mem>>) src(%arg6 : memref<200x128xf32, #tpu.memory_space<vmem>>) dst(%dma_wait3A_41 : memref<10000x128xf32, #tpu.memory_space<vmem_shared>>)
        tpu.yield
      }) : () -> ()
    }
    %scan3A_18 = arith.constant 10 : i32
    %barrier3A_19 = arith.constant 0 : index
    tpu.barrier barrier_id(%barrier3A_19)
    %lt3A_20 = arith.constant 15 : i32
    %lt3A_21 = arith.cmpi slt, %arg1, %lt3A_20 : i32
    %convert_element_type3A_22 = arith.extui %lt3A_21 : i1 to i32
    %cond3A_23 = arith.constant 0 : i32
    %cond3A_24 = arith.cmpi ne, %convert_element_type3A_22, %cond3A_23 : i32
    scf.if %cond3A_24 {
      %mul3A_30 = arith.constant 632 : i32
      %mul3A_31 = arith.muli %arg1, %mul3A_30 : i32
      %mul3A_32 = arith.constant 632 : i32
      %mul3A_33 = arith.muli %arg1, %mul3A_32 : i32
      "tpu.region"() ({
        %run_scoped3A = tpu.sem_alloc : memref<!tpu.dma_semaphore, #tpu.memory_space<semaphore_mem>>
        %dma_start3A = arith.constant 0 : i32
        %dma_start3A_34 = tpu.memref_slice %arg4[%arg0, %mul3A_33, %dma_start3A] : memref<2x10000x128xf32, #tpu.memory_space<hbm>> -> memref<1x632x128xf32, #tpu.memory_space<hbm>>
        %dma_start3A_35 = tpu.memref_squeeze %dma_start3A_34 : memref<1x632x128xf32, #tpu.memory_space<hbm>> -> memref<632x128xf32, #tpu.memory_space<hbm>>
        %dma_start3A_36 = arith.constant 0 : i32
        %dma_start3A_37 = tpu.memref_slice %arg8[%mul3A_31, %dma_start3A_36] : memref<10000x128xf32, #tpu.memory_space<vmem_shared>> -> memref<632x128xf32, #tpu.memory_space<vmem_shared>>
        tpu.enqueue_dma source(%dma_start3A_37 : memref<632x128xf32, #tpu.memory_space<vmem_shared>>) target(%dma_start3A_35 : memref<632x128xf32, #tpu.memory_space<hbm>>) target_semaphore(%run_scoped3A : memref<!tpu.dma_semaphore, #tpu.memory_space<semaphore_mem>>)
        %dma_wait3A = arith.constant 0 : i32
        %dma_wait3A_38 = tpu.memref_slice %arg4[%arg0, %mul3A_33, %dma_wait3A] : memref<2x10000x128xf32, #tpu.memory_space<hbm>> -> memref<1x632x128xf32, #tpu.memory_space<hbm>>
        %dma_wait3A_39 = tpu.memref_squeeze %dma_wait3A_38 : memref<1x632x128xf32, #tpu.memory_space<hbm>> -> memref<632x128xf32, #tpu.memory_space<hbm>>
        %dma_wait3A_40 = arith.constant 0 : i32
        %dma_wait3A_41 = tpu.memref_slice %arg8[%mul3A_31, %dma_wait3A_40] : memref<10000x128xf32, #tpu.memory_space<vmem_shared>> -> memref<632x128xf32, #tpu.memory_space<vmem_shared>>
        tpu.wait_dma2 semaphore(%run_scoped3A : memref<!tpu.dma_semaphore, #tpu.memory_space<semaphore_mem>>) src(%dma_wait3A_41 : memref<632x128xf32, #tpu.memory_space<vmem_shared>>) dst(%dma_wait3A_39 : memref<632x128xf32, #tpu.memory_space<hbm>>)
        tpu.yield
      }) : () -> ()
    } else {
    }
    %eq3A_25 = arith.constant 15 : i32
    %eq3A_26 = arith.cmpi eq, %arg1, %eq3A_25 : i32
    %convert_element_type3A_27 = arith.extui %eq3A_26 : i1 to i32
    %cond3A_28 = arith.constant 0 : i32
    %cond3A_29 = arith.cmpi ne, %convert_element_type3A_27, %cond3A_28 : i32
    scf.if %cond3A_29 {
      "tpu.region"() ({
        %run_scoped3A = tpu.sem_alloc : memref<!tpu.dma_semaphore, #tpu.memory_space<semaphore_mem>>
        %dma_start3A = arith.constant 9480 : i32
        %dma_start3A_30 = arith.constant 0 : i32
        %dma_start3A_31 = tpu.memref_slice %arg4[%arg0, %dma_start3A, %dma_start3A_30] : memref<2x10000x128xf32, #tpu.memory_space<hbm>> -> memref<1x520x128xf32, #tpu.memory_space<hbm>>
        %dma_start3A_32 = tpu.memref_squeeze %dma_start3A_31 : memref<1x520x128xf32, #tpu.memory_space<hbm>> -> memref<520x128xf32, #tpu.memory_space<hbm>>
        %dma_start3A_33 = arith.constant 9480 : i32
        %dma_start3A_34 = arith.constant 0 : i32
        %dma_start3A_35 = tpu.memref_slice %arg8[%dma_start3A_33, %dma_start3A_34] : memref<10000x128xf32, #tpu.memory_space<vmem_shared>> -> memref<520x128xf32, #tpu.memory_space<vmem_shared>>
        tpu.enqueue_dma source(%dma_start3A_35 : memref<520x128xf32, #tpu.memory_space<vmem_shared>>) target(%dma_start3A_32 : memref<520x128xf32, #tpu.memory_space<hbm>>) target_semaphore(%run_scoped3A : memref<!tpu.dma_semaphore, #tpu.memory_space<semaphore_mem>>)
        %dma_wait3A = arith.constant 9480 : i32
        %dma_wait3A_36 = arith.constant 0 : i32
        %dma_wait3A_37 = tpu.memref_slice %arg4[%arg0, %dma_wait3A, %dma_wait3A_36] : memref<2x10000x128xf32, #tpu.memory_space<hbm>> -> memref<1x520x128xf32, #tpu.memory_space<hbm>>
        %dma_wait3A_38 = tpu.memref_squeeze %dma_wait3A_37 : memref<1x520x128xf32, #tpu.memory_space<hbm>> -> memref<520x128xf32, #tpu.memory_space<hbm>>
        %dma_wait3A_39 = arith.constant 9480 : i32
        %dma_wait3A_40 = arith.constant 0 : i32
        %dma_wait3A_41 = tpu.memref_slice %arg8[%dma_wait3A_39, %dma_wait3A_40] : memref<10000x128xf32, #tpu.memory_space<vmem_shared>> -> memref<520x128xf32, #tpu.memory_space<vmem_shared>>
        tpu.wait_dma2 semaphore(%run_scoped3A : memref<!tpu.dma_semaphore, #tpu.memory_space<semaphore_mem>>) src(%dma_wait3A_41 : memref<520x128xf32, #tpu.memory_space<vmem_shared>>) dst(%dma_wait3A_38 : memref<520x128xf32, #tpu.memory_space<hbm>>)
        tpu.yield
      }) : () -> ()
    } else {
    }
    return
  }
}

#map = affine_map<(d0, d1) -> (0)>
#map1 = affine_map<(d0, d1) -> (0, 0)>
#map2 = affine_map<(d0, d1) -> (0, 0, 0)>
module attributes {stable_mosaic.version = 14 : i64} {
  func.func @_sc_scatter(%arg0: i32, %arg1: i32, %arg2: memref<160000xi32, #tpu.memory_space<hbm>>, %arg3: memref<26880x128xf32, #tpu.memory_space<hbm>>, %arg4: memref<2x10000x128xf32, #tpu.memory_space<hbm>>, %arg5: memref<280xi32, #tpu.memory_space<vmem>>, %arg6: memref<280x128xf32, #tpu.memory_space<vmem>>, %arg7: memref<8x128xf32, #tpu.memory_space<vmem>>, %arg8: memref<10000x128xf32, #tpu.memory_space<vmem_shared>>, %arg9: memref<!tpu.dma_semaphore, #tpu.memory_space<semaphore_mem>>) attributes {dimension_semantics = [#tpu.dimension_semantics<core_parallel>, #tpu.dimension_semantics<subcore_parallel>], iteration_bounds = array<i64: 2, 16>, scalar_prefetch = 0 : i64, scratch_operands = 5 : i64, tpu.core_type = #tpu.core_type<sc_vector_subcore>, window_params = [{transform_indices = #map}, {transform_indices = #map1}, {transform_indices = #map2}]} {
    %mul3A = arith.constant 2 : i32
    %mul3A_0 = arith.muli %arg1, %mul3A : i32
    %add3A = arith.addi %mul3A_0, %arg0 : i32
    %broadcast_in_dim3A = arith.constant 0.000000e+00 : f32
    %broadcast_in_dim3A_1 = vector.broadcast %broadcast_in_dim3A : f32 to vector<16xf32>
    %scan3A = arith.constant 0 : i32
    %scan3A_2 = arith.constant 0 : i32
    %scan3A_3 = arith.constant 64 : i32
    %scan3A_4 = arith.addi %scan3A_2, %scan3A_3 : i32
    %scan3A_5 = arith.constant 1 : i32
    scf.for %scan3A_30 = %scan3A_2 to %scan3A_4 step %scan3A_5  : i32 {
      %jit3A = arith.constant 8 : i32
      %div3A = arith.divsi %scan3A_30, %jit3A : i32
      %sign3A = arith.constant 0 : i32
      %sign3A_31 = arith.cmpi sgt, %scan3A_30, %sign3A : i32
      %sign3A_32 = arith.extui %sign3A_31 : i1 to i32
      %sign3A_33 = arith.constant 0 : i32
      %sign3A_34 = arith.cmpi slt, %scan3A_30, %sign3A_33 : i32
      %sign3A_35 = arith.extui %sign3A_34 : i1 to i32
      %sign3A_36 = arith.subi %sign3A_32, %sign3A_35 : i32
      %sign3A_37 = arith.constant 0 : i32
      %sign3A_38 = arith.cmpi sgt, %jit3A, %sign3A_37 : i32
      %sign3A_39 = arith.extui %sign3A_38 : i1 to i32
      %sign3A_40 = arith.constant 0 : i32
      %sign3A_41 = arith.cmpi slt, %jit3A, %sign3A_40 : i32
      %sign3A_42 = arith.extui %sign3A_41 : i1 to i32
      %sign3A_43 = arith.subi %sign3A_39, %sign3A_42 : i32
      %ne3A = arith.cmpi ne, %sign3A_36, %sign3A_43 : i32
      %rem3A = arith.remsi %scan3A_30, %jit3A : i32
      %ne3A_44 = arith.constant 0 : i32
      %ne3A_45 = arith.cmpi ne, %rem3A, %ne3A_44 : i32
      %and3A = arith.andi %ne3A, %ne3A_45 : i1
      %sub3A = arith.constant 1 : i32
      %sub3A_46 = arith.subi %div3A, %sub3A : i32
      %select_n3A = arith.select %and3A, %sub3A_46, %div3A : i32
      %jit3A_47 = arith.constant 8 : i32
      %eq3A_48 = arith.constant 0 : i32
      %eq3A_49 = arith.cmpi eq, %jit3A_47, %eq3A_48 : i32
      %jit3A_50 = arith.constant 1 : i32
      %select_n3A_51 = arith.select %eq3A_49, %jit3A_50, %jit3A_47 : i32
      %rem3A_52 = arith.remsi %scan3A_30, %select_n3A_51 : i32
      %ne3A_53 = arith.constant 0 : i32
      %ne3A_54 = arith.cmpi ne, %rem3A_52, %ne3A_53 : i32
      %lt3A_55 = arith.constant 0 : i32
      %lt3A_56 = arith.cmpi slt, %rem3A_52, %lt3A_55 : i32
      %lt3A_57 = arith.constant 0 : i32
      %lt3A_58 = arith.cmpi slt, %select_n3A_51, %lt3A_57 : i32
      %ne3A_59 = arith.xori %lt3A_56, %lt3A_58 : i1
      %and3A_60 = arith.andi %ne3A_59, %ne3A_54 : i1
      %add3A_61 = arith.addi %rem3A_52, %select_n3A_51 : i32
      %select_n3A_62 = arith.select %and3A_60, %add3A_61, %rem3A_52 : i32
      %mul3A_63 = arith.constant 16 : i32
      %mul3A_64 = arith.muli %select_n3A_62, %mul3A_63 : i32
      %swap3A = arith.index_cast %select_n3A : i32 to index
      %swap3A_65 = arith.index_cast %mul3A_64 : i32 to index
      %swap3A_66 = tpu.vector_load %arg7[%swap3A, %swap3A_65] {strides = array<i32>} : memref<8x128xf32, #tpu.memory_space<vmem>>, vector<16xf32>,
      tpu.vector_store %arg7[%swap3A, %swap3A_65], %broadcast_in_dim3A_1 {strides = array<i32>} : memref<8x128xf32, #tpu.memory_space<vmem>>, vector<16xf32>,
    }
    %scan3A_6 = arith.constant 64 : i32
    %lt3A = arith.constant 15 : i32
    %lt3A_7 = arith.cmpi slt, %arg1, %lt3A : i32
    %convert_element_type3A = arith.extui %lt3A_7 : i1 to i32
    %cond3A = arith.constant 0 : i32
    %cond3A_8 = arith.cmpi ne, %convert_element_type3A, %cond3A : i32
    scf.if %cond3A_8 {
      %scan3A_30 = arith.constant 0 : i32
      %scan3A_31 = arith.constant 0 : i32
      %scan3A_32 = arith.constant 79 : i32
      %scan3A_33 = arith.addi %scan3A_31, %scan3A_32 : i32
      %scan3A_34 = arith.constant 1 : i32
      scf.for %scan3A_36 = %scan3A_31 to %scan3A_33 step %scan3A_34  : i32 {
        %mul3A_37 = arith.constant 632 : i32
        %mul3A_38 = arith.muli %arg1, %mul3A_37 : i32
        %mul3A_39 = arith.constant 8 : i32
        %mul3A_40 = arith.muli %scan3A_36, %mul3A_39 : i32
        %add3A_41 = arith.addi %mul3A_38, %mul3A_40 : i32
        "tpu.region"() ({
          %run_scoped3A = tpu.sem_alloc : memref<!tpu.dma_semaphore, #tpu.memory_space<semaphore_mem>>
          %dma_start3A = arith.constant 0 : i32
          %dma_start3A_42 = tpu.memref_slice %arg8[%add3A_41, %dma_start3A] : memref<10000x128xf32, #tpu.memory_space<vmem_shared>> -> memref<8x128xf32, #tpu.memory_space<vmem_shared>>
          %dma_start3A_43 = arith.constant 0 : i32
          %dma_start3A_44 = tpu.memref_slice %arg8[%add3A_41, %dma_start3A_43] : memref<10000x128xf32, #tpu.memory_space<vmem_shared>> -> memref<8x128xf32, #tpu.memory_space<vmem_shared>>
          tpu.enqueue_dma source(%arg7 : memref<8x128xf32, #tpu.memory_space<vmem>>) target(%dma_start3A_44 : memref<8x128xf32, #tpu.memory_space<vmem_shared>>) target_semaphore(%run_scoped3A : memref<!tpu.dma_semaphore, #tpu.memory_space<semaphore_mem>>)
          %dma_wait3A = arith.constant 0 : i32
          %dma_wait3A_45 = tpu.memref_slice %arg8[%add3A_41, %dma_wait3A] : memref<10000x128xf32, #tpu.memory_space<vmem_shared>> -> memref<8x128xf32, #tpu.memory_space<vmem_shared>>
          %dma_wait3A_46 = arith.constant 0 : i32
          %dma_wait3A_47 = tpu.memref_slice %arg8[%add3A_41, %dma_wait3A_46] : memref<10000x128xf32, #tpu.memory_space<vmem_shared>> -> memref<8x128xf32, #tpu.memory_space<vmem_shared>>
          tpu.wait_dma2 semaphore(%run_scoped3A : memref<!tpu.dma_semaphore, #tpu.memory_space<semaphore_mem>>) src(%arg7 : memref<8x128xf32, #tpu.memory_space<vmem>>) dst(%dma_wait3A_47 : memref<8x128xf32, #tpu.memory_space<vmem_shared>>)
          tpu.yield
        }) : () -> ()
      }
      %scan3A_35 = arith.constant 79 : i32
    } else {
    }
    %eq3A = arith.constant 15 : i32
    %eq3A_9 = arith.cmpi eq, %arg1, %eq3A : i32
    %convert_element_type3A_10 = arith.extui %eq3A_9 : i1 to i32
    %cond3A_11 = arith.constant 0 : i32
    %cond3A_12 = arith.cmpi ne, %convert_element_type3A_10, %cond3A_11 : i32
    scf.if %cond3A_12 {
      %scan3A_30 = arith.constant 0 : i32
      %scan3A_31 = arith.constant 0 : i32
      %scan3A_32 = arith.constant 65 : i32
      %scan3A_33 = arith.addi %scan3A_31, %scan3A_32 : i32
      %scan3A_34 = arith.constant 1 : i32
      scf.for %scan3A_36 = %scan3A_31 to %scan3A_33 step %scan3A_34  : i32 {
        %mul3A_37 = arith.constant 632 : i32
        %mul3A_38 = arith.muli %arg1, %mul3A_37 : i32
        %mul3A_39 = arith.constant 8 : i32
        %mul3A_40 = arith.muli %scan3A_36, %mul3A_39 : i32
        %add3A_41 = arith.addi %mul3A_38, %mul3A_40 : i32
        "tpu.region"() ({
          %run_scoped3A = tpu.sem_alloc : memref<!tpu.dma_semaphore, #tpu.memory_space<semaphore_mem>>
          %dma_start3A = arith.constant 0 : i32
          %dma_start3A_42 = tpu.memref_slice %arg8[%add3A_41, %dma_start3A] : memref<10000x128xf32, #tpu.memory_space<vmem_shared>> -> memref<8x128xf32, #tpu.memory_space<vmem_shared>>
          %dma_start3A_43 = arith.constant 0 : i32
          %dma_start3A_44 = tpu.memref_slice %arg8[%add3A_41, %dma_start3A_43] : memref<10000x128xf32, #tpu.memory_space<vmem_shared>> -> memref<8x128xf32, #tpu.memory_space<vmem_shared>>
          tpu.enqueue_dma source(%arg7 : memref<8x128xf32, #tpu.memory_space<vmem>>) target(%dma_start3A_44 : memref<8x128xf32, #tpu.memory_space<vmem_shared>>) target_semaphore(%run_scoped3A : memref<!tpu.dma_semaphore, #tpu.memory_space<semaphore_mem>>)
          %dma_wait3A = arith.constant 0 : i32
          %dma_wait3A_45 = tpu.memref_slice %arg8[%add3A_41, %dma_wait3A] : memref<10000x128xf32, #tpu.memory_space<vmem_shared>> -> memref<8x128xf32, #tpu.memory_space<vmem_shared>>
          %dma_wait3A_46 = arith.constant 0 : i32
          %dma_wait3A_47 = tpu.memref_slice %arg8[%add3A_41, %dma_wait3A_46] : memref<10000x128xf32, #tpu.memory_space<vmem_shared>> -> memref<8x128xf32, #tpu.memory_space<vmem_shared>>
          tpu.wait_dma2 semaphore(%run_scoped3A : memref<!tpu.dma_semaphore, #tpu.memory_space<semaphore_mem>>) src(%arg7 : memref<8x128xf32, #tpu.memory_space<vmem>>) dst(%dma_wait3A_47 : memref<8x128xf32, #tpu.memory_space<vmem_shared>>)
          tpu.yield
        }) : () -> ()
      }
      %scan3A_35 = arith.constant 65 : i32
    } else {
    }
    %barrier3A = arith.constant 0 : index
    tpu.barrier barrier_id(%barrier3A)
    %scan3A_13 = arith.constant 0 : i32
    %scan3A_14 = arith.constant 0 : i32
    %scan3A_15 = arith.constant 3 : i32
    %scan3A_16 = arith.addi %scan3A_14, %scan3A_15 : i32
    %scan3A_17 = arith.constant 1 : i32
    scf.for %scan3A_30 = %scan3A_14 to %scan3A_16 step %scan3A_17  : i32 {
      %mul3A_31 = arith.constant 840 : i32
      %mul3A_32 = arith.muli %add3A, %mul3A_31 : i32
      %mul3A_33 = arith.constant 280 : i32
      %mul3A_34 = arith.muli %scan3A_30, %mul3A_33 : i32
      %add3A_35 = arith.addi %mul3A_32, %mul3A_34 : i32
      %add3A_36 = arith.constant 133120 : i32
      %add3A_37 = arith.addi %add3A_36, %add3A_35 : i32
      "tpu.region"() ({
        %run_scoped3A = tpu.sem_alloc : memref<!tpu.dma_semaphore, #tpu.memory_space<semaphore_mem>>
        %dma_start3A = tpu.memref_slice %arg2[%add3A_37] : memref<160000xi32, #tpu.memory_space<hbm>> -> memref<280xi32, #tpu.memory_space<hbm>>
        %dma_start3A_38 = tpu.memref_slice %arg2[%add3A_37] : memref<160000xi32, #tpu.memory_space<hbm>> -> memref<280xi32, #tpu.memory_space<hbm>>
        tpu.enqueue_dma source(%dma_start3A_38 : memref<280xi32, #tpu.memory_space<hbm>>) target(%arg5 : memref<280xi32, #tpu.memory_space<vmem>>) target_semaphore(%run_scoped3A : memref<!tpu.dma_semaphore, #tpu.memory_space<semaphore_mem>>)
        %dma_wait3A = tpu.memref_slice %arg2[%add3A_37] : memref<160000xi32, #tpu.memory_space<hbm>> -> memref<280xi32, #tpu.memory_space<hbm>>
        %dma_wait3A_39 = tpu.memref_slice %arg2[%add3A_37] : memref<160000xi32, #tpu.memory_space<hbm>> -> memref<280xi32, #tpu.memory_space<hbm>>
        tpu.wait_dma2 semaphore(%run_scoped3A : memref<!tpu.dma_semaphore, #tpu.memory_space<semaphore_mem>>) src(%dma_wait3A_39 : memref<280xi32, #tpu.memory_space<hbm>>) dst(%arg5 : memref<280xi32, #tpu.memory_space<vmem>>)
        tpu.yield
      }) : () -> ()
      "tpu.region"() ({
        %run_scoped3A = tpu.sem_alloc : memref<!tpu.dma_semaphore, #tpu.memory_space<semaphore_mem>>
        %dma_start3A = arith.constant 0 : i32
        %dma_start3A_38 = tpu.memref_slice %arg3[%add3A_35, %dma_start3A] : memref<26880x128xf32, #tpu.memory_space<hbm>> -> memref<280x128xf32, #tpu.memory_space<hbm>>
        %dma_start3A_39 = arith.constant 0 : i32
        %dma_start3A_40 = tpu.memref_slice %arg3[%add3A_35, %dma_start3A_39] : memref<26880x128xf32, #tpu.memory_space<hbm>> -> memref<280x128xf32, #tpu.memory_space<hbm>>
        tpu.enqueue_dma source(%dma_start3A_40 : memref<280x128xf32, #tpu.memory_space<hbm>>) target(%arg6 : memref<280x128xf32, #tpu.memory_space<vmem>>) target_semaphore(%run_scoped3A : memref<!tpu.dma_semaphore, #tpu.memory_space<semaphore_mem>>)
        %dma_wait3A = arith.constant 0 : i32
        %dma_wait3A_41 = tpu.memref_slice %arg3[%add3A_35, %dma_wait3A] : memref<26880x128xf32, #tpu.memory_space<hbm>> -> memref<280x128xf32, #tpu.memory_space<hbm>>
        %dma_wait3A_42 = arith.constant 0 : i32
        %dma_wait3A_43 = tpu.memref_slice %arg3[%add3A_35, %dma_wait3A_42] : memref<26880x128xf32, #tpu.memory_space<hbm>> -> memref<280x128xf32, #tpu.memory_space<hbm>>
        tpu.wait_dma2 semaphore(%run_scoped3A : memref<!tpu.dma_semaphore, #tpu.memory_space<semaphore_mem>>) src(%dma_wait3A_43 : memref<280x128xf32, #tpu.memory_space<hbm>>) dst(%arg6 : memref<280x128xf32, #tpu.memory_space<vmem>>)
        tpu.yield
      }) : () -> ()
      "tpu.region"() ({
        %run_scoped3A = tpu.sem_alloc : memref<!tpu.dma_semaphore, #tpu.memory_space<semaphore_mem>>
        %dma_start3A = arith.constant 0 : i32
        %dma_start3A_38 = arith.constant 0 : i32
        %dma_start3A_39 = tpu.memref_slice %arg8[%dma_start3A, %dma_start3A_38] : memref<10000x128xf32, #tpu.memory_space<vmem_shared>> -> memref<10000x128xf32, #tpu.memory_space<vmem_shared>>
        tpu.enqueue_indirect_dma source(%arg6 : memref<280x128xf32, #tpu.memory_space<vmem>>) target(%dma_start3A_39 : memref<10000x128xf32, #tpu.memory_space<vmem_shared>>) offsets(%arg5 : memref<280xi32, #tpu.memory_space<vmem>>) semaphore(%run_scoped3A : memref<!tpu.dma_semaphore, #tpu.memory_space<semaphore_mem>>) {add = true}
        %dma_wait3A = arith.constant 0 : i32
        %dma_wait3A_40 = arith.constant 0 : i32
        %dma_wait3A_41 = tpu.memref_slice %arg8[%dma_wait3A, %dma_wait3A_40] : memref<10000x128xf32, #tpu.memory_space<vmem_shared>> -> memref<10000x128xf32, #tpu.memory_space<vmem_shared>>
        tpu.wait_indirect_dma semaphore(%run_scoped3A : memref<!tpu.dma_semaphore, #tpu.memory_space<semaphore_mem>>) src(%arg6 : memref<280x128xf32, #tpu.memory_space<vmem>>) dst(%dma_wait3A_41 : memref<10000x128xf32, #tpu.memory_space<vmem_shared>>)
        tpu.yield
      }) : () -> ()
    }
    %scan3A_18 = arith.constant 3 : i32
    %barrier3A_19 = arith.constant 0 : index
    tpu.barrier barrier_id(%barrier3A_19)
    %lt3A_20 = arith.constant 15 : i32
    %lt3A_21 = arith.cmpi slt, %arg1, %lt3A_20 : i32
    %convert_element_type3A_22 = arith.extui %lt3A_21 : i1 to i32
    %cond3A_23 = arith.constant 0 : i32
    %cond3A_24 = arith.cmpi ne, %convert_element_type3A_22, %cond3A_23 : i32
    scf.if %cond3A_24 {
      %mul3A_30 = arith.constant 632 : i32
      %mul3A_31 = arith.muli %arg1, %mul3A_30 : i32
      %mul3A_32 = arith.constant 632 : i32
      %mul3A_33 = arith.muli %arg1, %mul3A_32 : i32
      "tpu.region"() ({
        %run_scoped3A = tpu.sem_alloc : memref<!tpu.dma_semaphore, #tpu.memory_space<semaphore_mem>>
        %dma_start3A = arith.constant 0 : i32
        %dma_start3A_34 = tpu.memref_slice %arg4[%arg0, %mul3A_33, %dma_start3A] : memref<2x10000x128xf32, #tpu.memory_space<hbm>> -> memref<1x632x128xf32, #tpu.memory_space<hbm>>
        %dma_start3A_35 = tpu.memref_squeeze %dma_start3A_34 : memref<1x632x128xf32, #tpu.memory_space<hbm>> -> memref<632x128xf32, #tpu.memory_space<hbm>>
        %dma_start3A_36 = arith.constant 0 : i32
        %dma_start3A_37 = tpu.memref_slice %arg8[%mul3A_31, %dma_start3A_36] : memref<10000x128xf32, #tpu.memory_space<vmem_shared>> -> memref<632x128xf32, #tpu.memory_space<vmem_shared>>
        tpu.enqueue_dma source(%dma_start3A_37 : memref<632x128xf32, #tpu.memory_space<vmem_shared>>) target(%dma_start3A_35 : memref<632x128xf32, #tpu.memory_space<hbm>>) target_semaphore(%run_scoped3A : memref<!tpu.dma_semaphore, #tpu.memory_space<semaphore_mem>>)
        %dma_wait3A = arith.constant 0 : i32
        %dma_wait3A_38 = tpu.memref_slice %arg4[%arg0, %mul3A_33, %dma_wait3A] : memref<2x10000x128xf32, #tpu.memory_space<hbm>> -> memref<1x632x128xf32, #tpu.memory_space<hbm>>
        %dma_wait3A_39 = tpu.memref_squeeze %dma_wait3A_38 : memref<1x632x128xf32, #tpu.memory_space<hbm>> -> memref<632x128xf32, #tpu.memory_space<hbm>>
        %dma_wait3A_40 = arith.constant 0 : i32
        %dma_wait3A_41 = tpu.memref_slice %arg8[%mul3A_31, %dma_wait3A_40] : memref<10000x128xf32, #tpu.memory_space<vmem_shared>> -> memref<632x128xf32, #tpu.memory_space<vmem_shared>>
        tpu.wait_dma2 semaphore(%run_scoped3A : memref<!tpu.dma_semaphore, #tpu.memory_space<semaphore_mem>>) src(%dma_wait3A_41 : memref<632x128xf32, #tpu.memory_space<vmem_shared>>) dst(%dma_wait3A_39 : memref<632x128xf32, #tpu.memory_space<hbm>>)
        tpu.yield
      }) : () -> ()
    } else {
    }
    %eq3A_25 = arith.constant 15 : i32
    %eq3A_26 = arith.cmpi eq, %arg1, %eq3A_25 : i32
    %convert_element_type3A_27 = arith.extui %eq3A_26 : i1 to i32
    %cond3A_28 = arith.constant 0 : i32
    %cond3A_29 = arith.cmpi ne, %convert_element_type3A_27, %cond3A_28 : i32
    scf.if %cond3A_29 {
      "tpu.region"() ({
        %run_scoped3A = tpu.sem_alloc : memref<!tpu.dma_semaphore, #tpu.memory_space<semaphore_mem>>
        %dma_start3A = arith.constant 9480 : i32
        %dma_start3A_30 = arith.constant 0 : i32
        %dma_start3A_31 = tpu.memref_slice %arg4[%arg0, %dma_start3A, %dma_start3A_30] : memref<2x10000x128xf32, #tpu.memory_space<hbm>> -> memref<1x520x128xf32, #tpu.memory_space<hbm>>
        %dma_start3A_32 = tpu.memref_squeeze %dma_start3A_31 : memref<1x520x128xf32, #tpu.memory_space<hbm>> -> memref<520x128xf32, #tpu.memory_space<hbm>>
        %dma_start3A_33 = arith.constant 9480 : i32
        %dma_start3A_34 = arith.constant 0 : i32
        %dma_start3A_35 = tpu.memref_slice %arg8[%dma_start3A_33, %dma_start3A_34] : memref<10000x128xf32, #tpu.memory_space<vmem_shared>> -> memref<520x128xf32, #tpu.memory_space<vmem_shared>>
        tpu.enqueue_dma source(%dma_start3A_35 : memref<520x128xf32, #tpu.memory_space<vmem_shared>>) target(%dma_start3A_32 : memref<520x128xf32, #tpu.memory_space<hbm>>) target_semaphore(%run_scoped3A : memref<!tpu.dma_semaphore, #tpu.memory_space<semaphore_mem>>)
        %dma_wait3A = arith.constant 9480 : i32
        %dma_wait3A_36 = arith.constant 0 : i32
        %dma_wait3A_37 = tpu.memref_slice %arg4[%arg0, %dma_wait3A, %dma_wait3A_36] : memref<2x10000x128xf32, #tpu.memory_space<hbm>> -> memref<1x520x128xf32, #tpu.memory_space<hbm>>
        %dma_wait3A_38 = tpu.memref_squeeze %dma_wait3A_37 : memref<1x520x128xf32, #tpu.memory_space<hbm>> -> memref<520x128xf32, #tpu.memory_space<hbm>>
        %dma_wait3A_39 = arith.constant 9480 : i32
        %dma_wait3A_40 = arith.constant 0 : i32
        %dma_wait3A_41 = tpu.memref_slice %arg8[%dma_wait3A_39, %dma_wait3A_40] : memref<10000x128xf32, #tpu.memory_space<vmem_shared>> -> memref<520x128xf32, #tpu.memory_space<vmem_shared>>
        tpu.wait_dma2 semaphore(%run_scoped3A : memref<!tpu.dma_semaphore, #tpu.memory_space<semaphore_mem>>) src(%dma_wait3A_41 : memref<520x128xf32, #tpu.memory_space<vmem_shared>>) dst(%dma_wait3A_38 : memref<520x128xf32, #tpu.memory_space<hbm>>)
        tpu.yield
      }) : () -> ()
    } else {
    }
    return
  }
}

module attributes {stable_mosaic.version = 14 : i64} {
  func.func @_prep_table_body(%arg0: i32, %arg1: memref<1000x32xf32, #tpu.memory_space<vmem>>, %arg2: memref<1000x3xf32, #tpu.memory_space<vmem>>, %arg3: memref<32x16xf32, #tpu.memory_space<vmem>>, %arg4: memref<16x16xf32, #tpu.memory_space<vmem>>, %arg5: memref<1000x128xf32, #tpu.memory_space<vmem>>) attributes {dimension_semantics = [#tpu.dimension_semantics<arbitrary>], iteration_bounds = array<i64: 10>, scalar_prefetch = 0 : i64, scratch_operands = 0 : i64, tpu.core_type = #tpu.core_type<tc>, window_params = [{transform_indices = @transform_0, window_bounds = array<i64: 1000, 32>}, {transform_indices = @transform_1, window_bounds = array<i64: 1000, 3>}, {pipeline_mode = #tpu.pipeline_mode<synchronous>, transform_indices = @transform_2, window_bounds = array<i64: 32, 16>}, {pipeline_mode = #tpu.pipeline_mode<synchronous>, transform_indices = @transform_3, window_bounds = array<i64: 16, 16>}, {transform_indices = @transform_4, window_bounds = array<i64: 1000, 128>}]} {
    %get3A = arith.constant 0 : index
    %get3A_0 = arith.constant 0 : index
    %get3A_1 = vector.load %arg1[%get3A, %get3A_0] : memref<1000x32xf32, #tpu.memory_space<vmem>>, vector<1000x32xf32>
    %get3A_2 = arith.constant 0 : index
    %get3A_3 = arith.constant 0 : index
    %get3A_4 = vector.load %arg3[%get3A_2, %get3A_3] : memref<32x16xf32, #tpu.memory_space<vmem>>, vector<32x16xf32>
    %get3A_5 = arith.constant 0 : index
    %get3A_6 = arith.constant 0 : index
    %get3A_7 = vector.load %arg4[%get3A_5, %get3A_6] : memref<16x16xf32, #tpu.memory_space<vmem>>, vector<16x16xf32>
    %dot_general3A = arith.constant dense<0.000000e+00> : vector<32x16xf32>
    %dot_general3A_8 = tpu.matmul %get3A_4, %get3A_7, %dot_general3A {dimension_numbers = #tpu.dot_dimension_numbers<[1], [0], [0], [1], [0, 0, 1, 1], [], []>, transpose_lhs_hint = false} : vector<32x16xf32>, vector<16x16xf32>, vector<32x16xf32> -> vector<32x16xf32>
    %dot_general3A_9 = arith.constant dense<0.000000e+00> : vector<1000x16xf32>
    %dot_general3A_10 = tpu.matmul %get3A_1, %dot_general3A_8, %dot_general3A_9 {dimension_numbers = #tpu.dot_dimension_numbers<[1], [0], [0], [1], [0, 0, 1, 1], [], []>, transpose_lhs_hint = false} : vector<1000x32xf32>, vector<32x16xf32>, vector<1000x16xf32> -> vector<1000x16xf32>
    %mul3A = arith.constant 0.001953125 : f32
    %mul3A_11 = vector.broadcast %mul3A : f32 to vector<1000x16xf32>
    %mul3A_12 = arith.mulf %dot_general3A_10, %mul3A_11 : vector<1000x16xf32>
    %get3A_13 = arith.constant 0 : index
    %get3A_14 = arith.constant 0 : index
    %get3A_15 = vector.load %arg2[%get3A_13, %get3A_14] : memref<1000x3xf32, #tpu.memory_space<vmem>>, vector<1000x3xf32>
    %broadcast_in_dim3A = arith.constant 0.000000e+00 : f32
    %broadcast_in_dim3A_16 = vector.broadcast %broadcast_in_dim3A : f32 to vector<1000x77xf32>
    %concatenate3A = tpu.concatenate %get3A_1, %mul3A_12, %get3A_15, %broadcast_in_dim3A_16 in 1 : vector<1000x32xf32>, vector<1000x16xf32>, vector<1000x3xf32>, vector<1000x77xf32> -> vector<1000x128xf32>
    %swap3A = arith.constant 0 : index
    %swap3A_17 = arith.constant 0 : index
    %swap3A_18 = vector.load %arg5[%swap3A, %swap3A_17] : memref<1000x128xf32, #tpu.memory_space<vmem>>, vector<1000x128xf32>
    tpu.vector_store %arg5[%swap3A, %swap3A_17], %concatenate3A {strides = array<i32>} : memref<1000x128xf32, #tpu.memory_space<vmem>>, vector<1000x128xf32>,
    return
  }
  func.func @transform_0(%arg0: i32) -> (i32, i32) {
    %c0_i32 = arith.constant 0 : i32
    %c0_i32_0 = arith.constant 0 : i32
    return %arg0, %c0_i32 : i32, i32
  }
  func.func @transform_1(%arg0: i32) -> (i32, i32) {
    %c0_i32 = arith.constant 0 : i32
    %c0_i32_0 = arith.constant 0 : i32
    return %arg0, %c0_i32 : i32, i32
  }
  func.func @transform_2(%arg0: i32) -> (i32, i32) {
    %c0_i32 = arith.constant 0 : i32
    %c0_i32_0 = arith.constant 0 : i32
    %c0_i32_1 = arith.constant 0 : i32
    return %c0_i32, %c0_i32_0 : i32, i32
  }
  func.func @transform_3(%arg0: i32) -> (i32, i32) {
    %c0_i32 = arith.constant 0 : i32
    %c0_i32_0 = arith.constant 0 : i32
    %c0_i32_1 = arith.constant 0 : i32
    return %c0_i32, %c0_i32_0 : i32, i32
  }
  func.func @transform_4(%arg0: i32) -> (i32, i32) {
    %c0_i32 = arith.constant 0 : i32
    %c0_i32_0 = arith.constant 0 : i32
    return %arg0, %c0_i32 : i32, i32
  }
}

module attributes {stable_mosaic.version = 14 : i64} {
  func.func @_edge_body(%arg0: i32, %arg1: memref<1280x128xf32, #tpu.memory_space<vmem>>, %arg2: memref<1280x128xf32, #tpu.memory_space<vmem>>, %arg3: memref<16x1280xf32, #tpu.memory_space<vmem>>, %arg4: memref<8x256xf32, #tpu.memory_space<vmem>>, %arg5: memref<16x256xf32, #tpu.memory_space<vmem>>, %arg6: memref<128x512xf32, #tpu.memory_space<vmem>>, %arg7: memref<128x1024xf32, #tpu.memory_space<vmem>>, %arg8: memref<1280x128xf32, #tpu.memory_space<vmem>>) attributes {dimension_semantics = [#tpu.dimension_semantics<arbitrary>], iteration_bounds = array<i64: 46>, scalar_prefetch = 0 : i64, scratch_operands = 0 : i64, tpu.core_type = #tpu.core_type<tc>, window_params = [{transform_indices = @transform_0, window_bounds = array<i64: 1280, 128>}, {transform_indices = @transform_1, window_bounds = array<i64: 1280, 128>}, {transform_indices = @transform_2, window_bounds = array<i64: 16, 1280>}, {pipeline_mode = #tpu.pipeline_mode<synchronous>, transform_indices = @transform_3, window_bounds = array<i64: 8, 256>}, {pipeline_mode = #tpu.pipeline_mode<synchronous>, transform_indices = @transform_4, window_bounds = array<i64: 16, 256>}, {pipeline_mode = #tpu.pipeline_mode<synchronous>, transform_indices = @transform_5, window_bounds = array<i64: 128, 512>}, {pipeline_mode = #tpu.pipeline_mode<synchronous>, transform_indices = @transform_6, window_bounds = array<i64: 128, 1024>}, {transform_indices = @transform_7, window_bounds = array<i64: 1280, 128>}]} {
    %get3A = arith.constant 0 : index
    %get3A_0 = arith.constant 0 : index
    %get3A_1 = vector.load %arg1[%get3A, %get3A_0] : memref<1280x128xf32, #tpu.memory_space<vmem>>, vector<1280x128xf32>
    %get3A_2 = arith.constant 0 : index
    %get3A_3 = arith.constant 0 : index
    %get3A_4 = vector.load %arg2[%get3A_2, %get3A_3] : memref<1280x128xf32, #tpu.memory_space<vmem>>, vector<1280x128xf32>
    %iota3A = tpu.iota {dimensions = array<i32: 0>} : vector<128x32xi32>
    %iota3A_5 = tpu.iota {dimensions = array<i32: 1>} : vector<128x32xi32>
    %eq3A = arith.cmpi eq, %iota3A, %iota3A_5 : vector<128x32xi32>
    %convert_element_type3A = arith.extui %eq3A : vector<128x32xi1> to vector<128x32xi32>
    %convert_element_type3A_6 = arith.sitofp %convert_element_type3A : vector<128x32xi32> to vector<128x32xf32>
    %iota3A_7 = tpu.iota {dimensions = array<i32: 0>} : vector<128x16xi32>
    %iota3A_8 = tpu.iota {dimensions = array<i32: 1>} : vector<128x16xi32>
    %add3A = arith.constant 32 : i32
    %add3A_9 = vector.broadcast %add3A : i32 to vector<128x16xi32>
    %add3A_10 = arith.addi %iota3A_8, %add3A_9 : vector<128x16xi32>
    %eq3A_11 = arith.cmpi eq, %iota3A_7, %add3A_10 : vector<128x16xi32>
    %convert_element_type3A_12 = arith.extui %eq3A_11 : vector<128x16xi1> to vector<128x16xi32>
    %convert_element_type3A_13 = arith.sitofp %convert_element_type3A_12 : vector<128x16xi32> to vector<128x16xf32>
    %iota3A_14 = tpu.iota {dimensions = array<i32: 0>} : vector<128x1xi32>
    %ge3A = arith.constant 48 : i32
    %ge3A_15 = vector.broadcast %ge3A : i32 to vector<128x1xi32>
    %ge3A_16 = arith.cmpi sge, %iota3A_14, %ge3A_15 : vector<128x1xi32>
    %lt3A = arith.constant 51 : i32
    %lt3A_17 = vector.broadcast %lt3A : i32 to vector<128x1xi32>
    %lt3A_18 = arith.cmpi slt, %iota3A_14, %lt3A_17 : vector<128x1xi32>
    %and3A = arith.andi %ge3A_16, %lt3A_18 : vector<128x1xi1>
    %convert_element_type3A_19 = arith.extui %and3A : vector<128x1xi1> to vector<128x1xi32>
    %convert_element_type3A_20 = arith.sitofp %convert_element_type3A_19 : vector<128x1xi32> to vector<128x1xf32>
    %dot_general3A = arith.constant dense<0.000000e+00> : vector<1280x32xf32>
    %dot_general3A_21 = tpu.matmul %get3A_1, %convert_element_type3A_6, %dot_general3A {dimension_numbers = #tpu.dot_dimension_numbers<[1], [0], [0], [1], [0, 0, 1, 1], [], []>, transpose_lhs_hint = false} : vector<1280x128xf32>, vector<128x32xf32>, vector<1280x32xf32> -> vector<1280x32xf32>
    %dot_general3A_22 = arith.constant dense<0.000000e+00> : vector<1280x16xf32>
    %dot_general3A_23 = tpu.matmul %get3A_4, %convert_element_type3A_13, %dot_general3A_22 {dimension_numbers = #tpu.dot_dimension_numbers<[1], [0], [0], [1], [0, 0, 1, 1], [], []>, transpose_lhs_hint = false} : vector<1280x128xf32>, vector<128x16xf32>, vector<1280x16xf32> -> vector<1280x16xf32>
    %sub3A = arith.subf %get3A_1, %get3A_4 : vector<1280x128xf32>
    %mul3A = arith.mulf %sub3A, %sub3A : vector<1280x128xf32>
    %dot_general3A_24 = arith.constant dense<0.000000e+00> : vector<1280x1xf32>
    %dot_general3A_25 = tpu.matmul %mul3A, %convert_element_type3A_20, %dot_general3A_24 {dimension_numbers = #tpu.dot_dimension_numbers<[1], [0], [0], [1], [0, 0, 1, 1], [], []>, transpose_lhs_hint = false} : vector<1280x128xf32>, vector<128x1xf32>, vector<1280x1xf32> -> vector<1280x1xf32>
    %add3A_26 = arith.constant 1.000000e-24 : f32
    %add3A_27 = vector.broadcast %add3A_26 : f32 to vector<1280x1xf32>
    %add3A_28 = arith.addf %dot_general3A_25, %add3A_27 : vector<1280x1xf32>
    %sqrt3A = math.sqrt %add3A_28 : vector<1280x1xf32>
    %iota3A_29 = tpu.iota {dimensions = array<i32: 1>} : vector<1280x8xi32>
    %convert_element_type3A_30 = arith.sitofp %iota3A_29 : vector<1280x8xi32> to vector<1280x8xf32>
    %add3A_31 = arith.constant 1.000000e+00 : f32
    %add3A_32 = vector.broadcast %add3A_31 : f32 to vector<1280x8xf32>
    %add3A_33 = arith.addf %convert_element_type3A_30, %add3A_32 : vector<1280x8xf32>
    %mul3A_34 = arith.constant 0.666666686 : f32
    %mul3A_35 = vector.broadcast %mul3A_34 : f32 to vector<1280x8xf32>
    %mul3A_36 = arith.mulf %add3A_33, %mul3A_35 : vector<1280x8xf32>
    %sub3A_37 = vector.broadcast %sqrt3A : vector<1280x1xf32> to vector<1280x8xf32>
    %sub3A_38 = arith.subf %sub3A_37, %mul3A_36 : vector<1280x8xf32>
    %mul3A_39 = arith.constant 1.500000e+00 : f32
    %mul3A_40 = vector.broadcast %mul3A_39 : f32 to vector<1280x8xf32>
    %mul3A_41 = arith.mulf %sub3A_38, %mul3A_40 : vector<1280x8xf32>
    %mul3A_42 = arith.mulf %mul3A_41, %mul3A_41 : vector<1280x8xf32>
    %sub3A_43 = arith.constant 1.000000e+00 : f32
    %sub3A_44 = vector.broadcast %sub3A_43 : f32 to vector<1280x8xf32>
    %sub3A_45 = arith.subf %sub3A_44, %mul3A_42 : vector<1280x8xf32>
    %gt3A = arith.constant 0.000000e+00 : f32
    %gt3A_46 = vector.broadcast %gt3A : f32 to vector<1280x8xf32>
    %gt3A_47 = arith.cmpf ogt, %sub3A_45, %gt3A_46 : vector<1280x8xf32>
    %jit3A = arith.constant 1.000000e+00 : f32
    %broadcast_in_dim3A = vector.broadcast %jit3A : f32 to vector<1280x8xf32>
    %select_n3A = arith.select %gt3A_47, %sub3A_45, %broadcast_in_dim3A : vector<1280x8xi1>, vector<1280x8xf32>
    %div3A = arith.constant -2.000000e+00 : f32
    %div3A_48 = vector.broadcast %div3A : f32 to vector<1280x8xf32>
    %div3A_49 = arith.divf %div3A_48, %select_n3A : vector<1280x8xf32>
    %exp3A = math.exp %div3A_49 : vector<1280x8xf32>
    %mul3A_50 = arith.constant 23.8537464 : f32
    %mul3A_51 = vector.broadcast %mul3A_50 : f32 to vector<1280x8xf32>
    %mul3A_52 = arith.mulf %mul3A_51, %exp3A : vector<1280x8xf32>
    %jit3A_53 = arith.constant 0.000000e+00 : f32
    %broadcast_in_dim3A_54 = vector.broadcast %jit3A_53 : f32 to vector<1280x8xf32>
    %select_n3A_55 = arith.select %gt3A_47, %mul3A_52, %broadcast_in_dim3A_54 : vector<1280x8xi1>, vector<1280x8xf32>
    %get3A_56 = arith.constant 0 : index
    %get3A_57 = arith.constant 0 : index
    %get3A_58 = vector.load %arg4[%get3A_56, %get3A_57] : memref<8x256xf32, #tpu.memory_space<vmem>>, vector<8x256xf32>
    %dot_general3A_59 = arith.constant dense<0.000000e+00> : vector<1280x256xf32>
    %dot_general3A_60 = tpu.matmul %select_n3A_55, %get3A_58, %dot_general3A_59 {dimension_numbers = #tpu.dot_dimension_numbers<[1], [0], [0], [1], [0, 0, 1, 1], [], []>, transpose_lhs_hint = false} : vector<1280x8xf32>, vector<8x256xf32>, vector<1280x256xf32> -> vector<1280x256xf32>
    %get3A_61 = arith.constant 0 : index
    %get3A_62 = arith.constant 0 : index
    %get3A_63 = vector.load %arg3[%get3A_61, %get3A_62] : memref<16x1280xf32, #tpu.memory_space<vmem>>, vector<16x1280xf32>
    %get3A_64 = arith.constant 0 : index
    %get3A_65 = arith.constant 0 : index
    %get3A_66 = vector.load %arg5[%get3A_64, %get3A_65] : memref<16x256xf32, #tpu.memory_space<vmem>>, vector<16x256xf32>
    %dot_general3A_67 = arith.constant dense<0.000000e+00> : vector<1280x256xf32>
    %dot_general3A_68 = tpu.matmul %get3A_63, %get3A_66, %dot_general3A_67 {dimension_numbers = #tpu.dot_dimension_numbers<[0], [0], [1], [1], [0, 1, 1, 1], [], []>, transpose_lhs_hint = false} : vector<16x1280xf32>, vector<16x256xf32>, vector<1280x256xf32> -> vector<1280x256xf32>
    %add3A_69 = arith.addf %dot_general3A_60, %dot_general3A_68 : vector<1280x256xf32>
    %mul3A_70 = arith.constant 0.204124153 : f32
    %mul3A_71 = vector.broadcast %mul3A_70 : f32 to vector<1280x256xf32>
    %mul3A_72 = arith.mulf %add3A_69, %mul3A_71 : vector<1280x256xf32>
    %neg3A = arith.constant 0.000000e+00 : f32
    %neg3A_73 = vector.broadcast %neg3A : f32 to vector<1280x256xf32>
    %neg3A_74 = arith.subf %neg3A_73, %mul3A_72 : vector<1280x256xf32>
    %exp3A_75 = math.exp %neg3A_74 : vector<1280x256xf32>
    %add3A_76 = arith.constant 1.000000e+00 : f32
    %add3A_77 = vector.broadcast %add3A_76 : f32 to vector<1280x256xf32>
    %add3A_78 = arith.addf %add3A_77, %exp3A_75 : vector<1280x256xf32>
    %div3A_79 = arith.divf %mul3A_72, %add3A_78 : vector<1280x256xf32>
    %mul3A_80 = arith.constant 1.676800e+00 : f32
    %mul3A_81 = vector.broadcast %mul3A_80 : f32 to vector<1280x256xf32>
    %mul3A_82 = arith.mulf %div3A_79, %mul3A_81 : vector<1280x256xf32>
    %slice3A = vector.extract_strided_slice %mul3A_82 {offsets = [0, 0], sizes = [1280, 128], strides = [1, 1]} : vector<1280x256xf32> to vector<1280x128xf32>
    %slice3A_83 = vector.extract_strided_slice %mul3A_82 {offsets = [0, 128], sizes = [1280, 128], strides = [1, 1]} : vector<1280x256xf32> to vector<1280x128xf32>
    %get3A_84 = arith.constant 0 : index
    %get3A_85 = arith.constant 0 : index
    %get3A_86 = vector.load %arg6[%get3A_84, %get3A_85] : memref<128x512xf32, #tpu.memory_space<vmem>>, vector<128x512xf32>
    %dot_general3A_87 = arith.constant dense<0.000000e+00> : vector<1280x512xf32>
    %dot_general3A_88 = tpu.matmul %slice3A, %get3A_86, %dot_general3A_87 {dimension_numbers = #tpu.dot_dimension_numbers<[1], [0], [0], [1], [0, 0, 1, 1], [], []>, transpose_lhs_hint = false} : vector<1280x128xf32>, vector<128x512xf32>, vector<1280x512xf32> -> vector<1280x512xf32>
    %mul3A_89 = arith.constant 0.0883883461 : f32
    %mul3A_90 = vector.broadcast %mul3A_89 : f32 to vector<1280x512xf32>
    %mul3A_91 = arith.mulf %dot_general3A_88, %mul3A_90 : vector<1280x512xf32>
    %convert_element_type3A_92 = arith.truncf %slice3A_83 : vector<1280x128xf32> to vector<1280x128xbf16>
    %get3A_93 = arith.constant 0 : index
    %get3A_94 = arith.constant 0 : index
    %get3A_95 = vector.load %arg7[%get3A_93, %get3A_94] : memref<128x1024xf32, #tpu.memory_space<vmem>>, vector<128x1024xf32>
    %convert_element_type3A_96 = arith.truncf %get3A_95 : vector<128x1024xf32> to vector<128x1024xbf16>
    %dot_general3A_97 = arith.constant dense<0.000000e+00> : vector<1280x1024xf32>
    %dot_general3A_98 = tpu.matmul %convert_element_type3A_92, %convert_element_type3A_96, %dot_general3A_97 {dimension_numbers = #tpu.dot_dimension_numbers<[1], [0], [0], [1], [0, 0, 1, 1], [], []>, transpose_lhs_hint = false} : vector<1280x128xbf16>, vector<128x1024xbf16>, vector<1280x1024xf32> -> vector<1280x1024xf32>
    %mul3A_99 = arith.constant 0.0883883461 : f32
    %mul3A_100 = vector.broadcast %mul3A_99 : f32 to vector<1280x1024xf32>
    %mul3A_101 = arith.mulf %dot_general3A_98, %mul3A_100 : vector<1280x1024xf32>
    %iota3A_102 = tpu.iota {dimensions = array<i32: 0>} : vector<32x512xi32>
    %iota3A_103 = tpu.iota {dimensions = array<i32: 1>} : vector<32x512xi32>
    %jit3A_104 = arith.constant 16 : i32
    %div3A_105 = vector.broadcast %jit3A_104 : i32 to vector<32x512xi32>
    %div3A_106 = arith.divsi %iota3A_103, %div3A_105 : vector<32x512xi32>
    %sign3A = arith.constant 0 : i32
    %sign3A_107 = vector.broadcast %sign3A : i32 to vector<32x512xi32>
    %sign3A_108 = arith.cmpi sgt, %iota3A_103, %sign3A_107 : vector<32x512xi32>
    %sign3A_109 = arith.extui %sign3A_108 : vector<32x512xi1> to vector<32x512xi32>
    %sign3A_110 = arith.constant 0 : i32
    %sign3A_111 = vector.broadcast %sign3A_110 : i32 to vector<32x512xi32>
    %sign3A_112 = arith.cmpi slt, %iota3A_103, %sign3A_111 : vector<32x512xi32>
    %sign3A_113 = arith.extui %sign3A_112 : vector<32x512xi1> to vector<32x512xi32>
    %sign3A_114 = arith.subi %sign3A_109, %sign3A_113 : vector<32x512xi32>
    %sign3A_115 = arith.constant 0 : i32
    %sign3A_116 = arith.cmpi sgt, %jit3A_104, %sign3A_115 : i32
    %sign3A_117 = arith.extui %sign3A_116 : i1 to i32
    %sign3A_118 = arith.constant 0 : i32
    %sign3A_119 = arith.cmpi slt, %jit3A_104, %sign3A_118 : i32
    %sign3A_120 = arith.extui %sign3A_119 : i1 to i32
    %sign3A_121 = arith.subi %sign3A_117, %sign3A_120 : i32
    %ne3A = vector.broadcast %sign3A_121 : i32 to vector<32x512xi32>
    %ne3A_122 = arith.cmpi ne, %sign3A_114, %ne3A : vector<32x512xi32>
    %rem3A = vector.broadcast %jit3A_104 : i32 to vector<32x512xi32>
    %rem3A_123 = arith.remsi %iota3A_103, %rem3A : vector<32x512xi32>
    %ne3A_124 = arith.constant 0 : i32
    %ne3A_125 = vector.broadcast %ne3A_124 : i32 to vector<32x512xi32>
    %ne3A_126 = arith.cmpi ne, %rem3A_123, %ne3A_125 : vector<32x512xi32>
    %and3A_127 = arith.andi %ne3A_122, %ne3A_126 : vector<32x512xi1>
    %sub3A_128 = arith.constant 1 : i32
    %sub3A_129 = vector.broadcast %sub3A_128 : i32 to vector<32x512xi32>
    %sub3A_130 = arith.subi %div3A_106, %sub3A_129 : vector<32x512xi32>
    %select_n3A_131 = arith.select %and3A_127, %sub3A_130, %div3A_106 : vector<32x512xi1>, vector<32x512xi32>
    %eq3A_132 = arith.cmpi eq, %select_n3A_131, %iota3A_102 : vector<32x512xi32>
    %convert_element_type3A_133 = arith.extui %eq3A_132 : vector<32x512xi1> to vector<32x512xi32>
    %convert_element_type3A_134 = arith.sitofp %convert_element_type3A_133 : vector<32x512xi32> to vector<32x512xf32>
    %iota3A_135 = tpu.iota {dimensions = array<i32: 0>} : vector<512x16xi32>
    %iota3A_136 = tpu.iota {dimensions = array<i32: 1>} : vector<512x16xi32>
    %jit3A_137 = arith.constant 16 : i32
    %eq3A_138 = arith.constant 0 : i32
    %eq3A_139 = arith.cmpi eq, %jit3A_137, %eq3A_138 : i32
    %jit3A_140 = arith.constant 1 : i32
    %select_n3A_141 = arith.select %eq3A_139, %jit3A_140, %jit3A_137 : i32
    %rem3A_142 = vector.broadcast %select_n3A_141 : i32 to vector<512x16xi32>
    %rem3A_143 = arith.remsi %iota3A_135, %rem3A_142 : vector<512x16xi32>
    %ne3A_144 = arith.constant 0 : i32
    %ne3A_145 = vector.broadcast %ne3A_144 : i32 to vector<512x16xi32>
    %ne3A_146 = arith.cmpi ne, %rem3A_143, %ne3A_145 : vector<512x16xi32>
    %lt3A_147 = arith.constant 0 : i32
    %lt3A_148 = vector.broadcast %lt3A_147 : i32 to vector<512x16xi32>
    %lt3A_149 = arith.cmpi slt, %rem3A_143, %lt3A_148 : vector<512x16xi32>
    %lt3A_150 = arith.constant 0 : i32
    %lt3A_151 = arith.cmpi slt, %select_n3A_141, %lt3A_150 : i32
    %ne3A_152 = vector.broadcast %lt3A_151 : i1 to vector<512x16xi1>
    %ne3A_153 = vector.broadcast %ne3A_152 : vector<512x16xi1> to vector<512x16xi1>
    %ne3A_154 = arith.xori %lt3A_149, %ne3A_153 : vector<512x16xi1>
    %and3A_155 = arith.andi %ne3A_154, %ne3A_146 : vector<512x16xi1>
    %add3A_156 = vector.broadcast %select_n3A_141 : i32 to vector<512x16xi32>
    %add3A_157 = arith.addi %rem3A_143, %add3A_156 : vector<512x16xi32>
    %select_n3A_158 = arith.select %and3A_155, %add3A_157, %rem3A_143 : vector<512x16xi1>, vector<512x16xi32>
    %eq3A_159 = arith.cmpi eq, %select_n3A_158, %iota3A_136 : vector<512x16xi32>
    %convert_element_type3A_160 = arith.extui %eq3A_159 : vector<512x16xi1> to vector<512x16xi32>
    %convert_element_type3A_161 = arith.sitofp %convert_element_type3A_160 : vector<512x16xi32> to vector<512x16xf32>
    %dot_general3A_162 = arith.constant dense<0.000000e+00> : vector<1280x512xf32>
    %dot_general3A_163 = tpu.matmul %dot_general3A_21, %convert_element_type3A_134, %dot_general3A_162 {dimension_numbers = #tpu.dot_dimension_numbers<[1], [0], [0], [1], [0, 0, 1, 1], [], []>, transpose_lhs_hint = false} : vector<1280x32xf32>, vector<32x512xf32>, vector<1280x512xf32> -> vector<1280x512xf32>
    %mul3A_164 = arith.mulf %mul3A_91, %dot_general3A_163 : vector<1280x512xf32>
    %dot_general3A_165 = arith.constant dense<0.000000e+00> : vector<1280x16xf32>
    %dot_general3A_166 = tpu.matmul %mul3A_164, %convert_element_type3A_161, %dot_general3A_165 {dimension_numbers = #tpu.dot_dimension_numbers<[1], [0], [0], [1], [0, 0, 1, 1], [], []>, transpose_lhs_hint = false} : vector<1280x512xf32>, vector<512x16xf32>, vector<1280x16xf32> -> vector<1280x16xf32>
    %iota3A_167 = tpu.iota {dimensions = array<i32: 0>} : vector<32x1024xi32>
    %iota3A_168 = tpu.iota {dimensions = array<i32: 1>} : vector<32x1024xi32>
    %jit3A_169 = arith.constant 32 : i32
    %div3A_170 = vector.broadcast %jit3A_169 : i32 to vector<32x1024xi32>
    %div3A_171 = arith.divsi %iota3A_168, %div3A_170 : vector<32x1024xi32>
    %sign3A_172 = arith.constant 0 : i32
    %sign3A_173 = vector.broadcast %sign3A_172 : i32 to vector<32x1024xi32>
    %sign3A_174 = arith.cmpi sgt, %iota3A_168, %sign3A_173 : vector<32x1024xi32>
    %sign3A_175 = arith.extui %sign3A_174 : vector<32x1024xi1> to vector<32x1024xi32>
    %sign3A_176 = arith.constant 0 : i32
    %sign3A_177 = vector.broadcast %sign3A_176 : i32 to vector<32x1024xi32>
    %sign3A_178 = arith.cmpi slt, %iota3A_168, %sign3A_177 : vector<32x1024xi32>
    %sign3A_179 = arith.extui %sign3A_178 : vector<32x1024xi1> to vector<32x1024xi32>
    %sign3A_180 = arith.subi %sign3A_175, %sign3A_179 : vector<32x1024xi32>
    %sign3A_181 = arith.constant 0 : i32
    %sign3A_182 = arith.cmpi sgt, %jit3A_169, %sign3A_181 : i32
    %sign3A_183 = arith.extui %sign3A_182 : i1 to i32
    %sign3A_184 = arith.constant 0 : i32
    %sign3A_185 = arith.cmpi slt, %jit3A_169, %sign3A_184 : i32
    %sign3A_186 = arith.extui %sign3A_185 : i1 to i32
    %sign3A_187 = arith.subi %sign3A_183, %sign3A_186 : i32
    %ne3A_188 = vector.broadcast %sign3A_187 : i32 to vector<32x1024xi32>
    %ne3A_189 = arith.cmpi ne, %sign3A_180, %ne3A_188 : vector<32x1024xi32>
    %rem3A_190 = vector.broadcast %jit3A_169 : i32 to vector<32x1024xi32>
    %rem3A_191 = arith.remsi %iota3A_168, %rem3A_190 : vector<32x1024xi32>
    %ne3A_192 = arith.constant 0 : i32
    %ne3A_193 = vector.broadcast %ne3A_192 : i32 to vector<32x1024xi32>
    %ne3A_194 = arith.cmpi ne, %rem3A_191, %ne3A_193 : vector<32x1024xi32>
    %and3A_195 = arith.andi %ne3A_189, %ne3A_194 : vector<32x1024xi1>
    %sub3A_196 = arith.constant 1 : i32
    %sub3A_197 = vector.broadcast %sub3A_196 : i32 to vector<32x1024xi32>
    %sub3A_198 = arith.subi %div3A_171, %sub3A_197 : vector<32x1024xi32>
    %select_n3A_199 = arith.select %and3A_195, %sub3A_198, %div3A_171 : vector<32x1024xi1>, vector<32x1024xi32>
    %eq3A_200 = arith.cmpi eq, %select_n3A_199, %iota3A_167 : vector<32x1024xi32>
    %convert_element_type3A_201 = arith.extui %eq3A_200 : vector<32x1024xi1> to vector<32x1024xi32>
    %convert_element_type3A_202 = arith.sitofp %convert_element_type3A_201 : vector<32x1024xi32> to vector<32x1024xf32>
    %convert_element_type3A_203 = arith.truncf %convert_element_type3A_202 : vector<32x1024xf32> to vector<32x1024xbf16>
    %iota3A_204 = tpu.iota {dimensions = array<i32: 0>} : vector<1024x32xi32>
    %iota3A_205 = tpu.iota {dimensions = array<i32: 1>} : vector<1024x32xi32>
    %jit3A_206 = arith.constant 32 : i32
    %eq3A_207 = arith.constant 0 : i32
    %eq3A_208 = arith.cmpi eq, %jit3A_206, %eq3A_207 : i32
    %jit3A_209 = arith.constant 1 : i32
    %select_n3A_210 = arith.select %eq3A_208, %jit3A_209, %jit3A_206 : i32
    %rem3A_211 = vector.broadcast %select_n3A_210 : i32 to vector<1024x32xi32>
    %rem3A_212 = arith.remsi %iota3A_204, %rem3A_211 : vector<1024x32xi32>
    %ne3A_213 = arith.constant 0 : i32
    %ne3A_214 = vector.broadcast %ne3A_213 : i32 to vector<1024x32xi32>
    %ne3A_215 = arith.cmpi ne, %rem3A_212, %ne3A_214 : vector<1024x32xi32>
    %lt3A_216 = arith.constant 0 : i32
    %lt3A_217 = vector.broadcast %lt3A_216 : i32 to vector<1024x32xi32>
    %lt3A_218 = arith.cmpi slt, %rem3A_212, %lt3A_217 : vector<1024x32xi32>
    %lt3A_219 = arith.constant 0 : i32
    %lt3A_220 = arith.cmpi slt, %select_n3A_210, %lt3A_219 : i32
    %ne3A_221 = vector.broadcast %lt3A_220 : i1 to vector<1024x32xi1>
    %ne3A_222 = vector.broadcast %ne3A_221 : vector<1024x32xi1> to vector<1024x32xi1>
    %ne3A_223 = arith.xori %lt3A_218, %ne3A_222 : vector<1024x32xi1>
    %and3A_224 = arith.andi %ne3A_223, %ne3A_215 : vector<1024x32xi1>
    %add3A_225 = vector.broadcast %select_n3A_210 : i32 to vector<1024x32xi32>
    %add3A_226 = arith.addi %rem3A_212, %add3A_225 : vector<1024x32xi32>
    %select_n3A_227 = arith.select %and3A_224, %add3A_226, %rem3A_212 : vector<1024x32xi1>, vector<1024x32xi32>
    %eq3A_228 = arith.cmpi eq, %select_n3A_227, %iota3A_205 : vector<1024x32xi32>
    %convert_element_type3A_229 = arith.extui %eq3A_228 : vector<1024x32xi1> to vector<1024x32xi32>
    %convert_element_type3A_230 = arith.sitofp %convert_element_type3A_229 : vector<1024x32xi32> to vector<1024x32xf32>
    %convert_element_type3A_231 = arith.truncf %convert_element_type3A_230 : vector<1024x32xf32> to vector<1024x32xbf16>
    %convert_element_type3A_232 = arith.truncf %dot_general3A_21 : vector<1280x32xf32> to vector<1280x32xbf16>
    %dot_general3A_233 = arith.constant dense<0.000000e+00> : vector<1280x1024xf32>
    %dot_general3A_234 = tpu.matmul %convert_element_type3A_232, %convert_element_type3A_203, %dot_general3A_233 {dimension_numbers = #tpu.dot_dimension_numbers<[1], [0], [0], [1], [0, 0, 1, 1], [], []>, transpose_lhs_hint = false} : vector<1280x32xbf16>, vector<32x1024xbf16>, vector<1280x1024xf32> -> vector<1280x1024xf32>
    %mul3A_235 = arith.mulf %mul3A_101, %dot_general3A_234 : vector<1280x1024xf32>
    %convert_element_type3A_236 = arith.truncf %mul3A_235 : vector<1280x1024xf32> to vector<1280x1024xbf16>
    %dot_general3A_237 = arith.constant dense<0.000000e+00> : vector<1280x32xf32>
    %dot_general3A_238 = tpu.matmul %convert_element_type3A_236, %convert_element_type3A_231, %dot_general3A_237 {dimension_numbers = #tpu.dot_dimension_numbers<[1], [0], [0], [1], [0, 0, 1, 1], [], []>, transpose_lhs_hint = false} : vector<1280x1024xbf16>, vector<1024x32xbf16>, vector<1280x32xf32> -> vector<1280x32xf32>
    %mul3A_239 = arith.mulf %dot_general3A_23, %dot_general3A_166 : vector<1280x16xf32>
    %reduce_sum3A = arith.constant dense<0.000000e+00> : vector<1280xf32>
    %reduce_sum3A_240 = vector.multi_reduction <add>, %mul3A_239, %reduce_sum3A [1] : vector<1280x16xf32> to vector<1280xf32>
    %broadcast_in_dim3A_241 = vector.shape_cast %reduce_sum3A_240 : vector<1280xf32> to vector<1280x1xf32>
    %mul3A_242 = arith.constant 0.166666672 : f32
    %mul3A_243 = vector.broadcast %mul3A_242 : f32 to vector<1280x1xf32>
    %mul3A_244 = arith.mulf %sqrt3A, %mul3A_243 : vector<1280x1xf32>
    %sub3A_245 = arith.constant 1.000000e+00 : f32
    %sub3A_246 = vector.broadcast %sub3A_245 : f32 to vector<1280x1xf32>
    %sub3A_247 = arith.subf %sub3A_246, %mul3A_244 : vector<1280x1xf32>
    %mul3A_248 = arith.constant 1.000000e+01 : f32
    %mul3A_249 = vector.broadcast %mul3A_248 : f32 to vector<1280x1xf32>
    %mul3A_250 = arith.mulf %mul3A_249, %sub3A_247 : vector<1280x1xf32>
    %gt3A_251 = arith.constant 0.000000e+00 : f32
    %gt3A_252 = vector.broadcast %gt3A_251 : f32 to vector<1280x1xf32>
    %gt3A_253 = arith.cmpf ogt, %mul3A_250, %gt3A_252 : vector<1280x1xf32>
    %jit3A_254 = arith.constant 1.000000e+00 : f32
    %broadcast_in_dim3A_255 = vector.broadcast %jit3A_254 : f32 to vector<1280x1xf32>
    %select_n3A_256 = arith.select %gt3A_253, %mul3A_250, %broadcast_in_dim3A_255 : vector<1280x1xi1>, vector<1280x1xf32>
    %gt3A_257 = arith.constant 0.000000e+00 : f32
    %gt3A_258 = vector.broadcast %gt3A_257 : f32 to vector<1280x1xf32>
    %gt3A_259 = arith.cmpf ogt, %mul3A_250, %gt3A_258 : vector<1280x1xf32>
    %div3A_260 = arith.constant -1.000000e+00 : f32
    %div3A_261 = vector.broadcast %div3A_260 : f32 to vector<1280x1xf32>
    %div3A_262 = arith.divf %div3A_261, %select_n3A_256 : vector<1280x1xf32>
    %exp3A_263 = math.exp %div3A_262 : vector<1280x1xf32>
    %jit3A_264 = arith.constant 0.000000e+00 : f32
    %broadcast_in_dim3A_265 = vector.broadcast %jit3A_264 : f32 to vector<1280x1xf32>
    %select_n3A_266 = arith.select %gt3A_259, %exp3A_263, %broadcast_in_dim3A_265 : vector<1280x1xi1>, vector<1280x1xf32>
    %mul3A_267 = arith.mulf %select_n3A_266, %broadcast_in_dim3A_241 : vector<1280x1xf32>
    %exp3A_268 = math.exp %mul3A_267 : vector<1280x1xf32>
    %mul3A_269 = arith.constant 5.000000e-01 : f32
    %mul3A_270 = vector.broadcast %mul3A_269 : f32 to vector<1280x1xf32>
    %mul3A_271 = arith.mulf %mul3A_270, %mul3A_267 : vector<1280x1xf32>
    %exp3A_272 = math.exp %mul3A_271 : vector<1280x1xf32>
    %mul3A_273 = vector.broadcast %exp3A_272 : vector<1280x1xf32> to vector<1280x32xf32>
    %mul3A_274 = arith.mulf %mul3A_273, %dot_general3A_238 : vector<1280x32xf32>
    %mul3A_275 = arith.constant 0.176776692 : f32
    %mul3A_276 = vector.broadcast %mul3A_275 : f32 to vector<1280x32xf32>
    %mul3A_277 = arith.mulf %mul3A_274, %mul3A_276 : vector<1280x32xf32>
    %broadcast_in_dim3A_278 = arith.constant 0.000000e+00 : f32
    %broadcast_in_dim3A_279 = vector.broadcast %broadcast_in_dim3A_278 : f32 to vector<1280x95xf32>
    %concatenate3A = tpu.concatenate %mul3A_277, %exp3A_268, %broadcast_in_dim3A_279 in 1 : vector<1280x32xf32>, vector<1280x1xf32>, vector<1280x95xf32> -> vector<1280x128xf32>
    %swap3A = arith.constant 0 : index
    %swap3A_280 = arith.constant 0 : index
    %swap3A_281 = vector.load %arg8[%swap3A, %swap3A_280] : memref<1280x128xf32, #tpu.memory_space<vmem>>, vector<1280x128xf32>
    tpu.vector_store %arg8[%swap3A, %swap3A_280], %concatenate3A {strides = array<i32>} : memref<1280x128xf32, #tpu.memory_space<vmem>>, vector<1280x128xf32>,
    return
  }
  func.func @transform_0(%arg0: i32) -> (i32, i32) {
    %c0_i32 = arith.constant 0 : i32
    %c0_i32_0 = arith.constant 0 : i32
    return %arg0, %c0_i32 : i32, i32
  }
  func.func @transform_1(%arg0: i32) -> (i32, i32) {
    %c0_i32 = arith.constant 0 : i32
    %c0_i32_0 = arith.constant 0 : i32
    return %arg0, %c0_i32 : i32, i32
  }
  func.func @transform_2(%arg0: i32) -> (i32, i32) {
    %add3A = arith.constant 8 : i32
    %add3A_0 = arith.addi %arg0, %add3A : i32
    %c0_i32 = arith.constant 0 : i32
    %c0_i32_1 = arith.constant 0 : i32
    return %c0_i32, %add3A_0 : i32, i32
  }
  func.func @transform_3(%arg0: i32) -> (i32, i32) {
    %c0_i32 = arith.constant 0 : i32
    %c0_i32_0 = arith.constant 0 : i32
    %c0_i32_1 = arith.constant 0 : i32
    return %c0_i32, %c0_i32_0 : i32, i32
  }
  func.func @transform_4(%arg0: i32) -> (i32, i32) {
    %c0_i32 = arith.constant 0 : i32
    %c0_i32_0 = arith.constant 0 : i32
    %c0_i32_1 = arith.constant 0 : i32
    return %c0_i32, %c0_i32_0 : i32, i32
  }
  func.func @transform_5(%arg0: i32) -> (i32, i32) {
    %c0_i32 = arith.constant 0 : i32
    %c0_i32_0 = arith.constant 0 : i32
    %c0_i32_1 = arith.constant 0 : i32
    return %c0_i32, %c0_i32_0 : i32, i32
  }
  func.func @transform_6(%arg0: i32) -> (i32, i32) {
    %c0_i32 = arith.constant 0 : i32
    %c0_i32_0 = arith.constant 0 : i32
    %c0_i32_1 = arith.constant 0 : i32
    return %c0_i32, %c0_i32_0 : i32, i32
  }
  func.func @transform_7(%arg0: i32) -> (i32, i32) {
    %c0_i32 = arith.constant 0 : i32
    %c0_i32_0 = arith.constant 0 : i32
    return %arg0, %c0_i32 : i32, i32
  }
}

module attributes {stable_mosaic.version = 14 : i64} {
  func.func @_edge_body(%arg0: i32, %arg1: memref<1280x128xf32, #tpu.memory_space<vmem>>, %arg2: memref<1280x128xf32, #tpu.memory_space<vmem>>, %arg3: memref<16x1280xf32, #tpu.memory_space<vmem>>, %arg4: memref<8x256xf32, #tpu.memory_space<vmem>>, %arg5: memref<16x256xf32, #tpu.memory_space<vmem>>, %arg6: memref<128x512xf32, #tpu.memory_space<vmem>>, %arg7: memref<128x1024xf32, #tpu.memory_space<vmem>>, %arg8: memref<1280x128xf32, #tpu.memory_space<vmem>>) attributes {dimension_semantics = [#tpu.dimension_semantics<arbitrary>], iteration_bounds = array<i64: 8>, scalar_prefetch = 0 : i64, scratch_operands = 0 : i64, tpu.core_type = #tpu.core_type<tc>, window_params = [{transform_indices = @transform_0, window_bounds = array<i64: 1280, 128>}, {transform_indices = @transform_1, window_bounds = array<i64: 1280, 128>}, {transform_indices = @transform_2, window_bounds = array<i64: 16, 1280>}, {pipeline_mode = #tpu.pipeline_mode<synchronous>, transform_indices = @transform_3, window_bounds = array<i64: 8, 256>}, {pipeline_mode = #tpu.pipeline_mode<synchronous>, transform_indices = @transform_4, window_bounds = array<i64: 16, 256>}, {pipeline_mode = #tpu.pipeline_mode<synchronous>, transform_indices = @transform_5, window_bounds = array<i64: 128, 512>}, {pipeline_mode = #tpu.pipeline_mode<synchronous>, transform_indices = @transform_6, window_bounds = array<i64: 128, 1024>}, {transform_indices = @transform_7, window_bounds = array<i64: 1280, 128>}]} {
    %get3A = arith.constant 0 : index
    %get3A_0 = arith.constant 0 : index
    %get3A_1 = vector.load %arg1[%get3A, %get3A_0] : memref<1280x128xf32, #tpu.memory_space<vmem>>, vector<1280x128xf32>
    %get3A_2 = arith.constant 0 : index
    %get3A_3 = arith.constant 0 : index
    %get3A_4 = vector.load %arg2[%get3A_2, %get3A_3] : memref<1280x128xf32, #tpu.memory_space<vmem>>, vector<1280x128xf32>
    %iota3A = tpu.iota {dimensions = array<i32: 0>} : vector<128x32xi32>
    %iota3A_5 = tpu.iota {dimensions = array<i32: 1>} : vector<128x32xi32>
    %eq3A = arith.cmpi eq, %iota3A, %iota3A_5 : vector<128x32xi32>
    %convert_element_type3A = arith.extui %eq3A : vector<128x32xi1> to vector<128x32xi32>
    %convert_element_type3A_6 = arith.sitofp %convert_element_type3A : vector<128x32xi32> to vector<128x32xf32>
    %iota3A_7 = tpu.iota {dimensions = array<i32: 0>} : vector<128x16xi32>
    %iota3A_8 = tpu.iota {dimensions = array<i32: 1>} : vector<128x16xi32>
    %add3A = arith.constant 32 : i32
    %add3A_9 = vector.broadcast %add3A : i32 to vector<128x16xi32>
    %add3A_10 = arith.addi %iota3A_8, %add3A_9 : vector<128x16xi32>
    %eq3A_11 = arith.cmpi eq, %iota3A_7, %add3A_10 : vector<128x16xi32>
    %convert_element_type3A_12 = arith.extui %eq3A_11 : vector<128x16xi1> to vector<128x16xi32>
    %convert_element_type3A_13 = arith.sitofp %convert_element_type3A_12 : vector<128x16xi32> to vector<128x16xf32>
    %iota3A_14 = tpu.iota {dimensions = array<i32: 0>} : vector<128x1xi32>
    %ge3A = arith.constant 48 : i32
    %ge3A_15 = vector.broadcast %ge3A : i32 to vector<128x1xi32>
    %ge3A_16 = arith.cmpi sge, %iota3A_14, %ge3A_15 : vector<128x1xi32>
    %lt3A = arith.constant 51 : i32
    %lt3A_17 = vector.broadcast %lt3A : i32 to vector<128x1xi32>
    %lt3A_18 = arith.cmpi slt, %iota3A_14, %lt3A_17 : vector<128x1xi32>
    %and3A = arith.andi %ge3A_16, %lt3A_18 : vector<128x1xi1>
    %convert_element_type3A_19 = arith.extui %and3A : vector<128x1xi1> to vector<128x1xi32>
    %convert_element_type3A_20 = arith.sitofp %convert_element_type3A_19 : vector<128x1xi32> to vector<128x1xf32>
    %dot_general3A = arith.constant dense<0.000000e+00> : vector<1280x32xf32>
    %dot_general3A_21 = tpu.matmul %get3A_1, %convert_element_type3A_6, %dot_general3A {dimension_numbers = #tpu.dot_dimension_numbers<[1], [0], [0], [1], [0, 0, 1, 1], [], []>, transpose_lhs_hint = false} : vector<1280x128xf32>, vector<128x32xf32>, vector<1280x32xf32> -> vector<1280x32xf32>
    %dot_general3A_22 = arith.constant dense<0.000000e+00> : vector<1280x16xf32>
    %dot_general3A_23 = tpu.matmul %get3A_4, %convert_element_type3A_13, %dot_general3A_22 {dimension_numbers = #tpu.dot_dimension_numbers<[1], [0], [0], [1], [0, 0, 1, 1], [], []>, transpose_lhs_hint = false} : vector<1280x128xf32>, vector<128x16xf32>, vector<1280x16xf32> -> vector<1280x16xf32>
    %sub3A = arith.subf %get3A_1, %get3A_4 : vector<1280x128xf32>
    %mul3A = arith.mulf %sub3A, %sub3A : vector<1280x128xf32>
    %dot_general3A_24 = arith.constant dense<0.000000e+00> : vector<1280x1xf32>
    %dot_general3A_25 = tpu.matmul %mul3A, %convert_element_type3A_20, %dot_general3A_24 {dimension_numbers = #tpu.dot_dimension_numbers<[1], [0], [0], [1], [0, 0, 1, 1], [], []>, transpose_lhs_hint = false} : vector<1280x128xf32>, vector<128x1xf32>, vector<1280x1xf32> -> vector<1280x1xf32>
    %add3A_26 = arith.constant 1.000000e-24 : f32
    %add3A_27 = vector.broadcast %add3A_26 : f32 to vector<1280x1xf32>
    %add3A_28 = arith.addf %dot_general3A_25, %add3A_27 : vector<1280x1xf32>
    %sqrt3A = math.sqrt %add3A_28 : vector<1280x1xf32>
    %iota3A_29 = tpu.iota {dimensions = array<i32: 1>} : vector<1280x8xi32>
    %convert_element_type3A_30 = arith.sitofp %iota3A_29 : vector<1280x8xi32> to vector<1280x8xf32>
    %add3A_31 = arith.constant 1.000000e+00 : f32
    %add3A_32 = vector.broadcast %add3A_31 : f32 to vector<1280x8xf32>
    %add3A_33 = arith.addf %convert_element_type3A_30, %add3A_32 : vector<1280x8xf32>
    %mul3A_34 = arith.constant 0.666666686 : f32
    %mul3A_35 = vector.broadcast %mul3A_34 : f32 to vector<1280x8xf32>
    %mul3A_36 = arith.mulf %add3A_33, %mul3A_35 : vector<1280x8xf32>
    %sub3A_37 = vector.broadcast %sqrt3A : vector<1280x1xf32> to vector<1280x8xf32>
    %sub3A_38 = arith.subf %sub3A_37, %mul3A_36 : vector<1280x8xf32>
    %mul3A_39 = arith.constant 1.500000e+00 : f32
    %mul3A_40 = vector.broadcast %mul3A_39 : f32 to vector<1280x8xf32>
    %mul3A_41 = arith.mulf %sub3A_38, %mul3A_40 : vector<1280x8xf32>
    %mul3A_42 = arith.mulf %mul3A_41, %mul3A_41 : vector<1280x8xf32>
    %sub3A_43 = arith.constant 1.000000e+00 : f32
    %sub3A_44 = vector.broadcast %sub3A_43 : f32 to vector<1280x8xf32>
    %sub3A_45 = arith.subf %sub3A_44, %mul3A_42 : vector<1280x8xf32>
    %gt3A = arith.constant 0.000000e+00 : f32
    %gt3A_46 = vector.broadcast %gt3A : f32 to vector<1280x8xf32>
    %gt3A_47 = arith.cmpf ogt, %sub3A_45, %gt3A_46 : vector<1280x8xf32>
    %jit3A = arith.constant 1.000000e+00 : f32
    %broadcast_in_dim3A = vector.broadcast %jit3A : f32 to vector<1280x8xf32>
    %select_n3A = arith.select %gt3A_47, %sub3A_45, %broadcast_in_dim3A : vector<1280x8xi1>, vector<1280x8xf32>
    %div3A = arith.constant -2.000000e+00 : f32
    %div3A_48 = vector.broadcast %div3A : f32 to vector<1280x8xf32>
    %div3A_49 = arith.divf %div3A_48, %select_n3A : vector<1280x8xf32>
    %exp3A = math.exp %div3A_49 : vector<1280x8xf32>
    %mul3A_50 = arith.constant 23.8537464 : f32
    %mul3A_51 = vector.broadcast %mul3A_50 : f32 to vector<1280x8xf32>
    %mul3A_52 = arith.mulf %mul3A_51, %exp3A : vector<1280x8xf32>
    %jit3A_53 = arith.constant 0.000000e+00 : f32
    %broadcast_in_dim3A_54 = vector.broadcast %jit3A_53 : f32 to vector<1280x8xf32>
    %select_n3A_55 = arith.select %gt3A_47, %mul3A_52, %broadcast_in_dim3A_54 : vector<1280x8xi1>, vector<1280x8xf32>
    %get3A_56 = arith.constant 0 : index
    %get3A_57 = arith.constant 0 : index
    %get3A_58 = vector.load %arg4[%get3A_56, %get3A_57] : memref<8x256xf32, #tpu.memory_space<vmem>>, vector<8x256xf32>
    %dot_general3A_59 = arith.constant dense<0.000000e+00> : vector<1280x256xf32>
    %dot_general3A_60 = tpu.matmul %select_n3A_55, %get3A_58, %dot_general3A_59 {dimension_numbers = #tpu.dot_dimension_numbers<[1], [0], [0], [1], [0, 0, 1, 1], [], []>, transpose_lhs_hint = false} : vector<1280x8xf32>, vector<8x256xf32>, vector<1280x256xf32> -> vector<1280x256xf32>
    %get3A_61 = arith.constant 0 : index
    %get3A_62 = arith.constant 0 : index
    %get3A_63 = vector.load %arg3[%get3A_61, %get3A_62] : memref<16x1280xf32, #tpu.memory_space<vmem>>, vector<16x1280xf32>
    %get3A_64 = arith.constant 0 : index
    %get3A_65 = arith.constant 0 : index
    %get3A_66 = vector.load %arg5[%get3A_64, %get3A_65] : memref<16x256xf32, #tpu.memory_space<vmem>>, vector<16x256xf32>
    %dot_general3A_67 = arith.constant dense<0.000000e+00> : vector<1280x256xf32>
    %dot_general3A_68 = tpu.matmul %get3A_63, %get3A_66, %dot_general3A_67 {dimension_numbers = #tpu.dot_dimension_numbers<[0], [0], [1], [1], [0, 1, 1, 1], [], []>, transpose_lhs_hint = false} : vector<16x1280xf32>, vector<16x256xf32>, vector<1280x256xf32> -> vector<1280x256xf32>
    %add3A_69 = arith.addf %dot_general3A_60, %dot_general3A_68 : vector<1280x256xf32>
    %mul3A_70 = arith.constant 0.204124153 : f32
    %mul3A_71 = vector.broadcast %mul3A_70 : f32 to vector<1280x256xf32>
    %mul3A_72 = arith.mulf %add3A_69, %mul3A_71 : vector<1280x256xf32>
    %neg3A = arith.constant 0.000000e+00 : f32
    %neg3A_73 = vector.broadcast %neg3A : f32 to vector<1280x256xf32>
    %neg3A_74 = arith.subf %neg3A_73, %mul3A_72 : vector<1280x256xf32>
    %exp3A_75 = math.exp %neg3A_74 : vector<1280x256xf32>
    %add3A_76 = arith.constant 1.000000e+00 : f32
    %add3A_77 = vector.broadcast %add3A_76 : f32 to vector<1280x256xf32>
    %add3A_78 = arith.addf %add3A_77, %exp3A_75 : vector<1280x256xf32>
    %div3A_79 = arith.divf %mul3A_72, %add3A_78 : vector<1280x256xf32>
    %mul3A_80 = arith.constant 1.676800e+00 : f32
    %mul3A_81 = vector.broadcast %mul3A_80 : f32 to vector<1280x256xf32>
    %mul3A_82 = arith.mulf %div3A_79, %mul3A_81 : vector<1280x256xf32>
    %slice3A = vector.extract_strided_slice %mul3A_82 {offsets = [0, 0], sizes = [1280, 128], strides = [1, 1]} : vector<1280x256xf32> to vector<1280x128xf32>
    %slice3A_83 = vector.extract_strided_slice %mul3A_82 {offsets = [0, 128], sizes = [1280, 128], strides = [1, 1]} : vector<1280x256xf32> to vector<1280x128xf32>
    %get3A_84 = arith.constant 0 : index
    %get3A_85 = arith.constant 0 : index
    %get3A_86 = vector.load %arg6[%get3A_84, %get3A_85] : memref<128x512xf32, #tpu.memory_space<vmem>>, vector<128x512xf32>
    %dot_general3A_87 = arith.constant dense<0.000000e+00> : vector<1280x512xf32>
    %dot_general3A_88 = tpu.matmul %slice3A, %get3A_86, %dot_general3A_87 {dimension_numbers = #tpu.dot_dimension_numbers<[1], [0], [0], [1], [0, 0, 1, 1], [], []>, transpose_lhs_hint = false} : vector<1280x128xf32>, vector<128x512xf32>, vector<1280x512xf32> -> vector<1280x512xf32>
    %mul3A_89 = arith.constant 0.0883883461 : f32
    %mul3A_90 = vector.broadcast %mul3A_89 : f32 to vector<1280x512xf32>
    %mul3A_91 = arith.mulf %dot_general3A_88, %mul3A_90 : vector<1280x512xf32>
    %convert_element_type3A_92 = arith.truncf %slice3A_83 : vector<1280x128xf32> to vector<1280x128xbf16>
    %get3A_93 = arith.constant 0 : index
    %get3A_94 = arith.constant 0 : index
    %get3A_95 = vector.load %arg7[%get3A_93, %get3A_94] : memref<128x1024xf32, #tpu.memory_space<vmem>>, vector<128x1024xf32>
    %convert_element_type3A_96 = arith.truncf %get3A_95 : vector<128x1024xf32> to vector<128x1024xbf16>
    %dot_general3A_97 = arith.constant dense<0.000000e+00> : vector<1280x1024xf32>
    %dot_general3A_98 = tpu.matmul %convert_element_type3A_92, %convert_element_type3A_96, %dot_general3A_97 {dimension_numbers = #tpu.dot_dimension_numbers<[1], [0], [0], [1], [0, 0, 1, 1], [], []>, transpose_lhs_hint = false} : vector<1280x128xbf16>, vector<128x1024xbf16>, vector<1280x1024xf32> -> vector<1280x1024xf32>
    %mul3A_99 = arith.constant 0.0883883461 : f32
    %mul3A_100 = vector.broadcast %mul3A_99 : f32 to vector<1280x1024xf32>
    %mul3A_101 = arith.mulf %dot_general3A_98, %mul3A_100 : vector<1280x1024xf32>
    %iota3A_102 = tpu.iota {dimensions = array<i32: 0>} : vector<32x512xi32>
    %iota3A_103 = tpu.iota {dimensions = array<i32: 1>} : vector<32x512xi32>
    %jit3A_104 = arith.constant 16 : i32
    %div3A_105 = vector.broadcast %jit3A_104 : i32 to vector<32x512xi32>
    %div3A_106 = arith.divsi %iota3A_103, %div3A_105 : vector<32x512xi32>
    %sign3A = arith.constant 0 : i32
    %sign3A_107 = vector.broadcast %sign3A : i32 to vector<32x512xi32>
    %sign3A_108 = arith.cmpi sgt, %iota3A_103, %sign3A_107 : vector<32x512xi32>
    %sign3A_109 = arith.extui %sign3A_108 : vector<32x512xi1> to vector<32x512xi32>
    %sign3A_110 = arith.constant 0 : i32
    %sign3A_111 = vector.broadcast %sign3A_110 : i32 to vector<32x512xi32>
    %sign3A_112 = arith.cmpi slt, %iota3A_103, %sign3A_111 : vector<32x512xi32>
    %sign3A_113 = arith.extui %sign3A_112 : vector<32x512xi1> to vector<32x512xi32>
    %sign3A_114 = arith.subi %sign3A_109, %sign3A_113 : vector<32x512xi32>
    %sign3A_115 = arith.constant 0 : i32
    %sign3A_116 = arith.cmpi sgt, %jit3A_104, %sign3A_115 : i32
    %sign3A_117 = arith.extui %sign3A_116 : i1 to i32
    %sign3A_118 = arith.constant 0 : i32
    %sign3A_119 = arith.cmpi slt, %jit3A_104, %sign3A_118 : i32
    %sign3A_120 = arith.extui %sign3A_119 : i1 to i32
    %sign3A_121 = arith.subi %sign3A_117, %sign3A_120 : i32
    %ne3A = vector.broadcast %sign3A_121 : i32 to vector<32x512xi32>
    %ne3A_122 = arith.cmpi ne, %sign3A_114, %ne3A : vector<32x512xi32>
    %rem3A = vector.broadcast %jit3A_104 : i32 to vector<32x512xi32>
    %rem3A_123 = arith.remsi %iota3A_103, %rem3A : vector<32x512xi32>
    %ne3A_124 = arith.constant 0 : i32
    %ne3A_125 = vector.broadcast %ne3A_124 : i32 to vector<32x512xi32>
    %ne3A_126 = arith.cmpi ne, %rem3A_123, %ne3A_125 : vector<32x512xi32>
    %and3A_127 = arith.andi %ne3A_122, %ne3A_126 : vector<32x512xi1>
    %sub3A_128 = arith.constant 1 : i32
    %sub3A_129 = vector.broadcast %sub3A_128 : i32 to vector<32x512xi32>
    %sub3A_130 = arith.subi %div3A_106, %sub3A_129 : vector<32x512xi32>
    %select_n3A_131 = arith.select %and3A_127, %sub3A_130, %div3A_106 : vector<32x512xi1>, vector<32x512xi32>
    %eq3A_132 = arith.cmpi eq, %select_n3A_131, %iota3A_102 : vector<32x512xi32>
    %convert_element_type3A_133 = arith.extui %eq3A_132 : vector<32x512xi1> to vector<32x512xi32>
    %convert_element_type3A_134 = arith.sitofp %convert_element_type3A_133 : vector<32x512xi32> to vector<32x512xf32>
    %iota3A_135 = tpu.iota {dimensions = array<i32: 0>} : vector<512x16xi32>
    %iota3A_136 = tpu.iota {dimensions = array<i32: 1>} : vector<512x16xi32>
    %jit3A_137 = arith.constant 16 : i32
    %eq3A_138 = arith.constant 0 : i32
    %eq3A_139 = arith.cmpi eq, %jit3A_137, %eq3A_138 : i32
    %jit3A_140 = arith.constant 1 : i32
    %select_n3A_141 = arith.select %eq3A_139, %jit3A_140, %jit3A_137 : i32
    %rem3A_142 = vector.broadcast %select_n3A_141 : i32 to vector<512x16xi32>
    %rem3A_143 = arith.remsi %iota3A_135, %rem3A_142 : vector<512x16xi32>
    %ne3A_144 = arith.constant 0 : i32
    %ne3A_145 = vector.broadcast %ne3A_144 : i32 to vector<512x16xi32>
    %ne3A_146 = arith.cmpi ne, %rem3A_143, %ne3A_145 : vector<512x16xi32>
    %lt3A_147 = arith.constant 0 : i32
    %lt3A_148 = vector.broadcast %lt3A_147 : i32 to vector<512x16xi32>
    %lt3A_149 = arith.cmpi slt, %rem3A_143, %lt3A_148 : vector<512x16xi32>
    %lt3A_150 = arith.constant 0 : i32
    %lt3A_151 = arith.cmpi slt, %select_n3A_141, %lt3A_150 : i32
    %ne3A_152 = vector.broadcast %lt3A_151 : i1 to vector<512x16xi1>
    %ne3A_153 = vector.broadcast %ne3A_152 : vector<512x16xi1> to vector<512x16xi1>
    %ne3A_154 = arith.xori %lt3A_149, %ne3A_153 : vector<512x16xi1>
    %and3A_155 = arith.andi %ne3A_154, %ne3A_146 : vector<512x16xi1>
    %add3A_156 = vector.broadcast %select_n3A_141 : i32 to vector<512x16xi32>
    %add3A_157 = arith.addi %rem3A_143, %add3A_156 : vector<512x16xi32>
    %select_n3A_158 = arith.select %and3A_155, %add3A_157, %rem3A_143 : vector<512x16xi1>, vector<512x16xi32>
    %eq3A_159 = arith.cmpi eq, %select_n3A_158, %iota3A_136 : vector<512x16xi32>
    %convert_element_type3A_160 = arith.extui %eq3A_159 : vector<512x16xi1> to vector<512x16xi32>
    %convert_element_type3A_161 = arith.sitofp %convert_element_type3A_160 : vector<512x16xi32> to vector<512x16xf32>
    %dot_general3A_162 = arith.constant dense<0.000000e+00> : vector<1280x512xf32>
    %dot_general3A_163 = tpu.matmul %dot_general3A_21, %convert_element_type3A_134, %dot_general3A_162 {dimension_numbers = #tpu.dot_dimension_numbers<[1], [0], [0], [1], [0, 0, 1, 1], [], []>, transpose_lhs_hint = false} : vector<1280x32xf32>, vector<32x512xf32>, vector<1280x512xf32> -> vector<1280x512xf32>
    %mul3A_164 = arith.mulf %mul3A_91, %dot_general3A_163 : vector<1280x512xf32>
    %dot_general3A_165 = arith.constant dense<0.000000e+00> : vector<1280x16xf32>
    %dot_general3A_166 = tpu.matmul %mul3A_164, %convert_element_type3A_161, %dot_general3A_165 {dimension_numbers = #tpu.dot_dimension_numbers<[1], [0], [0], [1], [0, 0, 1, 1], [], []>, transpose_lhs_hint = false} : vector<1280x512xf32>, vector<512x16xf32>, vector<1280x16xf32> -> vector<1280x16xf32>
    %iota3A_167 = tpu.iota {dimensions = array<i32: 0>} : vector<32x1024xi32>
    %iota3A_168 = tpu.iota {dimensions = array<i32: 1>} : vector<32x1024xi32>
    %jit3A_169 = arith.constant 32 : i32
    %div3A_170 = vector.broadcast %jit3A_169 : i32 to vector<32x1024xi32>
    %div3A_171 = arith.divsi %iota3A_168, %div3A_170 : vector<32x1024xi32>
    %sign3A_172 = arith.constant 0 : i32
    %sign3A_173 = vector.broadcast %sign3A_172 : i32 to vector<32x1024xi32>
    %sign3A_174 = arith.cmpi sgt, %iota3A_168, %sign3A_173 : vector<32x1024xi32>
    %sign3A_175 = arith.extui %sign3A_174 : vector<32x1024xi1> to vector<32x1024xi32>
    %sign3A_176 = arith.constant 0 : i32
    %sign3A_177 = vector.broadcast %sign3A_176 : i32 to vector<32x1024xi32>
    %sign3A_178 = arith.cmpi slt, %iota3A_168, %sign3A_177 : vector<32x1024xi32>
    %sign3A_179 = arith.extui %sign3A_178 : vector<32x1024xi1> to vector<32x1024xi32>
    %sign3A_180 = arith.subi %sign3A_175, %sign3A_179 : vector<32x1024xi32>
    %sign3A_181 = arith.constant 0 : i32
    %sign3A_182 = arith.cmpi sgt, %jit3A_169, %sign3A_181 : i32
    %sign3A_183 = arith.extui %sign3A_182 : i1 to i32
    %sign3A_184 = arith.constant 0 : i32
    %sign3A_185 = arith.cmpi slt, %jit3A_169, %sign3A_184 : i32
    %sign3A_186 = arith.extui %sign3A_185 : i1 to i32
    %sign3A_187 = arith.subi %sign3A_183, %sign3A_186 : i32
    %ne3A_188 = vector.broadcast %sign3A_187 : i32 to vector<32x1024xi32>
    %ne3A_189 = arith.cmpi ne, %sign3A_180, %ne3A_188 : vector<32x1024xi32>
    %rem3A_190 = vector.broadcast %jit3A_169 : i32 to vector<32x1024xi32>
    %rem3A_191 = arith.remsi %iota3A_168, %rem3A_190 : vector<32x1024xi32>
    %ne3A_192 = arith.constant 0 : i32
    %ne3A_193 = vector.broadcast %ne3A_192 : i32 to vector<32x1024xi32>
    %ne3A_194 = arith.cmpi ne, %rem3A_191, %ne3A_193 : vector<32x1024xi32>
    %and3A_195 = arith.andi %ne3A_189, %ne3A_194 : vector<32x1024xi1>
    %sub3A_196 = arith.constant 1 : i32
    %sub3A_197 = vector.broadcast %sub3A_196 : i32 to vector<32x1024xi32>
    %sub3A_198 = arith.subi %div3A_171, %sub3A_197 : vector<32x1024xi32>
    %select_n3A_199 = arith.select %and3A_195, %sub3A_198, %div3A_171 : vector<32x1024xi1>, vector<32x1024xi32>
    %eq3A_200 = arith.cmpi eq, %select_n3A_199, %iota3A_167 : vector<32x1024xi32>
    %convert_element_type3A_201 = arith.extui %eq3A_200 : vector<32x1024xi1> to vector<32x1024xi32>
    %convert_element_type3A_202 = arith.sitofp %convert_element_type3A_201 : vector<32x1024xi32> to vector<32x1024xf32>
    %convert_element_type3A_203 = arith.truncf %convert_element_type3A_202 : vector<32x1024xf32> to vector<32x1024xbf16>
    %iota3A_204 = tpu.iota {dimensions = array<i32: 0>} : vector<1024x32xi32>
    %iota3A_205 = tpu.iota {dimensions = array<i32: 1>} : vector<1024x32xi32>
    %jit3A_206 = arith.constant 32 : i32
    %eq3A_207 = arith.constant 0 : i32
    %eq3A_208 = arith.cmpi eq, %jit3A_206, %eq3A_207 : i32
    %jit3A_209 = arith.constant 1 : i32
    %select_n3A_210 = arith.select %eq3A_208, %jit3A_209, %jit3A_206 : i32
    %rem3A_211 = vector.broadcast %select_n3A_210 : i32 to vector<1024x32xi32>
    %rem3A_212 = arith.remsi %iota3A_204, %rem3A_211 : vector<1024x32xi32>
    %ne3A_213 = arith.constant 0 : i32
    %ne3A_214 = vector.broadcast %ne3A_213 : i32 to vector<1024x32xi32>
    %ne3A_215 = arith.cmpi ne, %rem3A_212, %ne3A_214 : vector<1024x32xi32>
    %lt3A_216 = arith.constant 0 : i32
    %lt3A_217 = vector.broadcast %lt3A_216 : i32 to vector<1024x32xi32>
    %lt3A_218 = arith.cmpi slt, %rem3A_212, %lt3A_217 : vector<1024x32xi32>
    %lt3A_219 = arith.constant 0 : i32
    %lt3A_220 = arith.cmpi slt, %select_n3A_210, %lt3A_219 : i32
    %ne3A_221 = vector.broadcast %lt3A_220 : i1 to vector<1024x32xi1>
    %ne3A_222 = vector.broadcast %ne3A_221 : vector<1024x32xi1> to vector<1024x32xi1>
    %ne3A_223 = arith.xori %lt3A_218, %ne3A_222 : vector<1024x32xi1>
    %and3A_224 = arith.andi %ne3A_223, %ne3A_215 : vector<1024x32xi1>
    %add3A_225 = vector.broadcast %select_n3A_210 : i32 to vector<1024x32xi32>
    %add3A_226 = arith.addi %rem3A_212, %add3A_225 : vector<1024x32xi32>
    %select_n3A_227 = arith.select %and3A_224, %add3A_226, %rem3A_212 : vector<1024x32xi1>, vector<1024x32xi32>
    %eq3A_228 = arith.cmpi eq, %select_n3A_227, %iota3A_205 : vector<1024x32xi32>
    %convert_element_type3A_229 = arith.extui %eq3A_228 : vector<1024x32xi1> to vector<1024x32xi32>
    %convert_element_type3A_230 = arith.sitofp %convert_element_type3A_229 : vector<1024x32xi32> to vector<1024x32xf32>
    %convert_element_type3A_231 = arith.truncf %convert_element_type3A_230 : vector<1024x32xf32> to vector<1024x32xbf16>
    %convert_element_type3A_232 = arith.truncf %dot_general3A_21 : vector<1280x32xf32> to vector<1280x32xbf16>
    %dot_general3A_233 = arith.constant dense<0.000000e+00> : vector<1280x1024xf32>
    %dot_general3A_234 = tpu.matmul %convert_element_type3A_232, %convert_element_type3A_203, %dot_general3A_233 {dimension_numbers = #tpu.dot_dimension_numbers<[1], [0], [0], [1], [0, 0, 1, 1], [], []>, transpose_lhs_hint = false} : vector<1280x32xbf16>, vector<32x1024xbf16>, vector<1280x1024xf32> -> vector<1280x1024xf32>
    %mul3A_235 = arith.mulf %mul3A_101, %dot_general3A_234 : vector<1280x1024xf32>
    %convert_element_type3A_236 = arith.truncf %mul3A_235 : vector<1280x1024xf32> to vector<1280x1024xbf16>
    %dot_general3A_237 = arith.constant dense<0.000000e+00> : vector<1280x32xf32>
    %dot_general3A_238 = tpu.matmul %convert_element_type3A_236, %convert_element_type3A_231, %dot_general3A_237 {dimension_numbers = #tpu.dot_dimension_numbers<[1], [0], [0], [1], [0, 0, 1, 1], [], []>, transpose_lhs_hint = false} : vector<1280x1024xbf16>, vector<1024x32xbf16>, vector<1280x32xf32> -> vector<1280x32xf32>
    %mul3A_239 = arith.mulf %dot_general3A_23, %dot_general3A_166 : vector<1280x16xf32>
    %reduce_sum3A = arith.constant dense<0.000000e+00> : vector<1280xf32>
    %reduce_sum3A_240 = vector.multi_reduction <add>, %mul3A_239, %reduce_sum3A [1] : vector<1280x16xf32> to vector<1280xf32>
    %broadcast_in_dim3A_241 = vector.shape_cast %reduce_sum3A_240 : vector<1280xf32> to vector<1280x1xf32>
    %mul3A_242 = arith.constant 0.166666672 : f32
    %mul3A_243 = vector.broadcast %mul3A_242 : f32 to vector<1280x1xf32>
    %mul3A_244 = arith.mulf %sqrt3A, %mul3A_243 : vector<1280x1xf32>
    %sub3A_245 = arith.constant 1.000000e+00 : f32
    %sub3A_246 = vector.broadcast %sub3A_245 : f32 to vector<1280x1xf32>
    %sub3A_247 = arith.subf %sub3A_246, %mul3A_244 : vector<1280x1xf32>
    %mul3A_248 = arith.constant 1.000000e+01 : f32
    %mul3A_249 = vector.broadcast %mul3A_248 : f32 to vector<1280x1xf32>
    %mul3A_250 = arith.mulf %mul3A_249, %sub3A_247 : vector<1280x1xf32>
    %gt3A_251 = arith.constant 0.000000e+00 : f32
    %gt3A_252 = vector.broadcast %gt3A_251 : f32 to vector<1280x1xf32>
    %gt3A_253 = arith.cmpf ogt, %mul3A_250, %gt3A_252 : vector<1280x1xf32>
    %jit3A_254 = arith.constant 1.000000e+00 : f32
    %broadcast_in_dim3A_255 = vector.broadcast %jit3A_254 : f32 to vector<1280x1xf32>
    %select_n3A_256 = arith.select %gt3A_253, %mul3A_250, %broadcast_in_dim3A_255 : vector<1280x1xi1>, vector<1280x1xf32>
    %gt3A_257 = arith.constant 0.000000e+00 : f32
    %gt3A_258 = vector.broadcast %gt3A_257 : f32 to vector<1280x1xf32>
    %gt3A_259 = arith.cmpf ogt, %mul3A_250, %gt3A_258 : vector<1280x1xf32>
    %div3A_260 = arith.constant -1.000000e+00 : f32
    %div3A_261 = vector.broadcast %div3A_260 : f32 to vector<1280x1xf32>
    %div3A_262 = arith.divf %div3A_261, %select_n3A_256 : vector<1280x1xf32>
    %exp3A_263 = math.exp %div3A_262 : vector<1280x1xf32>
    %jit3A_264 = arith.constant 0.000000e+00 : f32
    %broadcast_in_dim3A_265 = vector.broadcast %jit3A_264 : f32 to vector<1280x1xf32>
    %select_n3A_266 = arith.select %gt3A_259, %exp3A_263, %broadcast_in_dim3A_265 : vector<1280x1xi1>, vector<1280x1xf32>
    %mul3A_267 = arith.mulf %select_n3A_266, %broadcast_in_dim3A_241 : vector<1280x1xf32>
    %exp3A_268 = math.exp %mul3A_267 : vector<1280x1xf32>
    %mul3A_269 = arith.constant 5.000000e-01 : f32
    %mul3A_270 = vector.broadcast %mul3A_269 : f32 to vector<1280x1xf32>
    %mul3A_271 = arith.mulf %mul3A_270, %mul3A_267 : vector<1280x1xf32>
    %exp3A_272 = math.exp %mul3A_271 : vector<1280x1xf32>
    %mul3A_273 = vector.broadcast %exp3A_272 : vector<1280x1xf32> to vector<1280x32xf32>
    %mul3A_274 = arith.mulf %mul3A_273, %dot_general3A_238 : vector<1280x32xf32>
    %mul3A_275 = arith.constant 0.176776692 : f32
    %mul3A_276 = vector.broadcast %mul3A_275 : f32 to vector<1280x32xf32>
    %mul3A_277 = arith.mulf %mul3A_274, %mul3A_276 : vector<1280x32xf32>
    %broadcast_in_dim3A_278 = arith.constant 0.000000e+00 : f32
    %broadcast_in_dim3A_279 = vector.broadcast %broadcast_in_dim3A_278 : f32 to vector<1280x95xf32>
    %concatenate3A = tpu.concatenate %mul3A_277, %exp3A_268, %broadcast_in_dim3A_279 in 1 : vector<1280x32xf32>, vector<1280x1xf32>, vector<1280x95xf32> -> vector<1280x128xf32>
    %swap3A = arith.constant 0 : index
    %swap3A_280 = arith.constant 0 : index
    %swap3A_281 = vector.load %arg8[%swap3A, %swap3A_280] : memref<1280x128xf32, #tpu.memory_space<vmem>>, vector<1280x128xf32>
    tpu.vector_store %arg8[%swap3A, %swap3A_280], %concatenate3A {strides = array<i32>} : memref<1280x128xf32, #tpu.memory_space<vmem>>, vector<1280x128xf32>,
    return
  }
  func.func @transform_0(%arg0: i32) -> (i32, i32) {
    %c0_i32 = arith.constant 0 : i32
    %c0_i32_0 = arith.constant 0 : i32
    return %arg0, %c0_i32 : i32, i32
  }
  func.func @transform_1(%arg0: i32) -> (i32, i32) {
    %c0_i32 = arith.constant 0 : i32
    %c0_i32_0 = arith.constant 0 : i32
    return %arg0, %c0_i32 : i32, i32
  }
  func.func @transform_2(%arg0: i32) -> (i32, i32) {
    %add3A = arith.constant 0 : i32
    %add3A_0 = arith.addi %arg0, %add3A : i32
    %c0_i32 = arith.constant 0 : i32
    %c0_i32_1 = arith.constant 0 : i32
    return %c0_i32, %add3A_0 : i32, i32
  }
  func.func @transform_3(%arg0: i32) -> (i32, i32) {
    %c0_i32 = arith.constant 0 : i32
    %c0_i32_0 = arith.constant 0 : i32
    %c0_i32_1 = arith.constant 0 : i32
    return %c0_i32, %c0_i32_0 : i32, i32
  }
  func.func @transform_4(%arg0: i32) -> (i32, i32) {
    %c0_i32 = arith.constant 0 : i32
    %c0_i32_0 = arith.constant 0 : i32
    %c0_i32_1 = arith.constant 0 : i32
    return %c0_i32, %c0_i32_0 : i32, i32
  }
  func.func @transform_5(%arg0: i32) -> (i32, i32) {
    %c0_i32 = arith.constant 0 : i32
    %c0_i32_0 = arith.constant 0 : i32
    %c0_i32_1 = arith.constant 0 : i32
    return %c0_i32, %c0_i32_0 : i32, i32
  }
  func.func @transform_6(%arg0: i32) -> (i32, i32) {
    %c0_i32 = arith.constant 0 : i32
    %c0_i32_0 = arith.constant 0 : i32
    %c0_i32_1 = arith.constant 0 : i32
    return %c0_i32, %c0_i32_0 : i32, i32
  }
  func.func @transform_7(%arg0: i32) -> (i32, i32) {
    %c0_i32 = arith.constant 0 : i32
    %c0_i32_0 = arith.constant 0 : i32
    return %arg0, %c0_i32 : i32, i32
  }
}

module attributes {stable_mosaic.version = 14 : i64} {
  func.func @_edge_body(%arg0: i32, %arg1: memref<1280x128xf32, #tpu.memory_space<vmem>>, %arg2: memref<1280x128xf32, #tpu.memory_space<vmem>>, %arg3: memref<16x1280xf32, #tpu.memory_space<vmem>>, %arg4: memref<8x256xf32, #tpu.memory_space<vmem>>, %arg5: memref<16x256xf32, #tpu.memory_space<vmem>>, %arg6: memref<128x512xf32, #tpu.memory_space<vmem>>, %arg7: memref<128x1024xf32, #tpu.memory_space<vmem>>, %arg8: memref<1280x128xf32, #tpu.memory_space<vmem>>) attributes {dimension_semantics = [#tpu.dimension_semantics<arbitrary>], iteration_bounds = array<i64: 50>, scalar_prefetch = 0 : i64, scratch_operands = 0 : i64, tpu.core_type = #tpu.core_type<tc>, window_params = [{transform_indices = @transform_0, window_bounds = array<i64: 1280, 128>}, {transform_indices = @transform_1, window_bounds = array<i64: 1280, 128>}, {transform_indices = @transform_2, window_bounds = array<i64: 16, 1280>}, {pipeline_mode = #tpu.pipeline_mode<synchronous>, transform_indices = @transform_3, window_bounds = array<i64: 8, 256>}, {pipeline_mode = #tpu.pipeline_mode<synchronous>, transform_indices = @transform_4, window_bounds = array<i64: 16, 256>}, {pipeline_mode = #tpu.pipeline_mode<synchronous>, transform_indices = @transform_5, window_bounds = array<i64: 128, 512>}, {pipeline_mode = #tpu.pipeline_mode<synchronous>, transform_indices = @transform_6, window_bounds = array<i64: 128, 1024>}, {transform_indices = @transform_7, window_bounds = array<i64: 1280, 128>}]} {
    %get3A = arith.constant 0 : index
    %get3A_0 = arith.constant 0 : index
    %get3A_1 = vector.load %arg1[%get3A, %get3A_0] : memref<1280x128xf32, #tpu.memory_space<vmem>>, vector<1280x128xf32>
    %get3A_2 = arith.constant 0 : index
    %get3A_3 = arith.constant 0 : index
    %get3A_4 = vector.load %arg2[%get3A_2, %get3A_3] : memref<1280x128xf32, #tpu.memory_space<vmem>>, vector<1280x128xf32>
    %iota3A = tpu.iota {dimensions = array<i32: 0>} : vector<128x32xi32>
    %iota3A_5 = tpu.iota {dimensions = array<i32: 1>} : vector<128x32xi32>
    %eq3A = arith.cmpi eq, %iota3A, %iota3A_5 : vector<128x32xi32>
    %convert_element_type3A = arith.extui %eq3A : vector<128x32xi1> to vector<128x32xi32>
    %convert_element_type3A_6 = arith.sitofp %convert_element_type3A : vector<128x32xi32> to vector<128x32xf32>
    %iota3A_7 = tpu.iota {dimensions = array<i32: 0>} : vector<128x16xi32>
    %iota3A_8 = tpu.iota {dimensions = array<i32: 1>} : vector<128x16xi32>
    %add3A = arith.constant 32 : i32
    %add3A_9 = vector.broadcast %add3A : i32 to vector<128x16xi32>
    %add3A_10 = arith.addi %iota3A_8, %add3A_9 : vector<128x16xi32>
    %eq3A_11 = arith.cmpi eq, %iota3A_7, %add3A_10 : vector<128x16xi32>
    %convert_element_type3A_12 = arith.extui %eq3A_11 : vector<128x16xi1> to vector<128x16xi32>
    %convert_element_type3A_13 = arith.sitofp %convert_element_type3A_12 : vector<128x16xi32> to vector<128x16xf32>
    %iota3A_14 = tpu.iota {dimensions = array<i32: 0>} : vector<128x1xi32>
    %ge3A = arith.constant 48 : i32
    %ge3A_15 = vector.broadcast %ge3A : i32 to vector<128x1xi32>
    %ge3A_16 = arith.cmpi sge, %iota3A_14, %ge3A_15 : vector<128x1xi32>
    %lt3A = arith.constant 51 : i32
    %lt3A_17 = vector.broadcast %lt3A : i32 to vector<128x1xi32>
    %lt3A_18 = arith.cmpi slt, %iota3A_14, %lt3A_17 : vector<128x1xi32>
    %and3A = arith.andi %ge3A_16, %lt3A_18 : vector<128x1xi1>
    %convert_element_type3A_19 = arith.extui %and3A : vector<128x1xi1> to vector<128x1xi32>
    %convert_element_type3A_20 = arith.sitofp %convert_element_type3A_19 : vector<128x1xi32> to vector<128x1xf32>
    %dot_general3A = arith.constant dense<0.000000e+00> : vector<1280x32xf32>
    %dot_general3A_21 = tpu.matmul %get3A_1, %convert_element_type3A_6, %dot_general3A {dimension_numbers = #tpu.dot_dimension_numbers<[1], [0], [0], [1], [0, 0, 1, 1], [], []>, transpose_lhs_hint = false} : vector<1280x128xf32>, vector<128x32xf32>, vector<1280x32xf32> -> vector<1280x32xf32>
    %dot_general3A_22 = arith.constant dense<0.000000e+00> : vector<1280x16xf32>
    %dot_general3A_23 = tpu.matmul %get3A_4, %convert_element_type3A_13, %dot_general3A_22 {dimension_numbers = #tpu.dot_dimension_numbers<[1], [0], [0], [1], [0, 0, 1, 1], [], []>, transpose_lhs_hint = false} : vector<1280x128xf32>, vector<128x16xf32>, vector<1280x16xf32> -> vector<1280x16xf32>
    %sub3A = arith.subf %get3A_1, %get3A_4 : vector<1280x128xf32>
    %mul3A = arith.mulf %sub3A, %sub3A : vector<1280x128xf32>
    %dot_general3A_24 = arith.constant dense<0.000000e+00> : vector<1280x1xf32>
    %dot_general3A_25 = tpu.matmul %mul3A, %convert_element_type3A_20, %dot_general3A_24 {dimension_numbers = #tpu.dot_dimension_numbers<[1], [0], [0], [1], [0, 0, 1, 1], [], []>, transpose_lhs_hint = false} : vector<1280x128xf32>, vector<128x1xf32>, vector<1280x1xf32> -> vector<1280x1xf32>
    %add3A_26 = arith.constant 1.000000e-24 : f32
    %add3A_27 = vector.broadcast %add3A_26 : f32 to vector<1280x1xf32>
    %add3A_28 = arith.addf %dot_general3A_25, %add3A_27 : vector<1280x1xf32>
    %sqrt3A = math.sqrt %add3A_28 : vector<1280x1xf32>
    %iota3A_29 = tpu.iota {dimensions = array<i32: 1>} : vector<1280x8xi32>
    %convert_element_type3A_30 = arith.sitofp %iota3A_29 : vector<1280x8xi32> to vector<1280x8xf32>
    %add3A_31 = arith.constant 1.000000e+00 : f32
    %add3A_32 = vector.broadcast %add3A_31 : f32 to vector<1280x8xf32>
    %add3A_33 = arith.addf %convert_element_type3A_30, %add3A_32 : vector<1280x8xf32>
    %mul3A_34 = arith.constant 0.666666686 : f32
    %mul3A_35 = vector.broadcast %mul3A_34 : f32 to vector<1280x8xf32>
    %mul3A_36 = arith.mulf %add3A_33, %mul3A_35 : vector<1280x8xf32>
    %sub3A_37 = vector.broadcast %sqrt3A : vector<1280x1xf32> to vector<1280x8xf32>
    %sub3A_38 = arith.subf %sub3A_37, %mul3A_36 : vector<1280x8xf32>
    %mul3A_39 = arith.constant 1.500000e+00 : f32
    %mul3A_40 = vector.broadcast %mul3A_39 : f32 to vector<1280x8xf32>
    %mul3A_41 = arith.mulf %sub3A_38, %mul3A_40 : vector<1280x8xf32>
    %mul3A_42 = arith.mulf %mul3A_41, %mul3A_41 : vector<1280x8xf32>
    %sub3A_43 = arith.constant 1.000000e+00 : f32
    %sub3A_44 = vector.broadcast %sub3A_43 : f32 to vector<1280x8xf32>
    %sub3A_45 = arith.subf %sub3A_44, %mul3A_42 : vector<1280x8xf32>
    %gt3A = arith.constant 0.000000e+00 : f32
    %gt3A_46 = vector.broadcast %gt3A : f32 to vector<1280x8xf32>
    %gt3A_47 = arith.cmpf ogt, %sub3A_45, %gt3A_46 : vector<1280x8xf32>
    %jit3A = arith.constant 1.000000e+00 : f32
    %broadcast_in_dim3A = vector.broadcast %jit3A : f32 to vector<1280x8xf32>
    %select_n3A = arith.select %gt3A_47, %sub3A_45, %broadcast_in_dim3A : vector<1280x8xi1>, vector<1280x8xf32>
    %div3A = arith.constant -2.000000e+00 : f32
    %div3A_48 = vector.broadcast %div3A : f32 to vector<1280x8xf32>
    %div3A_49 = arith.divf %div3A_48, %select_n3A : vector<1280x8xf32>
    %exp3A = math.exp %div3A_49 : vector<1280x8xf32>
    %mul3A_50 = arith.constant 23.8537464 : f32
    %mul3A_51 = vector.broadcast %mul3A_50 : f32 to vector<1280x8xf32>
    %mul3A_52 = arith.mulf %mul3A_51, %exp3A : vector<1280x8xf32>
    %jit3A_53 = arith.constant 0.000000e+00 : f32
    %broadcast_in_dim3A_54 = vector.broadcast %jit3A_53 : f32 to vector<1280x8xf32>
    %select_n3A_55 = arith.select %gt3A_47, %mul3A_52, %broadcast_in_dim3A_54 : vector<1280x8xi1>, vector<1280x8xf32>
    %get3A_56 = arith.constant 0 : index
    %get3A_57 = arith.constant 0 : index
    %get3A_58 = vector.load %arg4[%get3A_56, %get3A_57] : memref<8x256xf32, #tpu.memory_space<vmem>>, vector<8x256xf32>
    %dot_general3A_59 = arith.constant dense<0.000000e+00> : vector<1280x256xf32>
    %dot_general3A_60 = tpu.matmul %select_n3A_55, %get3A_58, %dot_general3A_59 {dimension_numbers = #tpu.dot_dimension_numbers<[1], [0], [0], [1], [0, 0, 1, 1], [], []>, transpose_lhs_hint = false} : vector<1280x8xf32>, vector<8x256xf32>, vector<1280x256xf32> -> vector<1280x256xf32>
    %get3A_61 = arith.constant 0 : index
    %get3A_62 = arith.constant 0 : index
    %get3A_63 = vector.load %arg3[%get3A_61, %get3A_62] : memref<16x1280xf32, #tpu.memory_space<vmem>>, vector<16x1280xf32>
    %get3A_64 = arith.constant 0 : index
    %get3A_65 = arith.constant 0 : index
    %get3A_66 = vector.load %arg5[%get3A_64, %get3A_65] : memref<16x256xf32, #tpu.memory_space<vmem>>, vector<16x256xf32>
    %dot_general3A_67 = arith.constant dense<0.000000e+00> : vector<1280x256xf32>
    %dot_general3A_68 = tpu.matmul %get3A_63, %get3A_66, %dot_general3A_67 {dimension_numbers = #tpu.dot_dimension_numbers<[0], [0], [1], [1], [0, 1, 1, 1], [], []>, transpose_lhs_hint = false} : vector<16x1280xf32>, vector<16x256xf32>, vector<1280x256xf32> -> vector<1280x256xf32>
    %add3A_69 = arith.addf %dot_general3A_60, %dot_general3A_68 : vector<1280x256xf32>
    %mul3A_70 = arith.constant 0.204124153 : f32
    %mul3A_71 = vector.broadcast %mul3A_70 : f32 to vector<1280x256xf32>
    %mul3A_72 = arith.mulf %add3A_69, %mul3A_71 : vector<1280x256xf32>
    %neg3A = arith.constant 0.000000e+00 : f32
    %neg3A_73 = vector.broadcast %neg3A : f32 to vector<1280x256xf32>
    %neg3A_74 = arith.subf %neg3A_73, %mul3A_72 : vector<1280x256xf32>
    %exp3A_75 = math.exp %neg3A_74 : vector<1280x256xf32>
    %add3A_76 = arith.constant 1.000000e+00 : f32
    %add3A_77 = vector.broadcast %add3A_76 : f32 to vector<1280x256xf32>
    %add3A_78 = arith.addf %add3A_77, %exp3A_75 : vector<1280x256xf32>
    %div3A_79 = arith.divf %mul3A_72, %add3A_78 : vector<1280x256xf32>
    %mul3A_80 = arith.constant 1.676800e+00 : f32
    %mul3A_81 = vector.broadcast %mul3A_80 : f32 to vector<1280x256xf32>
    %mul3A_82 = arith.mulf %div3A_79, %mul3A_81 : vector<1280x256xf32>
    %slice3A = vector.extract_strided_slice %mul3A_82 {offsets = [0, 0], sizes = [1280, 128], strides = [1, 1]} : vector<1280x256xf32> to vector<1280x128xf32>
    %slice3A_83 = vector.extract_strided_slice %mul3A_82 {offsets = [0, 128], sizes = [1280, 128], strides = [1, 1]} : vector<1280x256xf32> to vector<1280x128xf32>
    %get3A_84 = arith.constant 0 : index
    %get3A_85 = arith.constant 0 : index
    %get3A_86 = vector.load %arg6[%get3A_84, %get3A_85] : memref<128x512xf32, #tpu.memory_space<vmem>>, vector<128x512xf32>
    %dot_general3A_87 = arith.constant dense<0.000000e+00> : vector<1280x512xf32>
    %dot_general3A_88 = tpu.matmul %slice3A, %get3A_86, %dot_general3A_87 {dimension_numbers = #tpu.dot_dimension_numbers<[1], [0], [0], [1], [0, 0, 1, 1], [], []>, transpose_lhs_hint = false} : vector<1280x128xf32>, vector<128x512xf32>, vector<1280x512xf32> -> vector<1280x512xf32>
    %mul3A_89 = arith.constant 0.0883883461 : f32
    %mul3A_90 = vector.broadcast %mul3A_89 : f32 to vector<1280x512xf32>
    %mul3A_91 = arith.mulf %dot_general3A_88, %mul3A_90 : vector<1280x512xf32>
    %convert_element_type3A_92 = arith.truncf %slice3A_83 : vector<1280x128xf32> to vector<1280x128xbf16>
    %get3A_93 = arith.constant 0 : index
    %get3A_94 = arith.constant 0 : index
    %get3A_95 = vector.load %arg7[%get3A_93, %get3A_94] : memref<128x1024xf32, #tpu.memory_space<vmem>>, vector<128x1024xf32>
    %convert_element_type3A_96 = arith.truncf %get3A_95 : vector<128x1024xf32> to vector<128x1024xbf16>
    %dot_general3A_97 = arith.constant dense<0.000000e+00> : vector<1280x1024xf32>
    %dot_general3A_98 = tpu.matmul %convert_element_type3A_92, %convert_element_type3A_96, %dot_general3A_97 {dimension_numbers = #tpu.dot_dimension_numbers<[1], [0], [0], [1], [0, 0, 1, 1], [], []>, transpose_lhs_hint = false} : vector<1280x128xbf16>, vector<128x1024xbf16>, vector<1280x1024xf32> -> vector<1280x1024xf32>
    %mul3A_99 = arith.constant 0.0883883461 : f32
    %mul3A_100 = vector.broadcast %mul3A_99 : f32 to vector<1280x1024xf32>
    %mul3A_101 = arith.mulf %dot_general3A_98, %mul3A_100 : vector<1280x1024xf32>
    %iota3A_102 = tpu.iota {dimensions = array<i32: 0>} : vector<32x512xi32>
    %iota3A_103 = tpu.iota {dimensions = array<i32: 1>} : vector<32x512xi32>
    %jit3A_104 = arith.constant 16 : i32
    %div3A_105 = vector.broadcast %jit3A_104 : i32 to vector<32x512xi32>
    %div3A_106 = arith.divsi %iota3A_103, %div3A_105 : vector<32x512xi32>
    %sign3A = arith.constant 0 : i32
    %sign3A_107 = vector.broadcast %sign3A : i32 to vector<32x512xi32>
    %sign3A_108 = arith.cmpi sgt, %iota3A_103, %sign3A_107 : vector<32x512xi32>
    %sign3A_109 = arith.extui %sign3A_108 : vector<32x512xi1> to vector<32x512xi32>
    %sign3A_110 = arith.constant 0 : i32
    %sign3A_111 = vector.broadcast %sign3A_110 : i32 to vector<32x512xi32>
    %sign3A_112 = arith.cmpi slt, %iota3A_103, %sign3A_111 : vector<32x512xi32>
    %sign3A_113 = arith.extui %sign3A_112 : vector<32x512xi1> to vector<32x512xi32>
    %sign3A_114 = arith.subi %sign3A_109, %sign3A_113 : vector<32x512xi32>
    %sign3A_115 = arith.constant 0 : i32
    %sign3A_116 = arith.cmpi sgt, %jit3A_104, %sign3A_115 : i32
    %sign3A_117 = arith.extui %sign3A_116 : i1 to i32
    %sign3A_118 = arith.constant 0 : i32
    %sign3A_119 = arith.cmpi slt, %jit3A_104, %sign3A_118 : i32
    %sign3A_120 = arith.extui %sign3A_119 : i1 to i32
    %sign3A_121 = arith.subi %sign3A_117, %sign3A_120 : i32
    %ne3A = vector.broadcast %sign3A_121 : i32 to vector<32x512xi32>
    %ne3A_122 = arith.cmpi ne, %sign3A_114, %ne3A : vector<32x512xi32>
    %rem3A = vector.broadcast %jit3A_104 : i32 to vector<32x512xi32>
    %rem3A_123 = arith.remsi %iota3A_103, %rem3A : vector<32x512xi32>
    %ne3A_124 = arith.constant 0 : i32
    %ne3A_125 = vector.broadcast %ne3A_124 : i32 to vector<32x512xi32>
    %ne3A_126 = arith.cmpi ne, %rem3A_123, %ne3A_125 : vector<32x512xi32>
    %and3A_127 = arith.andi %ne3A_122, %ne3A_126 : vector<32x512xi1>
    %sub3A_128 = arith.constant 1 : i32
    %sub3A_129 = vector.broadcast %sub3A_128 : i32 to vector<32x512xi32>
    %sub3A_130 = arith.subi %div3A_106, %sub3A_129 : vector<32x512xi32>
    %select_n3A_131 = arith.select %and3A_127, %sub3A_130, %div3A_106 : vector<32x512xi1>, vector<32x512xi32>
    %eq3A_132 = arith.cmpi eq, %select_n3A_131, %iota3A_102 : vector<32x512xi32>
    %convert_element_type3A_133 = arith.extui %eq3A_132 : vector<32x512xi1> to vector<32x512xi32>
    %convert_element_type3A_134 = arith.sitofp %convert_element_type3A_133 : vector<32x512xi32> to vector<32x512xf32>
    %iota3A_135 = tpu.iota {dimensions = array<i32: 0>} : vector<512x16xi32>
    %iota3A_136 = tpu.iota {dimensions = array<i32: 1>} : vector<512x16xi32>
    %jit3A_137 = arith.constant 16 : i32
    %eq3A_138 = arith.constant 0 : i32
    %eq3A_139 = arith.cmpi eq, %jit3A_137, %eq3A_138 : i32
    %jit3A_140 = arith.constant 1 : i32
    %select_n3A_141 = arith.select %eq3A_139, %jit3A_140, %jit3A_137 : i32
    %rem3A_142 = vector.broadcast %select_n3A_141 : i32 to vector<512x16xi32>
    %rem3A_143 = arith.remsi %iota3A_135, %rem3A_142 : vector<512x16xi32>
    %ne3A_144 = arith.constant 0 : i32
    %ne3A_145 = vector.broadcast %ne3A_144 : i32 to vector<512x16xi32>
    %ne3A_146 = arith.cmpi ne, %rem3A_143, %ne3A_145 : vector<512x16xi32>
    %lt3A_147 = arith.constant 0 : i32
    %lt3A_148 = vector.broadcast %lt3A_147 : i32 to vector<512x16xi32>
    %lt3A_149 = arith.cmpi slt, %rem3A_143, %lt3A_148 : vector<512x16xi32>
    %lt3A_150 = arith.constant 0 : i32
    %lt3A_151 = arith.cmpi slt, %select_n3A_141, %lt3A_150 : i32
    %ne3A_152 = vector.broadcast %lt3A_151 : i1 to vector<512x16xi1>
    %ne3A_153 = vector.broadcast %ne3A_152 : vector<512x16xi1> to vector<512x16xi1>
    %ne3A_154 = arith.xori %lt3A_149, %ne3A_153 : vector<512x16xi1>
    %and3A_155 = arith.andi %ne3A_154, %ne3A_146 : vector<512x16xi1>
    %add3A_156 = vector.broadcast %select_n3A_141 : i32 to vector<512x16xi32>
    %add3A_157 = arith.addi %rem3A_143, %add3A_156 : vector<512x16xi32>
    %select_n3A_158 = arith.select %and3A_155, %add3A_157, %rem3A_143 : vector<512x16xi1>, vector<512x16xi32>
    %eq3A_159 = arith.cmpi eq, %select_n3A_158, %iota3A_136 : vector<512x16xi32>
    %convert_element_type3A_160 = arith.extui %eq3A_159 : vector<512x16xi1> to vector<512x16xi32>
    %convert_element_type3A_161 = arith.sitofp %convert_element_type3A_160 : vector<512x16xi32> to vector<512x16xf32>
    %dot_general3A_162 = arith.constant dense<0.000000e+00> : vector<1280x512xf32>
    %dot_general3A_163 = tpu.matmul %dot_general3A_21, %convert_element_type3A_134, %dot_general3A_162 {dimension_numbers = #tpu.dot_dimension_numbers<[1], [0], [0], [1], [0, 0, 1, 1], [], []>, transpose_lhs_hint = false} : vector<1280x32xf32>, vector<32x512xf32>, vector<1280x512xf32> -> vector<1280x512xf32>
    %mul3A_164 = arith.mulf %mul3A_91, %dot_general3A_163 : vector<1280x512xf32>
    %dot_general3A_165 = arith.constant dense<0.000000e+00> : vector<1280x16xf32>
    %dot_general3A_166 = tpu.matmul %mul3A_164, %convert_element_type3A_161, %dot_general3A_165 {dimension_numbers = #tpu.dot_dimension_numbers<[1], [0], [0], [1], [0, 0, 1, 1], [], []>, transpose_lhs_hint = false} : vector<1280x512xf32>, vector<512x16xf32>, vector<1280x16xf32> -> vector<1280x16xf32>
    %iota3A_167 = tpu.iota {dimensions = array<i32: 0>} : vector<32x1024xi32>
    %iota3A_168 = tpu.iota {dimensions = array<i32: 1>} : vector<32x1024xi32>
    %jit3A_169 = arith.constant 32 : i32
    %div3A_170 = vector.broadcast %jit3A_169 : i32 to vector<32x1024xi32>
    %div3A_171 = arith.divsi %iota3A_168, %div3A_170 : vector<32x1024xi32>
    %sign3A_172 = arith.constant 0 : i32
    %sign3A_173 = vector.broadcast %sign3A_172 : i32 to vector<32x1024xi32>
    %sign3A_174 = arith.cmpi sgt, %iota3A_168, %sign3A_173 : vector<32x1024xi32>
    %sign3A_175 = arith.extui %sign3A_174 : vector<32x1024xi1> to vector<32x1024xi32>
    %sign3A_176 = arith.constant 0 : i32
    %sign3A_177 = vector.broadcast %sign3A_176 : i32 to vector<32x1024xi32>
    %sign3A_178 = arith.cmpi slt, %iota3A_168, %sign3A_177 : vector<32x1024xi32>
    %sign3A_179 = arith.extui %sign3A_178 : vector<32x1024xi1> to vector<32x1024xi32>
    %sign3A_180 = arith.subi %sign3A_175, %sign3A_179 : vector<32x1024xi32>
    %sign3A_181 = arith.constant 0 : i32
    %sign3A_182 = arith.cmpi sgt, %jit3A_169, %sign3A_181 : i32
    %sign3A_183 = arith.extui %sign3A_182 : i1 to i32
    %sign3A_184 = arith.constant 0 : i32
    %sign3A_185 = arith.cmpi slt, %jit3A_169, %sign3A_184 : i32
    %sign3A_186 = arith.extui %sign3A_185 : i1 to i32
    %sign3A_187 = arith.subi %sign3A_183, %sign3A_186 : i32
    %ne3A_188 = vector.broadcast %sign3A_187 : i32 to vector<32x1024xi32>
    %ne3A_189 = arith.cmpi ne, %sign3A_180, %ne3A_188 : vector<32x1024xi32>
    %rem3A_190 = vector.broadcast %jit3A_169 : i32 to vector<32x1024xi32>
    %rem3A_191 = arith.remsi %iota3A_168, %rem3A_190 : vector<32x1024xi32>
    %ne3A_192 = arith.constant 0 : i32
    %ne3A_193 = vector.broadcast %ne3A_192 : i32 to vector<32x1024xi32>
    %ne3A_194 = arith.cmpi ne, %rem3A_191, %ne3A_193 : vector<32x1024xi32>
    %and3A_195 = arith.andi %ne3A_189, %ne3A_194 : vector<32x1024xi1>
    %sub3A_196 = arith.constant 1 : i32
    %sub3A_197 = vector.broadcast %sub3A_196 : i32 to vector<32x1024xi32>
    %sub3A_198 = arith.subi %div3A_171, %sub3A_197 : vector<32x1024xi32>
    %select_n3A_199 = arith.select %and3A_195, %sub3A_198, %div3A_171 : vector<32x1024xi1>, vector<32x1024xi32>
    %eq3A_200 = arith.cmpi eq, %select_n3A_199, %iota3A_167 : vector<32x1024xi32>
    %convert_element_type3A_201 = arith.extui %eq3A_200 : vector<32x1024xi1> to vector<32x1024xi32>
    %convert_element_type3A_202 = arith.sitofp %convert_element_type3A_201 : vector<32x1024xi32> to vector<32x1024xf32>
    %convert_element_type3A_203 = arith.truncf %convert_element_type3A_202 : vector<32x1024xf32> to vector<32x1024xbf16>
    %iota3A_204 = tpu.iota {dimensions = array<i32: 0>} : vector<1024x32xi32>
    %iota3A_205 = tpu.iota {dimensions = array<i32: 1>} : vector<1024x32xi32>
    %jit3A_206 = arith.constant 32 : i32
    %eq3A_207 = arith.constant 0 : i32
    %eq3A_208 = arith.cmpi eq, %jit3A_206, %eq3A_207 : i32
    %jit3A_209 = arith.constant 1 : i32
    %select_n3A_210 = arith.select %eq3A_208, %jit3A_209, %jit3A_206 : i32
    %rem3A_211 = vector.broadcast %select_n3A_210 : i32 to vector<1024x32xi32>
    %rem3A_212 = arith.remsi %iota3A_204, %rem3A_211 : vector<1024x32xi32>
    %ne3A_213 = arith.constant 0 : i32
    %ne3A_214 = vector.broadcast %ne3A_213 : i32 to vector<1024x32xi32>
    %ne3A_215 = arith.cmpi ne, %rem3A_212, %ne3A_214 : vector<1024x32xi32>
    %lt3A_216 = arith.constant 0 : i32
    %lt3A_217 = vector.broadcast %lt3A_216 : i32 to vector<1024x32xi32>
    %lt3A_218 = arith.cmpi slt, %rem3A_212, %lt3A_217 : vector<1024x32xi32>
    %lt3A_219 = arith.constant 0 : i32
    %lt3A_220 = arith.cmpi slt, %select_n3A_210, %lt3A_219 : i32
    %ne3A_221 = vector.broadcast %lt3A_220 : i1 to vector<1024x32xi1>
    %ne3A_222 = vector.broadcast %ne3A_221 : vector<1024x32xi1> to vector<1024x32xi1>
    %ne3A_223 = arith.xori %lt3A_218, %ne3A_222 : vector<1024x32xi1>
    %and3A_224 = arith.andi %ne3A_223, %ne3A_215 : vector<1024x32xi1>
    %add3A_225 = vector.broadcast %select_n3A_210 : i32 to vector<1024x32xi32>
    %add3A_226 = arith.addi %rem3A_212, %add3A_225 : vector<1024x32xi32>
    %select_n3A_227 = arith.select %and3A_224, %add3A_226, %rem3A_212 : vector<1024x32xi1>, vector<1024x32xi32>
    %eq3A_228 = arith.cmpi eq, %select_n3A_227, %iota3A_205 : vector<1024x32xi32>
    %convert_element_type3A_229 = arith.extui %eq3A_228 : vector<1024x32xi1> to vector<1024x32xi32>
    %convert_element_type3A_230 = arith.sitofp %convert_element_type3A_229 : vector<1024x32xi32> to vector<1024x32xf32>
    %convert_element_type3A_231 = arith.truncf %convert_element_type3A_230 : vector<1024x32xf32> to vector<1024x32xbf16>
    %convert_element_type3A_232 = arith.truncf %dot_general3A_21 : vector<1280x32xf32> to vector<1280x32xbf16>
    %dot_general3A_233 = arith.constant dense<0.000000e+00> : vector<1280x1024xf32>
    %dot_general3A_234 = tpu.matmul %convert_element_type3A_232, %convert_element_type3A_203, %dot_general3A_233 {dimension_numbers = #tpu.dot_dimension_numbers<[1], [0], [0], [1], [0, 0, 1, 1], [], []>, transpose_lhs_hint = false} : vector<1280x32xbf16>, vector<32x1024xbf16>, vector<1280x1024xf32> -> vector<1280x1024xf32>
    %mul3A_235 = arith.mulf %mul3A_101, %dot_general3A_234 : vector<1280x1024xf32>
    %convert_element_type3A_236 = arith.truncf %mul3A_235 : vector<1280x1024xf32> to vector<1280x1024xbf16>
    %dot_general3A_237 = arith.constant dense<0.000000e+00> : vector<1280x32xf32>
    %dot_general3A_238 = tpu.matmul %convert_element_type3A_236, %convert_element_type3A_231, %dot_general3A_237 {dimension_numbers = #tpu.dot_dimension_numbers<[1], [0], [0], [1], [0, 0, 1, 1], [], []>, transpose_lhs_hint = false} : vector<1280x1024xbf16>, vector<1024x32xbf16>, vector<1280x32xf32> -> vector<1280x32xf32>
    %mul3A_239 = arith.mulf %dot_general3A_23, %dot_general3A_166 : vector<1280x16xf32>
    %reduce_sum3A = arith.constant dense<0.000000e+00> : vector<1280xf32>
    %reduce_sum3A_240 = vector.multi_reduction <add>, %mul3A_239, %reduce_sum3A [1] : vector<1280x16xf32> to vector<1280xf32>
    %broadcast_in_dim3A_241 = vector.shape_cast %reduce_sum3A_240 : vector<1280xf32> to vector<1280x1xf32>
    %mul3A_242 = arith.constant 0.166666672 : f32
    %mul3A_243 = vector.broadcast %mul3A_242 : f32 to vector<1280x1xf32>
    %mul3A_244 = arith.mulf %sqrt3A, %mul3A_243 : vector<1280x1xf32>
    %sub3A_245 = arith.constant 1.000000e+00 : f32
    %sub3A_246 = vector.broadcast %sub3A_245 : f32 to vector<1280x1xf32>
    %sub3A_247 = arith.subf %sub3A_246, %mul3A_244 : vector<1280x1xf32>
    %mul3A_248 = arith.constant 1.000000e+01 : f32
    %mul3A_249 = vector.broadcast %mul3A_248 : f32 to vector<1280x1xf32>
    %mul3A_250 = arith.mulf %mul3A_249, %sub3A_247 : vector<1280x1xf32>
    %gt3A_251 = arith.constant 0.000000e+00 : f32
    %gt3A_252 = vector.broadcast %gt3A_251 : f32 to vector<1280x1xf32>
    %gt3A_253 = arith.cmpf ogt, %mul3A_250, %gt3A_252 : vector<1280x1xf32>
    %jit3A_254 = arith.constant 1.000000e+00 : f32
    %broadcast_in_dim3A_255 = vector.broadcast %jit3A_254 : f32 to vector<1280x1xf32>
    %select_n3A_256 = arith.select %gt3A_253, %mul3A_250, %broadcast_in_dim3A_255 : vector<1280x1xi1>, vector<1280x1xf32>
    %gt3A_257 = arith.constant 0.000000e+00 : f32
    %gt3A_258 = vector.broadcast %gt3A_257 : f32 to vector<1280x1xf32>
    %gt3A_259 = arith.cmpf ogt, %mul3A_250, %gt3A_258 : vector<1280x1xf32>
    %div3A_260 = arith.constant -1.000000e+00 : f32
    %div3A_261 = vector.broadcast %div3A_260 : f32 to vector<1280x1xf32>
    %div3A_262 = arith.divf %div3A_261, %select_n3A_256 : vector<1280x1xf32>
    %exp3A_263 = math.exp %div3A_262 : vector<1280x1xf32>
    %jit3A_264 = arith.constant 0.000000e+00 : f32
    %broadcast_in_dim3A_265 = vector.broadcast %jit3A_264 : f32 to vector<1280x1xf32>
    %select_n3A_266 = arith.select %gt3A_259, %exp3A_263, %broadcast_in_dim3A_265 : vector<1280x1xi1>, vector<1280x1xf32>
    %mul3A_267 = arith.mulf %select_n3A_266, %broadcast_in_dim3A_241 : vector<1280x1xf32>
    %exp3A_268 = math.exp %mul3A_267 : vector<1280x1xf32>
    %mul3A_269 = arith.constant 5.000000e-01 : f32
    %mul3A_270 = vector.broadcast %mul3A_269 : f32 to vector<1280x1xf32>
    %mul3A_271 = arith.mulf %mul3A_270, %mul3A_267 : vector<1280x1xf32>
    %exp3A_272 = math.exp %mul3A_271 : vector<1280x1xf32>
    %mul3A_273 = vector.broadcast %exp3A_272 : vector<1280x1xf32> to vector<1280x32xf32>
    %mul3A_274 = arith.mulf %mul3A_273, %dot_general3A_238 : vector<1280x32xf32>
    %mul3A_275 = arith.constant 0.176776692 : f32
    %mul3A_276 = vector.broadcast %mul3A_275 : f32 to vector<1280x32xf32>
    %mul3A_277 = arith.mulf %mul3A_274, %mul3A_276 : vector<1280x32xf32>
    %broadcast_in_dim3A_278 = arith.constant 0.000000e+00 : f32
    %broadcast_in_dim3A_279 = vector.broadcast %broadcast_in_dim3A_278 : f32 to vector<1280x95xf32>
    %concatenate3A = tpu.concatenate %mul3A_277, %exp3A_268, %broadcast_in_dim3A_279 in 1 : vector<1280x32xf32>, vector<1280x1xf32>, vector<1280x95xf32> -> vector<1280x128xf32>
    %swap3A = arith.constant 0 : index
    %swap3A_280 = arith.constant 0 : index
    %swap3A_281 = vector.load %arg8[%swap3A, %swap3A_280] : memref<1280x128xf32, #tpu.memory_space<vmem>>, vector<1280x128xf32>
    tpu.vector_store %arg8[%swap3A, %swap3A_280], %concatenate3A {strides = array<i32>} : memref<1280x128xf32, #tpu.memory_space<vmem>>, vector<1280x128xf32>,
    return
  }
  func.func @transform_0(%arg0: i32) -> (i32, i32) {
    %c0_i32 = arith.constant 0 : i32
    %c0_i32_0 = arith.constant 0 : i32
    return %arg0, %c0_i32 : i32, i32
  }
  func.func @transform_1(%arg0: i32) -> (i32, i32) {
    %c0_i32 = arith.constant 0 : i32
    %c0_i32_0 = arith.constant 0 : i32
    return %arg0, %c0_i32 : i32, i32
  }
  func.func @transform_2(%arg0: i32) -> (i32, i32) {
    %add3A = arith.constant 54 : i32
    %add3A_0 = arith.addi %arg0, %add3A : i32
    %c0_i32 = arith.constant 0 : i32
    %c0_i32_1 = arith.constant 0 : i32
    return %c0_i32, %add3A_0 : i32, i32
  }
  func.func @transform_3(%arg0: i32) -> (i32, i32) {
    %c0_i32 = arith.constant 0 : i32
    %c0_i32_0 = arith.constant 0 : i32
    %c0_i32_1 = arith.constant 0 : i32
    return %c0_i32, %c0_i32_0 : i32, i32
  }
  func.func @transform_4(%arg0: i32) -> (i32, i32) {
    %c0_i32 = arith.constant 0 : i32
    %c0_i32_0 = arith.constant 0 : i32
    %c0_i32_1 = arith.constant 0 : i32
    return %c0_i32, %c0_i32_0 : i32, i32
  }
  func.func @transform_5(%arg0: i32) -> (i32, i32) {
    %c0_i32 = arith.constant 0 : i32
    %c0_i32_0 = arith.constant 0 : i32
    %c0_i32_1 = arith.constant 0 : i32
    return %c0_i32, %c0_i32_0 : i32, i32
  }
  func.func @transform_6(%arg0: i32) -> (i32, i32) {
    %c0_i32 = arith.constant 0 : i32
    %c0_i32_0 = arith.constant 0 : i32
    %c0_i32_1 = arith.constant 0 : i32
    return %c0_i32, %c0_i32_0 : i32, i32
  }
  func.func @transform_7(%arg0: i32) -> (i32, i32) {
    %c0_i32 = arith.constant 0 : i32
    %c0_i32_0 = arith.constant 0 : i32
    return %arg0, %c0_i32 : i32, i32
  }
}

module attributes {stable_mosaic.version = 14 : i64} {
  func.func @_edge_body(%arg0: i32, %arg1: memref<1280x128xf32, #tpu.memory_space<vmem>>, %arg2: memref<1280x128xf32, #tpu.memory_space<vmem>>, %arg3: memref<16x1280xf32, #tpu.memory_space<vmem>>, %arg4: memref<8x256xf32, #tpu.memory_space<vmem>>, %arg5: memref<16x256xf32, #tpu.memory_space<vmem>>, %arg6: memref<128x512xf32, #tpu.memory_space<vmem>>, %arg7: memref<128x1024xf32, #tpu.memory_space<vmem>>, %arg8: memref<1280x128xf32, #tpu.memory_space<vmem>>) attributes {dimension_semantics = [#tpu.dimension_semantics<arbitrary>], iteration_bounds = array<i64: 21>, scalar_prefetch = 0 : i64, scratch_operands = 0 : i64, tpu.core_type = #tpu.core_type<tc>, window_params = [{transform_indices = @transform_0, window_bounds = array<i64: 1280, 128>}, {transform_indices = @transform_1, window_bounds = array<i64: 1280, 128>}, {transform_indices = @transform_2, window_bounds = array<i64: 16, 1280>}, {pipeline_mode = #tpu.pipeline_mode<synchronous>, transform_indices = @transform_3, window_bounds = array<i64: 8, 256>}, {pipeline_mode = #tpu.pipeline_mode<synchronous>, transform_indices = @transform_4, window_bounds = array<i64: 16, 256>}, {pipeline_mode = #tpu.pipeline_mode<synchronous>, transform_indices = @transform_5, window_bounds = array<i64: 128, 512>}, {pipeline_mode = #tpu.pipeline_mode<synchronous>, transform_indices = @transform_6, window_bounds = array<i64: 128, 1024>}, {transform_indices = @transform_7, window_bounds = array<i64: 1280, 128>}]} {
    %get3A = arith.constant 0 : index
    %get3A_0 = arith.constant 0 : index
    %get3A_1 = vector.load %arg1[%get3A, %get3A_0] : memref<1280x128xf32, #tpu.memory_space<vmem>>, vector<1280x128xf32>
    %get3A_2 = arith.constant 0 : index
    %get3A_3 = arith.constant 0 : index
    %get3A_4 = vector.load %arg2[%get3A_2, %get3A_3] : memref<1280x128xf32, #tpu.memory_space<vmem>>, vector<1280x128xf32>
    %iota3A = tpu.iota {dimensions = array<i32: 0>} : vector<128x32xi32>
    %iota3A_5 = tpu.iota {dimensions = array<i32: 1>} : vector<128x32xi32>
    %eq3A = arith.cmpi eq, %iota3A, %iota3A_5 : vector<128x32xi32>
    %convert_element_type3A = arith.extui %eq3A : vector<128x32xi1> to vector<128x32xi32>
    %convert_element_type3A_6 = arith.sitofp %convert_element_type3A : vector<128x32xi32> to vector<128x32xf32>
    %iota3A_7 = tpu.iota {dimensions = array<i32: 0>} : vector<128x16xi32>
    %iota3A_8 = tpu.iota {dimensions = array<i32: 1>} : vector<128x16xi32>
    %add3A = arith.constant 32 : i32
    %add3A_9 = vector.broadcast %add3A : i32 to vector<128x16xi32>
    %add3A_10 = arith.addi %iota3A_8, %add3A_9 : vector<128x16xi32>
    %eq3A_11 = arith.cmpi eq, %iota3A_7, %add3A_10 : vector<128x16xi32>
    %convert_element_type3A_12 = arith.extui %eq3A_11 : vector<128x16xi1> to vector<128x16xi32>
    %convert_element_type3A_13 = arith.sitofp %convert_element_type3A_12 : vector<128x16xi32> to vector<128x16xf32>
    %iota3A_14 = tpu.iota {dimensions = array<i32: 0>} : vector<128x1xi32>
    %ge3A = arith.constant 48 : i32
    %ge3A_15 = vector.broadcast %ge3A : i32 to vector<128x1xi32>
    %ge3A_16 = arith.cmpi sge, %iota3A_14, %ge3A_15 : vector<128x1xi32>
    %lt3A = arith.constant 51 : i32
    %lt3A_17 = vector.broadcast %lt3A : i32 to vector<128x1xi32>
    %lt3A_18 = arith.cmpi slt, %iota3A_14, %lt3A_17 : vector<128x1xi32>
    %and3A = arith.andi %ge3A_16, %lt3A_18 : vector<128x1xi1>
    %convert_element_type3A_19 = arith.extui %and3A : vector<128x1xi1> to vector<128x1xi32>
    %convert_element_type3A_20 = arith.sitofp %convert_element_type3A_19 : vector<128x1xi32> to vector<128x1xf32>
    %dot_general3A = arith.constant dense<0.000000e+00> : vector<1280x32xf32>
    %dot_general3A_21 = tpu.matmul %get3A_1, %convert_element_type3A_6, %dot_general3A {dimension_numbers = #tpu.dot_dimension_numbers<[1], [0], [0], [1], [0, 0, 1, 1], [], []>, transpose_lhs_hint = false} : vector<1280x128xf32>, vector<128x32xf32>, vector<1280x32xf32> -> vector<1280x32xf32>
    %dot_general3A_22 = arith.constant dense<0.000000e+00> : vector<1280x16xf32>
    %dot_general3A_23 = tpu.matmul %get3A_4, %convert_element_type3A_13, %dot_general3A_22 {dimension_numbers = #tpu.dot_dimension_numbers<[1], [0], [0], [1], [0, 0, 1, 1], [], []>, transpose_lhs_hint = false} : vector<1280x128xf32>, vector<128x16xf32>, vector<1280x16xf32> -> vector<1280x16xf32>
    %sub3A = arith.subf %get3A_1, %get3A_4 : vector<1280x128xf32>
    %mul3A = arith.mulf %sub3A, %sub3A : vector<1280x128xf32>
    %dot_general3A_24 = arith.constant dense<0.000000e+00> : vector<1280x1xf32>
    %dot_general3A_25 = tpu.matmul %mul3A, %convert_element_type3A_20, %dot_general3A_24 {dimension_numbers = #tpu.dot_dimension_numbers<[1], [0], [0], [1], [0, 0, 1, 1], [], []>, transpose_lhs_hint = false} : vector<1280x128xf32>, vector<128x1xf32>, vector<1280x1xf32> -> vector<1280x1xf32>
    %add3A_26 = arith.constant 1.000000e-24 : f32
    %add3A_27 = vector.broadcast %add3A_26 : f32 to vector<1280x1xf32>
    %add3A_28 = arith.addf %dot_general3A_25, %add3A_27 : vector<1280x1xf32>
    %sqrt3A = math.sqrt %add3A_28 : vector<1280x1xf32>
    %iota3A_29 = tpu.iota {dimensions = array<i32: 1>} : vector<1280x8xi32>
    %convert_element_type3A_30 = arith.sitofp %iota3A_29 : vector<1280x8xi32> to vector<1280x8xf32>
    %add3A_31 = arith.constant 1.000000e+00 : f32
    %add3A_32 = vector.broadcast %add3A_31 : f32 to vector<1280x8xf32>
    %add3A_33 = arith.addf %convert_element_type3A_30, %add3A_32 : vector<1280x8xf32>
    %mul3A_34 = arith.constant 0.666666686 : f32
    %mul3A_35 = vector.broadcast %mul3A_34 : f32 to vector<1280x8xf32>
    %mul3A_36 = arith.mulf %add3A_33, %mul3A_35 : vector<1280x8xf32>
    %sub3A_37 = vector.broadcast %sqrt3A : vector<1280x1xf32> to vector<1280x8xf32>
    %sub3A_38 = arith.subf %sub3A_37, %mul3A_36 : vector<1280x8xf32>
    %mul3A_39 = arith.constant 1.500000e+00 : f32
    %mul3A_40 = vector.broadcast %mul3A_39 : f32 to vector<1280x8xf32>
    %mul3A_41 = arith.mulf %sub3A_38, %mul3A_40 : vector<1280x8xf32>
    %mul3A_42 = arith.mulf %mul3A_41, %mul3A_41 : vector<1280x8xf32>
    %sub3A_43 = arith.constant 1.000000e+00 : f32
    %sub3A_44 = vector.broadcast %sub3A_43 : f32 to vector<1280x8xf32>
    %sub3A_45 = arith.subf %sub3A_44, %mul3A_42 : vector<1280x8xf32>
    %gt3A = arith.constant 0.000000e+00 : f32
    %gt3A_46 = vector.broadcast %gt3A : f32 to vector<1280x8xf32>
    %gt3A_47 = arith.cmpf ogt, %sub3A_45, %gt3A_46 : vector<1280x8xf32>
    %jit3A = arith.constant 1.000000e+00 : f32
    %broadcast_in_dim3A = vector.broadcast %jit3A : f32 to vector<1280x8xf32>
    %select_n3A = arith.select %gt3A_47, %sub3A_45, %broadcast_in_dim3A : vector<1280x8xi1>, vector<1280x8xf32>
    %div3A = arith.constant -2.000000e+00 : f32
    %div3A_48 = vector.broadcast %div3A : f32 to vector<1280x8xf32>
    %div3A_49 = arith.divf %div3A_48, %select_n3A : vector<1280x8xf32>
    %exp3A = math.exp %div3A_49 : vector<1280x8xf32>
    %mul3A_50 = arith.constant 23.8537464 : f32
    %mul3A_51 = vector.broadcast %mul3A_50 : f32 to vector<1280x8xf32>
    %mul3A_52 = arith.mulf %mul3A_51, %exp3A : vector<1280x8xf32>
    %jit3A_53 = arith.constant 0.000000e+00 : f32
    %broadcast_in_dim3A_54 = vector.broadcast %jit3A_53 : f32 to vector<1280x8xf32>
    %select_n3A_55 = arith.select %gt3A_47, %mul3A_52, %broadcast_in_dim3A_54 : vector<1280x8xi1>, vector<1280x8xf32>
    %get3A_56 = arith.constant 0 : index
    %get3A_57 = arith.constant 0 : index
    %get3A_58 = vector.load %arg4[%get3A_56, %get3A_57] : memref<8x256xf32, #tpu.memory_space<vmem>>, vector<8x256xf32>
    %dot_general3A_59 = arith.constant dense<0.000000e+00> : vector<1280x256xf32>
    %dot_general3A_60 = tpu.matmul %select_n3A_55, %get3A_58, %dot_general3A_59 {dimension_numbers = #tpu.dot_dimension_numbers<[1], [0], [0], [1], [0, 0, 1, 1], [], []>, transpose_lhs_hint = false} : vector<1280x8xf32>, vector<8x256xf32>, vector<1280x256xf32> -> vector<1280x256xf32>
    %get3A_61 = arith.constant 0 : index
    %get3A_62 = arith.constant 0 : index
    %get3A_63 = vector.load %arg3[%get3A_61, %get3A_62] : memref<16x1280xf32, #tpu.memory_space<vmem>>, vector<16x1280xf32>
    %get3A_64 = arith.constant 0 : index
    %get3A_65 = arith.constant 0 : index
    %get3A_66 = vector.load %arg5[%get3A_64, %get3A_65] : memref<16x256xf32, #tpu.memory_space<vmem>>, vector<16x256xf32>
    %dot_general3A_67 = arith.constant dense<0.000000e+00> : vector<1280x256xf32>
    %dot_general3A_68 = tpu.matmul %get3A_63, %get3A_66, %dot_general3A_67 {dimension_numbers = #tpu.dot_dimension_numbers<[0], [0], [1], [1], [0, 1, 1, 1], [], []>, transpose_lhs_hint = false} : vector<16x1280xf32>, vector<16x256xf32>, vector<1280x256xf32> -> vector<1280x256xf32>
    %add3A_69 = arith.addf %dot_general3A_60, %dot_general3A_68 : vector<1280x256xf32>
    %mul3A_70 = arith.constant 0.204124153 : f32
    %mul3A_71 = vector.broadcast %mul3A_70 : f32 to vector<1280x256xf32>
    %mul3A_72 = arith.mulf %add3A_69, %mul3A_71 : vector<1280x256xf32>
    %neg3A = arith.constant 0.000000e+00 : f32
    %neg3A_73 = vector.broadcast %neg3A : f32 to vector<1280x256xf32>
    %neg3A_74 = arith.subf %neg3A_73, %mul3A_72 : vector<1280x256xf32>
    %exp3A_75 = math.exp %neg3A_74 : vector<1280x256xf32>
    %add3A_76 = arith.constant 1.000000e+00 : f32
    %add3A_77 = vector.broadcast %add3A_76 : f32 to vector<1280x256xf32>
    %add3A_78 = arith.addf %add3A_77, %exp3A_75 : vector<1280x256xf32>
    %div3A_79 = arith.divf %mul3A_72, %add3A_78 : vector<1280x256xf32>
    %mul3A_80 = arith.constant 1.676800e+00 : f32
    %mul3A_81 = vector.broadcast %mul3A_80 : f32 to vector<1280x256xf32>
    %mul3A_82 = arith.mulf %div3A_79, %mul3A_81 : vector<1280x256xf32>
    %slice3A = vector.extract_strided_slice %mul3A_82 {offsets = [0, 0], sizes = [1280, 128], strides = [1, 1]} : vector<1280x256xf32> to vector<1280x128xf32>
    %slice3A_83 = vector.extract_strided_slice %mul3A_82 {offsets = [0, 128], sizes = [1280, 128], strides = [1, 1]} : vector<1280x256xf32> to vector<1280x128xf32>
    %get3A_84 = arith.constant 0 : index
    %get3A_85 = arith.constant 0 : index
    %get3A_86 = vector.load %arg6[%get3A_84, %get3A_85] : memref<128x512xf32, #tpu.memory_space<vmem>>, vector<128x512xf32>
    %dot_general3A_87 = arith.constant dense<0.000000e+00> : vector<1280x512xf32>
    %dot_general3A_88 = tpu.matmul %slice3A, %get3A_86, %dot_general3A_87 {dimension_numbers = #tpu.dot_dimension_numbers<[1], [0], [0], [1], [0, 0, 1, 1], [], []>, transpose_lhs_hint = false} : vector<1280x128xf32>, vector<128x512xf32>, vector<1280x512xf32> -> vector<1280x512xf32>
    %mul3A_89 = arith.constant 0.0883883461 : f32
    %mul3A_90 = vector.broadcast %mul3A_89 : f32 to vector<1280x512xf32>
    %mul3A_91 = arith.mulf %dot_general3A_88, %mul3A_90 : vector<1280x512xf32>
    %convert_element_type3A_92 = arith.truncf %slice3A_83 : vector<1280x128xf32> to vector<1280x128xbf16>
    %get3A_93 = arith.constant 0 : index
    %get3A_94 = arith.constant 0 : index
    %get3A_95 = vector.load %arg7[%get3A_93, %get3A_94] : memref<128x1024xf32, #tpu.memory_space<vmem>>, vector<128x1024xf32>
    %convert_element_type3A_96 = arith.truncf %get3A_95 : vector<128x1024xf32> to vector<128x1024xbf16>
    %dot_general3A_97 = arith.constant dense<0.000000e+00> : vector<1280x1024xf32>
    %dot_general3A_98 = tpu.matmul %convert_element_type3A_92, %convert_element_type3A_96, %dot_general3A_97 {dimension_numbers = #tpu.dot_dimension_numbers<[1], [0], [0], [1], [0, 0, 1, 1], [], []>, transpose_lhs_hint = false} : vector<1280x128xbf16>, vector<128x1024xbf16>, vector<1280x1024xf32> -> vector<1280x1024xf32>
    %mul3A_99 = arith.constant 0.0883883461 : f32
    %mul3A_100 = vector.broadcast %mul3A_99 : f32 to vector<1280x1024xf32>
    %mul3A_101 = arith.mulf %dot_general3A_98, %mul3A_100 : vector<1280x1024xf32>
    %iota3A_102 = tpu.iota {dimensions = array<i32: 0>} : vector<32x512xi32>
    %iota3A_103 = tpu.iota {dimensions = array<i32: 1>} : vector<32x512xi32>
    %jit3A_104 = arith.constant 16 : i32
    %div3A_105 = vector.broadcast %jit3A_104 : i32 to vector<32x512xi32>
    %div3A_106 = arith.divsi %iota3A_103, %div3A_105 : vector<32x512xi32>
    %sign3A = arith.constant 0 : i32
    %sign3A_107 = vector.broadcast %sign3A : i32 to vector<32x512xi32>
    %sign3A_108 = arith.cmpi sgt, %iota3A_103, %sign3A_107 : vector<32x512xi32>
    %sign3A_109 = arith.extui %sign3A_108 : vector<32x512xi1> to vector<32x512xi32>
    %sign3A_110 = arith.constant 0 : i32
    %sign3A_111 = vector.broadcast %sign3A_110 : i32 to vector<32x512xi32>
    %sign3A_112 = arith.cmpi slt, %iota3A_103, %sign3A_111 : vector<32x512xi32>
    %sign3A_113 = arith.extui %sign3A_112 : vector<32x512xi1> to vector<32x512xi32>
    %sign3A_114 = arith.subi %sign3A_109, %sign3A_113 : vector<32x512xi32>
    %sign3A_115 = arith.constant 0 : i32
    %sign3A_116 = arith.cmpi sgt, %jit3A_104, %sign3A_115 : i32
    %sign3A_117 = arith.extui %sign3A_116 : i1 to i32
    %sign3A_118 = arith.constant 0 : i32
    %sign3A_119 = arith.cmpi slt, %jit3A_104, %sign3A_118 : i32
    %sign3A_120 = arith.extui %sign3A_119 : i1 to i32
    %sign3A_121 = arith.subi %sign3A_117, %sign3A_120 : i32
    %ne3A = vector.broadcast %sign3A_121 : i32 to vector<32x512xi32>
    %ne3A_122 = arith.cmpi ne, %sign3A_114, %ne3A : vector<32x512xi32>
    %rem3A = vector.broadcast %jit3A_104 : i32 to vector<32x512xi32>
    %rem3A_123 = arith.remsi %iota3A_103, %rem3A : vector<32x512xi32>
    %ne3A_124 = arith.constant 0 : i32
    %ne3A_125 = vector.broadcast %ne3A_124 : i32 to vector<32x512xi32>
    %ne3A_126 = arith.cmpi ne, %rem3A_123, %ne3A_125 : vector<32x512xi32>
    %and3A_127 = arith.andi %ne3A_122, %ne3A_126 : vector<32x512xi1>
    %sub3A_128 = arith.constant 1 : i32
    %sub3A_129 = vector.broadcast %sub3A_128 : i32 to vector<32x512xi32>
    %sub3A_130 = arith.subi %div3A_106, %sub3A_129 : vector<32x512xi32>
    %select_n3A_131 = arith.select %and3A_127, %sub3A_130, %div3A_106 : vector<32x512xi1>, vector<32x512xi32>
    %eq3A_132 = arith.cmpi eq, %select_n3A_131, %iota3A_102 : vector<32x512xi32>
    %convert_element_type3A_133 = arith.extui %eq3A_132 : vector<32x512xi1> to vector<32x512xi32>
    %convert_element_type3A_134 = arith.sitofp %convert_element_type3A_133 : vector<32x512xi32> to vector<32x512xf32>
    %iota3A_135 = tpu.iota {dimensions = array<i32: 0>} : vector<512x16xi32>
    %iota3A_136 = tpu.iota {dimensions = array<i32: 1>} : vector<512x16xi32>
    %jit3A_137 = arith.constant 16 : i32
    %eq3A_138 = arith.constant 0 : i32
    %eq3A_139 = arith.cmpi eq, %jit3A_137, %eq3A_138 : i32
    %jit3A_140 = arith.constant 1 : i32
    %select_n3A_141 = arith.select %eq3A_139, %jit3A_140, %jit3A_137 : i32
    %rem3A_142 = vector.broadcast %select_n3A_141 : i32 to vector<512x16xi32>
    %rem3A_143 = arith.remsi %iota3A_135, %rem3A_142 : vector<512x16xi32>
    %ne3A_144 = arith.constant 0 : i32
    %ne3A_145 = vector.broadcast %ne3A_144 : i32 to vector<512x16xi32>
    %ne3A_146 = arith.cmpi ne, %rem3A_143, %ne3A_145 : vector<512x16xi32>
    %lt3A_147 = arith.constant 0 : i32
    %lt3A_148 = vector.broadcast %lt3A_147 : i32 to vector<512x16xi32>
    %lt3A_149 = arith.cmpi slt, %rem3A_143, %lt3A_148 : vector<512x16xi32>
    %lt3A_150 = arith.constant 0 : i32
    %lt3A_151 = arith.cmpi slt, %select_n3A_141, %lt3A_150 : i32
    %ne3A_152 = vector.broadcast %lt3A_151 : i1 to vector<512x16xi1>
    %ne3A_153 = vector.broadcast %ne3A_152 : vector<512x16xi1> to vector<512x16xi1>
    %ne3A_154 = arith.xori %lt3A_149, %ne3A_153 : vector<512x16xi1>
    %and3A_155 = arith.andi %ne3A_154, %ne3A_146 : vector<512x16xi1>
    %add3A_156 = vector.broadcast %select_n3A_141 : i32 to vector<512x16xi32>
    %add3A_157 = arith.addi %rem3A_143, %add3A_156 : vector<512x16xi32>
    %select_n3A_158 = arith.select %and3A_155, %add3A_157, %rem3A_143 : vector<512x16xi1>, vector<512x16xi32>
    %eq3A_159 = arith.cmpi eq, %select_n3A_158, %iota3A_136 : vector<512x16xi32>
    %convert_element_type3A_160 = arith.extui %eq3A_159 : vector<512x16xi1> to vector<512x16xi32>
    %convert_element_type3A_161 = arith.sitofp %convert_element_type3A_160 : vector<512x16xi32> to vector<512x16xf32>
    %dot_general3A_162 = arith.constant dense<0.000000e+00> : vector<1280x512xf32>
    %dot_general3A_163 = tpu.matmul %dot_general3A_21, %convert_element_type3A_134, %dot_general3A_162 {dimension_numbers = #tpu.dot_dimension_numbers<[1], [0], [0], [1], [0, 0, 1, 1], [], []>, transpose_lhs_hint = false} : vector<1280x32xf32>, vector<32x512xf32>, vector<1280x512xf32> -> vector<1280x512xf32>
    %mul3A_164 = arith.mulf %mul3A_91, %dot_general3A_163 : vector<1280x512xf32>
    %dot_general3A_165 = arith.constant dense<0.000000e+00> : vector<1280x16xf32>
    %dot_general3A_166 = tpu.matmul %mul3A_164, %convert_element_type3A_161, %dot_general3A_165 {dimension_numbers = #tpu.dot_dimension_numbers<[1], [0], [0], [1], [0, 0, 1, 1], [], []>, transpose_lhs_hint = false} : vector<1280x512xf32>, vector<512x16xf32>, vector<1280x16xf32> -> vector<1280x16xf32>
    %iota3A_167 = tpu.iota {dimensions = array<i32: 0>} : vector<32x1024xi32>
    %iota3A_168 = tpu.iota {dimensions = array<i32: 1>} : vector<32x1024xi32>
    %jit3A_169 = arith.constant 32 : i32
    %div3A_170 = vector.broadcast %jit3A_169 : i32 to vector<32x1024xi32>
    %div3A_171 = arith.divsi %iota3A_168, %div3A_170 : vector<32x1024xi32>
    %sign3A_172 = arith.constant 0 : i32
    %sign3A_173 = vector.broadcast %sign3A_172 : i32 to vector<32x1024xi32>
    %sign3A_174 = arith.cmpi sgt, %iota3A_168, %sign3A_173 : vector<32x1024xi32>
    %sign3A_175 = arith.extui %sign3A_174 : vector<32x1024xi1> to vector<32x1024xi32>
    %sign3A_176 = arith.constant 0 : i32
    %sign3A_177 = vector.broadcast %sign3A_176 : i32 to vector<32x1024xi32>
    %sign3A_178 = arith.cmpi slt, %iota3A_168, %sign3A_177 : vector<32x1024xi32>
    %sign3A_179 = arith.extui %sign3A_178 : vector<32x1024xi1> to vector<32x1024xi32>
    %sign3A_180 = arith.subi %sign3A_175, %sign3A_179 : vector<32x1024xi32>
    %sign3A_181 = arith.constant 0 : i32
    %sign3A_182 = arith.cmpi sgt, %jit3A_169, %sign3A_181 : i32
    %sign3A_183 = arith.extui %sign3A_182 : i1 to i32
    %sign3A_184 = arith.constant 0 : i32
    %sign3A_185 = arith.cmpi slt, %jit3A_169, %sign3A_184 : i32
    %sign3A_186 = arith.extui %sign3A_185 : i1 to i32
    %sign3A_187 = arith.subi %sign3A_183, %sign3A_186 : i32
    %ne3A_188 = vector.broadcast %sign3A_187 : i32 to vector<32x1024xi32>
    %ne3A_189 = arith.cmpi ne, %sign3A_180, %ne3A_188 : vector<32x1024xi32>
    %rem3A_190 = vector.broadcast %jit3A_169 : i32 to vector<32x1024xi32>
    %rem3A_191 = arith.remsi %iota3A_168, %rem3A_190 : vector<32x1024xi32>
    %ne3A_192 = arith.constant 0 : i32
    %ne3A_193 = vector.broadcast %ne3A_192 : i32 to vector<32x1024xi32>
    %ne3A_194 = arith.cmpi ne, %rem3A_191, %ne3A_193 : vector<32x1024xi32>
    %and3A_195 = arith.andi %ne3A_189, %ne3A_194 : vector<32x1024xi1>
    %sub3A_196 = arith.constant 1 : i32
    %sub3A_197 = vector.broadcast %sub3A_196 : i32 to vector<32x1024xi32>
    %sub3A_198 = arith.subi %div3A_171, %sub3A_197 : vector<32x1024xi32>
    %select_n3A_199 = arith.select %and3A_195, %sub3A_198, %div3A_171 : vector<32x1024xi1>, vector<32x1024xi32>
    %eq3A_200 = arith.cmpi eq, %select_n3A_199, %iota3A_167 : vector<32x1024xi32>
    %convert_element_type3A_201 = arith.extui %eq3A_200 : vector<32x1024xi1> to vector<32x1024xi32>
    %convert_element_type3A_202 = arith.sitofp %convert_element_type3A_201 : vector<32x1024xi32> to vector<32x1024xf32>
    %convert_element_type3A_203 = arith.truncf %convert_element_type3A_202 : vector<32x1024xf32> to vector<32x1024xbf16>
    %iota3A_204 = tpu.iota {dimensions = array<i32: 0>} : vector<1024x32xi32>
    %iota3A_205 = tpu.iota {dimensions = array<i32: 1>} : vector<1024x32xi32>
    %jit3A_206 = arith.constant 32 : i32
    %eq3A_207 = arith.constant 0 : i32
    %eq3A_208 = arith.cmpi eq, %jit3A_206, %eq3A_207 : i32
    %jit3A_209 = arith.constant 1 : i32
    %select_n3A_210 = arith.select %eq3A_208, %jit3A_209, %jit3A_206 : i32
    %rem3A_211 = vector.broadcast %select_n3A_210 : i32 to vector<1024x32xi32>
    %rem3A_212 = arith.remsi %iota3A_204, %rem3A_211 : vector<1024x32xi32>
    %ne3A_213 = arith.constant 0 : i32
    %ne3A_214 = vector.broadcast %ne3A_213 : i32 to vector<1024x32xi32>
    %ne3A_215 = arith.cmpi ne, %rem3A_212, %ne3A_214 : vector<1024x32xi32>
    %lt3A_216 = arith.constant 0 : i32
    %lt3A_217 = vector.broadcast %lt3A_216 : i32 to vector<1024x32xi32>
    %lt3A_218 = arith.cmpi slt, %rem3A_212, %lt3A_217 : vector<1024x32xi32>
    %lt3A_219 = arith.constant 0 : i32
    %lt3A_220 = arith.cmpi slt, %select_n3A_210, %lt3A_219 : i32
    %ne3A_221 = vector.broadcast %lt3A_220 : i1 to vector<1024x32xi1>
    %ne3A_222 = vector.broadcast %ne3A_221 : vector<1024x32xi1> to vector<1024x32xi1>
    %ne3A_223 = arith.xori %lt3A_218, %ne3A_222 : vector<1024x32xi1>
    %and3A_224 = arith.andi %ne3A_223, %ne3A_215 : vector<1024x32xi1>
    %add3A_225 = vector.broadcast %select_n3A_210 : i32 to vector<1024x32xi32>
    %add3A_226 = arith.addi %rem3A_212, %add3A_225 : vector<1024x32xi32>
    %select_n3A_227 = arith.select %and3A_224, %add3A_226, %rem3A_212 : vector<1024x32xi1>, vector<1024x32xi32>
    %eq3A_228 = arith.cmpi eq, %select_n3A_227, %iota3A_205 : vector<1024x32xi32>
    %convert_element_type3A_229 = arith.extui %eq3A_228 : vector<1024x32xi1> to vector<1024x32xi32>
    %convert_element_type3A_230 = arith.sitofp %convert_element_type3A_229 : vector<1024x32xi32> to vector<1024x32xf32>
    %convert_element_type3A_231 = arith.truncf %convert_element_type3A_230 : vector<1024x32xf32> to vector<1024x32xbf16>
    %convert_element_type3A_232 = arith.truncf %dot_general3A_21 : vector<1280x32xf32> to vector<1280x32xbf16>
    %dot_general3A_233 = arith.constant dense<0.000000e+00> : vector<1280x1024xf32>
    %dot_general3A_234 = tpu.matmul %convert_element_type3A_232, %convert_element_type3A_203, %dot_general3A_233 {dimension_numbers = #tpu.dot_dimension_numbers<[1], [0], [0], [1], [0, 0, 1, 1], [], []>, transpose_lhs_hint = false} : vector<1280x32xbf16>, vector<32x1024xbf16>, vector<1280x1024xf32> -> vector<1280x1024xf32>
    %mul3A_235 = arith.mulf %mul3A_101, %dot_general3A_234 : vector<1280x1024xf32>
    %convert_element_type3A_236 = arith.truncf %mul3A_235 : vector<1280x1024xf32> to vector<1280x1024xbf16>
    %dot_general3A_237 = arith.constant dense<0.000000e+00> : vector<1280x32xf32>
    %dot_general3A_238 = tpu.matmul %convert_element_type3A_236, %convert_element_type3A_231, %dot_general3A_237 {dimension_numbers = #tpu.dot_dimension_numbers<[1], [0], [0], [1], [0, 0, 1, 1], [], []>, transpose_lhs_hint = false} : vector<1280x1024xbf16>, vector<1024x32xbf16>, vector<1280x32xf32> -> vector<1280x32xf32>
    %mul3A_239 = arith.mulf %dot_general3A_23, %dot_general3A_166 : vector<1280x16xf32>
    %reduce_sum3A = arith.constant dense<0.000000e+00> : vector<1280xf32>
    %reduce_sum3A_240 = vector.multi_reduction <add>, %mul3A_239, %reduce_sum3A [1] : vector<1280x16xf32> to vector<1280xf32>
    %broadcast_in_dim3A_241 = vector.shape_cast %reduce_sum3A_240 : vector<1280xf32> to vector<1280x1xf32>
    %mul3A_242 = arith.constant 0.166666672 : f32
    %mul3A_243 = vector.broadcast %mul3A_242 : f32 to vector<1280x1xf32>
    %mul3A_244 = arith.mulf %sqrt3A, %mul3A_243 : vector<1280x1xf32>
    %sub3A_245 = arith.constant 1.000000e+00 : f32
    %sub3A_246 = vector.broadcast %sub3A_245 : f32 to vector<1280x1xf32>
    %sub3A_247 = arith.subf %sub3A_246, %mul3A_244 : vector<1280x1xf32>
    %mul3A_248 = arith.constant 1.000000e+01 : f32
    %mul3A_249 = vector.broadcast %mul3A_248 : f32 to vector<1280x1xf32>
    %mul3A_250 = arith.mulf %mul3A_249, %sub3A_247 : vector<1280x1xf32>
    %gt3A_251 = arith.constant 0.000000e+00 : f32
    %gt3A_252 = vector.broadcast %gt3A_251 : f32 to vector<1280x1xf32>
    %gt3A_253 = arith.cmpf ogt, %mul3A_250, %gt3A_252 : vector<1280x1xf32>
    %jit3A_254 = arith.constant 1.000000e+00 : f32
    %broadcast_in_dim3A_255 = vector.broadcast %jit3A_254 : f32 to vector<1280x1xf32>
    %select_n3A_256 = arith.select %gt3A_253, %mul3A_250, %broadcast_in_dim3A_255 : vector<1280x1xi1>, vector<1280x1xf32>
    %gt3A_257 = arith.constant 0.000000e+00 : f32
    %gt3A_258 = vector.broadcast %gt3A_257 : f32 to vector<1280x1xf32>
    %gt3A_259 = arith.cmpf ogt, %mul3A_250, %gt3A_258 : vector<1280x1xf32>
    %div3A_260 = arith.constant -1.000000e+00 : f32
    %div3A_261 = vector.broadcast %div3A_260 : f32 to vector<1280x1xf32>
    %div3A_262 = arith.divf %div3A_261, %select_n3A_256 : vector<1280x1xf32>
    %exp3A_263 = math.exp %div3A_262 : vector<1280x1xf32>
    %jit3A_264 = arith.constant 0.000000e+00 : f32
    %broadcast_in_dim3A_265 = vector.broadcast %jit3A_264 : f32 to vector<1280x1xf32>
    %select_n3A_266 = arith.select %gt3A_259, %exp3A_263, %broadcast_in_dim3A_265 : vector<1280x1xi1>, vector<1280x1xf32>
    %mul3A_267 = arith.mulf %select_n3A_266, %broadcast_in_dim3A_241 : vector<1280x1xf32>
    %exp3A_268 = math.exp %mul3A_267 : vector<1280x1xf32>
    %mul3A_269 = arith.constant 5.000000e-01 : f32
    %mul3A_270 = vector.broadcast %mul3A_269 : f32 to vector<1280x1xf32>
    %mul3A_271 = arith.mulf %mul3A_270, %mul3A_267 : vector<1280x1xf32>
    %exp3A_272 = math.exp %mul3A_271 : vector<1280x1xf32>
    %mul3A_273 = vector.broadcast %exp3A_272 : vector<1280x1xf32> to vector<1280x32xf32>
    %mul3A_274 = arith.mulf %mul3A_273, %dot_general3A_238 : vector<1280x32xf32>
    %mul3A_275 = arith.constant 0.176776692 : f32
    %mul3A_276 = vector.broadcast %mul3A_275 : f32 to vector<1280x32xf32>
    %mul3A_277 = arith.mulf %mul3A_274, %mul3A_276 : vector<1280x32xf32>
    %broadcast_in_dim3A_278 = arith.constant 0.000000e+00 : f32
    %broadcast_in_dim3A_279 = vector.broadcast %broadcast_in_dim3A_278 : f32 to vector<1280x95xf32>
    %concatenate3A = tpu.concatenate %mul3A_277, %exp3A_268, %broadcast_in_dim3A_279 in 1 : vector<1280x32xf32>, vector<1280x1xf32>, vector<1280x95xf32> -> vector<1280x128xf32>
    %swap3A = arith.constant 0 : index
    %swap3A_280 = arith.constant 0 : index
    %swap3A_281 = vector.load %arg8[%swap3A, %swap3A_280] : memref<1280x128xf32, #tpu.memory_space<vmem>>, vector<1280x128xf32>
    tpu.vector_store %arg8[%swap3A, %swap3A_280], %concatenate3A {strides = array<i32>} : memref<1280x128xf32, #tpu.memory_space<vmem>>, vector<1280x128xf32>,
    return
  }
  func.func @transform_0(%arg0: i32) -> (i32, i32) {
    %c0_i32 = arith.constant 0 : i32
    %c0_i32_0 = arith.constant 0 : i32
    return %arg0, %c0_i32 : i32, i32
  }
  func.func @transform_1(%arg0: i32) -> (i32, i32) {
    %c0_i32 = arith.constant 0 : i32
    %c0_i32_0 = arith.constant 0 : i32
    return %arg0, %c0_i32 : i32, i32
  }
  func.func @transform_2(%arg0: i32) -> (i32, i32) {
    %add3A = arith.constant 104 : i32
    %add3A_0 = arith.addi %arg0, %add3A : i32
    %c0_i32 = arith.constant 0 : i32
    %c0_i32_1 = arith.constant 0 : i32
    return %c0_i32, %add3A_0 : i32, i32
  }
  func.func @transform_3(%arg0: i32) -> (i32, i32) {
    %c0_i32 = arith.constant 0 : i32
    %c0_i32_0 = arith.constant 0 : i32
    %c0_i32_1 = arith.constant 0 : i32
    return %c0_i32, %c0_i32_0 : i32, i32
  }
  func.func @transform_4(%arg0: i32) -> (i32, i32) {
    %c0_i32 = arith.constant 0 : i32
    %c0_i32_0 = arith.constant 0 : i32
    %c0_i32_1 = arith.constant 0 : i32
    return %c0_i32, %c0_i32_0 : i32, i32
  }
  func.func @transform_5(%arg0: i32) -> (i32, i32) {
    %c0_i32 = arith.constant 0 : i32
    %c0_i32_0 = arith.constant 0 : i32
    %c0_i32_1 = arith.constant 0 : i32
    return %c0_i32, %c0_i32_0 : i32, i32
  }
  func.func @transform_6(%arg0: i32) -> (i32, i32) {
    %c0_i32 = arith.constant 0 : i32
    %c0_i32_0 = arith.constant 0 : i32
    %c0_i32_1 = arith.constant 0 : i32
    return %c0_i32, %c0_i32_0 : i32, i32
  }
  func.func @transform_7(%arg0: i32) -> (i32, i32) {
    %c0_i32 = arith.constant 0 : i32
    %c0_i32_0 = arith.constant 0 : i32
    return %arg0, %c0_i32 : i32, i32
  }
}

module attributes {stable_mosaic.version = 14 : i64} {
  func.func @_prep_si_body(%arg0: i32, %arg1: memref<1000x32xf32, #tpu.memory_space<vmem>>, %arg2: memref<1000x8xf32, #tpu.memory_space<vmem>>, %arg3: memref<256x32xf32, #tpu.memory_space<vmem>>, %arg4: memref<1000x32xf32, #tpu.memory_space<vmem>>) attributes {dimension_semantics = [#tpu.dimension_semantics<arbitrary>], iteration_bounds = array<i64: 10>, scalar_prefetch = 0 : i64, scratch_operands = 0 : i64, tpu.core_type = #tpu.core_type<tc>, window_params = [{transform_indices = @transform_0, window_bounds = array<i64: 1000, 32>}, {transform_indices = @transform_1, window_bounds = array<i64: 1000, 8>}, {pipeline_mode = #tpu.pipeline_mode<synchronous>, transform_indices = @transform_2, window_bounds = array<i64: 256, 32>}, {transform_indices = @transform_3, window_bounds = array<i64: 1000, 32>}]} {
    %get3A = arith.constant 0 : index
    %get3A_0 = arith.constant 0 : index
    %get3A_1 = vector.load %arg1[%get3A, %get3A_0] : memref<1000x32xf32, #tpu.memory_space<vmem>>, vector<1000x32xf32>
    %get3A_2 = arith.constant 0 : index
    %get3A_3 = arith.constant 0 : index
    %get3A_4 = vector.load %arg2[%get3A_2, %get3A_3] : memref<1000x8xf32, #tpu.memory_space<vmem>>, vector<1000x8xf32>
    %slice3A = vector.extract_strided_slice %get3A_4 {offsets = [0, 0], sizes = [1000, 1], strides = [1, 1]} : vector<1000x8xf32> to vector<1000x1xf32>
    %mul3A = vector.broadcast %slice3A : vector<1000x1xf32> to vector<1000x32xf32>
    %mul3A_5 = arith.mulf %get3A_1, %mul3A : vector<1000x32xf32>
    %slice3A_6 = vector.extract_strided_slice %get3A_4 {offsets = [0, 1], sizes = [1000, 1], strides = [1, 1]} : vector<1000x8xf32> to vector<1000x1xf32>
    %mul3A_7 = vector.broadcast %slice3A_6 : vector<1000x1xf32> to vector<1000x32xf32>
    %mul3A_8 = arith.mulf %get3A_1, %mul3A_7 : vector<1000x32xf32>
    %slice3A_9 = vector.extract_strided_slice %get3A_4 {offsets = [0, 2], sizes = [1000, 1], strides = [1, 1]} : vector<1000x8xf32> to vector<1000x1xf32>
    %mul3A_10 = vector.broadcast %slice3A_9 : vector<1000x1xf32> to vector<1000x32xf32>
    %mul3A_11 = arith.mulf %get3A_1, %mul3A_10 : vector<1000x32xf32>
    %slice3A_12 = vector.extract_strided_slice %get3A_4 {offsets = [0, 3], sizes = [1000, 1], strides = [1, 1]} : vector<1000x8xf32> to vector<1000x1xf32>
    %mul3A_13 = vector.broadcast %slice3A_12 : vector<1000x1xf32> to vector<1000x32xf32>
    %mul3A_14 = arith.mulf %get3A_1, %mul3A_13 : vector<1000x32xf32>
    %slice3A_15 = vector.extract_strided_slice %get3A_4 {offsets = [0, 4], sizes = [1000, 1], strides = [1, 1]} : vector<1000x8xf32> to vector<1000x1xf32>
    %mul3A_16 = vector.broadcast %slice3A_15 : vector<1000x1xf32> to vector<1000x32xf32>
    %mul3A_17 = arith.mulf %get3A_1, %mul3A_16 : vector<1000x32xf32>
    %slice3A_18 = vector.extract_strided_slice %get3A_4 {offsets = [0, 5], sizes = [1000, 1], strides = [1, 1]} : vector<1000x8xf32> to vector<1000x1xf32>
    %mul3A_19 = vector.broadcast %slice3A_18 : vector<1000x1xf32> to vector<1000x32xf32>
    %mul3A_20 = arith.mulf %get3A_1, %mul3A_19 : vector<1000x32xf32>
    %slice3A_21 = vector.extract_strided_slice %get3A_4 {offsets = [0, 6], sizes = [1000, 1], strides = [1, 1]} : vector<1000x8xf32> to vector<1000x1xf32>
    %mul3A_22 = vector.broadcast %slice3A_21 : vector<1000x1xf32> to vector<1000x32xf32>
    %mul3A_23 = arith.mulf %get3A_1, %mul3A_22 : vector<1000x32xf32>
    %slice3A_24 = vector.extract_strided_slice %get3A_4 {offsets = [0, 7], sizes = [1000, 1], strides = [1, 1]} : vector<1000x8xf32> to vector<1000x1xf32>
    %mul3A_25 = vector.broadcast %slice3A_24 : vector<1000x1xf32> to vector<1000x32xf32>
    %mul3A_26 = arith.mulf %get3A_1, %mul3A_25 : vector<1000x32xf32>
    %concatenate3A = tpu.concatenate %mul3A_5, %mul3A_8, %mul3A_11, %mul3A_14, %mul3A_17, %mul3A_20, %mul3A_23, %mul3A_26 in 1 : vector<1000x32xf32>, vector<1000x32xf32>, vector<1000x32xf32>, vector<1000x32xf32>, vector<1000x32xf32>, vector<1000x32xf32>, vector<1000x32xf32>, vector<1000x32xf32> -> vector<1000x256xf32>
    %get3A_27 = arith.constant 0 : index
    %get3A_28 = arith.constant 0 : index
    %get3A_29 = vector.load %arg3[%get3A_27, %get3A_28] : memref<256x32xf32, #tpu.memory_space<vmem>>, vector<256x32xf32>
    %dot_general3A = arith.constant dense<0.000000e+00> : vector<1000x32xf32>
    %dot_general3A_30 = tpu.matmul %concatenate3A, %get3A_29, %dot_general3A {dimension_numbers = #tpu.dot_dimension_numbers<[1], [0], [0], [1], [0, 0, 1, 1], [], []>, transpose_lhs_hint = false} : vector<1000x256xf32>, vector<256x32xf32>, vector<1000x32xf32> -> vector<1000x32xf32>
    %mul3A_31 = arith.constant 6.250000e-02 : f32
    %mul3A_32 = vector.broadcast %mul3A_31 : f32 to vector<1000x32xf32>
    %mul3A_33 = arith.mulf %dot_general3A_30, %mul3A_32 : vector<1000x32xf32>
    %swap3A = arith.constant 0 : index
    %swap3A_34 = arith.constant 0 : index
    %swap3A_35 = vector.load %arg4[%swap3A, %swap3A_34] : memref<1000x32xf32, #tpu.memory_space<vmem>>, vector<1000x32xf32>
    tpu.vector_store %arg4[%swap3A, %swap3A_34], %mul3A_33 {strides = array<i32>} : memref<1000x32xf32, #tpu.memory_space<vmem>>, vector<1000x32xf32>,
    return
  }
  func.func @transform_0(%arg0: i32) -> (i32, i32) {
    %c0_i32 = arith.constant 0 : i32
    %c0_i32_0 = arith.constant 0 : i32
    return %arg0, %c0_i32 : i32, i32
  }
  func.func @transform_1(%arg0: i32) -> (i32, i32) {
    %c0_i32 = arith.constant 0 : i32
    %c0_i32_0 = arith.constant 0 : i32
    return %arg0, %c0_i32 : i32, i32
  }
  func.func @transform_2(%arg0: i32) -> (i32, i32) {
    %c0_i32 = arith.constant 0 : i32
    %c0_i32_0 = arith.constant 0 : i32
    %c0_i32_1 = arith.constant 0 : i32
    return %c0_i32, %c0_i32_0 : i32, i32
  }
  func.func @transform_3(%arg0: i32) -> (i32, i32) {
    %c0_i32 = arith.constant 0 : i32
    %c0_i32_0 = arith.constant 0 : i32
    return %arg0, %c0_i32 : i32, i32
  }
}

module attributes {stable_mosaic.version = 14 : i64} {
  func.func @_combine_body(%arg0: i32, %arg1: memref<1x1000x128xf32, #tpu.memory_space<vmem>>, %arg2: memref<1x1000x128xf32, #tpu.memory_space<vmem>>, %arg3: memref<1x1000x128xf32, #tpu.memory_space<vmem>>, %arg4: memref<1x1000x128xf32, #tpu.memory_space<vmem>>, %arg5: memref<1x1000x128xf32, #tpu.memory_space<vmem>>, %arg6: memref<1x1000x128xf32, #tpu.memory_space<vmem>>, %arg7: memref<1000x32xf32, #tpu.memory_space<vmem>>, %arg8: memref<1000x32xf32, #tpu.memory_space<vmem>>) attributes {dimension_semantics = [#tpu.dimension_semantics<arbitrary>], iteration_bounds = array<i64: 10>, scalar_prefetch = 0 : i64, scratch_operands = 0 : i64, tpu.core_type = #tpu.core_type<tc>, window_params = [{transform_indices = @transform_0, window_bounds = array<i64: 1, 1000, 128>}, {transform_indices = @transform_1, window_bounds = array<i64: 1, 1000, 128>}, {transform_indices = @transform_2, window_bounds = array<i64: 1, 1000, 128>}, {transform_indices = @transform_3, window_bounds = array<i64: 1, 1000, 128>}, {transform_indices = @transform_4, window_bounds = array<i64: 1, 1000, 128>}, {transform_indices = @transform_5, window_bounds = array<i64: 1, 1000, 128>}, {transform_indices = @transform_6, window_bounds = array<i64: 1000, 32>}, {transform_indices = @transform_7, window_bounds = array<i64: 1000, 32>}]} {
    %get3A = arith.constant 0 : index
    %get3A_0 = arith.constant 0 : index
    %get3A_1 = arith.constant 0 : index
    %get3A_2 = vector.load %arg1[%get3A, %get3A_0, %get3A_1] : memref<1x1000x128xf32, #tpu.memory_space<vmem>>, vector<1x1000x128xf32>
    %get3A_3 = vector.shape_cast %get3A_2 : vector<1x1000x128xf32> to vector<1000x128xf32>
    %get3A_4 = arith.constant 0 : index
    %get3A_5 = arith.constant 0 : index
    %get3A_6 = arith.constant 0 : index
    %get3A_7 = vector.load %arg2[%get3A_4, %get3A_5, %get3A_6] : memref<1x1000x128xf32, #tpu.memory_space<vmem>>, vector<1x1000x128xf32>
    %get3A_8 = vector.shape_cast %get3A_7 : vector<1x1000x128xf32> to vector<1000x128xf32>
    %add3A = arith.addf %get3A_3, %get3A_8 : vector<1000x128xf32>
    %get3A_9 = arith.constant 0 : index
    %get3A_10 = arith.constant 0 : index
    %get3A_11 = arith.constant 0 : index
    %get3A_12 = vector.load %arg3[%get3A_9, %get3A_10, %get3A_11] : memref<1x1000x128xf32, #tpu.memory_space<vmem>>, vector<1x1000x128xf32>
    %get3A_13 = vector.shape_cast %get3A_12 : vector<1x1000x128xf32> to vector<1000x128xf32>
    %get3A_14 = arith.constant 0 : index
    %get3A_15 = arith.constant 0 : index
    %get3A_16 = arith.constant 0 : index
    %get3A_17 = vector.load %arg4[%get3A_14, %get3A_15, %get3A_16] : memref<1x1000x128xf32, #tpu.memory_space<vmem>>, vector<1x1000x128xf32>
    %get3A_18 = vector.shape_cast %get3A_17 : vector<1x1000x128xf32> to vector<1000x128xf32>
    %add3A_19 = arith.addf %get3A_13, %get3A_18 : vector<1000x128xf32>
    %add3A_20 = arith.addf %add3A, %add3A_19 : vector<1000x128xf32>
    %get3A_21 = arith.constant 0 : index
    %get3A_22 = arith.constant 0 : index
    %get3A_23 = arith.constant 0 : index
    %get3A_24 = vector.load %arg5[%get3A_21, %get3A_22, %get3A_23] : memref<1x1000x128xf32, #tpu.memory_space<vmem>>, vector<1x1000x128xf32>
    %get3A_25 = vector.shape_cast %get3A_24 : vector<1x1000x128xf32> to vector<1000x128xf32>
    %get3A_26 = arith.constant 0 : index
    %get3A_27 = arith.constant 0 : index
    %get3A_28 = arith.constant 0 : index
    %get3A_29 = vector.load %arg6[%get3A_26, %get3A_27, %get3A_28] : memref<1x1000x128xf32, #tpu.memory_space<vmem>>, vector<1x1000x128xf32>
    %get3A_30 = vector.shape_cast %get3A_29 : vector<1x1000x128xf32> to vector<1000x128xf32>
    %add3A_31 = arith.addf %get3A_25, %get3A_30 : vector<1000x128xf32>
    %add3A_32 = arith.addf %add3A_20, %add3A_31 : vector<1000x128xf32>
    %slice3A = vector.extract_strided_slice %add3A_32 {offsets = [0, 32], sizes = [1000, 1], strides = [1, 1]} : vector<1000x128xf32> to vector<1000x1xf32>
    %eq3A = arith.constant 0.000000e+00 : f32
    %eq3A_33 = vector.broadcast %eq3A : f32 to vector<1000x1xf32>
    %eq3A_34 = arith.cmpf oeq, %slice3A, %eq3A_33 : vector<1000x1xf32>
    %jit3A = arith.constant 1.000000e+00 : f32
    %broadcast_in_dim3A = vector.broadcast %jit3A : f32 to vector<1000x1xf32>
    %select_n3A = arith.select %eq3A_34, %broadcast_in_dim3A, %slice3A : vector<1000x1xi1>, vector<1000x1xf32>
    %get3A_35 = arith.constant 0 : index
    %get3A_36 = arith.constant 0 : index
    %get3A_37 = vector.load %arg7[%get3A_35, %get3A_36] : memref<1000x32xf32, #tpu.memory_space<vmem>>, vector<1000x32xf32>
    %slice3A_38 = vector.extract_strided_slice %add3A_32 {offsets = [0, 0], sizes = [1000, 32], strides = [1, 1]} : vector<1000x128xf32> to vector<1000x32xf32>
    %rsqrt3A = math.rsqrt %select_n3A : vector<1000x1xf32>
    %mul3A = vector.broadcast %rsqrt3A : vector<1000x1xf32> to vector<1000x32xf32>
    %mul3A_39 = arith.mulf %slice3A_38, %mul3A : vector<1000x32xf32>
    %add3A_40 = arith.addf %get3A_37, %mul3A_39 : vector<1000x32xf32>
    %swap3A = arith.constant 0 : index
    %swap3A_41 = arith.constant 0 : index
    %swap3A_42 = vector.load %arg8[%swap3A, %swap3A_41] : memref<1000x32xf32, #tpu.memory_space<vmem>>, vector<1000x32xf32>
    tpu.vector_store %arg8[%swap3A, %swap3A_41], %add3A_40 {strides = array<i32>} : memref<1000x32xf32, #tpu.memory_space<vmem>>, vector<1000x32xf32>,
    return
  }
  func.func @transform_0(%arg0: i32) -> (i32, i32, i32) {
    %c0_i32 = arith.constant 0 : i32
    %c0_i32_0 = arith.constant 0 : i32
    %c0_i32_1 = arith.constant 0 : i32
    return %c0_i32, %arg0, %c0_i32_0 : i32, i32, i32
  }
  func.func @transform_1(%arg0: i32) -> (i32, i32, i32) {
    %c1_i32 = arith.constant 1 : i32
    %c0_i32 = arith.constant 0 : i32
    %c0_i32_0 = arith.constant 0 : i32
    return %c1_i32, %arg0, %c0_i32 : i32, i32, i32
  }
  func.func @transform_2(%arg0: i32) -> (i32, i32, i32) {
    %c0_i32 = arith.constant 0 : i32
    %c0_i32_0 = arith.constant 0 : i32
    %c0_i32_1 = arith.constant 0 : i32
    return %c0_i32, %arg0, %c0_i32_0 : i32, i32, i32
  }
  func.func @transform_3(%arg0: i32) -> (i32, i32, i32) {
    %c1_i32 = arith.constant 1 : i32
    %c0_i32 = arith.constant 0 : i32
    %c0_i32_0 = arith.constant 0 : i32
    return %c1_i32, %arg0, %c0_i32 : i32, i32, i32
  }
  func.func @transform_4(%arg0: i32) -> (i32, i32, i32) {
    %c0_i32 = arith.constant 0 : i32
    %c0_i32_0 = arith.constant 0 : i32
    %c0_i32_1 = arith.constant 0 : i32
    return %c0_i32, %arg0, %c0_i32_0 : i32, i32, i32
  }
  func.func @transform_5(%arg0: i32) -> (i32, i32, i32) {
    %c1_i32 = arith.constant 1 : i32
    %c0_i32 = arith.constant 0 : i32
    %c0_i32_0 = arith.constant 0 : i32
    return %c1_i32, %arg0, %c0_i32 : i32, i32, i32
  }
  func.func @transform_6(%arg0: i32) -> (i32, i32) {
    %c0_i32 = arith.constant 0 : i32
    %c0_i32_0 = arith.constant 0 : i32
    return %arg0, %c0_i32 : i32, i32
  }
  func.func @transform_7(%arg0: i32) -> (i32, i32) {
    %c0_i32 = arith.constant 0 : i32
    %c0_i32_0 = arith.constant 0 : i32
    return %arg0, %c0_i32 : i32, i32
  }
}

</mosaic_0001>

<sc_bundles>
// kernel: kernel.16.cloned.1.call-start
scs
__scs_entry_jumppad:
0x0: {  	(pc) =	sbr.rel $0x88, $3  }
0x1: {  	(tag) =	ssettag $0x0;
	lr =	simm.s32 $0x1  }
0x2: {  	[smem:$0x3F95] =	sst lr;
	_ =	strace $0xD0000000  }
0x3: {  	_ = 	snop  }
0x4: {  	_ = 	snop  }
0x5: {  	_ = 	snop  }
0x6: {  	_ = 	snop  }
0x7: {  	_ = 	snop  }
__scs_overlays_trampoline_lowered:
0x8: {  	[smem:$0x3FA4] =	sst s0  }
0x9: {  	[smem:$0x3FA5] =	sst s1  }
0xa: {  	[smem:$0x3FA6] =	sst s2  }
0xb: {  	[smem:$0x3FA7] =	sst s3  }
0xc: {  	[smem:$0x3FA8] =	sst s4  }
0xd: {  	[smem:$0x3FA9] =	sst s5  }
0xe: {  	[smem:$0x3FAA] =	sst s6  }
0xf: {  	[smem:$0x3FAB] =	sst s7  }
0x10: {  	[smem:$0x3FAC] =	sst s8  }
0x11: {  	[smem:$0x3FAD] =	sst s9;
	s0 =	simm.s32 @!p0 $0x0  }
0x12: {  	s1 =	sld [smem:$0x3F93];
	s0 =	simm.s32 @p0 $0x1  }
0x13: {  	[smem:$0x3FAE] =	sst s0;
	s0 =	simm.s32 @!p1 $0x0  }
0x14: {  	s2 =	sld [smem:$0x3F92];
	s0 =	simm.s32 @p1 $0x1  }
0x15: {  	[smem:$0x3FAF] =	sst s0;
	s0 =	simm.s32 @!p2 $0x0  }
0x16: {  	s3 =	sld [smem:$0x3FDB];
	s0 =	simm.s32 @p2 $0x1  }
0x17: {  	s4 =	simm.s32 $0x1BF5;
	[smem:$0x3FB1] =	sst s0  }
0x18: {  	s0 =	sld [smem:$0x3F94];
	_ =	swait.ge [sflag:s4], $0x0  }
0x19: {  	s7 =	sld [smem:$0x3F95]  }
0x1a: {  	s8 =	sadd.s32 $0xFFFFE003, lr  }
0x1b: {  	s9 =	sadd.s32 $0xFFFFFEF7, lr;
	s5 =	simm.s32 $0xFFFFFFFF;
	p2 =	slt.u32 s8, $0xFFFFF086  }
0x1c: {  	p1 =	slt.u32 s9, $0xF7A;
	s5 =	simm.s32 @!p2 $0x0  }
0x1d: {  	s5 =	simm.s32 @p1 $0x1;
	p0 =	seq.s32 s7, s2  }
0x1e: {  	s7 =	smul.u32 @!p0 $0xF7A, s2;
	p2 =	seq.s32 @!p0 s5, $0x0  }
0x1f: {  	s9 =	smul.u32 $0xF7A, s1;
	s8 =	simm.s32 @!p0 $0x1BF5;
	p2 =	por !p2, p0  }
0x20: {  	[sflag:s8] =	ssyncset.s32 @!p0 $0xFFFFF086;
	s6 =	sadd.s32 @!p0 s3, s7;
	s7 =	simm.s32 @!p0 $0x108  }
0x21: {  	s3 =	sadd.s32 s3, s9;
	s6 =	sadd.s32 @!p0 $0x88, s6;
	s7 =	simm.s32 @p2 $0x1082  }
0x22: {  	[simem:s7], [sflag:s8] =	dma.local @!p0 [hbm:s6], $0xF7A  }
0x23: {  	s9 =	sor.u32 $0xD0000000, s2;
	s6 =	simm.s32 $0x108;
	_ =	swait.ge @!p0 [sflag:s8], $0x0  }
0x24: {  	s3 =	sadd.s32 $0x88, s3;
	s6 =	simm.s32 @!p1 $0x1082;
	[sflag:s4] =	ssyncset.s32 $0xFFFFF086  }
0x25: {  	[simem:s6], [sflag:s4] =	dma.local [hbm:s3], $0xF7A  }
0x26: {  	[smem:$0x3F95] =	sst s1;
	(tag) =	ssettag s2;
	_ =	strace s9  }
0x27: {  	s1 =	sld [smem:$0x3FA5]  }
0x28: {  	s2 =	sld [smem:$0x3FA6]  }
0x29: {  	s4 =	sld [smem:$0x3FA8]  }
0x2a: {  	p0 =	seq.s32 s5, $0x0;
	s5 =	sld [smem:$0x3FA9]  }
0x2b: {  	s6 =	sld [smem:$0x3FAA]  }
0x2c: {  	s7 =	sld [smem:$0x3FAB]  }
0x2d: {  	s3 =	simm.s32 $0x108;
	s8 =	sld [smem:$0x3FAC]  }
0x2e: {  	s3 =	simm.s32 @!p0 $0x1082;
	s9 =	sld [smem:$0x3FAD]  }
0x2f: {  	lr =	sadd.s32 s0, s3;
	s0 =	sld [smem:$0x3FA4]  }
0x30: {  	s3 =	sld [smem:$0x3FA7]  }
0x31: {  	[smem:$0x3FB0] =	sst s10  }
0x32: {  	s10 =	sld [smem:$0x3FAE];
	_ =	sdelay $0x3  }
0x33: {  	p0 =	seq.s32 s10, $0x1;
	s10 =	sld [smem:$0x3FB0];
	_ =	sdelay $0x3  }
0x34: {  	[smem:$0x3FB0] =	sst s10  }
0x35: {  	s10 =	sld [smem:$0x3FAF];
	_ =	sdelay $0x3  }
0x36: {  	p1 =	seq.s32 s10, $0x1;
	s10 =	sld [smem:$0x3FB0];
	_ =	sdelay $0x3  }
0x37: {  	[smem:$0x3FB0] =	sst s10  }
0x38: {  	s10 =	sld [smem:$0x3FB1]  }
0x39: {  	_ = 	snop;
	(pc) =	sbr.ind lr, $3  }
0x3a: {  	_ = 	snop  }
0x3b: {  	_ = 	snop  }
0x3c: {  	p2 =	seq.s32 s10, $0x1;
	s10 =	sld [smem:$0x3FB0]  }
0x3d: {  	_ =	shalt  }
0x3e: {  	_ =	shalt  }
0x3f: {  	_ =	shalt  }
0x40: {  	_ =	shalt  }
0x41: {  	_ =	shalt  }
0x42: {  	_ =	shalt  }
0x43: {  	_ =	shalt  }
0x44: {  	_ =	shalt  }
0x45: {  	_ =	shalt  }
0x46: {  	_ =	shalt  }
0x47: {  	_ =	shalt  }
0x48: {  	_ =	shalt  }
0x49: {  	_ =	shalt  }
0x4a: {  	_ =	shalt  }
0x4b: {  	_ =	shalt  }
0x4c: {  	_ =	shalt  }
0x4d: {  	_ =	shalt  }
0x4e: {  	_ =	shalt  }
0x4f: {  	_ =	shalt  }
0x50: {  	_ =	shalt  }
0x51: {  	_ =	shalt  }
0x52: {  	_ =	shalt  }
0x53: {  	_ =	shalt  }
0x54: {  	_ =	shalt  }
0x55: {  	_ =	shalt  }
0x56: {  	_ =	shalt  }
0x57: {  	_ =	shalt  }
0x58: {  	_ =	shalt  }
0x59: {  	_ =	shalt  }
0x5a: {  	_ =	shalt  }
0x5b: {  	_ =	shalt  }
0x5c: {  	_ =	shalt  }
0x5d: {  	_ =	shalt  }
0x5e: {  	_ =	shalt  }
0x5f: {  	_ =	shalt  }
0x60: {  	_ =	shalt  }
0x61: {  	_ =	shalt  }
0x62: {  	_ =	shalt  }
0x63: {  	_ =	shalt  }
0x64: {  	_ =	shalt  }
0x65: {  	_ =	shalt  }
0x66: {  	_ =	shalt  }
0x67: {  	_ =	shalt  }
0x68: {  	_ =	shalt  }
0x69: {  	_ =	shalt  }
0x6a: {  	_ =	shalt  }
0x6b: {  	_ =	shalt  }
0x6c: {  	_ =	shalt  }
0x6d: {  	_ =	shalt  }
0x6e: {  	_ =	shalt  }
0x6f: {  	_ =	shalt  }
0x70: {  	_ =	shalt  }
0x71: {  	_ =	shalt  }
0x72: {  	_ =	shalt  }
0x73: {  	_ =	shalt  }
0x74: {  	_ =	shalt  }
0x75: {  	_ =	shalt  }
0x76: {  	_ =	shalt  }
0x77: {  	_ =	shalt  }
0x78: {  	_ =	shalt  }
0x79: {  	_ =	shalt  }
0x7a: {  	_ =	shalt  }
0x7b: {  	_ =	shalt  }
0x7c: {  	_ =	shalt  }
0x7d: {  	_ =	shalt  }
0x7e: {  	_ =	shalt  }
0x7f: {  	_ =	shalt  }
0x80: {  	_ =	shalt  }
0x81: {  	_ =	shalt  }
0x82: {  	_ =	shalt  }
0x83: {  	_ =	shalt  }
0x84: {  	_ =	shalt  }
0x85: {  	_ =	shalt  }
0x86: {  	_ =	shalt  }
0x87: {  	_ =	shalt  }
.Lfunc_end0:
.L_simem_size_0:
called_computation_lowered:
.L_overlay_start_0:
0x88: {  	s2 =	sld [smem:$0x3FD9]  }
0x89: {  	s3 =	sld [smem:$0x3FFE];
	_ =	sdelay $0x1  }
0x8a: {  	s1 =	srdreg.scid  }
0x8b: {  	s0 =	sand.u32 $0x1, s1  }
0x8c: {  	s17 =	sshll.u32 s0, $0xA;
	s2 =	sadd.s32 s3, s2  }
0x8d: {  	s2 =	sadd.s32 s2, s17  }
0x8e: {  	[smem:$0x3FBC] =	sst s2  }
0x8f: {  	_ = 	snop  }
0x90: {  	s18 =	sld [smem:$0x3FD0];
	(tm) =	ssettm $0x1  }
0x91: {  	s19 =	sld [smem:$0x3FFB];
	_ =	sdelay $0x3  }
0x92: {  	_ =	strace s19  }
0x93: {  	s2 =	sld [smem:$0x3FFC];
	_ =	sdelay $0x3  }
0x94: {  	_ =	strace s2  }
0x95: {  	s2 =	sld [smem:$0x3FFD];
	_ =	sdelay $0x3  }
0x96: {  	_ =	strace s2  }
0x97: {  	_ =	strace $0x8FFFFFFF  }
0x98: {  	s20 =	sld [smem:$0x3FDB];
	_ =	sdelay $0x1  }
0x99: {  	s4 =	simm.s32 $_scs_section_size  }
0x9a: {  	s5 =	simm.s32 $_size__tile_overlayer_lowered;
	s6 =	simm.s32 $_tile_overlayer_lowered  }
0x9b: {  	s7 =	simm.s32 $0x1BFF;
	s21 =	sshll.u32 s6, $0x1;
	s4 =	sadd.s32 s4, s20  }
0x9c: {  	s22 =	simm.s32 $0x0;
	s5 =	sshll.u32 s5, $0x1;
	s6 =	sadd.s32 s21, s4  }
0x9d: {  	[timem:s22], [sflag:s7] =	dma.local [hbm:s6], s5  }
0x9e: {  	_ =	swait.ge [sflag:s7], s5  }
0x9f: {  	s5 =	ssub.s32 $0x0, s5;
	[sflag:s7] =	ssyncset.done $0x0  }
0xa0: {  	[sflag:s7] =	ssyncadd.s32 s5;
	_ =	sdelay $0x1  }
0xa1: {  	s23 =	simm.s32 $0x1B8B  }
0xa2: {  	_ =	swait.ge [sflag:s23], $0x1  }
0xa3: {  	[sflag:s23] =	ssyncset.done $0x0  }
0xa4: {  	[sflag:s23] =	ssyncadd.s32 $0xFFFFFFFF  }
0xa5: {  	s5 =	sld [smem:$0x0]  }
0xa6: {  	s6 =	sand.u32 $0xFFFFFFFE, s1  }
0xa7: {  	p0 =	sne.s32 s1, s6  }
0xa8: {  	s6 =	sshll.u32 @p0 s6, $0xE  }
0xa9: {  	s6 =	sadd.s32 @p0 $0x11B8D, s6;
	s7 =	sshll.u32 @p0 s5, $0x11  }
0xaa: {  	s6 =	sor.u32 @p0 s7, s6  }
0xab: {  	[sflag:s6] =	ssyncadd.remote.s32 @p0 $0x1;
	_ =	sdelay $0x1  }
0xac: {  	s6 =	simm.s32 @p0 $0x1B8D  }
0xad: {  	_ =	swait.eq @p0 [sflag:s6], $0x1  }
0xae: {  	[sflag:s6] =	ssyncadd.s32 @p0 $0xFFFFFFFF  }
0xaf: {  	s7 =	sshll.u32 @!p0 s1, $0xE  }
0xb0: {  	s7 =	sor.u32 @!p0 $0x4000, s7;
	s6 =	simm.s32 @!p0 $0x1B8D  }
0xb1: {  	s5 =	sshll.u32 @!p0 s5, $0x11;
	s7 =	sadd.s32 @!p0 $0x11B8D, s7;
	_ =	swait.eq @!p0 [sflag:s6], $0x1  }
0xb2: {  	s5 =	sor.u32 @!p0 s5, s7;
	[sflag:s6] =	ssyncadd.s32 @!p0 $0xFFFFFFFF  }
0xb3: {  	s25 =	simm.s32 $0x1B8E;
	s24 =	sld [smem:$0x3FFE];
	[sflag:s5] =	ssyncadd.remote.s32 @!p0 $0x1  }
0xb4: {  	s26 =	simm.s32 $execute0_lowered;
	[smem:$0x3FD2] =	sst s25  }
0xb5: {  	s6 =	sshll.u32 s26, $0x1;
	_ =	strace $0x80000049;
	[dreg:$0x1] =	wrdreg $0xFFFFFFFF  }
0xb6: {  	s28 =	simm.s32 $_size_execute0_lowered;
	s4 =	sadd.s32 s4, s6;
	[dreg:$0x0] =	wrdreg $0x0  }
0xb7: {  	s6 =	sshll.u32 s28, $0x1;
	[dreg:$0x2] =	wrdreg s4  }
0xb8: {  	[dreg:$0x3] =	wrdreg s6  }
0xb9: {  	[dreg:$0x4] =	wrdreg $0xC0  }
0xba: {  	_ =	task [dreg:s22], $0x5FFFF  }
0xbb: {  	[dreg:$0x1] =	wrdreg $0xFFFFFFFF  }
0xbc: {  	[dreg:$0x0] =	wrdreg $0x60  }
0xbd: {  	[dreg:$0x2] =	wrdreg s18  }
0xbe: {  	[dreg:$0x3] =	wrdreg s24  }
0xbf: {  	[dreg:$0x4] =	wrdreg $0xB  }
0xc0: {  	_ =	task.clear_ibuf [dreg:s22], $0x5FFFF;
	_ =	strace $0x90000049  }
0xc1: {  	s29 =	simm.s32 $0xB;
	_ =	strace $0x8000004B  }
0xc2: {  	_ =	swait.ge [sflag:s29], $0x1  }
0xc3: {  	[sflag:s29] =	ssyncadd.s32 $0xFFFFFFFF  }
0xc4: {  	_ =	strace $0x9000004B  }
0xc5: {  	_ =	sfence  }
0xc6: {  	s30 =	sld [smem:$0x0];
	_ =	sdelay $0x2  }
0xc7: {  	s31 =	sshll.u32 s1, $0xD;
	s1 =	sshrl.u32 s1, $0x2  }
0xc8: {  	s4 =	sand.u32 $0x4000, s31;
	s1 =	sadd.s32 s1, s30  }
0xc9: {  	s0 =	sor.u32 s4, s0;
	s1 =	sshll.u32 s1, $0x11  }
0xca: {  	s0 =	sor.u32 s1, s0  }
0xcb: {  	s0 =	sadd.s32 $0x8F2B, s0  }
0xcc: {  	[sflag:s0] =	ssyncadd.remote.s32 $0x1  }
0xcd: {  	_ =	sfence.sel $0xFFFF  }
0xce: {  	[dreg:$0x0] =	wrdreg $0xFFFFFFFF;
	(pc) =	sbr.abs _section_cstart, $3  }
0xcf: {  	[dreg:$0x1] =	wrdreg $0xFFFFFFFF  }
0xd0: {  	_ =	task.clear_ibuf [dreg:s22], $0x2FFFF;
	_ =	strace $0x9FFFFFFF  }
0xd1: {  	(tm) =	ssettm $0x7FFFFFFF  }
tec
execute0_lowered:
.L_overlay_start_1:
0x0: {  	(tag) =	ssettag $0x1  }
0x1: {  	s1 =	srdreg.scid;
	s0 =	stileid.u32  }
0x2: {  	s3 =	rddreg [dreg:$0x0];
	s13 =	sand.u32 $0x1, s1;
	s31 =	sshll.u32 s0, $0x1  }
0x3: {  	s12 =	rddreg [dreg:$0x1];
	s10 =	sor.u32 s13, s31  }
0x4: {  	s2 =	simm.s32 $0x0;
	s1 =	rddreg [dreg:$0x2];
	s5 =	smul.u32 $0x28, s10  }
0x5: {  	[smem:$0x7FF] =	sst s2  }
0x6: {  	_ =	strace $0x8000004A;
	s4 =	sadd.s32 s3, s5;
	s3 =	simm.s32 $0x3  }
0x7: {  	[tilespmem:s2], [sflag:$0x3] =	stream.linear.gather [hbm4b:s4+s2], $0x140, $0x38;
	[tilespmem:$0x14300] =	vst v63  }
0x8: {  	_ =	swait.ge [sflag:s3], $0x140  }
0x9: {  	s5 =	sadd.s32 s5, s12;
	[sflag:s3] =	ssyncset.done $0x0  }
0xa: {  	s6 =	simm.s32 $0x180;
	s5 =	sadd.s32 $0x6000, s5;
	[sflag:s3] =	ssyncadd.s32 $0xFFFFFEC0  }
0xb: {  	[tilespmem:s6], [sflag:$0x3] =	stream.linear.gather [hbm4b:s5+s2], $0x140, $0x38;
	[tilespmem:$0x14300] =	vst v63  }
0xc: {  	_ =	swait.ge [sflag:s3], $0x140  }
0xd: {  	s8 =	simm.s32 $0x140;
	[sflag:s3] =	ssyncset.done $0x0  }
0xe: {  	s9 =	simm.s32 $0x300;
	s7 =	sadd.s32 $0x32200, s12;
	[sflag:s3] =	ssyncadd.s32 $0xFFFFFEC0  }
0xf: {  	[tilespmem:s9], [sflag:$0x1] =	stream.indirect.gather [hbm4b:s7+s8], $0x80, s2, s8, $0xb8;
	[tilespmem:$0x14300] =	vst v63  }
0x10: {  	s11 =	simm.s32 $0x1;
	s14 =	smul.u32 $0x1400, s10;
	s10 =	simm.s32 $0xA300  }
0x11: {  	[tilespmem:s10], [sflag:$0x2] =	stream.indirect.gather [hbm4b:s7+s8], $0x80, s6, s8, $0xb8;
	[tilespmem:$0x14300] =	vst v63  }
0x12: {  	_ =	swait.ge [sflag:s11], $0xA000  }
0x13: {  	s14 =	sadd.s32 s14, s12;
	[sflag:s11] =	ssyncset.done $0x0  }
0x14: {  	s15 =	ssub.s32 $0x2, s13;
	s12 =	sadd.s32 $0x225400, s14;
	[sflag:s11] =	ssyncadd.s32 $0xFFFF6000  }
0x15: {  	[hbm4b:s12+s2] =	stream.linear.scatter [tilespmem:s9], [sflag:$0x3], $0xA000, $0x38;
	[tilespmem:$0x14300] =	vst v63  }
0x16: {  	s16 =	sshrl.u32 s15, $0x1;
	_ =	swait.ge [sflag:s3], $0xA000  }
0x17: {  	s15 =	ssub.s32 s15, s16;
	[sflag:s3] =	ssyncset.done $0x0  }
0x18: {  	s13 =	simm.s32 $0x2;
	s15 =	smax.u32 s15, $0x1;
	[sflag:s3] =	ssyncadd.s32 $0xFFFF6000  }
0x19: {  	p0 =	sne.s32 s15, $0x1;
	_ =	swait.ge [sflag:s13], $0xA000  }
.Ltmp0:
0x1a: {  	[sflag:s13] =	ssyncset.done $0x0;
	(pc) =	sbr.rel @!p0 .LBB2_2-.Ltmp0, $4  }
0x1b: {  	s14 =	sadd.s32 $0x24D400, s14;
	[sflag:s13] =	ssyncadd.s32 $0xFFFF6000  }
0x1c: {  	[hbm4b:s14+s2] =	stream.linear.scatter [tilespmem:s10], [sflag:$0x3], $0xA000, $0x38;
	[tilespmem:$0x14300] =	vst v63  }
0x1d: {  	_ =	swait.ge [sflag:s3], $0xA000  }
0x1e: {  	s15 =	sadd.s32 $0xFFFFFFFF, s15;
	[sflag:s3] =	ssyncset.done $0x0  }
.LBB2_1:
0x1f: {  	p0 =	sne.s32 s15, $0x1;
	s15 =	sadd.s32 $0xFFFFFFFF, s15;
	[sflag:s3] =	ssyncadd.s32 $0xFFFF6000  }
0x20: {  	[tilespmem:s2], [sflag:$0x3] =	stream.linear.gather [hbm4b:s4+s2], $0x140, $0x38;
	[tilespmem:$0x14300] =	vst v63  }
0x21: {  	_ =	swait.ge [sflag:s3], $0x140  }
0x22: {  	[sflag:s3] =	ssyncset.done $0x0  }
0x23: {  	[sflag:s3] =	ssyncadd.s32 $0xFFFFFEC0  }
0x24: {  	[tilespmem:s6], [sflag:$0x3] =	stream.linear.gather [hbm4b:s5+s2], $0x140, $0x38;
	[tilespmem:$0x14300] =	vst v63  }
0x25: {  	_ =	swait.ge [sflag:s3], $0x140  }
0x26: {  	[sflag:s3] =	ssyncset.done $0x0  }
0x27: {  	[sflag:s3] =	ssyncadd.s32 $0xFFFFFEC0  }
0x28: {  	[tilespmem:s9], [sflag:$0x1] =	stream.indirect.gather [hbm4b:s7+s8], $0x80, s2, s8, $0xb8;
	[tilespmem:$0x14300] =	vst v63  }
0x29: {  	_ = 	snop  }
0x2a: {  	[tilespmem:s10], [sflag:$0x2] =	stream.indirect.gather [hbm4b:s7+s8], $0x80, s6, s8, $0xb8;
	[tilespmem:$0x14300] =	vst v63  }
0x2b: {  	_ =	swait.ge [sflag:s11], $0xA000  }
0x2c: {  	[sflag:s11] =	ssyncset.done $0x0  }
0x2d: {  	[sflag:s11] =	ssyncadd.s32 $0xFFFF6000  }
0x2e: {  	[hbm4b:s12+s2] =	stream.linear.scatter [tilespmem:s9], [sflag:$0x3], $0xA000, $0x38;
	[tilespmem:$0x14300] =	vst v63  }
0x2f: {  	_ =	swait.ge [sflag:s3], $0xA000  }
0x30: {  	[sflag:s3] =	ssyncset.done $0x0  }
0x31: {  	[sflag:s3] =	ssyncadd.s32 $0xFFFF6000  }
0x32: {  	_ =	swait.ge [sflag:s13], $0xA000  }
.Ltmp1:
0x33: {  	[sflag:s13] =	ssyncset.done $0x0;
	(pc) =	sbr.rel @p0 .LBB2_1-.Ltmp1, $4  }
0x34: {  	[sflag:s13] =	ssyncadd.s32 $0xFFFF6000  }
0x35: {  	[hbm4b:s14+s2] =	stream.linear.scatter [tilespmem:s10], [sflag:$0x3], $0xA000, $0x38;
	[tilespmem:$0x14300] =	vst v63  }
0x36: {  	_ =	swait.ge [sflag:s3], $0xA000  }
0x37: {  	[sflag:s3] =	ssyncset.done $0x0  }
.LBB2_2:
0x38: {  	[sflag:s3] =	ssyncadd.s32 $0xFFFF6000  }
0x39: {  	_ =	sfence.sel $0x180000  }
0x3a: {  	[bflag:$0x0] =	sbarrier.arrive $0xFFFF  }
0x3b: {  	p0 =	sne.s32 s0, $0x0;
	_ =	strace $0x9000004A  }
0x3c: {  	s0 =	sadd.s32 @!p0 $0x100000, s1;
	[bflag:$0x2] =	sbarrier.arrive $0xFFFF  }
0x3d: {  	[sflag:s0] =	ssyncadd.tile.s32 @!p0 $0x1;
	_ =	shalt  }
.Lfunc_end2:
_tile_overlayer_lowered:
.L_overlay_start_2:
0x3e: {  	(tag) =	ssettag $0x2  }
0x3f: {  	s0 =	rddreg [dreg:$0x0];
	s2 =	stileid.u32  }
0x40: {  	s1 =	rddreg [dreg:$0x1];
	p0 =	sne.s32 s2, $0x0  }
0x41: {  	s3 =	rddreg [dreg:$0x2];
	[bflag:$0x3] =	sbarrier.arrive $0xFFFF;
	s2 =	simm.s32 @!p0 $0x1C03  }
0x42: {  	[timem:s3], [sflag:s2] =	dma.local @!p0 [hbm:s0], s1  }
0x43: {  	s0 =	simm.s32 @!p0 $0x3  }
0x44: {  	_ =	swait.ge @!p0 [sflag:s0], s1  }
0x45: {  	s1 =	ssub.s32 @!p0 $0x0, s1;
	[sflag:s0] =	ssyncset.done @!p0 $0x0  }
0x46: {  	[sflag:s0] =	ssyncadd.s32 @!p0 s1  }
0x47: {  	[bflag:$0x3] =	sbarrier.arrive $0xFFFF  }
0x48: {  	_ =	shalt  }

// kernel: kernel.19.cloned.1.call-start
scs
__scs_entry_jumppad:
0x0: {  	(pc) =	sbr.rel $0x88, $3  }
0x1: {  	(tag) =	ssettag $0x0;
	lr =	simm.s32 $0x1  }
0x2: {  	[smem:$0x3F95] =	sst lr;
	_ =	strace $0xD0000000  }
0x3: {  	_ = 	snop  }
0x4: {  	_ = 	snop  }
0x5: {  	_ = 	snop  }
0x6: {  	_ = 	snop  }
0x7: {  	_ = 	snop  }
__scs_overlays_trampoline_lowered:
0x8: {  	[smem:$0x3FA4] =	sst s0  }
0x9: {  	[smem:$0x3FA5] =	sst s1  }
0xa: {  	[smem:$0x3FA6] =	sst s2  }
0xb: {  	[smem:$0x3FA7] =	sst s3  }
0xc: {  	[smem:$0x3FA8] =	sst s4  }
0xd: {  	[smem:$0x3FA9] =	sst s5  }
0xe: {  	[smem:$0x3FAA] =	sst s6  }
0xf: {  	[smem:$0x3FAB] =	sst s7  }
0x10: {  	[smem:$0x3FAC] =	sst s8  }
0x11: {  	[smem:$0x3FAD] =	sst s9;
	s0 =	simm.s32 @!p0 $0x0  }
0x12: {  	s1 =	sld [smem:$0x3F93];
	s0 =	simm.s32 @p0 $0x1  }
0x13: {  	[smem:$0x3FAE] =	sst s0;
	s0 =	simm.s32 @!p1 $0x0  }
0x14: {  	s2 =	sld [smem:$0x3F92];
	s0 =	simm.s32 @p1 $0x1  }
0x15: {  	[smem:$0x3FAF] =	sst s0;
	s0 =	simm.s32 @!p2 $0x0  }
0x16: {  	s3 =	sld [smem:$0x3FDB];
	s0 =	simm.s32 @p2 $0x1  }
0x17: {  	s4 =	simm.s32 $0x1BF5;
	[smem:$0x3FB1] =	sst s0  }
0x18: {  	s0 =	sld [smem:$0x3F94];
	_ =	swait.ge [sflag:s4], $0x0  }
0x19: {  	s7 =	sld [smem:$0x3F95]  }
0x1a: {  	s8 =	sadd.s32 $0xFFFFE003, lr  }
0x1b: {  	s9 =	sadd.s32 $0xFFFFFEF7, lr;
	s5 =	simm.s32 $0xFFFFFFFF;
	p2 =	slt.u32 s8, $0xFFFFF086  }
0x1c: {  	p1 =	slt.u32 s9, $0xF7A;
	s5 =	simm.s32 @!p2 $0x0  }
0x1d: {  	s5 =	simm.s32 @p1 $0x1;
	p0 =	seq.s32 s7, s2  }
0x1e: {  	s7 =	smul.u32 @!p0 $0xF7A, s2;
	p2 =	seq.s32 @!p0 s5, $0x0  }
0x1f: {  	s9 =	smul.u32 $0xF7A, s1;
	s8 =	simm.s32 @!p0 $0x1BF5;
	p2 =	por !p2, p0  }
0x20: {  	[sflag:s8] =	ssyncset.s32 @!p0 $0xFFFFF086;
	s6 =	sadd.s32 @!p0 s3, s7;
	s7 =	simm.s32 @!p0 $0x108  }
0x21: {  	s3 =	sadd.s32 s3, s9;
	s6 =	sadd.s32 @!p0 $0x88, s6;
	s7 =	simm.s32 @p2 $0x1082  }
0x22: {  	[simem:s7], [sflag:s8] =	dma.local @!p0 [hbm:s6], $0xF7A  }
0x23: {  	s9 =	sor.u32 $0xD0000000, s2;
	s6 =	simm.s32 $0x108;
	_ =	swait.ge @!p0 [sflag:s8], $0x0  }
0x24: {  	s3 =	sadd.s32 $0x88, s3;
	s6 =	simm.s32 @!p1 $0x1082;
	[sflag:s4] =	ssyncset.s32 $0xFFFFF086  }
0x25: {  	[simem:s6], [sflag:s4] =	dma.local [hbm:s3], $0xF7A  }
0x26: {  	[smem:$0x3F95] =	sst s1;
	(tag) =	ssettag s2;
	_ =	strace s9  }
0x27: {  	s1 =	sld [smem:$0x3FA5]  }
0x28: {  	s2 =	sld [smem:$0x3FA6]  }
0x29: {  	s4 =	sld [smem:$0x3FA8]  }
0x2a: {  	p0 =	seq.s32 s5, $0x0;
	s5 =	sld [smem:$0x3FA9]  }
0x2b: {  	s6 =	sld [smem:$0x3FAA]  }
0x2c: {  	s7 =	sld [smem:$0x3FAB]  }
0x2d: {  	s3 =	simm.s32 $0x108;
	s8 =	sld [smem:$0x3FAC]  }
0x2e: {  	s3 =	simm.s32 @!p0 $0x1082;
	s9 =	sld [smem:$0x3FAD]  }
0x2f: {  	lr =	sadd.s32 s0, s3;
	s0 =	sld [smem:$0x3FA4]  }
0x30: {  	s3 =	sld [smem:$0x3FA7]  }
0x31: {  	[smem:$0x3FB0] =	sst s10  }
0x32: {  	s10 =	sld [smem:$0x3FAE];
	_ =	sdelay $0x3  }
0x33: {  	p0 =	seq.s32 s10, $0x1;
	s10 =	sld [smem:$0x3FB0];
	_ =	sdelay $0x3  }
0x34: {  	[smem:$0x3FB0] =	sst s10  }
0x35: {  	s10 =	sld [smem:$0x3FAF];
	_ =	sdelay $0x3  }
0x36: {  	p1 =	seq.s32 s10, $0x1;
	s10 =	sld [smem:$0x3FB0];
	_ =	sdelay $0x3  }
0x37: {  	[smem:$0x3FB0] =	sst s10  }
0x38: {  	s10 =	sld [smem:$0x3FB1]  }
0x39: {  	_ = 	snop;
	(pc) =	sbr.ind lr, $3  }
0x3a: {  	_ = 	snop  }
0x3b: {  	_ = 	snop  }
0x3c: {  	p2 =	seq.s32 s10, $0x1;
	s10 =	sld [smem:$0x3FB0]  }
0x3d: {  	_ =	shalt  }
0x3e: {  	_ =	shalt  }
0x3f: {  	_ =	shalt  }
0x40: {  	_ =	shalt  }
0x41: {  	_ =	shalt  }
0x42: {  	_ =	shalt  }
0x43: {  	_ =	shalt  }
0x44: {  	_ =	shalt  }
0x45: {  	_ =	shalt  }
0x46: {  	_ =	shalt  }
0x47: {  	_ =	shalt  }
0x48: {  	_ =	shalt  }
0x49: {  	_ =	shalt  }
0x4a: {  	_ =	shalt  }
0x4b: {  	_ =	shalt  }
0x4c: {  	_ =	shalt  }
0x4d: {  	_ =	shalt  }
0x4e: {  	_ =	shalt  }
0x4f: {  	_ =	shalt  }
0x50: {  	_ =	shalt  }
0x51: {  	_ =	shalt  }
0x52: {  	_ =	shalt  }
0x53: {  	_ =	shalt  }
0x54: {  	_ =	shalt  }
0x55: {  	_ =	shalt  }
0x56: {  	_ =	shalt  }
0x57: {  	_ =	shalt  }
0x58: {  	_ =	shalt  }
0x59: {  	_ =	shalt  }
0x5a: {  	_ =	shalt  }
0x5b: {  	_ =	shalt  }
0x5c: {  	_ =	shalt  }
0x5d: {  	_ =	shalt  }
0x5e: {  	_ =	shalt  }
0x5f: {  	_ =	shalt  }
0x60: {  	_ =	shalt  }
0x61: {  	_ =	shalt  }
0x62: {  	_ =	shalt  }
0x63: {  	_ =	shalt  }
0x64: {  	_ =	shalt  }
0x65: {  	_ =	shalt  }
0x66: {  	_ =	shalt  }
0x67: {  	_ =	shalt  }
0x68: {  	_ =	shalt  }
0x69: {  	_ =	shalt  }
0x6a: {  	_ =	shalt  }
0x6b: {  	_ =	shalt  }
0x6c: {  	_ =	shalt  }
0x6d: {  	_ =	shalt  }
0x6e: {  	_ =	shalt  }
0x6f: {  	_ =	shalt  }
0x70: {  	_ =	shalt  }
0x71: {  	_ =	shalt  }
0x72: {  	_ =	shalt  }
0x73: {  	_ =	shalt  }
0x74: {  	_ =	shalt  }
0x75: {  	_ =	shalt  }
0x76: {  	_ =	shalt  }
0x77: {  	_ =	shalt  }
0x78: {  	_ =	shalt  }
0x79: {  	_ =	shalt  }
0x7a: {  	_ =	shalt  }
0x7b: {  	_ =	shalt  }
0x7c: {  	_ =	shalt  }
0x7d: {  	_ =	shalt  }
0x7e: {  	_ =	shalt  }
0x7f: {  	_ =	shalt  }
0x80: {  	_ =	shalt  }
0x81: {  	_ =	shalt  }
0x82: {  	_ =	shalt  }
0x83: {  	_ =	shalt  }
0x84: {  	_ =	shalt  }
0x85: {  	_ =	shalt  }
0x86: {  	_ =	shalt  }
0x87: {  	_ =	shalt  }
.Lfunc_end0:
.L_simem_size_0:
called_computation.1_lowered:
.L_overlay_start_0:
0x88: {  	s2 =	sld [smem:$0x3FD9]  }
0x89: {  	s3 =	sld [smem:$0x3FFE];
	_ =	sdelay $0x1  }
0x8a: {  	s1 =	srdreg.scid  }
0x8b: {  	s0 =	sand.u32 $0x1, s1  }
0x8c: {  	s17 =	sshll.u32 s0, $0xA;
	s2 =	sadd.s32 s3, s2  }
0x8d: {  	s2 =	sadd.s32 s2, s17  }
0x8e: {  	[smem:$0x3FBC] =	sst s2  }
0x8f: {  	_ = 	snop  }
0x90: {  	s2 =	sld [smem:$0x3FD0];
	(tm) =	ssettm $0x1  }
0x91: {  	s18 =	sld [smem:$0x3FFB];
	_ =	sdelay $0x3  }
0x92: {  	_ =	strace s18  }
0x93: {  	s3 =	sld [smem:$0x3FFC];
	_ =	sdelay $0x3  }
0x94: {  	_ =	strace s3  }
0x95: {  	s3 =	sld [smem:$0x3FFD];
	_ =	sdelay $0x3  }
0x96: {  	_ =	strace s3  }
0x97: {  	_ =	strace $0x8FFFFFFF  }
0x98: {  	s19 =	sld [smem:$0x3FDB];
	_ =	sdelay $0x1  }
0x99: {  	s4 =	simm.s32 $_scs_section_size  }
0x9a: {  	s5 =	simm.s32 $_size__tile_overlayer_lowered;
	s6 =	simm.s32 $_tile_overlayer_lowered  }
0x9b: {  	s22 =	simm.s32 $0x1BFF;
	s21 =	sshll.u32 s6, $0x1;
	s3 =	sadd.s32 s4, s19  }
0x9c: {  	s7 =	simm.s32 $0x0;
	s20 =	sshll.u32 s5, $0x1;
	s5 =	sadd.s32 s21, s3  }
0x9d: {  	[timem:s7], [sflag:s22] =	dma.local [hbm:s5], s20  }
0x9e: {  	_ =	swait.ge [sflag:s22], s20  }
0x9f: {  	s4 =	ssub.s32 $0x0, s20;
	[sflag:s22] =	ssyncset.done $0x0  }
0xa0: {  	[sflag:s22] =	ssyncadd.s32 s4;
	_ =	sdelay $0x1  }
0xa1: {  	s23 =	simm.s32 $0x1B8B  }
0xa2: {  	_ =	swait.ge [sflag:s23], $0x1  }
0xa3: {  	[sflag:s23] =	ssyncset.done $0x0  }
0xa4: {  	s25 =	simm.s32 $0x1B8E;
	s24 =	sld [smem:$0x3FFE];
	[sflag:s23] =	ssyncadd.s32 $0xFFFFFFFF  }
0xa5: {  	s26 =	simm.s32 $execute0_lowered;
	[smem:$0x3FD2] =	sst s25  }
0xa6: {  	s5 =	sshll.u32 s26, $0x1;
	_ =	strace $0x80000046;
	[dreg:$0x1] =	wrdreg $0xFFFFFFFF  }
0xa7: {  	s28 =	simm.s32 $_size_execute0_lowered;
	s3 =	sadd.s32 s3, s5;
	[dreg:$0x0] =	wrdreg $0x0  }
0xa8: {  	s5 =	sshll.u32 s28, $0x1;
	[dreg:$0x2] =	wrdreg s3  }
0xa9: {  	[dreg:$0x3] =	wrdreg s5  }
0xaa: {  	[dreg:$0x4] =	wrdreg $0xC0  }
0xab: {  	_ =	task [dreg:s7], $0x5FFFF  }
0xac: {  	[dreg:$0x1] =	wrdreg $0xFFFFFFFF  }
0xad: {  	[dreg:$0x0] =	wrdreg $0x60  }
0xae: {  	[dreg:$0x2] =	wrdreg s2  }
0xaf: {  	[dreg:$0x3] =	wrdreg s24  }
0xb0: {  	[dreg:$0x4] =	wrdreg $0xC  }
0xb1: {  	_ =	task.clear_ibuf [dreg:s7], $0x5FFFF;
	_ =	strace $0x90000046  }
0xb2: {  	s29 =	simm.s32 $0xC;
	_ =	strace $0x80000048  }
0xb3: {  	_ =	swait.ge [sflag:s29], $0x1  }
0xb4: {  	[sflag:s29] =	ssyncadd.s32 $0xFFFFFFFF  }
0xb5: {  	_ =	strace $0x90000048  }
0xb6: {  	_ =	sfence  }
0xb7: {  	s30 =	sld [smem:$0x0];
	_ =	sdelay $0x2  }
0xb8: {  	s31 =	sshll.u32 s1, $0xD;
	s1 =	sshrl.u32 s1, $0x2  }
0xb9: {  	s3 =	sand.u32 $0x4000, s31;
	s1 =	sadd.s32 s1, s30  }
0xba: {  	s0 =	sor.u32 s3, s0;
	s1 =	sshll.u32 s1, $0x11  }
0xbb: {  	s0 =	sor.u32 s1, s0  }
0xbc: {  	s0 =	sadd.s32 $0x8F2B, s0  }
0xbd: {  	[sflag:s0] =	ssyncadd.remote.s32 $0x1  }
0xbe: {  	_ =	sfence.sel $0xFFFF  }
0xbf: {  	[dreg:$0x0] =	wrdreg $0xFFFFFFFF;
	(pc) =	sbr.abs _section_cstart, $3  }
0xc0: {  	[dreg:$0x1] =	wrdreg $0xFFFFFFFF  }
0xc1: {  	_ =	task.clear_ibuf [dreg:s7], $0x2FFFF;
	_ =	strace $0x9FFFFFFF  }
0xc2: {  	(tm) =	ssettm $0x7FFFFFFF  }
0xc3: {  	_ =	shalt  }
tec
execute0_lowered:
.L_overlay_start_1:
0x0: {  	(tag) =	ssettag $0x1  }
0x1: {  	s1 =	srdreg.scid;
	s0 =	stileid.u32  }
0x2: {  	s30 =	sand.u32 $0x1, s1;
	s26 =	sshll.u32 s0, $0x1  }
0x3: {  	s1 =	sor.u32 s30, s26  }
0x4: {  	s4 =	smul.u32 $0x730, s1  }
0x5: {  	s3 =	rddreg [dreg:$0x0]  }
0x6: {  	s14 =	rddreg [dreg:$0x1];
	s2 =	simm.s32 $0x0;
	s4 =	sshrl.u32 s4, $0x3  }
0x7: {  	[smem:$0x7FF] =	sst s2;
	s5 =	sadd.s32 $0x500, s4  }
0x8: {  	_ =	strace $0x80000047;
	s4 =	sadd.s32 s3, s5;
	s3 =	simm.s32 $0x3  }
0x9: {  	[tilespmem:s2], [sflag:$0x3] =	stream.linear.gather [hbm4b:s4+s2], $0x730, $0x38;
	[tilespmem:$0x17F00] =	vst v63  }
0xa: {  	_ =	swait.ge [sflag:s3], $0x730  }
0xb: {  	s5 =	sadd.s32 s5, s14;
	[sflag:s3] =	ssyncset.done $0x0  }
0xc: {  	s6 =	simm.s32 $0x780;
	s5 =	sadd.s32 $0x6000, s5;
	[sflag:s3] =	ssyncadd.s32 $0xFFFFF8D0  }
0xd: {  	[tilespmem:s6], [sflag:$0x3] =	stream.linear.gather [hbm4b:s5+s2], $0x730, $0x38;
	[tilespmem:$0x17F00] =	vst v63  }
0xe: {  	_ =	swait.ge [sflag:s3], $0x730  }
0xf: {  	s8 =	simm.s32 $0x170;
	[sflag:s3] =	ssyncset.done $0x0  }
0x10: {  	s9 =	simm.s32 $0xF00;
	s7 =	sadd.s32 $0x32200, s14;
	[sflag:s3] =	ssyncadd.s32 $0xFFFFF8D0  }
0x11: {  	[tilespmem:s9], [sflag:$0x1] =	stream.indirect.gather [hbm4b:s7+s8], $0x80, s2, s8, $0xb8;
	[tilespmem:$0x17F00] =	vst v63  }
0x12: {  	s10 =	simm.s32 $0xC700;
	s11 =	simm.s32 $0x1  }
0x13: {  	[tilespmem:s10], [sflag:$0x2] =	stream.indirect.gather [hbm4b:s7+s8], $0x80, s6, s8, $0xb8;
	[tilespmem:$0x17F00] =	vst v63  }
0x14: {  	s1 =	smul.u32 $0x7300, s1;
	_ =	swait.ge [sflag:s11], $0xB800  }
0x15: {  	s29 =	sadd.s32 $0x59400, s14;
	[sflag:s11] =	ssyncset.done $0x0  }
0x16: {  	s12 =	sadd.s32 s29, s1;
	[sflag:s11] =	ssyncadd.s32 $0xFFFF4800  }
0x17: {  	[hbm4b:s12+s2] =	stream.linear.scatter [tilespmem:s9], [sflag:$0x3], $0xB800, $0x38;
	[tilespmem:$0x17F00] =	vst v63  }
0x18: {  	_ =	swait.ge [sflag:s3], $0xB800  }
0x19: {  	[sflag:s3] =	ssyncset.done $0x0  }
0x1a: {  	s13 =	simm.s32 $0x2;
	[sflag:s3] =	ssyncadd.s32 $0xFFFF4800  }
0x1b: {  	_ =	swait.ge [sflag:s13], $0xB800  }
0x1c: {  	s31 =	sadd.s32 $0x13F400, s14;
	[sflag:s13] =	ssyncset.done $0x0  }
0x1d: {  	s14 =	sadd.s32 s31, s1;
	[sflag:s13] =	ssyncadd.s32 $0xFFFF4800  }
0x1e: {  	[hbm4b:s14+s2] =	stream.linear.scatter [tilespmem:s10], [sflag:$0x3], $0xB800, $0x38;
	[tilespmem:$0x17F00] =	vst v63  }
0x1f: {  	_ =	swait.ge [sflag:s3], $0xB800  }
0x20: {  	[sflag:s3] =	ssyncset.done $0x0  }
0x21: {  	[sflag:s3] =	ssyncadd.s32 $0xFFFF4800  }
0x22: {  	[tilespmem:s9], [sflag:$0x1] =	stream.indirect.gather [hbm4b:s7+s8], $0x80, s8, s8, $0xb8;
	[tilespmem:$0x17F00] =	vst v63  }
0x23: {  	s15 =	simm.s32 $0x8F0  }
0x24: {  	[tilespmem:s10], [sflag:$0x2] =	stream.indirect.gather [hbm4b:s7+s8], $0x80, s15, s8, $0xb8;
	[tilespmem:$0x17F00] =	vst v63  }
0x25: {  	_ =	swait.ge [sflag:s11], $0xB800  }
0x26: {  	s17 =	sadd.s32 $0x1700, s1;
	[sflag:s11] =	ssyncset.done $0x0  }
0x27: {  	s16 =	sadd.s32 s29, s17;
	[sflag:s11] =	ssyncadd.s32 $0xFFFF4800  }
0x28: {  	[hbm4b:s16+s2] =	stream.linear.scatter [tilespmem:s9], [sflag:$0x3], $0xB800, $0x38;
	[tilespmem:$0x17F00] =	vst v63  }
0x29: {  	_ =	swait.ge [sflag:s3], $0xB800  }
0x2a: {  	[sflag:s3] =	ssyncset.done $0x0  }
0x2b: {  	[sflag:s3] =	ssyncadd.s32 $0xFFFF4800  }
0x2c: {  	_ =	swait.ge [sflag:s13], $0xB800  }
0x2d: {  	[sflag:s13] =	ssyncset.done $0x0  }
0x2e: {  	s17 =	sadd.s32 s31, s17;
	[sflag:s13] =	ssyncadd.s32 $0xFFFF4800  }
0x2f: {  	[hbm4b:s17+s2] =	stream.linear.scatter [tilespmem:s10], [sflag:$0x3], $0xB800, $0x38;
	[tilespmem:$0x17F00] =	vst v63  }
0x30: {  	_ =	swait.ge [sflag:s3], $0xB800  }
0x31: {  	[sflag:s3] =	ssyncset.done $0x0  }
0x32: {  	s18 =	simm.s32 $0x2E0;
	[sflag:s3] =	ssyncadd.s32 $0xFFFF4800  }
0x33: {  	[tilespmem:s9], [sflag:$0x1] =	stream.indirect.gather [hbm4b:s7+s8], $0x80, s18, s8, $0xb8;
	[tilespmem:$0x17F00] =	vst v63  }
0x34: {  	s19 =	simm.s32 $0xA60  }
0x35: {  	[tilespmem:s10], [sflag:$0x2] =	stream.indirect.gather [hbm4b:s7+s8], $0x80, s19, s8, $0xb8;
	[tilespmem:$0x17F00] =	vst v63  }
0x36: {  	_ =	swait.ge [sflag:s11], $0xB800  }
0x37: {  	s21 =	sadd.s32 $0x2E00, s1;
	[sflag:s11] =	ssyncset.done $0x0  }
0x38: {  	s20 =	sadd.s32 s29, s21;
	[sflag:s11] =	ssyncadd.s32 $0xFFFF4800  }
0x39: {  	[hbm4b:s20+s2] =	stream.linear.scatter [tilespmem:s9], [sflag:$0x3], $0xB800, $0x38;
	[tilespmem:$0x17F00] =	vst v63  }
0x3a: {  	_ =	swait.ge [sflag:s3], $0xB800  }
0x3b: {  	[sflag:s3] =	ssyncset.done $0x0  }
0x3c: {  	[sflag:s3] =	ssyncadd.s32 $0xFFFF4800  }
0x3d: {  	_ =	swait.ge [sflag:s13], $0xB800  }
0x3e: {  	[sflag:s13] =	ssyncset.done $0x0  }
0x3f: {  	s21 =	sadd.s32 s31, s21;
	[sflag:s13] =	ssyncadd.s32 $0xFFFF4800  }
0x40: {  	[hbm4b:s21+s2] =	stream.linear.scatter [tilespmem:s10], [sflag:$0x3], $0xB800, $0x38;
	[tilespmem:$0x17F00] =	vst v63  }
0x41: {  	_ =	swait.ge [sflag:s3], $0xB800  }
0x42: {  	[sflag:s3] =	ssyncset.done $0x0  }
0x43: {  	s22 =	simm.s32 $0x450;
	[sflag:s3] =	ssyncadd.s32 $0xFFFF4800  }
0x44: {  	[tilespmem:s9], [sflag:$0x1] =	stream.indirect.gather [hbm4b:s7+s8], $0x80, s22, s8, $0xb8;
	[tilespmem:$0x17F00] =	vst v63  }
0x45: {  	s23 =	simm.s32 $0xBD0  }
0x46: {  	[tilespmem:s10], [sflag:$0x2] =	stream.indirect.gather [hbm4b:s7+s8], $0x80, s23, s8, $0xb8;
	[tilespmem:$0x17F00] =	vst v63  }
0x47: {  	_ =	swait.ge [sflag:s11], $0xB800  }
0x48: {  	s25 =	sadd.s32 $0x4500, s1;
	[sflag:s11] =	ssyncset.done $0x0  }
0x49: {  	s24 =	sadd.s32 s29, s25;
	[sflag:s11] =	ssyncadd.s32 $0xFFFF4800  }
0x4a: {  	[hbm4b:s24+s2] =	stream.linear.scatter [tilespmem:s9], [sflag:$0x3], $0xB800, $0x38;
	[tilespmem:$0x17F00] =	vst v63  }
0x4b: {  	_ =	swait.ge [sflag:s3], $0xB800  }
0x4c: {  	[sflag:s3] =	ssyncset.done $0x0  }
0x4d: {  	[sflag:s3] =	ssyncadd.s32 $0xFFFF4800  }
0x4e: {  	_ =	swait.ge [sflag:s13], $0xB800  }
0x4f: {  	[sflag:s13] =	ssyncset.done $0x0  }
0x50: {  	s25 =	sadd.s32 s31, s25;
	[sflag:s13] =	ssyncadd.s32 $0xFFFF4800  }
0x51: {  	[hbm4b:s25+s2] =	stream.linear.scatter [tilespmem:s10], [sflag:$0x3], $0xB800, $0x38;
	[tilespmem:$0x17F00] =	vst v63  }
0x52: {  	_ =	swait.ge [sflag:s3], $0xB800  }
0x53: {  	[sflag:s3] =	ssyncset.done $0x0  }
0x54: {  	s26 =	simm.s32 $0x5C0;
	[sflag:s3] =	ssyncadd.s32 $0xFFFF4800  }
0x55: {  	[tilespmem:s9], [sflag:$0x1] =	stream.indirect.gather [hbm4b:s7+s8], $0x80, s26, s8, $0xb8;
	[tilespmem:$0x17F00] =	vst v63  }
0x56: {  	s28 =	simm.s32 $0xD40  }
0x57: {  	[tilespmem:s10], [sflag:$0x2] =	stream.indirect.gather [hbm4b:s7+s8], $0x80, s28, s8, $0xb8;
	[tilespmem:$0x17F00] =	vst v63  }
0x58: {  	_ =	swait.ge [sflag:s11], $0xB800  }
0x59: {  	s1 =	sadd.s32 $0x5C00, s1;
	[sflag:s11] =	ssyncset.done $0x0  }
0x5a: {  	s30 =	ssub.s32 $0x2, s30;
	s29 =	sadd.s32 s29, s1;
	[sflag:s11] =	ssyncadd.s32 $0xFFFF4800  }
0x5b: {  	[hbm4b:s29+s2] =	stream.linear.scatter [tilespmem:s9], [sflag:$0x3], $0xB800, $0x38;
	[tilespmem:$0x17F00] =	vst v63  }
0x5c: {  	s0 =	sshrl.u32 s30, $0x1;
	_ =	swait.ge [sflag:s3], $0xB800  }
0x5d: {  	s0 =	ssub.s32 s30, s0;
	[sflag:s3] =	ssyncset.done $0x0  }
0x5e: {  	s0 =	smax.u32 s0, $0x1;
	[sflag:s3] =	ssyncadd.s32 $0xFFFF4800  }
0x5f: {  	p0 =	sne.s32 s0, $0x1;
	_ =	swait.ge [sflag:s13], $0xB800  }
.Ltmp0:
0x60: {  	[sflag:s13] =	ssyncset.done $0x0;
	(pc) =	sbr.rel @!p0 .LBB2_2-.Ltmp0, $4  }
0x61: {  	s30 =	sadd.s32 s31, s1;
	[sflag:s13] =	ssyncadd.s32 $0xFFFF4800  }
0x62: {  	[hbm4b:s30+s2] =	stream.linear.scatter [tilespmem:s10], [sflag:$0x3], $0xB800, $0x38;
	[tilespmem:$0x17F00] =	vst v63  }
0x63: {  	_ =	swait.ge [sflag:s3], $0xB800  }
0x64: {  	s31 =	sadd.s32 $0xFFFFFFFF, s0;
	[sflag:s3] =	ssyncset.done $0x0  }
.LBB2_1:
0x65: {  	p0 =	sne.s32 s31, $0x1;
	s31 =	sadd.s32 $0xFFFFFFFF, s31;
	[sflag:s3] =	ssyncadd.s32 $0xFFFF4800  }
0x66: {  	[tilespmem:s2], [sflag:$0x3] =	stream.linear.gather [hbm4b:s4+s2], $0x730, $0x38;
	[tilespmem:$0x17F00] =	vst v63  }
0x67: {  	_ =	swait.ge [sflag:s3], $0x730  }
0x68: {  	[sflag:s3] =	ssyncset.done $0x0  }
0x69: {  	[sflag:s3] =	ssyncadd.s32 $0xFFFFF8D0  }
0x6a: {  	[tilespmem:s6], [sflag:$0x3] =	stream.linear.gather [hbm4b:s5+s2], $0x730, $0x38;
	[tilespmem:$0x17F00] =	vst v63  }
0x6b: {  	_ =	swait.ge [sflag:s3], $0x730  }
0x6c: {  	[sflag:s3] =	ssyncset.done $0x0  }
0x6d: {  	[sflag:s3] =	ssyncadd.s32 $0xFFFFF8D0  }
0x6e: {  	[tilespmem:s9], [sflag:$0x1] =	stream.indirect.gather [hbm4b:s7+s8], $0x80, s2, s8, $0xb8;
	[tilespmem:$0x17F00] =	vst v63  }
0x6f: {  	_ = 	snop  }
0x70: {  	[tilespmem:s10], [sflag:$0x2] =	stream.indirect.gather [hbm4b:s7+s8], $0x80, s6, s8, $0xb8;
	[tilespmem:$0x17F00] =	vst v63  }
0x71: {  	_ =	swait.ge [sflag:s11], $0xB800  }
0x72: {  	[sflag:s11] =	ssyncset.done $0x0  }
0x73: {  	[sflag:s11] =	ssyncadd.s32 $0xFFFF4800  }
0x74: {  	[hbm4b:s12+s2] =	stream.linear.scatter [tilespmem:s9], [sflag:$0x3], $0xB800, $0x38;
	[tilespmem:$0x17F00] =	vst v63  }
0x75: {  	_ =	swait.ge [sflag:s3], $0xB800  }
0x76: {  	[sflag:s3] =	ssyncset.done $0x0  }
0x77: {  	[sflag:s3] =	ssyncadd.s32 $0xFFFF4800  }
0x78: {  	_ =	swait.ge [sflag:s13], $0xB800  }
0x79: {  	[sflag:s13] =	ssyncset.done $0x0  }
0x7a: {  	[sflag:s13] =	ssyncadd.s32 $0xFFFF4800  }
0x7b: {  	[hbm4b:s14+s2] =	stream.linear.scatter [tilespmem:s10], [sflag:$0x3], $0xB800, $0x38;
	[tilespmem:$0x17F00] =	vst v63  }
0x7c: {  	_ =	swait.ge [sflag:s3], $0xB800  }
0x7d: {  	[sflag:s3] =	ssyncset.done $0x0  }
0x7e: {  	[sflag:s3] =	ssyncadd.s32 $0xFFFF4800  }
0x7f: {  	[tilespmem:s9], [sflag:$0x1] =	stream.indirect.gather [hbm4b:s7+s8], $0x80, s8, s8, $0xb8;
	[tilespmem:$0x17F00] =	vst v63  }
0x80: {  	_ = 	snop  }
0x81: {  	[tilespmem:s10], [sflag:$0x2] =	stream.indirect.gather [hbm4b:s7+s8], $0x80, s15, s8, $0xb8;
	[tilespmem:$0x17F00] =	vst v63  }
0x82: {  	_ =	swait.ge [sflag:s11], $0xB800  }
0x83: {  	[sflag:s11] =	ssyncset.done $0x0  }
0x84: {  	[sflag:s11] =	ssyncadd.s32 $0xFFFF4800  }
0x85: {  	[hbm4b:s16+s2] =	stream.linear.scatter [tilespmem:s9], [sflag:$0x3], $0xB800, $0x38;
	[tilespmem:$0x17F00] =	vst v63  }
0x86: {  	_ =	swait.ge [sflag:s3], $0xB800  }
0x87: {  	[sflag:s3] =	ssyncset.done $0x0  }
0x88: {  	[sflag:s3] =	ssyncadd.s32 $0xFFFF4800  }
0x89: {  	_ =	swait.ge [sflag:s13], $0xB800  }
0x8a: {  	[sflag:s13] =	ssyncset.done $0x0  }
0x8b: {  	[sflag:s13] =	ssyncadd.s32 $0xFFFF4800  }
0x8c: {  	[hbm4b:s17+s2] =	stream.linear.scatter [tilespmem:s10], [sflag:$0x3], $0xB800, $0x38;
	[tilespmem:$0x17F00] =	vst v63  }
0x8d: {  	_ =	swait.ge [sflag:s3], $0xB800  }
0x8e: {  	[sflag:s3] =	ssyncset.done $0x0  }
0x8f: {  	[sflag:s3] =	ssyncadd.s32 $0xFFFF4800  }
0x90: {  	[tilespmem:s9], [sflag:$0x1] =	stream.indirect.gather [hbm4b:s7+s8], $0x80, s18, s8, $0xb8;
	[tilespmem:$0x17F00] =	vst v63  }
0x91: {  	_ = 	snop  }
0x92: {  	[tilespmem:s10], [sflag:$0x2] =	stream.indirect.gather [hbm4b:s7+s8], $0x80, s19, s8, $0xb8;
	[tilespmem:$0x17F00] =	vst v63  }
0x93: {  	_ =	swait.ge [sflag:s11], $0xB800  }
0x94: {  	[sflag:s11] =	ssyncset.done $0x0  }
0x95: {  	[sflag:s11] =	ssyncadd.s32 $0xFFFF4800  }
0x96: {  	[hbm4b:s20+s2] =	stream.linear.scatter [tilespmem:s9], [sflag:$0x3], $0xB800, $0x38;
	[tilespmem:$0x17F00] =	vst v63  }
0x97: {  	_ =	swait.ge [sflag:s3], $0xB800  }
0x98: {  	[sflag:s3] =	ssyncset.done $0x0  }
0x99: {  	[sflag:s3] =	ssyncadd.s32 $0xFFFF4800  }
0x9a: {  	_ =	swait.ge [sflag:s13], $0xB800  }
0x9b: {  	[sflag:s13] =	ssyncset.done $0x0  }
0x9c: {  	[sflag:s13] =	ssyncadd.s32 $0xFFFF4800  }
0x9d: {  	[hbm4b:s21+s2] =	stream.linear.scatter [tilespmem:s10], [sflag:$0x3], $0xB800, $0x38;
	[tilespmem:$0x17F00] =	vst v63  }
0x9e: {  	_ =	swait.ge [sflag:s3], $0xB800  }
0x9f: {  	[sflag:s3] =	ssyncset.done $0x0  }
0xa0: {  	[sflag:s3] =	ssyncadd.s32 $0xFFFF4800  }
0xa1: {  	[tilespmem:s9], [sflag:$0x1] =	stream.indirect.gather [hbm4b:s7+s8], $0x80, s22, s8, $0xb8;
	[tilespmem:$0x17F00] =	vst v63  }
0xa2: {  	_ = 	snop  }
0xa3: {  	[tilespmem:s10], [sflag:$0x2] =	stream.indirect.gather [hbm4b:s7+s8], $0x80, s23, s8, $0xb8;
	[tilespmem:$0x17F00] =	vst v63  }
0xa4: {  	_ =	swait.ge [sflag:s11], $0xB800  }
0xa5: {  	[sflag:s11] =	ssyncset.done $0x0  }
0xa6: {  	[sflag:s11] =	ssyncadd.s32 $0xFFFF4800  }
0xa7: {  	[hbm4b:s24+s2] =	stream.linear.scatter [tilespmem:s9], [sflag:$0x3], $0xB800, $0x38;
	[tilespmem:$0x17F00] =	vst v63  }
0xa8: {  	_ =	swait.ge [sflag:s3], $0xB800  }
0xa9: {  	[sflag:s3] =	ssyncset.done $0x0  }
0xaa: {  	[sflag:s3] =	ssyncadd.s32 $0xFFFF4800  }
0xab: {  	_ =	swait.ge [sflag:s13], $0xB800  }
0xac: {  	[sflag:s13] =	ssyncset.done $0x0  }
0xad: {  	[sflag:s13] =	ssyncadd.s32 $0xFFFF4800  }
0xae: {  	[hbm4b:s25+s2] =	stream.linear.scatter [tilespmem:s10], [sflag:$0x3], $0xB800, $0x38;
	[tilespmem:$0x17F00] =	vst v63  }
0xaf: {  	_ =	swait.ge [sflag:s3], $0xB800  }
0xb0: {  	[sflag:s3] =	ssyncset.done $0x0  }
0xb1: {  	[sflag:s3] =	ssyncadd.s32 $0xFFFF4800  }
0xb2: {  	[tilespmem:s9], [sflag:$0x1] =	stream.indirect.gather [hbm4b:s7+s8], $0x80, s26, s8, $0xb8;
	[tilespmem:$0x17F00] =	vst v63  }
0xb3: {  	_ = 	snop  }
0xb4: {  	[tilespmem:s10], [sflag:$0x2] =	stream.indirect.gather [hbm4b:s7+s8], $0x80, s28, s8, $0xb8;
	[tilespmem:$0x17F00] =	vst v63  }
0xb5: {  	_ =	swait.ge [sflag:s11], $0xB800  }
0xb6: {  	[sflag:s11] =	ssyncset.done $0x0  }
0xb7: {  	[sflag:s11] =	ssyncadd.s32 $0xFFFF4800  }
0xb8: {  	[hbm4b:s29+s2] =	stream.linear.scatter [tilespmem:s9], [sflag:$0x3], $0xB800, $0x38;
	[tilespmem:$0x17F00] =	vst v63  }
0xb9: {  	_ =	swait.ge [sflag:s3], $0xB800  }
0xba: {  	[sflag:s3] =	ssyncset.done $0x0  }
0xbb: {  	[sflag:s3] =	ssyncadd.s32 $0xFFFF4800  }
0xbc: {  	_ =	swait.ge [sflag:s13], $0xB800  }
.Ltmp1:
0xbd: {  	[sflag:s13] =	ssyncset.done $0x0;
	(pc) =	sbr.rel @p0 .LBB2_1-.Ltmp1, $4  }
0xbe: {  	[sflag:s13] =	ssyncadd.s32 $0xFFFF4800  }
0xbf: {  	[hbm4b:s30+s2] =	stream.linear.scatter [tilespmem:s10], [sflag:$0x3], $0xB800, $0x38;
	[tilespmem:$0x17F00] =	vst v63  }
0xc0: {  	_ =	swait.ge [sflag:s3], $0xB800  }
0xc1: {  	[sflag:s3] =	ssyncset.done $0x0  }
.LBB2_2:
0xc2: {  	[sflag:s3] =	ssyncadd.s32 $0xFFFF4800  }
0xc3: {  	_ =	sfence.sel $0x180000  }
0xc4: {  	[bflag:$0x0] =	sbarrier.arrive $0xFFFF  }
0xc5: {  	_ =	strace $0x90000047  }
0xc6: {  	s0 =	stileid.u32;
	[bflag:$0x2] =	sbarrier.arrive $0xFFFF  }
0xc7: {  	p0 =	sne.s32 s0, $0x0;
	s0 =	rddreg [dreg:$0x2]  }
0xc8: {  	s0 =	sadd.s32 @!p0 $0x100000, s0  }
0xc9: {  	[sflag:s0] =	ssyncadd.tile.s32 @!p0 $0x1;
	_ =	shalt  }
.Lfunc_end2:
_tile_overlayer_lowered:
.L_overlay_start_2:
0xca: {  	(tag) =	ssettag $0x2  }
0xcb: {  	s0 =	rddreg [dreg:$0x0];
	s2 =	stileid.u32  }
0xcc: {  	s1 =	rddreg [dreg:$0x1];
	p0 =	sne.s32 s2, $0x0  }
0xcd: {  	s3 =	rddreg [dreg:$0x2];
	[bflag:$0x3] =	sbarrier.arrive $0xFFFF;
	s2 =	simm.s32 @!p0 $0x1C03  }
0xce: {  	[timem:s3], [sflag:s2] =	dma.local @!p0 [hbm:s0], s1  }
0xcf: {  	s0 =	simm.s32 @!p0 $0x3  }
0xd0: {  	_ =	swait.ge @!p0 [sflag:s0], s1  }
0xd1: {  	s1 =	ssub.s32 @!p0 $0x0, s1;
	[sflag:s0] =	ssyncset.done @!p0 $0x0  }
0xd2: {  	[sflag:s0] =	ssyncadd.s32 @!p0 s1  }
0xd3: {  	[bflag:$0x3] =	sbarrier.arrive $0xFFFF  }
0xd4: {  	_ =	shalt  }

// kernel: kernel.22.cloned.1.call-start
scs
__scs_entry_jumppad:
0x0: {  	(pc) =	sbr.rel $0x88, $3  }
0x1: {  	(tag) =	ssettag $0x0;
	lr =	simm.s32 $0x1  }
0x2: {  	[smem:$0x3F95] =	sst lr;
	_ =	strace $0xD0000000  }
0x3: {  	_ = 	snop  }
0x4: {  	_ = 	snop  }
0x5: {  	_ = 	snop  }
0x6: {  	_ = 	snop  }
0x7: {  	_ = 	snop  }
__scs_overlays_trampoline_lowered:
0x8: {  	[smem:$0x3FA4] =	sst s0  }
0x9: {  	[smem:$0x3FA5] =	sst s1  }
0xa: {  	[smem:$0x3FA6] =	sst s2  }
0xb: {  	[smem:$0x3FA7] =	sst s3  }
0xc: {  	[smem:$0x3FA8] =	sst s4  }
0xd: {  	[smem:$0x3FA9] =	sst s5  }
0xe: {  	[smem:$0x3FAA] =	sst s6  }
0xf: {  	[smem:$0x3FAB] =	sst s7  }
0x10: {  	[smem:$0x3FAC] =	sst s8  }
0x11: {  	[smem:$0x3FAD] =	sst s9;
	s0 =	simm.s32 @!p0 $0x0  }
0x12: {  	s1 =	sld [smem:$0x3F93];
	s0 =	simm.s32 @p0 $0x1  }
0x13: {  	[smem:$0x3FAE] =	sst s0;
	s0 =	simm.s32 @!p1 $0x0  }
0x14: {  	s2 =	sld [smem:$0x3F92];
	s0 =	simm.s32 @p1 $0x1  }
0x15: {  	[smem:$0x3FAF] =	sst s0;
	s0 =	simm.s32 @!p2 $0x0  }
0x16: {  	s3 =	sld [smem:$0x3FDB];
	s0 =	simm.s32 @p2 $0x1  }
0x17: {  	s4 =	simm.s32 $0x1BF5;
	[smem:$0x3FB1] =	sst s0  }
0x18: {  	s0 =	sld [smem:$0x3F94];
	_ =	swait.ge [sflag:s4], $0x0  }
0x19: {  	s7 =	sld [smem:$0x3F95]  }
0x1a: {  	s8 =	sadd.s32 $0xFFFFE003, lr  }
0x1b: {  	s9 =	sadd.s32 $0xFFFFFEF7, lr;
	s5 =	simm.s32 $0xFFFFFFFF;
	p2 =	slt.u32 s8, $0xFFFFF086  }
0x1c: {  	p1 =	slt.u32 s9, $0xF7A;
	s5 =	simm.s32 @!p2 $0x0  }
0x1d: {  	s5 =	simm.s32 @p1 $0x1;
	p0 =	seq.s32 s7, s2  }
0x1e: {  	s7 =	smul.u32 @!p0 $0xF7A, s2;
	p2 =	seq.s32 @!p0 s5, $0x0  }
0x1f: {  	s9 =	smul.u32 $0xF7A, s1;
	s8 =	simm.s32 @!p0 $0x1BF5;
	p2 =	por !p2, p0  }
0x20: {  	[sflag:s8] =	ssyncset.s32 @!p0 $0xFFFFF086;
	s6 =	sadd.s32 @!p0 s3, s7;
	s7 =	simm.s32 @!p0 $0x108  }
0x21: {  	s3 =	sadd.s32 s3, s9;
	s6 =	sadd.s32 @!p0 $0x88, s6;
	s7 =	simm.s32 @p2 $0x1082  }
0x22: {  	[simem:s7], [sflag:s8] =	dma.local @!p0 [hbm:s6], $0xF7A  }
0x23: {  	s9 =	sor.u32 $0xD0000000, s2;
	s6 =	simm.s32 $0x108;
	_ =	swait.ge @!p0 [sflag:s8], $0x0  }
0x24: {  	s3 =	sadd.s32 $0x88, s3;
	s6 =	simm.s32 @!p1 $0x1082;
	[sflag:s4] =	ssyncset.s32 $0xFFFFF086  }
0x25: {  	[simem:s6], [sflag:s4] =	dma.local [hbm:s3], $0xF7A  }
0x26: {  	[smem:$0x3F95] =	sst s1;
	(tag) =	ssettag s2;
	_ =	strace s9  }
0x27: {  	s1 =	sld [smem:$0x3FA5]  }
0x28: {  	s2 =	sld [smem:$0x3FA6]  }
0x29: {  	s4 =	sld [smem:$0x3FA8]  }
0x2a: {  	p0 =	seq.s32 s5, $0x0;
	s5 =	sld [smem:$0x3FA9]  }
0x2b: {  	s6 =	sld [smem:$0x3FAA]  }
0x2c: {  	s7 =	sld [smem:$0x3FAB]  }
0x2d: {  	s3 =	simm.s32 $0x108;
	s8 =	sld [smem:$0x3FAC]  }
0x2e: {  	s3 =	simm.s32 @!p0 $0x1082;
	s9 =	sld [smem:$0x3FAD]  }
0x2f: {  	lr =	sadd.s32 s0, s3;
	s0 =	sld [smem:$0x3FA4]  }
0x30: {  	s3 =	sld [smem:$0x3FA7]  }
0x31: {  	[smem:$0x3FB0] =	sst s10  }
0x32: {  	s10 =	sld [smem:$0x3FAE];
	_ =	sdelay $0x3  }
0x33: {  	p0 =	seq.s32 s10, $0x1;
	s10 =	sld [smem:$0x3FB0];
	_ =	sdelay $0x3  }
0x34: {  	[smem:$0x3FB0] =	sst s10  }
0x35: {  	s10 =	sld [smem:$0x3FAF];
	_ =	sdelay $0x3  }
0x36: {  	p1 =	seq.s32 s10, $0x1;
	s10 =	sld [smem:$0x3FB0];
	_ =	sdelay $0x3  }
0x37: {  	[smem:$0x3FB0] =	sst s10  }
0x38: {  	s10 =	sld [smem:$0x3FB1]  }
0x39: {  	_ = 	snop;
	(pc) =	sbr.ind lr, $3  }
0x3a: {  	_ = 	snop  }
0x3b: {  	_ = 	snop  }
0x3c: {  	p2 =	seq.s32 s10, $0x1;
	s10 =	sld [smem:$0x3FB0]  }
0x3d: {  	_ =	shalt  }
0x3e: {  	_ =	shalt  }
0x3f: {  	_ =	shalt  }
0x40: {  	_ =	shalt  }
0x41: {  	_ =	shalt  }
0x42: {  	_ =	shalt  }
0x43: {  	_ =	shalt  }
0x44: {  	_ =	shalt  }
0x45: {  	_ =	shalt  }
0x46: {  	_ =	shalt  }
0x47: {  	_ =	shalt  }
0x48: {  	_ =	shalt  }
0x49: {  	_ =	shalt  }
0x4a: {  	_ =	shalt  }
0x4b: {  	_ =	shalt  }
0x4c: {  	_ =	shalt  }
0x4d: {  	_ =	shalt  }
0x4e: {  	_ =	shalt  }
0x4f: {  	_ =	shalt  }
0x50: {  	_ =	shalt  }
0x51: {  	_ =	shalt  }
0x52: {  	_ =	shalt  }
0x53: {  	_ =	shalt  }
0x54: {  	_ =	shalt  }
0x55: {  	_ =	shalt  }
0x56: {  	_ =	shalt  }
0x57: {  	_ =	shalt  }
0x58: {  	_ =	shalt  }
0x59: {  	_ =	shalt  }
0x5a: {  	_ =	shalt  }
0x5b: {  	_ =	shalt  }
0x5c: {  	_ =	shalt  }
0x5d: {  	_ =	shalt  }
0x5e: {  	_ =	shalt  }
0x5f: {  	_ =	shalt  }
0x60: {  	_ =	shalt  }
0x61: {  	_ =	shalt  }
0x62: {  	_ =	shalt  }
0x63: {  	_ =	shalt  }
0x64: {  	_ =	shalt  }
0x65: {  	_ =	shalt  }
0x66: {  	_ =	shalt  }
0x67: {  	_ =	shalt  }
0x68: {  	_ =	shalt  }
0x69: {  	_ =	shalt  }
0x6a: {  	_ =	shalt  }
0x6b: {  	_ =	shalt  }
0x6c: {  	_ =	shalt  }
0x6d: {  	_ =	shalt  }
0x6e: {  	_ =	shalt  }
0x6f: {  	_ =	shalt  }
0x70: {  	_ =	shalt  }
0x71: {  	_ =	shalt  }
0x72: {  	_ =	shalt  }
0x73: {  	_ =	shalt  }
0x74: {  	_ =	shalt  }
0x75: {  	_ =	shalt  }
0x76: {  	_ =	shalt  }
0x77: {  	_ =	shalt  }
0x78: {  	_ =	shalt  }
0x79: {  	_ =	shalt  }
0x7a: {  	_ =	shalt  }
0x7b: {  	_ =	shalt  }
0x7c: {  	_ =	shalt  }
0x7d: {  	_ =	shalt  }
0x7e: {  	_ =	shalt  }
0x7f: {  	_ =	shalt  }
0x80: {  	_ =	shalt  }
0x81: {  	_ =	shalt  }
0x82: {  	_ =	shalt  }
0x83: {  	_ =	shalt  }
0x84: {  	_ =	shalt  }
0x85: {  	_ =	shalt  }
0x86: {  	_ =	shalt  }
0x87: {  	_ =	shalt  }
.Lfunc_end0:
.L_simem_size_0:
called_computation.2_lowered:
.L_overlay_start_0:
0x88: {  	s2 =	sld [smem:$0x3FD9]  }
0x89: {  	s3 =	sld [smem:$0x3FFE];
	_ =	sdelay $0x1  }
0x8a: {  	s1 =	srdreg.scid  }
0x8b: {  	s0 =	sand.u32 $0x1, s1  }
0x8c: {  	s17 =	sshll.u32 s0, $0xA;
	s2 =	sadd.s32 s3, s2  }
0x8d: {  	s2 =	sadd.s32 s2, s17  }
0x8e: {  	[smem:$0x3FBC] =	sst s2  }
0x8f: {  	_ = 	snop  }
0x90: {  	s18 =	sld [smem:$0x3FD0];
	(tm) =	ssettm $0x1  }
0x91: {  	s19 =	sld [smem:$0x3FFB];
	_ =	sdelay $0x3  }
0x92: {  	_ =	strace s19  }
0x93: {  	s2 =	sld [smem:$0x3FFC];
	_ =	sdelay $0x3  }
0x94: {  	_ =	strace s2  }
0x95: {  	s2 =	sld [smem:$0x3FFD];
	_ =	sdelay $0x3  }
0x96: {  	_ =	strace s2  }
0x97: {  	_ =	strace $0x8FFFFFFF  }
0x98: {  	s20 =	sld [smem:$0x3FDB];
	_ =	sdelay $0x1  }
0x99: {  	s4 =	simm.s32 $_scs_section_size  }
0x9a: {  	s5 =	simm.s32 $_size__tile_overlayer_lowered;
	s6 =	simm.s32 $_tile_overlayer_lowered  }
0x9b: {  	s7 =	simm.s32 $0x1BFF;
	s21 =	sshll.u32 s6, $0x1;
	s4 =	sadd.s32 s4, s20  }
0x9c: {  	s22 =	simm.s32 $0x0;
	s5 =	sshll.u32 s5, $0x1;
	s6 =	sadd.s32 s21, s4  }
0x9d: {  	[timem:s22], [sflag:s7] =	dma.local [hbm:s6], s5  }
0x9e: {  	_ =	swait.ge [sflag:s7], s5  }
0x9f: {  	s5 =	ssub.s32 $0x0, s5;
	[sflag:s7] =	ssyncset.done $0x0  }
0xa0: {  	[sflag:s7] =	ssyncadd.s32 s5;
	_ =	sdelay $0x1  }
0xa1: {  	s23 =	simm.s32 $0x1B8B  }
0xa2: {  	_ =	swait.ge [sflag:s23], $0x1  }
0xa3: {  	[sflag:s23] =	ssyncset.done $0x0  }
0xa4: {  	[sflag:s23] =	ssyncadd.s32 $0xFFFFFFFF  }
0xa5: {  	s5 =	sld [smem:$0x0]  }
0xa6: {  	s6 =	sand.u32 $0xFFFFFFFE, s1  }
0xa7: {  	p0 =	sne.s32 s1, s6  }
0xa8: {  	s6 =	sshll.u32 @p0 s6, $0xE  }
0xa9: {  	s6 =	sadd.s32 @p0 $0x11B8D, s6;
	s7 =	sshll.u32 @p0 s5, $0x11  }
0xaa: {  	s6 =	sor.u32 @p0 s7, s6  }
0xab: {  	[sflag:s6] =	ssyncadd.remote.s32 @p0 $0x1;
	_ =	sdelay $0x1  }
0xac: {  	s6 =	simm.s32 @p0 $0x1B8D  }
0xad: {  	_ =	swait.eq @p0 [sflag:s6], $0x1  }
0xae: {  	[sflag:s6] =	ssyncadd.s32 @p0 $0xFFFFFFFF  }
0xaf: {  	s7 =	sshll.u32 @!p0 s1, $0xE  }
0xb0: {  	s7 =	sor.u32 @!p0 $0x4000, s7;
	s6 =	simm.s32 @!p0 $0x1B8D  }
0xb1: {  	s5 =	sshll.u32 @!p0 s5, $0x11;
	s7 =	sadd.s32 @!p0 $0x11B8D, s7;
	_ =	swait.eq @!p0 [sflag:s6], $0x1  }
0xb2: {  	s5 =	sor.u32 @!p0 s5, s7;
	[sflag:s6] =	ssyncadd.s32 @!p0 $0xFFFFFFFF  }
0xb3: {  	s25 =	simm.s32 $0x1B8E;
	s24 =	sld [smem:$0x3FFE];
	[sflag:s5] =	ssyncadd.remote.s32 @!p0 $0x1  }
0xb4: {  	s26 =	simm.s32 $execute0_lowered;
	[smem:$0x3FD2] =	sst s25  }
0xb5: {  	s6 =	sshll.u32 s26, $0x1;
	_ =	strace $0x8000004C;
	[dreg:$0x1] =	wrdreg $0xFFFFFFFF  }
0xb6: {  	s28 =	simm.s32 $_size_execute0_lowered;
	s4 =	sadd.s32 s4, s6;
	[dreg:$0x0] =	wrdreg $0x0  }
0xb7: {  	s6 =	sshll.u32 s28, $0x1;
	[dreg:$0x2] =	wrdreg s4  }
0xb8: {  	[dreg:$0x3] =	wrdreg s6  }
0xb9: {  	[dreg:$0x4] =	wrdreg $0xC0  }
0xba: {  	_ =	task [dreg:s22], $0x5FFFF  }
0xbb: {  	[dreg:$0x1] =	wrdreg $0xFFFFFFFF  }
0xbc: {  	[dreg:$0x0] =	wrdreg $0x60  }
0xbd: {  	[dreg:$0x2] =	wrdreg s18  }
0xbe: {  	[dreg:$0x3] =	wrdreg s24  }
0xbf: {  	[dreg:$0x4] =	wrdreg $0xA  }
0xc0: {  	_ =	task.clear_ibuf [dreg:s22], $0x5FFFF;
	_ =	strace $0x9000004C  }
0xc1: {  	s29 =	simm.s32 $0xA;
	_ =	strace $0x8000004E  }
0xc2: {  	_ =	swait.ge [sflag:s29], $0x1  }
0xc3: {  	[sflag:s29] =	ssyncadd.s32 $0xFFFFFFFF  }
0xc4: {  	_ =	strace $0x9000004E  }
0xc5: {  	_ =	sfence  }
0xc6: {  	s30 =	sld [smem:$0x0];
	_ =	sdelay $0x2  }
0xc7: {  	s31 =	sshll.u32 s1, $0xD;
	s1 =	sshrl.u32 s1, $0x2  }
0xc8: {  	s4 =	sand.u32 $0x4000, s31;
	s1 =	sadd.s32 s1, s30  }
0xc9: {  	s0 =	sor.u32 s4, s0;
	s1 =	sshll.u32 s1, $0x11  }
0xca: {  	s0 =	sor.u32 s1, s0  }
0xcb: {  	s0 =	sadd.s32 $0x8F2B, s0  }
0xcc: {  	[sflag:s0] =	ssyncadd.remote.s32 $0x1  }
0xcd: {  	_ =	sfence.sel $0xFFFF  }
0xce: {  	[dreg:$0x0] =	wrdreg $0xFFFFFFFF;
	(pc) =	sbr.abs _section_cstart, $3  }
0xcf: {  	[dreg:$0x1] =	wrdreg $0xFFFFFFFF  }
0xd0: {  	_ =	task.clear_ibuf [dreg:s22], $0x2FFFF;
	_ =	strace $0x9FFFFFFF  }
0xd1: {  	(tm) =	ssettm $0x7FFFFFFF  }
tec
execute0_lowered:
.L_overlay_start_1:
0x0: {  	(tag) =	ssettag $0x1  }
0x1: {  	s1 =	srdreg.scid;
	s0 =	stileid.u32  }
0x2: {  	s30 =	sand.u32 $0x1, s1;
	s26 =	sshll.u32 s0, $0x1  }
0x3: {  	s1 =	sor.u32 s30, s26  }
0x4: {  	s4 =	smul.u32 $0x7D0, s1  }
0x5: {  	s3 =	rddreg [dreg:$0x0]  }
0x6: {  	s14 =	rddreg [dreg:$0x1];
	s2 =	simm.s32 $0x0;
	s4 =	sshrl.u32 s4, $0x3  }
0x7: {  	[smem:$0x7FF] =	sst s2;
	s5 =	sadd.s32 $0x21C0, s4  }
0x8: {  	_ =	strace $0x8000004D;
	s4 =	sadd.s32 s3, s5;
	s3 =	simm.s32 $0x3  }
0x9: {  	[tilespmem:s2], [sflag:$0x3] =	stream.linear.gather [hbm4b:s4+s2], $0x7D0, $0x38;
	[tilespmem:$0x1A000] =	vst v63  }
0xa: {  	_ =	swait.ge [sflag:s3], $0x7D0  }
0xb: {  	s5 =	sadd.s32 s5, s14;
	[sflag:s3] =	ssyncset.done $0x0  }
0xc: {  	s6 =	simm.s32 $0x800;
	s5 =	sadd.s32 $0x6000, s5;
	[sflag:s3] =	ssyncadd.s32 $0xFFFFF830  }
0xd: {  	[tilespmem:s6], [sflag:$0x3] =	stream.linear.gather [hbm4b:s5+s2], $0x7D0, $0x38;
	[tilespmem:$0x1A000] =	vst v63  }
0xe: {  	_ =	swait.ge [sflag:s3], $0x7D0  }
0xf: {  	s8 =	simm.s32 $0x190;
	[sflag:s3] =	ssyncset.done $0x0  }
0x10: {  	s9 =	simm.s32 $0x1000;
	s7 =	sadd.s32 $0x32200, s14;
	[sflag:s3] =	ssyncadd.s32 $0xFFFFF830  }
0x11: {  	[tilespmem:s9], [sflag:$0x1] =	stream.indirect.gather [hbm4b:s7+s8], $0x80, s2, s8, $0xb8;
	[tilespmem:$0x1A000] =	vst v63  }
0x12: {  	s10 =	simm.s32 $0xD800;
	s11 =	simm.s32 $0x1  }
0x13: {  	[tilespmem:s10], [sflag:$0x2] =	stream.indirect.gather [hbm4b:s7+s8], $0x80, s6, s8, $0xb8;
	[tilespmem:$0x1A000] =	vst v63  }
0x14: {  	s1 =	smul.u32 $0x7D00, s1;
	_ =	swait.ge [sflag:s11], $0xC800  }
0x15: {  	s29 =	sadd.s32 $0x275400, s14;
	[sflag:s11] =	ssyncset.done $0x0  }
0x16: {  	s12 =	sadd.s32 s29, s1;
	[sflag:s11] =	ssyncadd.s32 $0xFFFF3800  }
0x17: {  	[hbm4b:s12+s2] =	stream.linear.scatter [tilespmem:s9], [sflag:$0x3], $0xC800, $0x38;
	[tilespmem:$0x1A000] =	vst v63  }
0x18: {  	_ =	swait.ge [sflag:s3], $0xC800  }
0x19: {  	[sflag:s3] =	ssyncset.done $0x0  }
0x1a: {  	s13 =	simm.s32 $0x2;
	[sflag:s3] =	ssyncadd.s32 $0xFFFF3800  }
0x1b: {  	_ =	swait.ge [sflag:s13], $0xC800  }
0x1c: {  	s31 =	sadd.s32 $0x36F400, s14;
	[sflag:s13] =	ssyncset.done $0x0  }
0x1d: {  	s14 =	sadd.s32 s31, s1;
	[sflag:s13] =	ssyncadd.s32 $0xFFFF3800  }
0x1e: {  	[hbm4b:s14+s2] =	stream.linear.scatter [tilespmem:s10], [sflag:$0x3], $0xC800, $0x38;
	[tilespmem:$0x1A000] =	vst v63  }
0x1f: {  	_ =	swait.ge [sflag:s3], $0xC800  }
0x20: {  	[sflag:s3] =	ssyncset.done $0x0  }
0x21: {  	[sflag:s3] =	ssyncadd.s32 $0xFFFF3800  }
0x22: {  	[tilespmem:s9], [sflag:$0x1] =	stream.indirect.gather [hbm4b:s7+s8], $0x80, s8, s8, $0xb8;
	[tilespmem:$0x1A000] =	vst v63  }
0x23: {  	s15 =	simm.s32 $0x990  }
0x24: {  	[tilespmem:s10], [sflag:$0x2] =	stream.indirect.gather [hbm4b:s7+s8], $0x80, s15, s8, $0xb8;
	[tilespmem:$0x1A000] =	vst v63  }
0x25: {  	_ =	swait.ge [sflag:s11], $0xC800  }
0x26: {  	s17 =	sadd.s32 $0x1900, s1;
	[sflag:s11] =	ssyncset.done $0x0  }
0x27: {  	s16 =	sadd.s32 s29, s17;
	[sflag:s11] =	ssyncadd.s32 $0xFFFF3800  }
0x28: {  	[hbm4b:s16+s2] =	stream.linear.scatter [tilespmem:s9], [sflag:$0x3], $0xC800, $0x38;
	[tilespmem:$0x1A000] =	vst v63  }
0x29: {  	_ =	swait.ge [sflag:s3], $0xC800  }
0x2a: {  	[sflag:s3] =	ssyncset.done $0x0  }
0x2b: {  	[sflag:s3] =	ssyncadd.s32 $0xFFFF3800  }
0x2c: {  	_ =	swait.ge [sflag:s13], $0xC800  }
0x2d: {  	[sflag:s13] =	ssyncset.done $0x0  }
0x2e: {  	s17 =	sadd.s32 s31, s17;
	[sflag:s13] =	ssyncadd.s32 $0xFFFF3800  }
0x2f: {  	[hbm4b:s17+s2] =	stream.linear.scatter [tilespmem:s10], [sflag:$0x3], $0xC800, $0x38;
	[tilespmem:$0x1A000] =	vst v63  }
0x30: {  	_ =	swait.ge [sflag:s3], $0xC800  }
0x31: {  	[sflag:s3] =	ssyncset.done $0x0  }
0x32: {  	s18 =	simm.s32 $0x320;
	[sflag:s3] =	ssyncadd.s32 $0xFFFF3800  }
0x33: {  	[tilespmem:s9], [sflag:$0x1] =	stream.indirect.gather [hbm4b:s7+s8], $0x80, s18, s8, $0xb8;
	[tilespmem:$0x1A000] =	vst v63  }
0x34: {  	s19 =	simm.s32 $0xB20  }
0x35: {  	[tilespmem:s10], [sflag:$0x2] =	stream.indirect.gather [hbm4b:s7+s8], $0x80, s19, s8, $0xb8;
	[tilespmem:$0x1A000] =	vst v63  }
0x36: {  	_ =	swait.ge [sflag:s11], $0xC800  }
0x37: {  	s21 =	sadd.s32 $0x3200, s1;
	[sflag:s11] =	ssyncset.done $0x0  }
0x38: {  	s20 =	sadd.s32 s29, s21;
	[sflag:s11] =	ssyncadd.s32 $0xFFFF3800  }
0x39: {  	[hbm4b:s20+s2] =	stream.linear.scatter [tilespmem:s9], [sflag:$0x3], $0xC800, $0x38;
	[tilespmem:$0x1A000] =	vst v63  }
0x3a: {  	_ =	swait.ge [sflag:s3], $0xC800  }
0x3b: {  	[sflag:s3] =	ssyncset.done $0x0  }
0x3c: {  	[sflag:s3] =	ssyncadd.s32 $0xFFFF3800  }
0x3d: {  	_ =	swait.ge [sflag:s13], $0xC800  }
0x3e: {  	[sflag:s13] =	ssyncset.done $0x0  }
0x3f: {  	s21 =	sadd.s32 s31, s21;
	[sflag:s13] =	ssyncadd.s32 $0xFFFF3800  }
0x40: {  	[hbm4b:s21+s2] =	stream.linear.scatter [tilespmem:s10], [sflag:$0x3], $0xC800, $0x38;
	[tilespmem:$0x1A000] =	vst v63  }
0x41: {  	_ =	swait.ge [sflag:s3], $0xC800  }
0x42: {  	[sflag:s3] =	ssyncset.done $0x0  }
0x43: {  	s22 =	simm.s32 $0x4B0;
	[sflag:s3] =	ssyncadd.s32 $0xFFFF3800  }
0x44: {  	[tilespmem:s9], [sflag:$0x1] =	stream.indirect.gather [hbm4b:s7+s8], $0x80, s22, s8, $0xb8;
	[tilespmem:$0x1A000] =	vst v63  }
0x45: {  	s23 =	simm.s32 $0xCB0  }
0x46: {  	[tilespmem:s10], [sflag:$0x2] =	stream.indirect.gather [hbm4b:s7+s8], $0x80, s23, s8, $0xb8;
	[tilespmem:$0x1A000] =	vst v63  }
0x47: {  	_ =	swait.ge [sflag:s11], $0xC800  }
0x48: {  	s25 =	sadd.s32 $0x4B00, s1;
	[sflag:s11] =	ssyncset.done $0x0  }
0x49: {  	s24 =	sadd.s32 s29, s25;
	[sflag:s11] =	ssyncadd.s32 $0xFFFF3800  }
0x4a: {  	[hbm4b:s24+s2] =	stream.linear.scatter [tilespmem:s9], [sflag:$0x3], $0xC800, $0x38;
	[tilespmem:$0x1A000] =	vst v63  }
0x4b: {  	_ =	swait.ge [sflag:s3], $0xC800  }
0x4c: {  	[sflag:s3] =	ssyncset.done $0x0  }
0x4d: {  	[sflag:s3] =	ssyncadd.s32 $0xFFFF3800  }
0x4e: {  	_ =	swait.ge [sflag:s13], $0xC800  }
0x4f: {  	[sflag:s13] =	ssyncset.done $0x0  }
0x50: {  	s25 =	sadd.s32 s31, s25;
	[sflag:s13] =	ssyncadd.s32 $0xFFFF3800  }
0x51: {  	[hbm4b:s25+s2] =	stream.linear.scatter [tilespmem:s10], [sflag:$0x3], $0xC800, $0x38;
	[tilespmem:$0x1A000] =	vst v63  }
0x52: {  	_ =	swait.ge [sflag:s3], $0xC800  }
0x53: {  	[sflag:s3] =	ssyncset.done $0x0  }
0x54: {  	s26 =	simm.s32 $0x640;
	[sflag:s3] =	ssyncadd.s32 $0xFFFF3800  }
0x55: {  	[tilespmem:s9], [sflag:$0x1] =	stream.indirect.gather [hbm4b:s7+s8], $0x80, s26, s8, $0xb8;
	[tilespmem:$0x1A000] =	vst v63  }
0x56: {  	s28 =	simm.s32 $0xE40  }
0x57: {  	[tilespmem:s10], [sflag:$0x2] =	stream.indirect.gather [hbm4b:s7+s8], $0x80, s28, s8, $0xb8;
	[tilespmem:$0x1A000] =	vst v63  }
0x58: {  	_ =	swait.ge [sflag:s11], $0xC800  }
0x59: {  	s1 =	sadd.s32 $0x6400, s1;
	[sflag:s11] =	ssyncset.done $0x0  }
0x5a: {  	s30 =	ssub.s32 $0x2, s30;
	s29 =	sadd.s32 s29, s1;
	[sflag:s11] =	ssyncadd.s32 $0xFFFF3800  }
0x5b: {  	[hbm4b:s29+s2] =	stream.linear.scatter [tilespmem:s9], [sflag:$0x3], $0xC800, $0x38;
	[tilespmem:$0x1A000] =	vst v63  }
0x5c: {  	s0 =	sshrl.u32 s30, $0x1;
	_ =	swait.ge [sflag:s3], $0xC800  }
0x5d: {  	s0 =	ssub.s32 s30, s0;
	[sflag:s3] =	ssyncset.done $0x0  }
0x5e: {  	s0 =	smax.u32 s0, $0x1;
	[sflag:s3] =	ssyncadd.s32 $0xFFFF3800  }
0x5f: {  	p0 =	sne.s32 s0, $0x1;
	_ =	swait.ge [sflag:s13], $0xC800  }
.Ltmp0:
0x60: {  	[sflag:s13] =	ssyncset.done $0x0;
	(pc) =	sbr.rel @!p0 .LBB2_2-.Ltmp0, $4  }
0x61: {  	s30 =	sadd.s32 s31, s1;
	[sflag:s13] =	ssyncadd.s32 $0xFFFF3800  }
0x62: {  	[hbm4b:s30+s2] =	stream.linear.scatter [tilespmem:s10], [sflag:$0x3], $0xC800, $0x38;
	[tilespmem:$0x1A000] =	vst v63  }
0x63: {  	_ =	swait.ge [sflag:s3], $0xC800  }
0x64: {  	s31 =	sadd.s32 $0xFFFFFFFF, s0;
	[sflag:s3] =	ssyncset.done $0x0  }
.LBB2_1:
0x65: {  	p0 =	sne.s32 s31, $0x1;
	s31 =	sadd.s32 $0xFFFFFFFF, s31;
	[sflag:s3] =	ssyncadd.s32 $0xFFFF3800  }
0x66: {  	[tilespmem:s2], [sflag:$0x3] =	stream.linear.gather [hbm4b:s4+s2], $0x7D0, $0x38;
	[tilespmem:$0x1A000] =	vst v63  }
0x67: {  	_ =	swait.ge [sflag:s3], $0x7D0  }
0x68: {  	[sflag:s3] =	ssyncset.done $0x0  }
0x69: {  	[sflag:s3] =	ssyncadd.s32 $0xFFFFF830  }
0x6a: {  	[tilespmem:s6], [sflag:$0x3] =	stream.linear.gather [hbm4b:s5+s2], $0x7D0, $0x38;
	[tilespmem:$0x1A000] =	vst v63  }
0x6b: {  	_ =	swait.ge [sflag:s3], $0x7D0  }
0x6c: {  	[sflag:s3] =	ssyncset.done $0x0  }
0x6d: {  	[sflag:s3] =	ssyncadd.s32 $0xFFFFF830  }
0x6e: {  	[tilespmem:s9], [sflag:$0x1] =	stream.indirect.gather [hbm4b:s7+s8], $0x80, s2, s8, $0xb8;
	[tilespmem:$0x1A000] =	vst v63  }
0x6f: {  	_ = 	snop  }
0x70: {  	[tilespmem:s10], [sflag:$0x2] =	stream.indirect.gather [hbm4b:s7+s8], $0x80, s6, s8, $0xb8;
	[tilespmem:$0x1A000] =	vst v63  }
0x71: {  	_ =	swait.ge [sflag:s11], $0xC800  }
0x72: {  	[sflag:s11] =	ssyncset.done $0x0  }
0x73: {  	[sflag:s11] =	ssyncadd.s32 $0xFFFF3800  }
0x74: {  	[hbm4b:s12+s2] =	stream.linear.scatter [tilespmem:s9], [sflag:$0x3], $0xC800, $0x38;
	[tilespmem:$0x1A000] =	vst v63  }
0x75: {  	_ =	swait.ge [sflag:s3], $0xC800  }
0x76: {  	[sflag:s3] =	ssyncset.done $0x0  }
0x77: {  	[sflag:s3] =	ssyncadd.s32 $0xFFFF3800  }
0x78: {  	_ =	swait.ge [sflag:s13], $0xC800  }
0x79: {  	[sflag:s13] =	ssyncset.done $0x0  }
0x7a: {  	[sflag:s13] =	ssyncadd.s32 $0xFFFF3800  }
0x7b: {  	[hbm4b:s14+s2] =	stream.linear.scatter [tilespmem:s10], [sflag:$0x3], $0xC800, $0x38;
	[tilespmem:$0x1A000] =	vst v63  }
0x7c: {  	_ =	swait.ge [sflag:s3], $0xC800  }
0x7d: {  	[sflag:s3] =	ssyncset.done $0x0  }
0x7e: {  	[sflag:s3] =	ssyncadd.s32 $0xFFFF3800  }
0x7f: {  	[tilespmem:s9], [sflag:$0x1] =	stream.indirect.gather [hbm4b:s7+s8], $0x80, s8, s8, $0xb8;
	[tilespmem:$0x1A000] =	vst v63  }
0x80: {  	_ = 	snop  }
0x81: {  	[tilespmem:s10], [sflag:$0x2] =	stream.indirect.gather [hbm4b:s7+s8], $0x80, s15, s8, $0xb8;
	[tilespmem:$0x1A000] =	vst v63  }
0x82: {  	_ =	swait.ge [sflag:s11], $0xC800  }
0x83: {  	[sflag:s11] =	ssyncset.done $0x0  }
0x84: {  	[sflag:s11] =	ssyncadd.s32 $0xFFFF3800  }
0x85: {  	[hbm4b:s16+s2] =	stream.linear.scatter [tilespmem:s9], [sflag:$0x3], $0xC800, $0x38;
	[tilespmem:$0x1A000] =	vst v63  }
0x86: {  	_ =	swait.ge [sflag:s3], $0xC800  }
0x87: {  	[sflag:s3] =	ssyncset.done $0x0  }
0x88: {  	[sflag:s3] =	ssyncadd.s32 $0xFFFF3800  }
0x89: {  	_ =	swait.ge [sflag:s13], $0xC800  }
0x8a: {  	[sflag:s13] =	ssyncset.done $0x0  }
0x8b: {  	[sflag:s13] =	ssyncadd.s32 $0xFFFF3800  }
0x8c: {  	[hbm4b:s17+s2] =	stream.linear.scatter [tilespmem:s10], [sflag:$0x3], $0xC800, $0x38;
	[tilespmem:$0x1A000] =	vst v63  }
0x8d: {  	_ =	swait.ge [sflag:s3], $0xC800  }
0x8e: {  	[sflag:s3] =	ssyncset.done $0x0  }
0x8f: {  	[sflag:s3] =	ssyncadd.s32 $0xFFFF3800  }
0x90: {  	[tilespmem:s9], [sflag:$0x1] =	stream.indirect.gather [hbm4b:s7+s8], $0x80, s18, s8, $0xb8;
	[tilespmem:$0x1A000] =	vst v63  }
0x91: {  	_ = 	snop  }
0x92: {  	[tilespmem:s10], [sflag:$0x2] =	stream.indirect.gather [hbm4b:s7+s8], $0x80, s19, s8, $0xb8;
	[tilespmem:$0x1A000] =	vst v63  }
0x93: {  	_ =	swait.ge [sflag:s11], $0xC800  }
0x94: {  	[sflag:s11] =	ssyncset.done $0x0  }
0x95: {  	[sflag:s11] =	ssyncadd.s32 $0xFFFF3800  }
0x96: {  	[hbm4b:s20+s2] =	stream.linear.scatter [tilespmem:s9], [sflag:$0x3], $0xC800, $0x38;
	[tilespmem:$0x1A000] =	vst v63  }
0x97: {  	_ =	swait.ge [sflag:s3], $0xC800  }
0x98: {  	[sflag:s3] =	ssyncset.done $0x0  }
0x99: {  	[sflag:s3] =	ssyncadd.s32 $0xFFFF3800  }
0x9a: {  	_ =	swait.ge [sflag:s13], $0xC800  }
0x9b: {  	[sflag:s13] =	ssyncset.done $0x0  }
0x9c: {  	[sflag:s13] =	ssyncadd.s32 $0xFFFF3800  }
0x9d: {  	[hbm4b:s21+s2] =	stream.linear.scatter [tilespmem:s10], [sflag:$0x3], $0xC800, $0x38;
	[tilespmem:$0x1A000] =	vst v63  }
0x9e: {  	_ =	swait.ge [sflag:s3], $0xC800  }
0x9f: {  	[sflag:s3] =	ssyncset.done $0x0  }
0xa0: {  	[sflag:s3] =	ssyncadd.s32 $0xFFFF3800  }
0xa1: {  	[tilespmem:s9], [sflag:$0x1] =	stream.indirect.gather [hbm4b:s7+s8], $0x80, s22, s8, $0xb8;
	[tilespmem:$0x1A000] =	vst v63  }
0xa2: {  	_ = 	snop  }
0xa3: {  	[tilespmem:s10], [sflag:$0x2] =	stream.indirect.gather [hbm4b:s7+s8], $0x80, s23, s8, $0xb8;
	[tilespmem:$0x1A000] =	vst v63  }
0xa4: {  	_ =	swait.ge [sflag:s11], $0xC800  }
0xa5: {  	[sflag:s11] =	ssyncset.done $0x0  }
0xa6: {  	[sflag:s11] =	ssyncadd.s32 $0xFFFF3800  }
0xa7: {  	[hbm4b:s24+s2] =	stream.linear.scatter [tilespmem:s9], [sflag:$0x3], $0xC800, $0x38;
	[tilespmem:$0x1A000] =	vst v63  }
0xa8: {  	_ =	swait.ge [sflag:s3], $0xC800  }
0xa9: {  	[sflag:s3] =	ssyncset.done $0x0  }
0xaa: {  	[sflag:s3] =	ssyncadd.s32 $0xFFFF3800  }
0xab: {  	_ =	swait.ge [sflag:s13], $0xC800  }
0xac: {  	[sflag:s13] =	ssyncset.done $0x0  }
0xad: {  	[sflag:s13] =	ssyncadd.s32 $0xFFFF3800  }
0xae: {  	[hbm4b:s25+s2] =	stream.linear.scatter [tilespmem:s10], [sflag:$0x3], $0xC800, $0x38;
	[tilespmem:$0x1A000] =	vst v63  }
0xaf: {  	_ =	swait.ge [sflag:s3], $0xC800  }
0xb0: {  	[sflag:s3] =	ssyncset.done $0x0  }
0xb1: {  	[sflag:s3] =	ssyncadd.s32 $0xFFFF3800  }
0xb2: {  	[tilespmem:s9], [sflag:$0x1] =	stream.indirect.gather [hbm4b:s7+s8], $0x80, s26, s8, $0xb8;
	[tilespmem:$0x1A000] =	vst v63  }
0xb3: {  	_ = 	snop  }
0xb4: {  	[tilespmem:s10], [sflag:$0x2] =	stream.indirect.gather [hbm4b:s7+s8], $0x80, s28, s8, $0xb8;
	[tilespmem:$0x1A000] =	vst v63  }
0xb5: {  	_ =	swait.ge [sflag:s11], $0xC800  }
0xb6: {  	[sflag:s11] =	ssyncset.done $0x0  }
0xb7: {  	[sflag:s11] =	ssyncadd.s32 $0xFFFF3800  }
0xb8: {  	[hbm4b:s29+s2] =	stream.linear.scatter [tilespmem:s9], [sflag:$0x3], $0xC800, $0x38;
	[tilespmem:$0x1A000] =	vst v63  }
0xb9: {  	_ =	swait.ge [sflag:s3], $0xC800  }
0xba: {  	[sflag:s3] =	ssyncset.done $0x0  }
0xbb: {  	[sflag:s3] =	ssyncadd.s32 $0xFFFF3800  }
0xbc: {  	_ =	swait.ge [sflag:s13], $0xC800  }
.Ltmp1:
0xbd: {  	[sflag:s13] =	ssyncset.done $0x0;
	(pc) =	sbr.rel @p0 .LBB2_1-.Ltmp1, $4  }
0xbe: {  	[sflag:s13] =	ssyncadd.s32 $0xFFFF3800  }
0xbf: {  	[hbm4b:s30+s2] =	stream.linear.scatter [tilespmem:s10], [sflag:$0x3], $0xC800, $0x38;
	[tilespmem:$0x1A000] =	vst v63  }
0xc0: {  	_ =	swait.ge [sflag:s3], $0xC800  }
0xc1: {  	[sflag:s3] =	ssyncset.done $0x0  }
.LBB2_2:
0xc2: {  	[sflag:s3] =	ssyncadd.s32 $0xFFFF3800  }
0xc3: {  	_ =	sfence.sel $0x180000  }
0xc4: {  	[bflag:$0x0] =	sbarrier.arrive $0xFFFF  }
0xc5: {  	_ =	strace $0x9000004D  }
0xc6: {  	s0 =	stileid.u32;
	[bflag:$0x2] =	sbarrier.arrive $0xFFFF  }
0xc7: {  	p0 =	sne.s32 s0, $0x0;
	s0 =	rddreg [dreg:$0x2]  }
0xc8: {  	s0 =	sadd.s32 @!p0 $0x100000, s0  }
0xc9: {  	[sflag:s0] =	ssyncadd.tile.s32 @!p0 $0x1;
	_ =	shalt  }
.Lfunc_end2:
_tile_overlayer_lowered:
.L_overlay_start_2:
0xca: {  	(tag) =	ssettag $0x2  }
0xcb: {  	s0 =	rddreg [dreg:$0x0];
	s2 =	stileid.u32  }
0xcc: {  	s1 =	rddreg [dreg:$0x1];
	p0 =	sne.s32 s2, $0x0  }
0xcd: {  	s3 =	rddreg [dreg:$0x2];
	[bflag:$0x3] =	sbarrier.arrive $0xFFFF;
	s2 =	simm.s32 @!p0 $0x1C03  }
0xce: {  	[timem:s3], [sflag:s2] =	dma.local @!p0 [hbm:s0], s1  }
0xcf: {  	s0 =	simm.s32 @!p0 $0x3  }
0xd0: {  	_ =	swait.ge @!p0 [sflag:s0], s1  }
0xd1: {  	s1 =	ssub.s32 @!p0 $0x0, s1;
	[sflag:s0] =	ssyncset.done @!p0 $0x0  }
0xd2: {  	[sflag:s0] =	ssyncadd.s32 @!p0 s1  }
0xd3: {  	[bflag:$0x3] =	sbarrier.arrive $0xFFFF  }
0xd4: {  	_ =	shalt  }

// kernel: kernel.25.cloned.1.call-start
scs
__scs_entry_jumppad:
0x0: {  	(pc) =	sbr.rel $0x88, $3  }
0x1: {  	(tag) =	ssettag $0x0;
	lr =	simm.s32 $0x1  }
0x2: {  	[smem:$0x3F95] =	sst lr;
	_ =	strace $0xD0000000  }
0x3: {  	_ = 	snop  }
0x4: {  	_ = 	snop  }
0x5: {  	_ = 	snop  }
0x6: {  	_ = 	snop  }
0x7: {  	_ = 	snop  }
__scs_overlays_trampoline_lowered:
0x8: {  	[smem:$0x3FA4] =	sst s0  }
0x9: {  	[smem:$0x3FA5] =	sst s1  }
0xa: {  	[smem:$0x3FA6] =	sst s2  }
0xb: {  	[smem:$0x3FA7] =	sst s3  }
0xc: {  	[smem:$0x3FA8] =	sst s4  }
0xd: {  	[smem:$0x3FA9] =	sst s5  }
0xe: {  	[smem:$0x3FAA] =	sst s6  }
0xf: {  	[smem:$0x3FAB] =	sst s7  }
0x10: {  	[smem:$0x3FAC] =	sst s8  }
0x11: {  	[smem:$0x3FAD] =	sst s9;
	s0 =	simm.s32 @!p0 $0x0  }
0x12: {  	s1 =	sld [smem:$0x3F93];
	s0 =	simm.s32 @p0 $0x1  }
0x13: {  	[smem:$0x3FAE] =	sst s0;
	s0 =	simm.s32 @!p1 $0x0  }
0x14: {  	s2 =	sld [smem:$0x3F92];
	s0 =	simm.s32 @p1 $0x1  }
0x15: {  	[smem:$0x3FAF] =	sst s0;
	s0 =	simm.s32 @!p2 $0x0  }
0x16: {  	s3 =	sld [smem:$0x3FDB];
	s0 =	simm.s32 @p2 $0x1  }
0x17: {  	s4 =	simm.s32 $0x1BF5;
	[smem:$0x3FB1] =	sst s0  }
0x18: {  	s0 =	sld [smem:$0x3F94];
	_ =	swait.ge [sflag:s4], $0x0  }
0x19: {  	s7 =	sld [smem:$0x3F95]  }
0x1a: {  	s8 =	sadd.s32 $0xFFFFE003, lr  }
0x1b: {  	s9 =	sadd.s32 $0xFFFFFEF7, lr;
	s5 =	simm.s32 $0xFFFFFFFF;
	p2 =	slt.u32 s8, $0xFFFFF086  }
0x1c: {  	p1 =	slt.u32 s9, $0xF7A;
	s5 =	simm.s32 @!p2 $0x0  }
0x1d: {  	s5 =	simm.s32 @p1 $0x1;
	p0 =	seq.s32 s7, s2  }
0x1e: {  	s7 =	smul.u32 @!p0 $0xF7A, s2;
	p2 =	seq.s32 @!p0 s5, $0x0  }
0x1f: {  	s9 =	smul.u32 $0xF7A, s1;
	s8 =	simm.s32 @!p0 $0x1BF5;
	p2 =	por !p2, p0  }
0x20: {  	[sflag:s8] =	ssyncset.s32 @!p0 $0xFFFFF086;
	s6 =	sadd.s32 @!p0 s3, s7;
	s7 =	simm.s32 @!p0 $0x108  }
0x21: {  	s3 =	sadd.s32 s3, s9;
	s6 =	sadd.s32 @!p0 $0x88, s6;
	s7 =	simm.s32 @p2 $0x1082  }
0x22: {  	[simem:s7], [sflag:s8] =	dma.local @!p0 [hbm:s6], $0xF7A  }
0x23: {  	s9 =	sor.u32 $0xD0000000, s2;
	s6 =	simm.s32 $0x108;
	_ =	swait.ge @!p0 [sflag:s8], $0x0  }
0x24: {  	s3 =	sadd.s32 $0x88, s3;
	s6 =	simm.s32 @!p1 $0x1082;
	[sflag:s4] =	ssyncset.s32 $0xFFFFF086  }
0x25: {  	[simem:s6], [sflag:s4] =	dma.local [hbm:s3], $0xF7A  }
0x26: {  	[smem:$0x3F95] =	sst s1;
	(tag) =	ssettag s2;
	_ =	strace s9  }
0x27: {  	s1 =	sld [smem:$0x3FA5]  }
0x28: {  	s2 =	sld [smem:$0x3FA6]  }
0x29: {  	s4 =	sld [smem:$0x3FA8]  }
0x2a: {  	p0 =	seq.s32 s5, $0x0;
	s5 =	sld [smem:$0x3FA9]  }
0x2b: {  	s6 =	sld [smem:$0x3FAA]  }
0x2c: {  	s7 =	sld [smem:$0x3FAB]  }
0x2d: {  	s3 =	simm.s32 $0x108;
	s8 =	sld [smem:$0x3FAC]  }
0x2e: {  	s3 =	simm.s32 @!p0 $0x1082;
	s9 =	sld [smem:$0x3FAD]  }
0x2f: {  	lr =	sadd.s32 s0, s3;
	s0 =	sld [smem:$0x3FA4]  }
0x30: {  	s3 =	sld [smem:$0x3FA7]  }
0x31: {  	[smem:$0x3FB0] =	sst s10  }
0x32: {  	s10 =	sld [smem:$0x3FAE];
	_ =	sdelay $0x3  }
0x33: {  	p0 =	seq.s32 s10, $0x1;
	s10 =	sld [smem:$0x3FB0];
	_ =	sdelay $0x3  }
0x34: {  	[smem:$0x3FB0] =	sst s10  }
0x35: {  	s10 =	sld [smem:$0x3FAF];
	_ =	sdelay $0x3  }
0x36: {  	p1 =	seq.s32 s10, $0x1;
	s10 =	sld [smem:$0x3FB0];
	_ =	sdelay $0x3  }
0x37: {  	[smem:$0x3FB0] =	sst s10  }
0x38: {  	s10 =	sld [smem:$0x3FB1]  }
0x39: {  	_ = 	snop;
	(pc) =	sbr.ind lr, $3  }
0x3a: {  	_ = 	snop  }
0x3b: {  	_ = 	snop  }
0x3c: {  	p2 =	seq.s32 s10, $0x1;
	s10 =	sld [smem:$0x3FB0]  }
0x3d: {  	_ =	shalt  }
0x3e: {  	_ =	shalt  }
0x3f: {  	_ =	shalt  }
0x40: {  	_ =	shalt  }
0x41: {  	_ =	shalt  }
0x42: {  	_ =	shalt  }
0x43: {  	_ =	shalt  }
0x44: {  	_ =	shalt  }
0x45: {  	_ =	shalt  }
0x46: {  	_ =	shalt  }
0x47: {  	_ =	shalt  }
0x48: {  	_ =	shalt  }
0x49: {  	_ =	shalt  }
0x4a: {  	_ =	shalt  }
0x4b: {  	_ =	shalt  }
0x4c: {  	_ =	shalt  }
0x4d: {  	_ =	shalt  }
0x4e: {  	_ =	shalt  }
0x4f: {  	_ =	shalt  }
0x50: {  	_ =	shalt  }
0x51: {  	_ =	shalt  }
0x52: {  	_ =	shalt  }
0x53: {  	_ =	shalt  }
0x54: {  	_ =	shalt  }
0x55: {  	_ =	shalt  }
0x56: {  	_ =	shalt  }
0x57: {  	_ =	shalt  }
0x58: {  	_ =	shalt  }
0x59: {  	_ =	shalt  }
0x5a: {  	_ =	shalt  }
0x5b: {  	_ =	shalt  }
0x5c: {  	_ =	shalt  }
0x5d: {  	_ =	shalt  }
0x5e: {  	_ =	shalt  }
0x5f: {  	_ =	shalt  }
0x60: {  	_ =	shalt  }
0x61: {  	_ =	shalt  }
0x62: {  	_ =	shalt  }
0x63: {  	_ =	shalt  }
0x64: {  	_ =	shalt  }
0x65: {  	_ =	shalt  }
0x66: {  	_ =	shalt  }
0x67: {  	_ =	shalt  }
0x68: {  	_ =	shalt  }
0x69: {  	_ =	shalt  }
0x6a: {  	_ =	shalt  }
0x6b: {  	_ =	shalt  }
0x6c: {  	_ =	shalt  }
0x6d: {  	_ =	shalt  }
0x6e: {  	_ =	shalt  }
0x6f: {  	_ =	shalt  }
0x70: {  	_ =	shalt  }
0x71: {  	_ =	shalt  }
0x72: {  	_ =	shalt  }
0x73: {  	_ =	shalt  }
0x74: {  	_ =	shalt  }
0x75: {  	_ =	shalt  }
0x76: {  	_ =	shalt  }
0x77: {  	_ =	shalt  }
0x78: {  	_ =	shalt  }
0x79: {  	_ =	shalt  }
0x7a: {  	_ =	shalt  }
0x7b: {  	_ =	shalt  }
0x7c: {  	_ =	shalt  }
0x7d: {  	_ =	shalt  }
0x7e: {  	_ =	shalt  }
0x7f: {  	_ =	shalt  }
0x80: {  	_ =	shalt  }
0x81: {  	_ =	shalt  }
0x82: {  	_ =	shalt  }
0x83: {  	_ =	shalt  }
0x84: {  	_ =	shalt  }
0x85: {  	_ =	shalt  }
0x86: {  	_ =	shalt  }
0x87: {  	_ =	shalt  }
.Lfunc_end0:
.L_simem_size_0:
called_computation.3_lowered:
.L_overlay_start_0:
0x88: {  	s2 =	sld [smem:$0x3FD9]  }
0x89: {  	s3 =	sld [smem:$0x3FFE];
	_ =	sdelay $0x1  }
0x8a: {  	s1 =	srdreg.scid  }
0x8b: {  	s0 =	sand.u32 $0x1, s1  }
0x8c: {  	s17 =	sshll.u32 s0, $0xA;
	s2 =	sadd.s32 s3, s2  }
0x8d: {  	s2 =	sadd.s32 s2, s17  }
0x8e: {  	[smem:$0x3FBC] =	sst s2  }
0x8f: {  	_ = 	snop  }
0x90: {  	s18 =	sld [smem:$0x3FD0];
	(tm) =	ssettm $0x1  }
0x91: {  	s19 =	sld [smem:$0x3FFB];
	_ =	sdelay $0x3  }
0x92: {  	_ =	strace s19  }
0x93: {  	s2 =	sld [smem:$0x3FFC];
	_ =	sdelay $0x3  }
0x94: {  	_ =	strace s2  }
0x95: {  	s2 =	sld [smem:$0x3FFD];
	_ =	sdelay $0x3  }
0x96: {  	_ =	strace s2  }
0x97: {  	_ =	strace $0x8FFFFFFF  }
0x98: {  	s20 =	sld [smem:$0x3FDB];
	_ =	sdelay $0x1  }
0x99: {  	s4 =	simm.s32 $_scs_section_size  }
0x9a: {  	s5 =	simm.s32 $_size__tile_overlayer_lowered;
	s6 =	simm.s32 $_tile_overlayer_lowered  }
0x9b: {  	s7 =	simm.s32 $0x1BFF;
	s21 =	sshll.u32 s6, $0x1;
	s4 =	sadd.s32 s4, s20  }
0x9c: {  	s22 =	simm.s32 $0x0;
	s5 =	sshll.u32 s5, $0x1;
	s6 =	sadd.s32 s21, s4  }
0x9d: {  	[timem:s22], [sflag:s7] =	dma.local [hbm:s6], s5  }
0x9e: {  	_ =	swait.ge [sflag:s7], s5  }
0x9f: {  	s5 =	ssub.s32 $0x0, s5;
	[sflag:s7] =	ssyncset.done $0x0  }
0xa0: {  	[sflag:s7] =	ssyncadd.s32 s5;
	_ =	sdelay $0x1  }
0xa1: {  	s23 =	simm.s32 $0x1B8B  }
0xa2: {  	_ =	swait.ge [sflag:s23], $0x1  }
0xa3: {  	[sflag:s23] =	ssyncset.done $0x0  }
0xa4: {  	[sflag:s23] =	ssyncadd.s32 $0xFFFFFFFF  }
0xa5: {  	s5 =	sld [smem:$0x0]  }
0xa6: {  	s6 =	sand.u32 $0xFFFFFFFE, s1  }
0xa7: {  	p0 =	sne.s32 s1, s6  }
0xa8: {  	s6 =	sshll.u32 @p0 s6, $0xE  }
0xa9: {  	s6 =	sadd.s32 @p0 $0x11B8D, s6;
	s7 =	sshll.u32 @p0 s5, $0x11  }
0xaa: {  	s6 =	sor.u32 @p0 s7, s6  }
0xab: {  	[sflag:s6] =	ssyncadd.remote.s32 @p0 $0x1;
	_ =	sdelay $0x1  }
0xac: {  	s6 =	simm.s32 @p0 $0x1B8D  }
0xad: {  	_ =	swait.eq @p0 [sflag:s6], $0x1  }
0xae: {  	[sflag:s6] =	ssyncadd.s32 @p0 $0xFFFFFFFF  }
0xaf: {  	s7 =	sshll.u32 @!p0 s1, $0xE  }
0xb0: {  	s7 =	sor.u32 @!p0 $0x4000, s7;
	s6 =	simm.s32 @!p0 $0x1B8D  }
0xb1: {  	s5 =	sshll.u32 @!p0 s5, $0x11;
	s7 =	sadd.s32 @!p0 $0x11B8D, s7;
	_ =	swait.eq @!p0 [sflag:s6], $0x1  }
0xb2: {  	s5 =	sor.u32 @!p0 s5, s7;
	[sflag:s6] =	ssyncadd.s32 @!p0 $0xFFFFFFFF  }
0xb3: {  	s25 =	simm.s32 $0x1B8E;
	s24 =	sld [smem:$0x3FFE];
	[sflag:s5] =	ssyncadd.remote.s32 @!p0 $0x1  }
0xb4: {  	s26 =	simm.s32 $execute0_lowered;
	[smem:$0x3FD2] =	sst s25  }
0xb5: {  	s6 =	sshll.u32 s26, $0x1;
	_ =	strace $0x8000004F;
	[dreg:$0x1] =	wrdreg $0xFFFFFFFF  }
0xb6: {  	s28 =	simm.s32 $_size_execute0_lowered;
	s4 =	sadd.s32 s4, s6;
	[dreg:$0x0] =	wrdreg $0x0  }
0xb7: {  	s6 =	sshll.u32 s28, $0x1;
	[dreg:$0x2] =	wrdreg s4  }
0xb8: {  	[dreg:$0x3] =	wrdreg s6  }
0xb9: {  	[dreg:$0x4] =	wrdreg $0xC0  }
0xba: {  	_ =	task [dreg:s22], $0x5FFFF  }
0xbb: {  	[dreg:$0x1] =	wrdreg $0xFFFFFFFF  }
0xbc: {  	[dreg:$0x0] =	wrdreg $0x60  }
0xbd: {  	[dreg:$0x2] =	wrdreg s18  }
0xbe: {  	[dreg:$0x3] =	wrdreg s24  }
0xbf: {  	[dreg:$0x4] =	wrdreg $0x9  }
0xc0: {  	_ =	task.clear_ibuf [dreg:s22], $0x5FFFF;
	_ =	strace $0x9000004F  }
0xc1: {  	s29 =	simm.s32 $0x9;
	_ =	strace $0x80000051  }
0xc2: {  	_ =	swait.ge [sflag:s29], $0x1  }
0xc3: {  	[sflag:s29] =	ssyncadd.s32 $0xFFFFFFFF  }
0xc4: {  	_ =	strace $0x90000051  }
0xc5: {  	_ =	sfence  }
0xc6: {  	s30 =	sld [smem:$0x0];
	_ =	sdelay $0x2  }
0xc7: {  	s31 =	sshll.u32 s1, $0xD;
	s1 =	sshrl.u32 s1, $0x2  }
0xc8: {  	s4 =	sand.u32 $0x4000, s31;
	s1 =	sadd.s32 s1, s30  }
0xc9: {  	s0 =	sor.u32 s4, s0;
	s1 =	sshll.u32 s1, $0x11  }
0xca: {  	s0 =	sor.u32 s1, s0  }
0xcb: {  	s0 =	sadd.s32 $0x8F2B, s0  }
0xcc: {  	[sflag:s0] =	ssyncadd.remote.s32 $0x1  }
0xcd: {  	_ =	sfence.sel $0xFFFF  }
0xce: {  	[dreg:$0x0] =	wrdreg $0xFFFFFFFF;
	(pc) =	sbr.abs _section_cstart, $3  }
0xcf: {  	[dreg:$0x1] =	wrdreg $0xFFFFFFFF  }
0xd0: {  	_ =	task.clear_ibuf [dreg:s22], $0x2FFFF;
	_ =	strace $0x9FFFFFFF  }
0xd1: {  	(tm) =	ssettm $0x7FFFFFFF  }
tec
execute0_lowered:
.L_overlay_start_1:
0x0: {  	(tag) =	ssettag $0x1  }
0x1: {  	s1 =	srdreg.scid;
	s0 =	stileid.u32  }
0x2: {  	s21 =	sand.u32 $0x1, s1;
	s30 =	sshll.u32 s0, $0x1  }
0x3: {  	s12 =	sor.u32 s21, s30  }
0x4: {  	s3 =	rddreg [dreg:$0x0];
	s4 =	smul.u32 $0x348, s12  }
0x5: {  	s14 =	rddreg [dreg:$0x1]  }
0x6: {  	s2 =	simm.s32 $0x0;
	s1 =	rddreg [dreg:$0x2];
	s4 =	sshrl.u32 s4, $0x3  }
0x7: {  	[smem:$0x7FF] =	sst s2;
	s5 =	sadd.s32 $0x4100, s4  }
0x8: {  	_ =	strace $0x80000050;
	s4 =	sadd.s32 s3, s5;
	s3 =	simm.s32 $0x3  }
0x9: {  	[tilespmem:s2], [sflag:$0x3] =	stream.linear.gather [hbm4b:s4+s2], $0x348, $0x38;
	[tilespmem:$0x11F00] =	vst v63  }
0xa: {  	_ =	swait.ge [sflag:s3], $0x348  }
0xb: {  	s5 =	sadd.s32 s5, s14;
	[sflag:s3] =	ssyncset.done $0x0  }
0xc: {  	s6 =	simm.s32 $0x380;
	s5 =	sadd.s32 $0x6000, s5;
	[sflag:s3] =	ssyncadd.s32 $0xFFFFFCB8  }
0xd: {  	[tilespmem:s6], [sflag:$0x3] =	stream.linear.gather [hbm4b:s5+s2], $0x348, $0x38;
	[tilespmem:$0x11F00] =	vst v63  }
0xe: {  	_ =	swait.ge [sflag:s3], $0x348  }
0xf: {  	s8 =	simm.s32 $0x118;
	[sflag:s3] =	ssyncset.done $0x0  }
0x10: {  	s9 =	simm.s32 $0x700;
	s7 =	sadd.s32 $0x32200, s14;
	[sflag:s3] =	ssyncadd.s32 $0xFFFFFCB8  }
0x11: {  	[tilespmem:s9], [sflag:$0x1] =	stream.indirect.gather [hbm4b:s7+s8], $0x80, s2, s8, $0xb8;
	[tilespmem:$0x11F00] =	vst v63  }
0x12: {  	s10 =	simm.s32 $0x9300;
	s11 =	simm.s32 $0x1  }
0x13: {  	[tilespmem:s10], [sflag:$0x2] =	stream.indirect.gather [hbm4b:s7+s8], $0x80, s6, s8, $0xb8;
	[tilespmem:$0x11F00] =	vst v63  }
0x14: {  	s20 =	smul.u32 $0x3480, s12;
	_ =	swait.ge [sflag:s11], $0x8C00  }
0x15: {  	s22 =	sadd.s32 $0x469400, s14;
	[sflag:s11] =	ssyncset.done $0x0  }
0x16: {  	s12 =	sadd.s32 s22, s20;
	[sflag:s11] =	ssyncadd.s32 $0xFFFF7400  }
0x17: {  	[hbm4b:s12+s2] =	stream.linear.scatter [tilespmem:s9], [sflag:$0x3], $0x8C00, $0x38;
	[tilespmem:$0x11F00] =	vst v63  }
0x18: {  	_ =	swait.ge [sflag:s3], $0x8C00  }
0x19: {  	[sflag:s3] =	ssyncset.done $0x0  }
0x1a: {  	s13 =	simm.s32 $0x2;
	[sflag:s3] =	ssyncadd.s32 $0xFFFF7400  }
0x1b: {  	_ =	swait.ge [sflag:s13], $0x8C00  }
0x1c: {  	s23 =	sadd.s32 $0x4D2400, s14;
	[sflag:s13] =	ssyncset.done $0x0  }
0x1d: {  	s14 =	sadd.s32 s23, s20;
	[sflag:s13] =	ssyncadd.s32 $0xFFFF7400  }
0x1e: {  	[hbm4b:s14+s2] =	stream.linear.scatter [tilespmem:s10], [sflag:$0x3], $0x8C00, $0x38;
	[tilespmem:$0x11F00] =	vst v63  }
0x1f: {  	_ =	swait.ge [sflag:s3], $0x8C00  }
0x20: {  	[sflag:s3] =	ssyncset.done $0x0  }
0x21: {  	[sflag:s3] =	ssyncadd.s32 $0xFFFF7400  }
0x22: {  	[tilespmem:s9], [sflag:$0x1] =	stream.indirect.gather [hbm4b:s7+s8], $0x80, s8, s8, $0xb8;
	[tilespmem:$0x11F00] =	vst v63  }
0x23: {  	s15 =	simm.s32 $0x498  }
0x24: {  	[tilespmem:s10], [sflag:$0x2] =	stream.indirect.gather [hbm4b:s7+s8], $0x80, s15, s8, $0xb8;
	[tilespmem:$0x11F00] =	vst v63  }
0x25: {  	_ =	swait.ge [sflag:s11], $0x8C00  }
0x26: {  	s17 =	sadd.s32 $0x1180, s20;
	[sflag:s11] =	ssyncset.done $0x0  }
0x27: {  	s16 =	sadd.s32 s22, s17;
	[sflag:s11] =	ssyncadd.s32 $0xFFFF7400  }
0x28: {  	[hbm4b:s16+s2] =	stream.linear.scatter [tilespmem:s9], [sflag:$0x3], $0x8C00, $0x38;
	[tilespmem:$0x11F00] =	vst v63  }
0x29: {  	_ =	swait.ge [sflag:s3], $0x8C00  }
0x2a: {  	[sflag:s3] =	ssyncset.done $0x0  }
0x2b: {  	[sflag:s3] =	ssyncadd.s32 $0xFFFF7400  }
0x2c: {  	_ =	swait.ge [sflag:s13], $0x8C00  }
0x2d: {  	[sflag:s13] =	ssyncset.done $0x0  }
0x2e: {  	s17 =	sadd.s32 s23, s17;
	[sflag:s13] =	ssyncadd.s32 $0xFFFF7400  }
0x2f: {  	[hbm4b:s17+s2] =	stream.linear.scatter [tilespmem:s10], [sflag:$0x3], $0x8C00, $0x38;
	[tilespmem:$0x11F00] =	vst v63  }
0x30: {  	_ =	swait.ge [sflag:s3], $0x8C00  }
0x31: {  	[sflag:s3] =	ssyncset.done $0x0  }
0x32: {  	s18 =	simm.s32 $0x230;
	[sflag:s3] =	ssyncadd.s32 $0xFFFF7400  }
0x33: {  	[tilespmem:s9], [sflag:$0x1] =	stream.indirect.gather [hbm4b:s7+s8], $0x80, s18, s8, $0xb8;
	[tilespmem:$0x11F00] =	vst v63  }
0x34: {  	s19 =	simm.s32 $0x5B0  }
0x35: {  	[tilespmem:s10], [sflag:$0x2] =	stream.indirect.gather [hbm4b:s7+s8], $0x80, s19, s8, $0xb8;
	[tilespmem:$0x11F00] =	vst v63  }
0x36: {  	_ =	swait.ge [sflag:s11], $0x8C00  }
0x37: {  	s24 =	sadd.s32 $0x2300, s20;
	[sflag:s11] =	ssyncset.done $0x0  }
0x38: {  	s21 =	ssub.s32 $0x2, s21;
	s20 =	sadd.s32 s22, s24;
	[sflag:s11] =	ssyncadd.s32 $0xFFFF7400  }
0x39: {  	[hbm4b:s20+s2] =	stream.linear.scatter [tilespmem:s9], [sflag:$0x3], $0x8C00, $0x38;
	[tilespmem:$0x11F00] =	vst v63  }
0x3a: {  	s31 =	sshrl.u32 s21, $0x1;
	_ =	swait.ge [sflag:s3], $0x8C00  }
0x3b: {  	s22 =	ssub.s32 s21, s31;
	[sflag:s3] =	ssyncset.done $0x0  }
0x3c: {  	s22 =	smax.u32 s22, $0x1;
	[sflag:s3] =	ssyncadd.s32 $0xFFFF7400  }
0x3d: {  	p0 =	sne.s32 s22, $0x1;
	_ =	swait.ge [sflag:s13], $0x8C00  }
.Ltmp0:
0x3e: {  	[sflag:s13] =	ssyncset.done $0x0;
	(pc) =	sbr.rel @!p0 .LBB2_2-.Ltmp0, $4  }
0x3f: {  	s21 =	sadd.s32 s23, s24;
	[sflag:s13] =	ssyncadd.s32 $0xFFFF7400  }
0x40: {  	[hbm4b:s21+s2] =	stream.linear.scatter [tilespmem:s10], [sflag:$0x3], $0x8C00, $0x38;
	[tilespmem:$0x11F00] =	vst v63  }
0x41: {  	_ =	swait.ge [sflag:s3], $0x8C00  }
0x42: {  	s22 =	sadd.s32 $0xFFFFFFFF, s22;
	[sflag:s3] =	ssyncset.done $0x0  }
.LBB2_1:
0x43: {  	p0 =	sne.s32 s22, $0x1;
	s22 =	sadd.s32 $0xFFFFFFFF, s22;
	[sflag:s3] =	ssyncadd.s32 $0xFFFF7400  }
0x44: {  	[tilespmem:s2], [sflag:$0x3] =	stream.linear.gather [hbm4b:s4+s2], $0x348, $0x38;
	[tilespmem:$0x11F00] =	vst v63  }
0x45: {  	_ =	swait.ge [sflag:s3], $0x348  }
0x46: {  	[sflag:s3] =	ssyncset.done $0x0  }
0x47: {  	[sflag:s3] =	ssyncadd.s32 $0xFFFFFCB8  }
0x48: {  	[tilespmem:s6], [sflag:$0x3] =	stream.linear.gather [hbm4b:s5+s2], $0x348, $0x38;
	[tilespmem:$0x11F00] =	vst v63  }
0x49: {  	_ =	swait.ge [sflag:s3], $0x348  }
0x4a: {  	[sflag:s3] =	ssyncset.done $0x0  }
0x4b: {  	[sflag:s3] =	ssyncadd.s32 $0xFFFFFCB8  }
0x4c: {  	[tilespmem:s9], [sflag:$0x1] =	stream.indirect.gather [hbm4b:s7+s8], $0x80, s2, s8, $0xb8;
	[tilespmem:$0x11F00] =	vst v63  }
0x4d: {  	_ = 	snop  }
0x4e: {  	[tilespmem:s10], [sflag:$0x2] =	stream.indirect.gather [hbm4b:s7+s8], $0x80, s6, s8, $0xb8;
	[tilespmem:$0x11F00] =	vst v63  }
0x4f: {  	_ =	swait.ge [sflag:s11], $0x8C00  }
0x50: {  	[sflag:s11] =	ssyncset.done $0x0  }
0x51: {  	[sflag:s11] =	ssyncadd.s32 $0xFFFF7400  }
0x52: {  	[hbm4b:s12+s2] =	stream.linear.scatter [tilespmem:s9], [sflag:$0x3], $0x8C00, $0x38;
	[tilespmem:$0x11F00] =	vst v63  }
0x53: {  	_ =	swait.ge [sflag:s3], $0x8C00  }
0x54: {  	[sflag:s3] =	ssyncset.done $0x0  }
0x55: {  	[sflag:s3] =	ssyncadd.s32 $0xFFFF7400  }
0x56: {  	_ =	swait.ge [sflag:s13], $0x8C00  }
0x57: {  	[sflag:s13] =	ssyncset.done $0x0  }
0x58: {  	[sflag:s13] =	ssyncadd.s32 $0xFFFF7400  }
0x59: {  	[hbm4b:s14+s2] =	stream.linear.scatter [tilespmem:s10], [sflag:$0x3], $0x8C00, $0x38;
	[tilespmem:$0x11F00] =	vst v63  }
0x5a: {  	_ =	swait.ge [sflag:s3], $0x8C00  }
0x5b: {  	[sflag:s3] =	ssyncset.done $0x0  }
0x5c: {  	[sflag:s3] =	ssyncadd.s32 $0xFFFF7400  }
0x5d: {  	[tilespmem:s9], [sflag:$0x1] =	stream.indirect.gather [hbm4b:s7+s8], $0x80, s8, s8, $0xb8;
	[tilespmem:$0x11F00] =	vst v63  }
0x5e: {  	_ = 	snop  }
0x5f: {  	[tilespmem:s10], [sflag:$0x2] =	stream.indirect.gather [hbm4b:s7+s8], $0x80, s15, s8, $0xb8;
	[tilespmem:$0x11F00] =	vst v63  }
0x60: {  	_ =	swait.ge [sflag:s11], $0x8C00  }
0x61: {  	[sflag:s11] =	ssyncset.done $0x0  }
0x62: {  	[sflag:s11] =	ssyncadd.s32 $0xFFFF7400  }
0x63: {  	[hbm4b:s16+s2] =	stream.linear.scatter [tilespmem:s9], [sflag:$0x3], $0x8C00, $0x38;
	[tilespmem:$0x11F00] =	vst v63  }
0x64: {  	_ =	swait.ge [sflag:s3], $0x8C00  }
0x65: {  	[sflag:s3] =	ssyncset.done $0x0  }
0x66: {  	[sflag:s3] =	ssyncadd.s32 $0xFFFF7400  }
0x67: {  	_ =	swait.ge [sflag:s13], $0x8C00  }
0x68: {  	[sflag:s13] =	ssyncset.done $0x0  }
0x69: {  	[sflag:s13] =	ssyncadd.s32 $0xFFFF7400  }
0x6a: {  	[hbm4b:s17+s2] =	stream.linear.scatter [tilespmem:s10], [sflag:$0x3], $0x8C00, $0x38;
	[tilespmem:$0x11F00] =	vst v63  }
0x6b: {  	_ =	swait.ge [sflag:s3], $0x8C00  }
0x6c: {  	[sflag:s3] =	ssyncset.done $0x0  }
0x6d: {  	[sflag:s3] =	ssyncadd.s32 $0xFFFF7400  }
0x6e: {  	[tilespmem:s9], [sflag:$0x1] =	stream.indirect.gather [hbm4b:s7+s8], $0x80, s18, s8, $0xb8;
	[tilespmem:$0x11F00] =	vst v63  }
0x6f: {  	_ = 	snop  }
0x70: {  	[tilespmem:s10], [sflag:$0x2] =	stream.indirect.gather [hbm4b:s7+s8], $0x80, s19, s8, $0xb8;
	[tilespmem:$0x11F00] =	vst v63  }
0x71: {  	_ =	swait.ge [sflag:s11], $0x8C00  }
0x72: {  	[sflag:s11] =	ssyncset.done $0x0  }
0x73: {  	[sflag:s11] =	ssyncadd.s32 $0xFFFF7400  }
0x74: {  	[hbm4b:s20+s2] =	stream.linear.scatter [tilespmem:s9], [sflag:$0x3], $0x8C00, $0x38;
	[tilespmem:$0x11F00] =	vst v63  }
0x75: {  	_ =	swait.ge [sflag:s3], $0x8C00  }
0x76: {  	[sflag:s3] =	ssyncset.done $0x0  }
0x77: {  	[sflag:s3] =	ssyncadd.s32 $0xFFFF7400  }
0x78: {  	_ =	swait.ge [sflag:s13], $0x8C00  }
.Ltmp1:
0x79: {  	[sflag:s13] =	ssyncset.done $0x0;
	(pc) =	sbr.rel @p0 .LBB2_1-.Ltmp1, $4  }
0x7a: {  	[sflag:s13] =	ssyncadd.s32 $0xFFFF7400  }
0x7b: {  	[hbm4b:s21+s2] =	stream.linear.scatter [tilespmem:s10], [sflag:$0x3], $0x8C00, $0x38;
	[tilespmem:$0x11F00] =	vst v63  }
0x7c: {  	_ =	swait.ge [sflag:s3], $0x8C00  }
0x7d: {  	[sflag:s3] =	ssyncset.done $0x0  }
.LBB2_2:
0x7e: {  	[sflag:s3] =	ssyncadd.s32 $0xFFFF7400  }
0x7f: {  	_ =	sfence.sel $0x180000  }
0x80: {  	[bflag:$0x0] =	sbarrier.arrive $0xFFFF  }
0x81: {  	p0 =	sne.s32 s0, $0x0;
	_ =	strace $0x90000050  }
0x82: {  	s0 =	sadd.s32 @!p0 $0x100000, s1;
	[bflag:$0x2] =	sbarrier.arrive $0xFFFF  }
0x83: {  	[sflag:s0] =	ssyncadd.tile.s32 @!p0 $0x1;
	_ =	shalt  }
.Lfunc_end2:
_tile_overlayer_lowered:
.L_overlay_start_2:
0x84: {  	(tag) =	ssettag $0x2  }
0x85: {  	s0 =	rddreg [dreg:$0x0];
	s2 =	stileid.u32  }
0x86: {  	s1 =	rddreg [dreg:$0x1];
	p0 =	sne.s32 s2, $0x0  }
0x87: {  	s3 =	rddreg [dreg:$0x2];
	[bflag:$0x3] =	sbarrier.arrive $0xFFFF;
	s2 =	simm.s32 @!p0 $0x1C03  }
0x88: {  	[timem:s3], [sflag:s2] =	dma.local @!p0 [hbm:s0], s1  }
0x89: {  	s0 =	simm.s32 @!p0 $0x3  }
0x8a: {  	_ =	swait.ge @!p0 [sflag:s0], s1  }
0x8b: {  	s1 =	ssub.s32 @!p0 $0x0, s1;
	[sflag:s0] =	ssyncset.done @!p0 $0x0  }
0x8c: {  	[sflag:s0] =	ssyncadd.s32 @!p0 s1  }
0x8d: {  	[bflag:$0x3] =	sbarrier.arrive $0xFFFF  }
0x8e: {  	_ =	shalt  }

// kernel: kernel.28.cloned.1.call-start
scs
__scs_entry_jumppad:
0x0: {  	(pc) =	sbr.rel $0x88, $3  }
0x1: {  	(tag) =	ssettag $0x0;
	lr =	simm.s32 $0x1  }
0x2: {  	[smem:$0x3F95] =	sst lr;
	_ =	strace $0xD0000000  }
0x3: {  	_ = 	snop  }
0x4: {  	_ = 	snop  }
0x5: {  	_ = 	snop  }
0x6: {  	_ = 	snop  }
0x7: {  	_ = 	snop  }
__scs_overlays_trampoline_lowered:
0x8: {  	[smem:$0x3FA4] =	sst s0  }
0x9: {  	[smem:$0x3FA5] =	sst s1  }
0xa: {  	[smem:$0x3FA6] =	sst s2  }
0xb: {  	[smem:$0x3FA7] =	sst s3  }
0xc: {  	[smem:$0x3FA8] =	sst s4  }
0xd: {  	[smem:$0x3FA9] =	sst s5  }
0xe: {  	[smem:$0x3FAA] =	sst s6  }
0xf: {  	[smem:$0x3FAB] =	sst s7  }
0x10: {  	[smem:$0x3FAC] =	sst s8  }
0x11: {  	[smem:$0x3FAD] =	sst s9;
	s0 =	simm.s32 @!p0 $0x0  }
0x12: {  	s1 =	sld [smem:$0x3F93];
	s0 =	simm.s32 @p0 $0x1  }
0x13: {  	[smem:$0x3FAE] =	sst s0;
	s0 =	simm.s32 @!p1 $0x0  }
0x14: {  	s2 =	sld [smem:$0x3F92];
	s0 =	simm.s32 @p1 $0x1  }
0x15: {  	[smem:$0x3FAF] =	sst s0;
	s0 =	simm.s32 @!p2 $0x0  }
0x16: {  	s3 =	sld [smem:$0x3FDB];
	s0 =	simm.s32 @p2 $0x1  }
0x17: {  	s4 =	simm.s32 $0x1BF5;
	[smem:$0x3FB1] =	sst s0  }
0x18: {  	s0 =	sld [smem:$0x3F94];
	_ =	swait.ge [sflag:s4], $0x0  }
0x19: {  	s7 =	sld [smem:$0x3F95]  }
0x1a: {  	s8 =	sadd.s32 $0xFFFFE003, lr  }
0x1b: {  	s9 =	sadd.s32 $0xFFFFFEF7, lr;
	s5 =	simm.s32 $0xFFFFFFFF;
	p2 =	slt.u32 s8, $0xFFFFF086  }
0x1c: {  	p1 =	slt.u32 s9, $0xF7A;
	s5 =	simm.s32 @!p2 $0x0  }
0x1d: {  	s5 =	simm.s32 @p1 $0x1;
	p0 =	seq.s32 s7, s2  }
0x1e: {  	s7 =	smul.u32 @!p0 $0xF7A, s2;
	p2 =	seq.s32 @!p0 s5, $0x0  }
0x1f: {  	s9 =	smul.u32 $0xF7A, s1;
	s8 =	simm.s32 @!p0 $0x1BF5;
	p2 =	por !p2, p0  }
0x20: {  	[sflag:s8] =	ssyncset.s32 @!p0 $0xFFFFF086;
	s6 =	sadd.s32 @!p0 s3, s7;
	s7 =	simm.s32 @!p0 $0x108  }
0x21: {  	s3 =	sadd.s32 s3, s9;
	s6 =	sadd.s32 @!p0 $0x88, s6;
	s7 =	simm.s32 @p2 $0x1082  }
0x22: {  	[simem:s7], [sflag:s8] =	dma.local @!p0 [hbm:s6], $0xF7A  }
0x23: {  	s9 =	sor.u32 $0xD0000000, s2;
	s6 =	simm.s32 $0x108;
	_ =	swait.ge @!p0 [sflag:s8], $0x0  }
0x24: {  	s3 =	sadd.s32 $0x88, s3;
	s6 =	simm.s32 @!p1 $0x1082;
	[sflag:s4] =	ssyncset.s32 $0xFFFFF086  }
0x25: {  	[simem:s6], [sflag:s4] =	dma.local [hbm:s3], $0xF7A  }
0x26: {  	[smem:$0x3F95] =	sst s1;
	(tag) =	ssettag s2;
	_ =	strace s9  }
0x27: {  	s1 =	sld [smem:$0x3FA5]  }
0x28: {  	s2 =	sld [smem:$0x3FA6]  }
0x29: {  	s4 =	sld [smem:$0x3FA8]  }
0x2a: {  	p0 =	seq.s32 s5, $0x0;
	s5 =	sld [smem:$0x3FA9]  }
0x2b: {  	s6 =	sld [smem:$0x3FAA]  }
0x2c: {  	s7 =	sld [smem:$0x3FAB]  }
0x2d: {  	s3 =	simm.s32 $0x108;
	s8 =	sld [smem:$0x3FAC]  }
0x2e: {  	s3 =	simm.s32 @!p0 $0x1082;
	s9 =	sld [smem:$0x3FAD]  }
0x2f: {  	lr =	sadd.s32 s0, s3;
	s0 =	sld [smem:$0x3FA4]  }
0x30: {  	s3 =	sld [smem:$0x3FA7]  }
0x31: {  	[smem:$0x3FB0] =	sst s10  }
0x32: {  	s10 =	sld [smem:$0x3FAE];
	_ =	sdelay $0x3  }
0x33: {  	p0 =	seq.s32 s10, $0x1;
	s10 =	sld [smem:$0x3FB0];
	_ =	sdelay $0x3  }
0x34: {  	[smem:$0x3FB0] =	sst s10  }
0x35: {  	s10 =	sld [smem:$0x3FAF];
	_ =	sdelay $0x3  }
0x36: {  	p1 =	seq.s32 s10, $0x1;
	s10 =	sld [smem:$0x3FB0];
	_ =	sdelay $0x3  }
0x37: {  	[smem:$0x3FB0] =	sst s10  }
0x38: {  	s10 =	sld [smem:$0x3FB1]  }
0x39: {  	_ = 	snop;
	(pc) =	sbr.ind lr, $3  }
0x3a: {  	_ = 	snop  }
0x3b: {  	_ = 	snop  }
0x3c: {  	p2 =	seq.s32 s10, $0x1;
	s10 =	sld [smem:$0x3FB0]  }
0x3d: {  	_ =	shalt  }
0x3e: {  	_ =	shalt  }
0x3f: {  	_ =	shalt  }
0x40: {  	_ =	shalt  }
0x41: {  	_ =	shalt  }
0x42: {  	_ =	shalt  }
0x43: {  	_ =	shalt  }
0x44: {  	_ =	shalt  }
0x45: {  	_ =	shalt  }
0x46: {  	_ =	shalt  }
0x47: {  	_ =	shalt  }
0x48: {  	_ =	shalt  }
0x49: {  	_ =	shalt  }
0x4a: {  	_ =	shalt  }
0x4b: {  	_ =	shalt  }
0x4c: {  	_ =	shalt  }
0x4d: {  	_ =	shalt  }
0x4e: {  	_ =	shalt  }
0x4f: {  	_ =	shalt  }
0x50: {  	_ =	shalt  }
0x51: {  	_ =	shalt  }
0x52: {  	_ =	shalt  }
0x53: {  	_ =	shalt  }
0x54: {  	_ =	shalt  }
0x55: {  	_ =	shalt  }
0x56: {  	_ =	shalt  }
0x57: {  	_ =	shalt  }
0x58: {  	_ =	shalt  }
0x59: {  	_ =	shalt  }
0x5a: {  	_ =	shalt  }
0x5b: {  	_ =	shalt  }
0x5c: {  	_ =	shalt  }
0x5d: {  	_ =	shalt  }
0x5e: {  	_ =	shalt  }
0x5f: {  	_ =	shalt  }
0x60: {  	_ =	shalt  }
0x61: {  	_ =	shalt  }
0x62: {  	_ =	shalt  }
0x63: {  	_ =	shalt  }
0x64: {  	_ =	shalt  }
0x65: {  	_ =	shalt  }
0x66: {  	_ =	shalt  }
0x67: {  	_ =	shalt  }
0x68: {  	_ =	shalt  }
0x69: {  	_ =	shalt  }
0x6a: {  	_ =	shalt  }
0x6b: {  	_ =	shalt  }
0x6c: {  	_ =	shalt  }
0x6d: {  	_ =	shalt  }
0x6e: {  	_ =	shalt  }
0x6f: {  	_ =	shalt  }
0x70: {  	_ =	shalt  }
0x71: {  	_ =	shalt  }
0x72: {  	_ =	shalt  }
0x73: {  	_ =	shalt  }
0x74: {  	_ =	shalt  }
0x75: {  	_ =	shalt  }
0x76: {  	_ =	shalt  }
0x77: {  	_ =	shalt  }
0x78: {  	_ =	shalt  }
0x79: {  	_ =	shalt  }
0x7a: {  	_ =	shalt  }
0x7b: {  	_ =	shalt  }
0x7c: {  	_ =	shalt  }
0x7d: {  	_ =	shalt  }
0x7e: {  	_ =	shalt  }
0x7f: {  	_ =	shalt  }
0x80: {  	_ =	shalt  }
0x81: {  	_ =	shalt  }
0x82: {  	_ =	shalt  }
0x83: {  	_ =	shalt  }
0x84: {  	_ =	shalt  }
0x85: {  	_ =	shalt  }
0x86: {  	_ =	shalt  }
0x87: {  	_ =	shalt  }
.Lfunc_end0:
.L_simem_size_0:
called_computation.4_lowered:
.L_overlay_start_0:
0x88: {  	s2 =	sld [smem:$0x3FD9]  }
0x89: {  	s3 =	sld [smem:$0x3FFE];
	_ =	sdelay $0x1  }
0x8a: {  	s1 =	srdreg.scid  }
0x8b: {  	s0 =	sand.u32 $0x1, s1  }
0x8c: {  	s17 =	sshll.u32 s0, $0xA;
	s2 =	sadd.s32 s3, s2  }
0x8d: {  	s2 =	sadd.s32 s2, s17  }
0x8e: {  	[smem:$0x3FBC] =	sst s2  }
0x8f: {  	_ = 	snop  }
0x90: {  	(tm) =	ssettm $0x1  }
0x91: {  	s18 =	sld [smem:$0x3FFB];
	_ =	sdelay $0x3  }
0x92: {  	_ =	strace s18  }
0x93: {  	s2 =	sld [smem:$0x3FFC];
	_ =	sdelay $0x3  }
0x94: {  	_ =	strace s2  }
0x95: {  	s2 =	sld [smem:$0x3FFD];
	_ =	sdelay $0x3  }
0x96: {  	_ =	strace s2  }
0x97: {  	_ =	strace $0x8FFFFFFF  }
0x98: {  	s19 =	sld [smem:$0x3FDB];
	_ =	sdelay $0x1  }
0x99: {  	s20 =	simm.s32 $_scs_section_size  }
0x9a: {  	s4 =	simm.s32 $_size__tile_overlayer_lowered;
	s5 =	simm.s32 $_tile_overlayer_lowered  }
0x9b: {  	s6 =	simm.s32 $0x1BFF;
	s21 =	sshll.u32 s5, $0x1;
	s3 =	sadd.s32 s20, s19  }
0x9c: {  	s22 =	simm.s32 $0x0;
	s4 =	sshll.u32 s4, $0x1;
	s5 =	sadd.s32 s21, s3  }
0x9d: {  	[timem:s22], [sflag:s6] =	dma.local [hbm:s5], s4  }
0x9e: {  	_ =	swait.ge [sflag:s6], s4  }
0x9f: {  	s4 =	ssub.s32 $0x0, s4;
	[sflag:s6] =	ssyncset.done $0x0  }
0xa0: {  	[sflag:s6] =	ssyncadd.s32 s4;
	_ =	sdelay $0x1  }
0xa1: {  	s23 =	simm.s32 $0x1B8B  }
0xa2: {  	_ =	swait.ge [sflag:s23], $0x1  }
0xa3: {  	[sflag:s23] =	ssyncset.done $0x0  }
0xa4: {  	[sflag:s23] =	ssyncadd.s32 $0xFFFFFFFF  }
0xa5: {  	s4 =	sld [smem:$0x0]  }
0xa6: {  	s5 =	sand.u32 $0xFFFFFFFE, s1  }
0xa7: {  	p0 =	sne.s32 s1, s5  }
0xa8: {  	s5 =	sshll.u32 @p0 s5, $0xE  }
0xa9: {  	s5 =	sadd.s32 @p0 $0x11B8D, s5;
	s6 =	sshll.u32 @p0 s4, $0x11  }
0xaa: {  	s5 =	sor.u32 @p0 s6, s5  }
0xab: {  	[sflag:s5] =	ssyncadd.remote.s32 @p0 $0x1;
	_ =	sdelay $0x1  }
0xac: {  	s5 =	simm.s32 @p0 $0x1B8D  }
0xad: {  	_ =	swait.eq @p0 [sflag:s5], $0x1  }
0xae: {  	[sflag:s5] =	ssyncadd.s32 @p0 $0xFFFFFFFF  }
0xaf: {  	s6 =	sshll.u32 @!p0 s1, $0xE  }
0xb0: {  	s6 =	sor.u32 @!p0 $0x4000, s6;
	s5 =	simm.s32 @!p0 $0x1B8D  }
0xb1: {  	s4 =	sshll.u32 @!p0 s4, $0x11;
	s6 =	sadd.s32 @!p0 $0x11B8D, s6;
	_ =	swait.eq @!p0 [sflag:s5], $0x1  }
0xb2: {  	s4 =	sor.u32 @!p0 s4, s6;
	[sflag:s5] =	ssyncadd.s32 @!p0 $0xFFFFFFFF  }
0xb3: {  	s25 =	simm.s32 $0x1B8E;
	s24 =	sld [smem:$0x3FFE];
	[sflag:s4] =	ssyncadd.remote.s32 @!p0 $0x1  }
0xb4: {  	s26 =	simm.s32 $execute0_lowered;
	[smem:$0x3FD2] =	sst s25  }
0xb5: {  	s5 =	sshll.u32 s26, $0x1;
	_ =	strace $0x80000052;
	[dreg:$0x1] =	wrdreg $0xFFFFFFFF  }
0xb6: {  	s28 =	simm.s32 $_size_execute0_lowered;
	s3 =	sadd.s32 s3, s5;
	[dreg:$0x0] =	wrdreg $0x0  }
0xb7: {  	s5 =	sshll.u32 s28, $0x1;
	[dreg:$0x2] =	wrdreg s3  }
0xb8: {  	[dreg:$0x3] =	wrdreg s5  }
0xb9: {  	[dreg:$0x4] =	wrdreg $0xC0  }
0xba: {  	_ =	task [dreg:s22], $0x5FFFF  }
0xbb: {  	[dreg:$0x1] =	wrdreg $0xFFFFFFFF  }
0xbc: {  	[dreg:$0x0] =	wrdreg $0x60  }
0xbd: {  	[dreg:$0x2] =	wrdreg s24  }
0xbe: {  	[dreg:$0x3] =	wrdreg $0xB2000  }
0xbf: {  	[dreg:$0x4] =	wrdreg $0xB  }
0xc0: {  	_ =	task.clear_ibuf [dreg:s22], $0x5FFFF;
	_ =	strace $0x90000052  }
0xc1: {  	s29 =	simm.s32 $0xB;
	_ =	strace $0x80000054  }
0xc2: {  	_ =	swait.ge [sflag:s29], $0x1  }
0xc3: {  	[sflag:s29] =	ssyncadd.s32 $0xFFFFFFFF  }
0xc4: {  	_ =	strace $0x90000054  }
0xc5: {  	_ =	sfence  }
0xc6: {  	s30 =	sld [smem:$0x0];
	_ =	sdelay $0x2  }
0xc7: {  	s31 =	sshll.u32 s1, $0xD;
	s1 =	sshrl.u32 s1, $0x2  }
0xc8: {  	s4 =	sand.u32 $0x4000, s31;
	s1 =	sadd.s32 s1, s30  }
0xc9: {  	s0 =	sor.u32 s4, s0;
	s1 =	sshll.u32 s1, $0x11  }
0xca: {  	s0 =	sor.u32 s1, s0  }
0xcb: {  	s0 =	sadd.s32 $0x8F2B, s0  }
0xcc: {  	[sflag:s0] =	ssyncadd.remote.s32 $0x1  }
0xcd: {  	_ =	sfence.sel $0xFFFF  }
0xce: {  	[dreg:$0x0] =	wrdreg $0xFFFFFFFF;
	(pc) =	sbr.abs _section_cstart, $3  }
0xcf: {  	[dreg:$0x1] =	wrdreg $0xFFFFFFFF  }
0xd0: {  	_ =	task.clear_ibuf [dreg:s22], $0x2FFFF;
	_ =	strace $0x9FFFFFFF  }
0xd1: {  	(tm) =	ssettm $0x7FFFFFFF  }
tec
execute0_lowered:
.L_overlay_start_1:
0x0: {  	(tag) =	ssettag $0x1  }
0x1: {  	s4 =	rddreg [dreg:$0x0]  }
0x2: {  	s2 =	rddreg [dreg:$0x1];
	s1 =	stileid.u32  }
0x3: {  	s0 =	rddreg [dreg:$0x2];
	s3 =	simm.s32 $0x0;
	s5 =	smul.u32 $0xE600, s1  }
0x4: {  	s6 =	srdreg.scid;
	s20 =	simm.s32 $0x5200;
	s21 =	smul.u32 $0x4F000, s1  }
0x5: {  	[smem:$0x7FF] =	sst s3;
	s14 =	sadd.s32 $0x6000, s4;
	s9 =	smul.u32 $0x13C00, s1  }
0x6: {  	s10 =	sand.u32 $0x1, s6;
	s12 =	sadd.s32 $0x59400, s4;
	s28 =	smul.u32 $0xE60, s1  }
0x7: {  	s11 =	sadd.s32 $0x81400, s4;
	s23 =	sshll.u32 s1, $0x1;
	s8 =	smul.u32 $0x138800, s10  }
0x8: {  	p0 =	seq.s32 s1, $0xF;
	_ =	strace $0x80000053;
	s30 =	smul.u32 $0x730, s10  }
0x9: {  	s7 =	ssub.s32 $0x2, s10;
	s16 =	sor.u32 s10, s23;
	s19 =	smul.u32 $0x7300, s10  }
0xa: {  	s13 =	sadd.s32 s5, s4;
	s22 =	sshrl.u32 s7, $0x1;
	s17 =	smul.u32 $0x140, s16  }
0xb: {  	s24 =	sshrl.u32 s21, $0x2;
	s16 =	smul.u32 $0x1400, s16;
	s21 =	simm.s32 $0xB8  }
0xc: {  	s15 =	ssub.s32 s7, s22;
	s25 =	sadd.s32 s9, s8;
	s4 =	sadd.s32 s24, s2  }
0xd: {  	s26 =	sshrl.u32 s8, $0x3;
	s7 =	sadd.s32 $0x128400, s2;
	s13 =	sadd.s32 s19, s13  }
0xe: {  	s19 =	simm.s32 $0x5100;
	s22 =	simm.s32 $0x0;
	s5 =	sshrl.u32 s25, $0x3  }
0xf: {  	s6 =	sadd.s32 s11, s26;
	s8 =	smax.u32 s15, $0x1;
	s29 =	sshrl.u32 s17, $0x3  }
0x10: {  	s17 =	sadd.s32 $0xA0, s17;
	s15 =	sadd.s32 s30, s28;
	s10 =	sadd.s32 s12, s16  }
0x11: {  	s13 =	sadd.s32 $0x53B400, s13;
	s16 =	simm.s32 $0x1;
	s5 =	sadd.s32 s11, s5  }
0x12: {  	s6 =	sadd.s32 $0x25080, s6;
	s9 =	sadd.s32 s14, s29;
	s18 =	sshrl.u32 s17, $0x3  }
0x13: {  	s15 =	sadd.s32 $0x2800, s15;
	s31 =	sshll.u32 s17, $0x4;
	s17 =	simm.s32 $0x100  }
0x14: {  	s11 =	sadd.s32 s14, s18;
	s15 =	sshrl.u32 s15, $0x3;
	s12 =	sadd.s32 s12, s31  }
0x15: {  	v0 =	vimm.f32 $0.0e+00;
	s18 =	simm.s32 $0xA0;
	s14 =	sadd.s32 s15, s14;
	s15 =	simm.s32 $0xAE00  }
.LBB2_1:
0x16: {  	s23 =	sand.u32 $0xE00, s3  }
0x17: {  	s24 =	sand.u32 $0x70, s3;
	s25 =	sshrl.u32 s23, $0x2  }
0x18: {  	s23 =	simm.s32 $0x40;
	s25 =	sor.u32 s24, s25;
	s24 =	simm.s32 $0x0  }
.LBB2_2:
0x19: {  	p1 =	sne.s32 s23, $0xFC0  }
0x1a: {  	[tilespmem:s25+$0xAE00] =	vst v0;
	s24 =	sadd.s32 $0x10, s24;
	s25 =	smov.u32 s23;
	s23 =	sadd.s32 $0x40, s23  }
.Ltmp0:
0x1b: {  	(pc) =	sbr.rel @p1 .LBB2_2-.Ltmp0, $4  }
0x1c: {  	_ = 	snop  }
0x1d: {  	s25 =	sand.u32 $0xE00, s25  }
0x1e: {  	s26 =	sand.u32 $0x70, s24;
	s25 =	sshrl.u32 s25, $0x2  }
0x1f: {  	s25 =	sor.u32 s26, s25  }
.Ltmp1:
0x20: {  	(pc) =	sbr.rel @!p0 .LBB2_4-.Ltmp1, $3  }
0x21: {  	_ =	sdelay $0x1  }
0x22: {  	s23 =	simm.s32 $0x0  }
0x23: {  	[tilespmem:s25+$0xAE00] =	vst v0;
	s24 =	sshra.s32 s23, $0x2  }
0x24: {  	s24 =	sadd.s32 s24, s7  }
0x25: {  	[spmem:s24] =	stream.linear.scatter [tilespmem:s15], [sflag:$0x1], $0x400, $0x38;
	[tilespmem:$0x1EA80] =	vst v63  }
0x26: {  	s23 =	sadd.s32 $0x1000, s23;
	_ =	swait.ge [sflag:s16], $0x400  }
.LBB2_8:
0x27: {  	s24 =	sshra.s32 s23, $0x2;
	[sflag:s16] =	ssyncset.done $0x0;
	p1 =	sne.s32 s23, $0x40000  }
.Ltmp2:
0x28: {  	s24 =	sadd.s32 s24, s7;
	[sflag:s16] =	ssyncadd.s32 $0xFFFFFC00;
	(pc) =	sbr.rel @p1 .LBB2_8-.Ltmp2, $3  }
0x29: {  	[spmem:s24] =	stream.linear.scatter [tilespmem:s15], [sflag:$0x1], $0x400, $0x38;
	[tilespmem:$0x1EA80] =	vst v63  }
0x2a: {  	s23 =	sadd.s32 $0x1000, s23;
	_ =	sdelay $0x1  }
0x2b: {  	_ =	swait.ge [sflag:s16], $0x400  }
.Ltmp3:
0x2c: {  	(pc) =	sbr.rel .LBB2_10-.Ltmp3, $3  }
0x2d: {  	_ =	sdelay $0x1  }
0x2e: {  	[sflag:s16] =	ssyncset.done $0x0  }
0x2f: {  	[sflag:s16] =	ssyncadd.s32 $0xFFFFFC00  }
.LBB2_4:
0x30: {  	s24 =	sadd.s32 s24, s4  }
0x31: {  	[spmem:s24] =	stream.linear.scatter [tilespmem:s15], [sflag:$0x1], $0x400, $0x38;
	[tilespmem:$0x1EA80] =	vst v63  }
0x32: {  	s23 =	sadd.s32 $0x1000, s23;
	_ =	swait.ge [sflag:s16], $0x400  }
.LBB2_5:
0x33: {  	s24 =	sshra.s32 s23, $0x2;
	[sflag:s16] =	ssyncset.done $0x0;
	p1 =	seq.s32 s23, $0x4E000  }
.Ltmp4:
0x34: {  	s24 =	sadd.s32 s24, s4;
	[sflag:s16] =	ssyncadd.s32 $0xFFFFFC00;
	(pc) =	sbr.rel @!p1 .LBB2_5-.Ltmp4, $3  }
0x35: {  	[spmem:s24] =	stream.linear.scatter [tilespmem:s15], [sflag:$0x1], $0x400, $0x38;
	[tilespmem:$0x1EA80] =	vst v63  }
0x36: {  	s23 =	sadd.s32 $0x1000, s23;
	_ =	sdelay $0x1  }
0x37: {  	_ =	swait.ge [sflag:s16], $0x400  }
0x38: {  	[sflag:s16] =	ssyncset.done $0x0  }
0x39: {  	[sflag:s16] =	ssyncadd.s32 $0xFFFFFC00  }
.LBB2_10:
0x3a: {  	[bflag:$0x0] =	sbarrier.arrive $0xFFFF;
	s23 =	simm.s32 $0x0  }
0x3b: {  	[tilespmem:s23], [sflag:$0x1] =	stream.linear.gather [hbm4b:s9+s23], $0xA0, $0x38;
	[tilespmem:$0x1EA80] =	vst v63  }
0x3c: {  	_ =	swait.ge [sflag:s16], $0xA0  }
0x3d: {  	[sflag:s16] =	ssyncset.done $0x0  }
0x3e: {  	[sflag:s16] =	ssyncadd.s32 $0xFFFFFF60  }
0x3f: {  	[tilespmem:s17], [sflag:$0x1] =	stream.linear.gather [hbm4b:s10+s23], $0x5000, $0x38;
	[tilespmem:$0x1EA80] =	vst v63  }
0x40: {  	_ =	swait.ge [sflag:s16], $0x5000  }
0x41: {  	[sflag:s16] =	ssyncset.done $0x0  }
0x42: {  	[sflag:s16] =	ssyncadd.s32 $0xFFFFB000  }
0x43: {  	[spmem:s2] =	stream.indirect.scatter.add.f32 [tilespmem:s17], [sflag:$0x1], $0x80, s23, s18, $0xb8;
	[tilespmem:$0x1EA80] =	vst v63  }
0x44: {  	_ =	swait.ge [sflag:s16], $0x5000  }
0x45: {  	[sflag:s16] =	ssyncset.done $0x0  }
0x46: {  	[sflag:s16] =	ssyncadd.s32 $0xFFFFB000  }
0x47: {  	[tilespmem:s23], [sflag:$0x1] =	stream.linear.gather [hbm4b:s11+s23], $0xA0, $0x38;
	[tilespmem:$0x1EA80] =	vst v63  }
0x48: {  	_ =	swait.ge [sflag:s16], $0xA0  }
0x49: {  	[sflag:s16] =	ssyncset.done $0x0  }
0x4a: {  	[sflag:s16] =	ssyncadd.s32 $0xFFFFFF60  }
0x4b: {  	[tilespmem:s17], [sflag:$0x1] =	stream.linear.gather [hbm4b:s12+s23], $0x5000, $0x38;
	[tilespmem:$0x1EA80] =	vst v63  }
0x4c: {  	_ =	swait.ge [sflag:s16], $0x5000  }
0x4d: {  	[sflag:s16] =	ssyncset.done $0x0  }
0x4e: {  	[sflag:s16] =	ssyncadd.s32 $0xFFFFB000  }
0x4f: {  	[spmem:s2] =	stream.indirect.scatter.add.f32 [tilespmem:s17], [sflag:$0x1], $0x80, s23, s18, $0xb8;
	[tilespmem:$0x1EA80] =	vst v63  }
0x50: {  	_ =	swait.ge [sflag:s16], $0x5000  }
0x51: {  	[sflag:s16] =	ssyncset.done $0x0  }
0x52: {  	s31 =	sadd.s32 $0x0, s14;
	[sflag:s16] =	ssyncadd.s32 $0xFFFFB000  }
0x53: {  	[tilespmem:s19], [sflag:$0x1] =	stream.linear.gather [hbm4b:s31+s3], $0xB8, $0x38;
	[tilespmem:$0x1EA80] =	vst v63  }
0x54: {  	_ =	swait.ge [sflag:s16], $0xB8  }
0x55: {  	[sflag:s16] =	ssyncset.done $0x0  }
0x56: {  	[sflag:s16] =	ssyncadd.s32 $0xFFFFFF48  }
0x57: {  	[tilespmem:s20], [sflag:$0x1] =	stream.linear.gather [hbm4b:s13+s3], $0x5C00, $0x38;
	[tilespmem:$0x1EA80] =	vst v63  }
0x58: {  	_ =	swait.ge [sflag:s16], $0x5C00  }
0x59: {  	[sflag:s16] =	ssyncset.done $0x0  }
0x5a: {  	[sflag:s16] =	ssyncadd.s32 $0xFFFFA400  }
0x5b: {  	[spmem:s2] =	stream.indirect.scatter.add.f32 [tilespmem:s20], [sflag:$0x1], $0x80, s19, s21, $0xb8;
	[tilespmem:$0x1EA80] =	vst v63  }
0x5c: {  	s24 =	simm.s32 $0x17;
	_ =	swait.ge [sflag:s16], $0x5C00  }
0x5d: {  	s25 =	simm.s32 $0x2E;
	s23 =	sadd.s32 $0xB80, s13;
	[sflag:s16] =	ssyncset.done $0x0  }
.LBB2_11:
0x5e: {  	s26 =	sadd.s32 s24, s14  }
0x5f: {  	[sflag:s16] =	ssyncadd.s32 $0xFFFFA400;
	s24 =	smov.u32 s25;
	s28 =	sadd.s32 $0x17, s25  }
0x60: {  	[tilespmem:s19], [sflag:$0x1] =	stream.linear.gather [hbm4b:s26+s3], $0xB8, $0x38;
	[tilespmem:$0x1EA80] =	vst v63  }
0x61: {  	p1 =	sne.s32 s25, $0xCF;
	_ =	swait.ge [sflag:s16], $0xB8  }
0x62: {  	[sflag:s16] =	ssyncset.done $0x0  }
0x63: {  	[sflag:s16] =	ssyncadd.s32 $0xFFFFFF48  }
0x64: {  	[tilespmem:s20], [sflag:$0x1] =	stream.linear.gather [hbm4b:s23+s3], $0x5C00, $0x38;
	[tilespmem:$0x1EA80] =	vst v63  }
0x65: {  	_ =	swait.ge [sflag:s16], $0x5C00  }
.Ltmp5:
0x66: {  	[sflag:s16] =	ssyncset.done $0x0;
	(pc) =	sbr.rel @p1 .LBB2_11-.Ltmp5, $4  }
0x67: {  	[sflag:s16] =	ssyncadd.s32 $0xFFFFA400  }
0x68: {  	[spmem:s2] =	stream.indirect.scatter.add.f32 [tilespmem:s20], [sflag:$0x1], $0x80, s19, s21, $0xb8;
	[tilespmem:$0x1EA80] =	vst v63  }
0x69: {  	_ =	swait.ge [sflag:s16], $0x5C00  }
0x6a: {  	s25 =	smov.u32 s28;
	s23 =	sadd.s32 $0xB80, s23;
	[sflag:s16] =	ssyncset.done $0x0  }
0x6b: {  	s24 =	sadd.s32 s24, s14;
	[sflag:s16] =	ssyncadd.s32 $0xFFFFA400  }
0x6c: {  	[tilespmem:s19], [sflag:$0x1] =	stream.linear.gather [hbm4b:s24+s3], $0xB8, $0x38;
	[tilespmem:$0x1EA80] =	vst v63  }
0x6d: {  	_ =	swait.ge [sflag:s16], $0xB8  }
0x6e: {  	[sflag:s16] =	ssyncset.done $0x0  }
0x6f: {  	[sflag:s16] =	ssyncadd.s32 $0xFFFFFF48  }
0x70: {  	[tilespmem:s20], [sflag:$0x1] =	stream.linear.gather [hbm4b:s23+s3], $0x5C00, $0x38;
	[tilespmem:$0x1EA80] =	vst v63  }
0x71: {  	_ =	swait.ge [sflag:s16], $0x5C00  }
0x72: {  	[sflag:s16] =	ssyncset.done $0x0  }
0x73: {  	[sflag:s16] =	ssyncadd.s32 $0xFFFFA400  }
0x74: {  	[spmem:s2] =	stream.indirect.scatter.add.f32 [tilespmem:s20], [sflag:$0x1], $0x80, s19, s21, $0xb8;
	[tilespmem:$0x1EA80] =	vst v63  }
0x75: {  	_ =	swait.ge [sflag:s16], $0x5C00  }
0x76: {  	[sflag:s16] =	ssyncset.done $0x0  }
0x77: {  	[sflag:s16] =	ssyncadd.s32 $0xFFFFA400  }
0x78: {  	s24 =	simm.s32 @p0 $0x1FC1;
	s23 =	sshrl.u32 @p0 s7, $0x3;
	[bflag:$0x0] =	sbarrier.arrive $0xFFFF  }
0x79: {  	[hbm:s6], [sflag:s24] =	dma.local @p0 [spmem:s23], $0x2080  }
0x7a: {  	s23 =	simm.s32 @p0 $0x1  }
0x7b: {  	s22 =	sadd.s32 $0x1, s22;
	_ =	swait.ge @p0 [sflag:s23], $0x2080  }
0x7c: {  	p1 =	sne.s32 s22, s8;
	s24 =	sshll.u32 @!p0 s1, $0x6;
	[sflag:s23] =	ssyncset.done @p0 $0x0  }
0x7d: {  	[sflag:s23] =	ssyncadd.s32 @p0 $0xFFFFDF80;
	s23 =	sor.u32 @!p0 $0x1C01, s24;
	s24 =	sshrl.u32 @!p0 s4, $0x3  }
0x7e: {  	[hbm:s5], [sflag:s23] =	dma.local @!p0 [spmem:s24], $0x2780  }
.Ltmp6:
0x7f: {  	_ = 	snop;
	(pc) =	sbr.rel @p1 .LBB2_1-.Ltmp6, $4  }
0x80: {  	s23 =	simm.s32 @!p0 $0x1  }
0x81: {  	_ =	swait.ge @!p0 [sflag:s23], $0x2780  }
0x82: {  	[sflag:s23] =	ssyncset.done @!p0 $0x0  }
0x83: {  	[sflag:s23] =	ssyncadd.s32 @!p0 $0xFFFFD880  }
0x84: {  	_ =	sfence.sel $0x180000  }
0x85: {  	[bflag:$0x0] =	sbarrier.arrive $0xFFFF  }
0x86: {  	p0 =	sne.s32 s1, $0x0;
	_ =	strace $0x90000053  }
0x87: {  	s0 =	sadd.s32 @!p0 $0x100000, s0;
	[bflag:$0x2] =	sbarrier.arrive $0xFFFF  }
0x88: {  	[sflag:s0] =	ssyncadd.tile.s32 @!p0 $0x1;
	_ =	shalt  }
.Lfunc_end2:
_tile_overlayer_lowered:
.L_overlay_start_2:
0x89: {  	(tag) =	ssettag $0x2  }
0x8a: {  	s0 =	rddreg [dreg:$0x0];
	s2 =	stileid.u32  }
0x8b: {  	s1 =	rddreg [dreg:$0x1];
	p0 =	sne.s32 s2, $0x0  }
0x8c: {  	s3 =	rddreg [dreg:$0x2];
	[bflag:$0x3] =	sbarrier.arrive $0xFFFF;
	s2 =	simm.s32 @!p0 $0x1C01  }
0x8d: {  	[timem:s3], [sflag:s2] =	dma.local @!p0 [hbm:s0], s1  }
0x8e: {  	s0 =	simm.s32 @!p0 $0x1  }
0x8f: {  	_ =	swait.ge @!p0 [sflag:s0], s1  }
0x90: {  	s1 =	ssub.s32 @!p0 $0x0, s1;
	[sflag:s0] =	ssyncset.done @!p0 $0x0  }
0x91: {  	[sflag:s0] =	ssyncadd.s32 @!p0 s1  }
0x92: {  	[bflag:$0x3] =	sbarrier.arrive $0xFFFF  }
0x93: {  	_ =	shalt  }

// kernel: kernel.31.cloned.1.call-start
scs
__scs_entry_jumppad:
0x0: {  	(pc) =	sbr.rel $0x88, $3  }
0x1: {  	(tag) =	ssettag $0x0;
	lr =	simm.s32 $0x1  }
0x2: {  	[smem:$0x3F95] =	sst lr;
	_ =	strace $0xD0000000  }
0x3: {  	_ = 	snop  }
0x4: {  	_ = 	snop  }
0x5: {  	_ = 	snop  }
0x6: {  	_ = 	snop  }
0x7: {  	_ = 	snop  }
__scs_overlays_trampoline_lowered:
0x8: {  	[smem:$0x3FA4] =	sst s0  }
0x9: {  	[smem:$0x3FA5] =	sst s1  }
0xa: {  	[smem:$0x3FA6] =	sst s2  }
0xb: {  	[smem:$0x3FA7] =	sst s3  }
0xc: {  	[smem:$0x3FA8] =	sst s4  }
0xd: {  	[smem:$0x3FA9] =	sst s5  }
0xe: {  	[smem:$0x3FAA] =	sst s6  }
0xf: {  	[smem:$0x3FAB] =	sst s7  }
0x10: {  	[smem:$0x3FAC] =	sst s8  }
0x11: {  	[smem:$0x3FAD] =	sst s9;
	s0 =	simm.s32 @!p0 $0x0  }
0x12: {  	s1 =	sld [smem:$0x3F93];
	s0 =	simm.s32 @p0 $0x1  }
0x13: {  	[smem:$0x3FAE] =	sst s0;
	s0 =	simm.s32 @!p1 $0x0  }
0x14: {  	s2 =	sld [smem:$0x3F92];
	s0 =	simm.s32 @p1 $0x1  }
0x15: {  	[smem:$0x3FAF] =	sst s0;
	s0 =	simm.s32 @!p2 $0x0  }
0x16: {  	s3 =	sld [smem:$0x3FDB];
	s0 =	simm.s32 @p2 $0x1  }
0x17: {  	s4 =	simm.s32 $0x1BF5;
	[smem:$0x3FB1] =	sst s0  }
0x18: {  	s0 =	sld [smem:$0x3F94];
	_ =	swait.ge [sflag:s4], $0x0  }
0x19: {  	s7 =	sld [smem:$0x3F95]  }
0x1a: {  	s8 =	sadd.s32 $0xFFFFE003, lr  }
0x1b: {  	s9 =	sadd.s32 $0xFFFFFEF7, lr;
	s5 =	simm.s32 $0xFFFFFFFF;
	p2 =	slt.u32 s8, $0xFFFFF086  }
0x1c: {  	p1 =	slt.u32 s9, $0xF7A;
	s5 =	simm.s32 @!p2 $0x0  }
0x1d: {  	s5 =	simm.s32 @p1 $0x1;
	p0 =	seq.s32 s7, s2  }
0x1e: {  	s7 =	smul.u32 @!p0 $0xF7A, s2;
	p2 =	seq.s32 @!p0 s5, $0x0  }
0x1f: {  	s9 =	smul.u32 $0xF7A, s1;
	s8 =	simm.s32 @!p0 $0x1BF5;
	p2 =	por !p2, p0  }
0x20: {  	[sflag:s8] =	ssyncset.s32 @!p0 $0xFFFFF086;
	s6 =	sadd.s32 @!p0 s3, s7;
	s7 =	simm.s32 @!p0 $0x108  }
0x21: {  	s3 =	sadd.s32 s3, s9;
	s6 =	sadd.s32 @!p0 $0x88, s6;
	s7 =	simm.s32 @p2 $0x1082  }
0x22: {  	[simem:s7], [sflag:s8] =	dma.local @!p0 [hbm:s6], $0xF7A  }
0x23: {  	s9 =	sor.u32 $0xD0000000, s2;
	s6 =	simm.s32 $0x108;
	_ =	swait.ge @!p0 [sflag:s8], $0x0  }
0x24: {  	s3 =	sadd.s32 $0x88, s3;
	s6 =	simm.s32 @!p1 $0x1082;
	[sflag:s4] =	ssyncset.s32 $0xFFFFF086  }
0x25: {  	[simem:s6], [sflag:s4] =	dma.local [hbm:s3], $0xF7A  }
0x26: {  	[smem:$0x3F95] =	sst s1;
	(tag) =	ssettag s2;
	_ =	strace s9  }
0x27: {  	s1 =	sld [smem:$0x3FA5]  }
0x28: {  	s2 =	sld [smem:$0x3FA6]  }
0x29: {  	s4 =	sld [smem:$0x3FA8]  }
0x2a: {  	p0 =	seq.s32 s5, $0x0;
	s5 =	sld [smem:$0x3FA9]  }
0x2b: {  	s6 =	sld [smem:$0x3FAA]  }
0x2c: {  	s7 =	sld [smem:$0x3FAB]  }
0x2d: {  	s3 =	simm.s32 $0x108;
	s8 =	sld [smem:$0x3FAC]  }
0x2e: {  	s3 =	simm.s32 @!p0 $0x1082;
	s9 =	sld [smem:$0x3FAD]  }
0x2f: {  	lr =	sadd.s32 s0, s3;
	s0 =	sld [smem:$0x3FA4]  }
0x30: {  	s3 =	sld [smem:$0x3FA7]  }
0x31: {  	[smem:$0x3FB0] =	sst s10  }
0x32: {  	s10 =	sld [smem:$0x3FAE];
	_ =	sdelay $0x3  }
0x33: {  	p0 =	seq.s32 s10, $0x1;
	s10 =	sld [smem:$0x3FB0];
	_ =	sdelay $0x3  }
0x34: {  	[smem:$0x3FB0] =	sst s10  }
0x35: {  	s10 =	sld [smem:$0x3FAF];
	_ =	sdelay $0x3  }
0x36: {  	p1 =	seq.s32 s10, $0x1;
	s10 =	sld [smem:$0x3FB0];
	_ =	sdelay $0x3  }
0x37: {  	[smem:$0x3FB0] =	sst s10  }
0x38: {  	s10 =	sld [smem:$0x3FB1]  }
0x39: {  	_ = 	snop;
	(pc) =	sbr.ind lr, $3  }
0x3a: {  	_ = 	snop  }
0x3b: {  	_ = 	snop  }
0x3c: {  	p2 =	seq.s32 s10, $0x1;
	s10 =	sld [smem:$0x3FB0]  }
0x3d: {  	_ =	shalt  }
0x3e: {  	_ =	shalt  }
0x3f: {  	_ =	shalt  }
0x40: {  	_ =	shalt  }
0x41: {  	_ =	shalt  }
0x42: {  	_ =	shalt  }
0x43: {  	_ =	shalt  }
0x44: {  	_ =	shalt  }
0x45: {  	_ =	shalt  }
0x46: {  	_ =	shalt  }
0x47: {  	_ =	shalt  }
0x48: {  	_ =	shalt  }
0x49: {  	_ =	shalt  }
0x4a: {  	_ =	shalt  }
0x4b: {  	_ =	shalt  }
0x4c: {  	_ =	shalt  }
0x4d: {  	_ =	shalt  }
0x4e: {  	_ =	shalt  }
0x4f: {  	_ =	shalt  }
0x50: {  	_ =	shalt  }
0x51: {  	_ =	shalt  }
0x52: {  	_ =	shalt  }
0x53: {  	_ =	shalt  }
0x54: {  	_ =	shalt  }
0x55: {  	_ =	shalt  }
0x56: {  	_ =	shalt  }
0x57: {  	_ =	shalt  }
0x58: {  	_ =	shalt  }
0x59: {  	_ =	shalt  }
0x5a: {  	_ =	shalt  }
0x5b: {  	_ =	shalt  }
0x5c: {  	_ =	shalt  }
0x5d: {  	_ =	shalt  }
0x5e: {  	_ =	shalt  }
0x5f: {  	_ =	shalt  }
0x60: {  	_ =	shalt  }
0x61: {  	_ =	shalt  }
0x62: {  	_ =	shalt  }
0x63: {  	_ =	shalt  }
0x64: {  	_ =	shalt  }
0x65: {  	_ =	shalt  }
0x66: {  	_ =	shalt  }
0x67: {  	_ =	shalt  }
0x68: {  	_ =	shalt  }
0x69: {  	_ =	shalt  }
0x6a: {  	_ =	shalt  }
0x6b: {  	_ =	shalt  }
0x6c: {  	_ =	shalt  }
0x6d: {  	_ =	shalt  }
0x6e: {  	_ =	shalt  }
0x6f: {  	_ =	shalt  }
0x70: {  	_ =	shalt  }
0x71: {  	_ =	shalt  }
0x72: {  	_ =	shalt  }
0x73: {  	_ =	shalt  }
0x74: {  	_ =	shalt  }
0x75: {  	_ =	shalt  }
0x76: {  	_ =	shalt  }
0x77: {  	_ =	shalt  }
0x78: {  	_ =	shalt  }
0x79: {  	_ =	shalt  }
0x7a: {  	_ =	shalt  }
0x7b: {  	_ =	shalt  }
0x7c: {  	_ =	shalt  }
0x7d: {  	_ =	shalt  }
0x7e: {  	_ =	shalt  }
0x7f: {  	_ =	shalt  }
0x80: {  	_ =	shalt  }
0x81: {  	_ =	shalt  }
0x82: {  	_ =	shalt  }
0x83: {  	_ =	shalt  }
0x84: {  	_ =	shalt  }
0x85: {  	_ =	shalt  }
0x86: {  	_ =	shalt  }
0x87: {  	_ =	shalt  }
.Lfunc_end0:
.L_simem_size_0:
called_computation.5_lowered:
.L_overlay_start_0:
0x88: {  	s2 =	sld [smem:$0x3FD9]  }
0x89: {  	s3 =	sld [smem:$0x3FFE];
	_ =	sdelay $0x1  }
0x8a: {  	s1 =	srdreg.scid  }
0x8b: {  	s0 =	sand.u32 $0x1, s1  }
0x8c: {  	s17 =	sshll.u32 s0, $0xA;
	s2 =	sadd.s32 s3, s2  }
0x8d: {  	s2 =	sadd.s32 s2, s17  }
0x8e: {  	[smem:$0x3FBC] =	sst s2  }
0x8f: {  	_ = 	snop  }
0x90: {  	(tm) =	ssettm $0x1  }
0x91: {  	s18 =	sld [smem:$0x3FFB];
	_ =	sdelay $0x3  }
0x92: {  	_ =	strace s18  }
0x93: {  	s2 =	sld [smem:$0x3FFC];
	_ =	sdelay $0x3  }
0x94: {  	_ =	strace s2  }
0x95: {  	s2 =	sld [smem:$0x3FFD];
	_ =	sdelay $0x3  }
0x96: {  	_ =	strace s2  }
0x97: {  	_ =	strace $0x8FFFFFFF  }
0x98: {  	s19 =	sld [smem:$0x3FDB];
	_ =	sdelay $0x1  }
0x99: {  	s20 =	simm.s32 $_scs_section_size  }
0x9a: {  	s4 =	simm.s32 $_size__tile_overlayer_lowered;
	s5 =	simm.s32 $_tile_overlayer_lowered  }
0x9b: {  	s6 =	simm.s32 $0x1BFF;
	s21 =	sshll.u32 s5, $0x1;
	s3 =	sadd.s32 s20, s19  }
0x9c: {  	s22 =	simm.s32 $0x0;
	s4 =	sshll.u32 s4, $0x1;
	s5 =	sadd.s32 s21, s3  }
0x9d: {  	[timem:s22], [sflag:s6] =	dma.local [hbm:s5], s4  }
0x9e: {  	_ =	swait.ge [sflag:s6], s4  }
0x9f: {  	s4 =	ssub.s32 $0x0, s4;
	[sflag:s6] =	ssyncset.done $0x0  }
0xa0: {  	[sflag:s6] =	ssyncadd.s32 s4;
	_ =	sdelay $0x1  }
0xa1: {  	s23 =	simm.s32 $0x1B8B  }
0xa2: {  	_ =	swait.ge [sflag:s23], $0x1  }
0xa3: {  	[sflag:s23] =	ssyncset.done $0x0  }
0xa4: {  	[sflag:s23] =	ssyncadd.s32 $0xFFFFFFFF  }
0xa5: {  	s4 =	sld [smem:$0x0]  }
0xa6: {  	s5 =	sand.u32 $0xFFFFFFFE, s1  }
0xa7: {  	p0 =	sne.s32 s1, s5  }
0xa8: {  	s5 =	sshll.u32 @p0 s5, $0xE  }
0xa9: {  	s5 =	sadd.s32 @p0 $0x11B8D, s5;
	s6 =	sshll.u32 @p0 s4, $0x11  }
0xaa: {  	s5 =	sor.u32 @p0 s6, s5  }
0xab: {  	[sflag:s5] =	ssyncadd.remote.s32 @p0 $0x1;
	_ =	sdelay $0x1  }
0xac: {  	s5 =	simm.s32 @p0 $0x1B8D  }
0xad: {  	_ =	swait.eq @p0 [sflag:s5], $0x1  }
0xae: {  	[sflag:s5] =	ssyncadd.s32 @p0 $0xFFFFFFFF  }
0xaf: {  	s6 =	sshll.u32 @!p0 s1, $0xE  }
0xb0: {  	s6 =	sor.u32 @!p0 $0x4000, s6;
	s5 =	simm.s32 @!p0 $0x1B8D  }
0xb1: {  	s4 =	sshll.u32 @!p0 s4, $0x11;
	s6 =	sadd.s32 @!p0 $0x11B8D, s6;
	_ =	swait.eq @!p0 [sflag:s5], $0x1  }
0xb2: {  	s4 =	sor.u32 @!p0 s4, s6;
	[sflag:s5] =	ssyncadd.s32 @!p0 $0xFFFFFFFF  }
0xb3: {  	s25 =	simm.s32 $0x1B8E;
	s24 =	sld [smem:$0x3FFE];
	[sflag:s4] =	ssyncadd.remote.s32 @!p0 $0x1  }
0xb4: {  	s26 =	simm.s32 $execute0_lowered;
	[smem:$0x3FD2] =	sst s25  }
0xb5: {  	s5 =	sshll.u32 s26, $0x1;
	_ =	strace $0x80000055;
	[dreg:$0x1] =	wrdreg $0xFFFFFFFF  }
0xb6: {  	s28 =	simm.s32 $_size_execute0_lowered;
	s3 =	sadd.s32 s3, s5;
	[dreg:$0x0] =	wrdreg $0x0  }
0xb7: {  	s5 =	sshll.u32 s28, $0x1;
	[dreg:$0x2] =	wrdreg s3  }
0xb8: {  	[dreg:$0x3] =	wrdreg s5  }
0xb9: {  	[dreg:$0x4] =	wrdreg $0xC0  }
0xba: {  	_ =	task [dreg:s22], $0x5FFFF  }
0xbb: {  	[dreg:$0x1] =	wrdreg $0xFFFFFFFF  }
0xbc: {  	[dreg:$0x0] =	wrdreg $0x60  }
0xbd: {  	[dreg:$0x2] =	wrdreg s24  }
0xbe: {  	[dreg:$0x3] =	wrdreg $0x69000  }
0xbf: {  	[dreg:$0x4] =	wrdreg $0xA  }
0xc0: {  	_ =	task.clear_ibuf [dreg:s22], $0x5FFFF;
	_ =	strace $0x90000055  }
0xc1: {  	s29 =	simm.s32 $0xA;
	_ =	strace $0x80000057  }
0xc2: {  	_ =	swait.ge [sflag:s29], $0x1  }
0xc3: {  	[sflag:s29] =	ssyncadd.s32 $0xFFFFFFFF  }
0xc4: {  	_ =	strace $0x90000057  }
0xc5: {  	_ =	sfence  }
0xc6: {  	s30 =	sld [smem:$0x0];
	_ =	sdelay $0x2  }
0xc7: {  	s31 =	sshll.u32 s1, $0xD;
	s1 =	sshrl.u32 s1, $0x2  }
0xc8: {  	s4 =	sand.u32 $0x4000, s31;
	s1 =	sadd.s32 s1, s30  }
0xc9: {  	s0 =	sor.u32 s4, s0;
	s1 =	sshll.u32 s1, $0x11  }
0xca: {  	s0 =	sor.u32 s1, s0  }
0xcb: {  	s0 =	sadd.s32 $0x8F2B, s0  }
0xcc: {  	[sflag:s0] =	ssyncadd.remote.s32 $0x1  }
0xcd: {  	_ =	sfence.sel $0xFFFF  }
0xce: {  	[dreg:$0x0] =	wrdreg $0xFFFFFFFF;
	(pc) =	sbr.abs _section_cstart, $3  }
0xcf: {  	[dreg:$0x1] =	wrdreg $0xFFFFFFFF  }
0xd0: {  	_ =	task.clear_ibuf [dreg:s22], $0x2FFFF;
	_ =	strace $0x9FFFFFFF  }
0xd1: {  	(tm) =	ssettm $0x7FFFFFFF  }
tec
execute0_lowered:
.L_overlay_start_1:
0x0: {  	(tag) =	ssettag $0x1  }
0x1: {  	s1 =	srdreg.scid  }
0x2: {  	s0 =	stileid.u32;
	s4 =	rddreg [dreg:$0x0]  }
0x3: {  	s2 =	rddreg [dreg:$0x1];
	s6 =	smul.u32 $0xFA0, s0  }
0x4: {  	s3 =	simm.s32 $0x0;
	s14 =	simm.s32 $0xC8;
	s22 =	smul.u32 $0xFA00, s0  }
0x5: {  	s5 =	sand.u32 $0x1, s1;
	s1 =	rddreg [dreg:$0x2];
	s8 =	smul.u32 $0x4F000, s0  }
0x6: {  	s15 =	simm.s32 $0x0;
	[smem:$0x7FF] =	sst s3;
	s11 =	smul.u32 $0x13C00, s0  }
0x7: {  	s24 =	sadd.s32 $0x1C9600, s4;
	p0 =	seq.s32 s0, $0xF;
	s7 =	smul.u32 $0x7D0, s5  }
0x8: {  	_ =	strace $0x80000056;
	s9 =	smul.u32 $0x138800, s5;
	s23 =	ssub.s32 $0x2, s5  }
0x9: {  	s30 =	smul.u32 $0x7D00, s5;
	s12 =	sadd.s32 s22, s4;
	s25 =	sshrl.u32 s23, $0x1  }
0xa: {  	s26 =	sshrl.u32 s8, $0x2;
	s6 =	sadd.s32 s7, s6;
	s13 =	ssub.s32 s23, s25  }
0xb: {  	s28 =	sadd.s32 s11, s9;
	s29 =	sshrl.u32 s9, $0x3;
	s7 =	sadd.s32 $0x128400, s2  }
0xc: {  	s9 =	sadd.s32 s30, s12;
	s11 =	simm.s32 $0x6500;
	s12 =	simm.s32 $0x1  }
0xd: {  	s6 =	sadd.s32 $0x10E00, s6;
	s31 =	sadd.s32 s24, s29;
	s8 =	smax.u32 s13, $0x1  }
0xe: {  	s9 =	sadd.s32 $0xCF600, s9;
	s13 =	simm.s32 $0x100;
	s6 =	sshrl.u32 s6, $0x3  }
0xf: {  	s10 =	sadd.s32 s6, s4;
	s6 =	sshrl.u32 s28, $0x3;
	s4 =	sadd.s32 s26, s2  }
0x10: {  	v0 =	vimm.f32 $0.0e+00;
	s5 =	sadd.s32 s24, s6;
	s6 =	sadd.s32 $0x25080, s31;
	s10 =	sadd.s32 $0x6000, s10  }
.LBB2_1:
0x11: {  	s16 =	sand.u32 $0xE00, s3  }
0x12: {  	s17 =	sand.u32 $0x70, s3;
	s18 =	sshrl.u32 s16, $0x2  }
0x13: {  	s16 =	simm.s32 $0x40;
	s18 =	sor.u32 s17, s18;
	s17 =	simm.s32 $0x0  }
.LBB2_2:
0x14: {  	p1 =	sne.s32 s16, $0xFC0  }
0x15: {  	[tilespmem:s18+$0x6500] =	vst v0;
	s17 =	sadd.s32 $0x10, s17;
	s18 =	smov.u32 s16;
	s16 =	sadd.s32 $0x40, s16  }
.Ltmp0:
0x16: {  	(pc) =	sbr.rel @p1 .LBB2_2-.Ltmp0, $4  }
0x17: {  	_ = 	snop  }
0x18: {  	s18 =	sand.u32 $0xE00, s18  }
0x19: {  	s19 =	sand.u32 $0x70, s17;
	s18 =	sshrl.u32 s18, $0x2  }
0x1a: {  	s18 =	sor.u32 s19, s18  }
.Ltmp1:
0x1b: {  	(pc) =	sbr.rel @!p0 .LBB2_4-.Ltmp1, $3  }
0x1c: {  	_ =	sdelay $0x1  }
0x1d: {  	s16 =	simm.s32 $0x0  }
0x1e: {  	[tilespmem:s18+$0x6500] =	vst v0;
	s17 =	sshra.s32 s16, $0x2  }
0x1f: {  	s17 =	sadd.s32 s17, s7  }
0x20: {  	[spmem:s17] =	stream.linear.scatter [tilespmem:s11], [sflag:$0x1], $0x400, $0x38;
	[tilespmem:$0x1A180] =	vst v63  }
0x21: {  	s16 =	sadd.s32 $0x1000, s16;
	_ =	swait.ge [sflag:s12], $0x400  }
.LBB2_8:
0x22: {  	s17 =	sshra.s32 s16, $0x2;
	[sflag:s12] =	ssyncset.done $0x0;
	p1 =	sne.s32 s16, $0x40000  }
.Ltmp2:
0x23: {  	s17 =	sadd.s32 s17, s7;
	[sflag:s12] =	ssyncadd.s32 $0xFFFFFC00;
	(pc) =	sbr.rel @p1 .LBB2_8-.Ltmp2, $3  }
0x24: {  	[spmem:s17] =	stream.linear.scatter [tilespmem:s11], [sflag:$0x1], $0x400, $0x38;
	[tilespmem:$0x1A180] =	vst v63  }
0x25: {  	s16 =	sadd.s32 $0x1000, s16;
	_ =	sdelay $0x1  }
0x26: {  	_ =	swait.ge [sflag:s12], $0x400  }
.Ltmp3:
0x27: {  	(pc) =	sbr.rel .LBB2_10-.Ltmp3, $3  }
0x28: {  	_ =	sdelay $0x1  }
0x29: {  	[sflag:s12] =	ssyncset.done $0x0  }
0x2a: {  	[sflag:s12] =	ssyncadd.s32 $0xFFFFFC00  }
.LBB2_4:
0x2b: {  	s17 =	sadd.s32 s17, s4  }
0x2c: {  	[spmem:s17] =	stream.linear.scatter [tilespmem:s11], [sflag:$0x1], $0x400, $0x38;
	[tilespmem:$0x1A180] =	vst v63  }
0x2d: {  	s16 =	sadd.s32 $0x1000, s16;
	_ =	swait.ge [sflag:s12], $0x400  }
.LBB2_5:
0x2e: {  	s17 =	sshra.s32 s16, $0x2;
	[sflag:s12] =	ssyncset.done $0x0;
	p1 =	seq.s32 s16, $0x4E000  }
.Ltmp4:
0x2f: {  	s17 =	sadd.s32 s17, s4;
	[sflag:s12] =	ssyncadd.s32 $0xFFFFFC00;
	(pc) =	sbr.rel @!p1 .LBB2_5-.Ltmp4, $3  }
0x30: {  	[spmem:s17] =	stream.linear.scatter [tilespmem:s11], [sflag:$0x1], $0x400, $0x38;
	[tilespmem:$0x1A180] =	vst v63  }
0x31: {  	s16 =	sadd.s32 $0x1000, s16;
	_ =	sdelay $0x1  }
0x32: {  	_ =	swait.ge [sflag:s12], $0x400  }
0x33: {  	[sflag:s12] =	ssyncset.done $0x0  }
0x34: {  	[sflag:s12] =	ssyncadd.s32 $0xFFFFFC00  }
.LBB2_10:
0x35: {  	[bflag:$0x0] =	sbarrier.arrive $0xFFFF;
	s16 =	sadd.s32 $0x0, s10  }
0x36: {  	[tilespmem:s3], [sflag:$0x1] =	stream.linear.gather [hbm4b:s16+s3], $0xC8, $0x38;
	[tilespmem:$0x1A180] =	vst v63  }
0x37: {  	_ =	swait.ge [sflag:s12], $0xC8  }
0x38: {  	[sflag:s12] =	ssyncset.done $0x0  }
0x39: {  	[sflag:s12] =	ssyncadd.s32 $0xFFFFFF38  }
0x3a: {  	[tilespmem:s13], [sflag:$0x1] =	stream.linear.gather [hbm4b:s9+s3], $0x6400, $0x38;
	[tilespmem:$0x1A180] =	vst v63  }
0x3b: {  	_ =	swait.ge [sflag:s12], $0x6400  }
0x3c: {  	[sflag:s12] =	ssyncset.done $0x0  }
0x3d: {  	[sflag:s12] =	ssyncadd.s32 $0xFFFF9C00  }
0x3e: {  	[spmem:s2] =	stream.indirect.scatter.add.f32 [tilespmem:s13], [sflag:$0x1], $0x80, s3, s14, $0xb8;
	[tilespmem:$0x1A180] =	vst v63  }
0x3f: {  	s17 =	simm.s32 $0x19;
	_ =	swait.ge [sflag:s12], $0x6400  }
0x40: {  	s18 =	simm.s32 $0x32;
	s16 =	sadd.s32 $0xC80, s9;
	[sflag:s12] =	ssyncset.done $0x0  }
.LBB2_11:
0x41: {  	s19 =	sadd.s32 s17, s10  }
0x42: {  	[sflag:s12] =	ssyncadd.s32 $0xFFFF9C00;
	s17 =	smov.u32 s18;
	s20 =	sadd.s32 $0x19, s18  }
0x43: {  	[tilespmem:s3], [sflag:$0x1] =	stream.linear.gather [hbm4b:s19+s3], $0xC8, $0x38;
	[tilespmem:$0x1A180] =	vst v63  }
0x44: {  	p1 =	sne.s32 s18, $0xE1;
	_ =	swait.ge [sflag:s12], $0xC8  }
0x45: {  	[sflag:s12] =	ssyncset.done $0x0  }
0x46: {  	[sflag:s12] =	ssyncadd.s32 $0xFFFFFF38  }
0x47: {  	[tilespmem:s13], [sflag:$0x1] =	stream.linear.gather [hbm4b:s16+s3], $0x6400, $0x38;
	[tilespmem:$0x1A180] =	vst v63  }
0x48: {  	_ =	swait.ge [sflag:s12], $0x6400  }
.Ltmp5:
0x49: {  	[sflag:s12] =	ssyncset.done $0x0;
	(pc) =	sbr.rel @p1 .LBB2_11-.Ltmp5, $4  }
0x4a: {  	[sflag:s12] =	ssyncadd.s32 $0xFFFF9C00  }
0x4b: {  	[spmem:s2] =	stream.indirect.scatter.add.f32 [tilespmem:s13], [sflag:$0x1], $0x80, s3, s14, $0xb8;
	[tilespmem:$0x1A180] =	vst v63  }
0x4c: {  	_ =	swait.ge [sflag:s12], $0x6400  }
0x4d: {  	s18 =	smov.u32 s20;
	s16 =	sadd.s32 $0xC80, s16;
	[sflag:s12] =	ssyncset.done $0x0  }
0x4e: {  	s17 =	sadd.s32 s17, s10;
	[sflag:s12] =	ssyncadd.s32 $0xFFFF9C00  }
0x4f: {  	[tilespmem:s3], [sflag:$0x1] =	stream.linear.gather [hbm4b:s17+s3], $0xC8, $0x38;
	[tilespmem:$0x1A180] =	vst v63  }
0x50: {  	_ =	swait.ge [sflag:s12], $0xC8  }
0x51: {  	[sflag:s12] =	ssyncset.done $0x0  }
0x52: {  	[sflag:s12] =	ssyncadd.s32 $0xFFFFFF38  }
0x53: {  	[tilespmem:s13], [sflag:$0x1] =	stream.linear.gather [hbm4b:s16+s3], $0x6400, $0x38;
	[tilespmem:$0x1A180] =	vst v63  }
0x54: {  	_ =	swait.ge [sflag:s12], $0x6400  }
0x55: {  	[sflag:s12] =	ssyncset.done $0x0  }
0x56: {  	[sflag:s12] =	ssyncadd.s32 $0xFFFF9C00  }
0x57: {  	[spmem:s2] =	stream.indirect.scatter.add.f32 [tilespmem:s13], [sflag:$0x1], $0x80, s3, s14, $0xb8;
	[tilespmem:$0x1A180] =	vst v63  }
0x58: {  	_ =	swait.ge [sflag:s12], $0x6400  }
0x59: {  	[sflag:s12] =	ssyncset.done $0x0  }
0x5a: {  	[sflag:s12] =	ssyncadd.s32 $0xFFFF9C00  }
0x5b: {  	s17 =	simm.s32 @p0 $0x1FC1;
	s16 =	sshrl.u32 @p0 s7, $0x3;
	[bflag:$0x0] =	sbarrier.arrive $0xFFFF  }
0x5c: {  	[hbm:s6], [sflag:s17] =	dma.local @p0 [spmem:s16], $0x2080  }
0x5d: {  	s16 =	simm.s32 @p0 $0x1  }
0x5e: {  	s15 =	sadd.s32 $0x1, s15;
	_ =	swait.ge @p0 [sflag:s16], $0x2080  }
0x5f: {  	p1 =	sne.s32 s15, s8;
	s17 =	sshll.u32 @!p0 s0, $0x6;
	[sflag:s16] =	ssyncset.done @p0 $0x0  }
0x60: {  	[sflag:s16] =	ssyncadd.s32 @p0 $0xFFFFDF80;
	s16 =	sor.u32 @!p0 $0x1C01, s17;
	s17 =	sshrl.u32 @!p0 s4, $0x3  }
0x61: {  	[hbm:s5], [sflag:s16] =	dma.local @!p0 [spmem:s17], $0x2780  }
.Ltmp6:
0x62: {  	_ = 	snop;
	(pc) =	sbr.rel @p1 .LBB2_1-.Ltmp6, $4  }
0x63: {  	s16 =	simm.s32 @!p0 $0x1  }
0x64: {  	_ =	swait.ge @!p0 [sflag:s16], $0x2780  }
0x65: {  	[sflag:s16] =	ssyncset.done @!p0 $0x0  }
0x66: {  	[sflag:s16] =	ssyncadd.s32 @!p0 $0xFFFFD880  }
0x67: {  	_ =	sfence.sel $0x180000  }
0x68: {  	[bflag:$0x0] =	sbarrier.arrive $0xFFFF  }
0x69: {  	p0 =	sne.s32 s0, $0x0;
	_ =	strace $0x90000056  }
0x6a: {  	s0 =	sadd.s32 @!p0 $0x100000, s1;
	[bflag:$0x2] =	sbarrier.arrive $0xFFFF  }
0x6b: {  	[sflag:s0] =	ssyncadd.tile.s32 @!p0 $0x1;
	_ =	shalt  }
.Lfunc_end2:
_tile_overlayer_lowered:
.L_overlay_start_2:
0x6c: {  	(tag) =	ssettag $0x2  }
0x6d: {  	s0 =	rddreg [dreg:$0x0];
	s2 =	stileid.u32  }
0x6e: {  	s1 =	rddreg [dreg:$0x1];
	p0 =	sne.s32 s2, $0x0  }
0x6f: {  	s3 =	rddreg [dreg:$0x2];
	[bflag:$0x3] =	sbarrier.arrive $0xFFFF;
	s2 =	simm.s32 @!p0 $0x1C01  }
0x70: {  	[timem:s3], [sflag:s2] =	dma.local @!p0 [hbm:s0], s1  }
0x71: {  	s0 =	simm.s32 @!p0 $0x1  }
0x72: {  	_ =	swait.ge @!p0 [sflag:s0], s1  }
0x73: {  	s1 =	ssub.s32 @!p0 $0x0, s1;
	[sflag:s0] =	ssyncset.done @!p0 $0x0  }
0x74: {  	[sflag:s0] =	ssyncadd.s32 @!p0 s1  }
0x75: {  	[bflag:$0x3] =	sbarrier.arrive $0xFFFF  }
0x76: {  	_ =	shalt  }

// kernel: kernel.34.cloned.1.call-start
scs
__scs_entry_jumppad:
0x0: {  	(pc) =	sbr.rel $0x88, $3  }
0x1: {  	(tag) =	ssettag $0x0;
	lr =	simm.s32 $0x1  }
0x2: {  	[smem:$0x3F95] =	sst lr;
	_ =	strace $0xD0000000  }
0x3: {  	_ = 	snop  }
0x4: {  	_ = 	snop  }
0x5: {  	_ = 	snop  }
0x6: {  	_ = 	snop  }
0x7: {  	_ = 	snop  }
__scs_overlays_trampoline_lowered:
0x8: {  	[smem:$0x3FA4] =	sst s0  }
0x9: {  	[smem:$0x3FA5] =	sst s1  }
0xa: {  	[smem:$0x3FA6] =	sst s2  }
0xb: {  	[smem:$0x3FA7] =	sst s3  }
0xc: {  	[smem:$0x3FA8] =	sst s4  }
0xd: {  	[smem:$0x3FA9] =	sst s5  }
0xe: {  	[smem:$0x3FAA] =	sst s6  }
0xf: {  	[smem:$0x3FAB] =	sst s7  }
0x10: {  	[smem:$0x3FAC] =	sst s8  }
0x11: {  	[smem:$0x3FAD] =	sst s9;
	s0 =	simm.s32 @!p0 $0x0  }
0x12: {  	s1 =	sld [smem:$0x3F93];
	s0 =	simm.s32 @p0 $0x1  }
0x13: {  	[smem:$0x3FAE] =	sst s0;
	s0 =	simm.s32 @!p1 $0x0  }
0x14: {  	s2 =	sld [smem:$0x3F92];
	s0 =	simm.s32 @p1 $0x1  }
0x15: {  	[smem:$0x3FAF] =	sst s0;
	s0 =	simm.s32 @!p2 $0x0  }
0x16: {  	s3 =	sld [smem:$0x3FDB];
	s0 =	simm.s32 @p2 $0x1  }
0x17: {  	s4 =	simm.s32 $0x1BF5;
	[smem:$0x3FB1] =	sst s0  }
0x18: {  	s0 =	sld [smem:$0x3F94];
	_ =	swait.ge [sflag:s4], $0x0  }
0x19: {  	s7 =	sld [smem:$0x3F95]  }
0x1a: {  	s8 =	sadd.s32 $0xFFFFE003, lr  }
0x1b: {  	s9 =	sadd.s32 $0xFFFFFEF7, lr;
	s5 =	simm.s32 $0xFFFFFFFF;
	p2 =	slt.u32 s8, $0xFFFFF086  }
0x1c: {  	p1 =	slt.u32 s9, $0xF7A;
	s5 =	simm.s32 @!p2 $0x0  }
0x1d: {  	s5 =	simm.s32 @p1 $0x1;
	p0 =	seq.s32 s7, s2  }
0x1e: {  	s7 =	smul.u32 @!p0 $0xF7A, s2;
	p2 =	seq.s32 @!p0 s5, $0x0  }
0x1f: {  	s9 =	smul.u32 $0xF7A, s1;
	s8 =	simm.s32 @!p0 $0x1BF5;
	p2 =	por !p2, p0  }
0x20: {  	[sflag:s8] =	ssyncset.s32 @!p0 $0xFFFFF086;
	s6 =	sadd.s32 @!p0 s3, s7;
	s7 =	simm.s32 @!p0 $0x108  }
0x21: {  	s3 =	sadd.s32 s3, s9;
	s6 =	sadd.s32 @!p0 $0x88, s6;
	s7 =	simm.s32 @p2 $0x1082  }
0x22: {  	[simem:s7], [sflag:s8] =	dma.local @!p0 [hbm:s6], $0xF7A  }
0x23: {  	s9 =	sor.u32 $0xD0000000, s2;
	s6 =	simm.s32 $0x108;
	_ =	swait.ge @!p0 [sflag:s8], $0x0  }
0x24: {  	s3 =	sadd.s32 $0x88, s3;
	s6 =	simm.s32 @!p1 $0x1082;
	[sflag:s4] =	ssyncset.s32 $0xFFFFF086  }
0x25: {  	[simem:s6], [sflag:s4] =	dma.local [hbm:s3], $0xF7A  }
0x26: {  	[smem:$0x3F95] =	sst s1;
	(tag) =	ssettag s2;
	_ =	strace s9  }
0x27: {  	s1 =	sld [smem:$0x3FA5]  }
0x28: {  	s2 =	sld [smem:$0x3FA6]  }
0x29: {  	s4 =	sld [smem:$0x3FA8]  }
0x2a: {  	p0 =	seq.s32 s5, $0x0;
	s5 =	sld [smem:$0x3FA9]  }
0x2b: {  	s6 =	sld [smem:$0x3FAA]  }
0x2c: {  	s7 =	sld [smem:$0x3FAB]  }
0x2d: {  	s3 =	simm.s32 $0x108;
	s8 =	sld [smem:$0x3FAC]  }
0x2e: {  	s3 =	simm.s32 @!p0 $0x1082;
	s9 =	sld [smem:$0x3FAD]  }
0x2f: {  	lr =	sadd.s32 s0, s3;
	s0 =	sld [smem:$0x3FA4]  }
0x30: {  	s3 =	sld [smem:$0x3FA7]  }
0x31: {  	[smem:$0x3FB0] =	sst s10  }
0x32: {  	s10 =	sld [smem:$0x3FAE];
	_ =	sdelay $0x3  }
0x33: {  	p0 =	seq.s32 s10, $0x1;
	s10 =	sld [smem:$0x3FB0];
	_ =	sdelay $0x3  }
0x34: {  	[smem:$0x3FB0] =	sst s10  }
0x35: {  	s10 =	sld [smem:$0x3FAF];
	_ =	sdelay $0x3  }
0x36: {  	p1 =	seq.s32 s10, $0x1;
	s10 =	sld [smem:$0x3FB0];
	_ =	sdelay $0x3  }
0x37: {  	[smem:$0x3FB0] =	sst s10  }
0x38: {  	s10 =	sld [smem:$0x3FB1]  }
0x39: {  	_ = 	snop;
	(pc) =	sbr.ind lr, $3  }
0x3a: {  	_ = 	snop  }
0x3b: {  	_ = 	snop  }
0x3c: {  	p2 =	seq.s32 s10, $0x1;
	s10 =	sld [smem:$0x3FB0]  }
0x3d: {  	_ =	shalt  }
0x3e: {  	_ =	shalt  }
0x3f: {  	_ =	shalt  }
0x40: {  	_ =	shalt  }
0x41: {  	_ =	shalt  }
0x42: {  	_ =	shalt  }
0x43: {  	_ =	shalt  }
0x44: {  	_ =	shalt  }
0x45: {  	_ =	shalt  }
0x46: {  	_ =	shalt  }
0x47: {  	_ =	shalt  }
0x48: {  	_ =	shalt  }
0x49: {  	_ =	shalt  }
0x4a: {  	_ =	shalt  }
0x4b: {  	_ =	shalt  }
0x4c: {  	_ =	shalt  }
0x4d: {  	_ =	shalt  }
0x4e: {  	_ =	shalt  }
0x4f: {  	_ =	shalt  }
0x50: {  	_ =	shalt  }
0x51: {  	_ =	shalt  }
0x52: {  	_ =	shalt  }
0x53: {  	_ =	shalt  }
0x54: {  	_ =	shalt  }
0x55: {  	_ =	shalt  }
0x56: {  	_ =	shalt  }
0x57: {  	_ =	shalt  }
0x58: {  	_ =	shalt  }
0x59: {  	_ =	shalt  }
0x5a: {  	_ =	shalt  }
0x5b: {  	_ =	shalt  }
0x5c: {  	_ =	shalt  }
0x5d: {  	_ =	shalt  }
0x5e: {  	_ =	shalt  }
0x5f: {  	_ =	shalt  }
0x60: {  	_ =	shalt  }
0x61: {  	_ =	shalt  }
0x62: {  	_ =	shalt  }
0x63: {  	_ =	shalt  }
0x64: {  	_ =	shalt  }
0x65: {  	_ =	shalt  }
0x66: {  	_ =	shalt  }
0x67: {  	_ =	shalt  }
0x68: {  	_ =	shalt  }
0x69: {  	_ =	shalt  }
0x6a: {  	_ =	shalt  }
0x6b: {  	_ =	shalt  }
0x6c: {  	_ =	shalt  }
0x6d: {  	_ =	shalt  }
0x6e: {  	_ =	shalt  }
0x6f: {  	_ =	shalt  }
0x70: {  	_ =	shalt  }
0x71: {  	_ =	shalt  }
0x72: {  	_ =	shalt  }
0x73: {  	_ =	shalt  }
0x74: {  	_ =	shalt  }
0x75: {  	_ =	shalt  }
0x76: {  	_ =	shalt  }
0x77: {  	_ =	shalt  }
0x78: {  	_ =	shalt  }
0x79: {  	_ =	shalt  }
0x7a: {  	_ =	shalt  }
0x7b: {  	_ =	shalt  }
0x7c: {  	_ =	shalt  }
0x7d: {  	_ =	shalt  }
0x7e: {  	_ =	shalt  }
0x7f: {  	_ =	shalt  }
0x80: {  	_ =	shalt  }
0x81: {  	_ =	shalt  }
0x82: {  	_ =	shalt  }
0x83: {  	_ =	shalt  }
0x84: {  	_ =	shalt  }
0x85: {  	_ =	shalt  }
0x86: {  	_ =	shalt  }
0x87: {  	_ =	shalt  }
.Lfunc_end0:
.L_simem_size_0:
called_computation.6_lowered:
.L_overlay_start_0:
0x88: {  	s2 =	sld [smem:$0x3FD9]  }
0x89: {  	s3 =	sld [smem:$0x3FFE];
	_ =	sdelay $0x1  }
0x8a: {  	s1 =	srdreg.scid  }
0x8b: {  	s0 =	sand.u32 $0x1, s1  }
0x8c: {  	s17 =	sshll.u32 s0, $0xA;
	s2 =	sadd.s32 s3, s2  }
0x8d: {  	s2 =	sadd.s32 s2, s17  }
0x8e: {  	[smem:$0x3FBC] =	sst s2  }
0x8f: {  	_ = 	snop  }
0x90: {  	(tm) =	ssettm $0x1  }
0x91: {  	s18 =	sld [smem:$0x3FFB];
	_ =	sdelay $0x3  }
0x92: {  	_ =	strace s18  }
0x93: {  	s2 =	sld [smem:$0x3FFC];
	_ =	sdelay $0x3  }
0x94: {  	_ =	strace s2  }
0x95: {  	s2 =	sld [smem:$0x3FFD];
	_ =	sdelay $0x3  }
0x96: {  	_ =	strace s2  }
0x97: {  	_ =	strace $0x8FFFFFFF  }
0x98: {  	s19 =	sld [smem:$0x3FDB];
	_ =	sdelay $0x1  }
0x99: {  	s20 =	simm.s32 $_scs_section_size  }
0x9a: {  	s4 =	simm.s32 $_size__tile_overlayer_lowered;
	s5 =	simm.s32 $_tile_overlayer_lowered  }
0x9b: {  	s6 =	simm.s32 $0x1BFF;
	s21 =	sshll.u32 s5, $0x1;
	s3 =	sadd.s32 s20, s19  }
0x9c: {  	s22 =	simm.s32 $0x0;
	s4 =	sshll.u32 s4, $0x1;
	s5 =	sadd.s32 s21, s3  }
0x9d: {  	[timem:s22], [sflag:s6] =	dma.local [hbm:s5], s4  }
0x9e: {  	_ =	swait.ge [sflag:s6], s4  }
0x9f: {  	s4 =	ssub.s32 $0x0, s4;
	[sflag:s6] =	ssyncset.done $0x0  }
0xa0: {  	[sflag:s6] =	ssyncadd.s32 s4;
	_ =	sdelay $0x1  }
0xa1: {  	s23 =	simm.s32 $0x1B8B  }
0xa2: {  	_ =	swait.ge [sflag:s23], $0x1  }
0xa3: {  	[sflag:s23] =	ssyncset.done $0x0  }
0xa4: {  	[sflag:s23] =	ssyncadd.s32 $0xFFFFFFFF  }
0xa5: {  	s4 =	sld [smem:$0x0]  }
0xa6: {  	s5 =	sand.u32 $0xFFFFFFFE, s1  }
0xa7: {  	p0 =	sne.s32 s1, s5  }
0xa8: {  	s5 =	sshll.u32 @p0 s5, $0xE  }
0xa9: {  	s5 =	sadd.s32 @p0 $0x11B8D, s5;
	s6 =	sshll.u32 @p0 s4, $0x11  }
0xaa: {  	s5 =	sor.u32 @p0 s6, s5  }
0xab: {  	[sflag:s5] =	ssyncadd.remote.s32 @p0 $0x1;
	_ =	sdelay $0x1  }
0xac: {  	s5 =	simm.s32 @p0 $0x1B8D  }
0xad: {  	_ =	swait.eq @p0 [sflag:s5], $0x1  }
0xae: {  	[sflag:s5] =	ssyncadd.s32 @p0 $0xFFFFFFFF  }
0xaf: {  	s6 =	sshll.u32 @!p0 s1, $0xE  }
0xb0: {  	s6 =	sor.u32 @!p0 $0x4000, s6;
	s5 =	simm.s32 @!p0 $0x1B8D  }
0xb1: {  	s4 =	sshll.u32 @!p0 s4, $0x11;
	s6 =	sadd.s32 @!p0 $0x11B8D, s6;
	_ =	swait.eq @!p0 [sflag:s5], $0x1  }
0xb2: {  	s4 =	sor.u32 @!p0 s4, s6;
	[sflag:s5] =	ssyncadd.s32 @!p0 $0xFFFFFFFF  }
0xb3: {  	s25 =	simm.s32 $0x1B8E;
	s24 =	sld [smem:$0x3FFE];
	[sflag:s4] =	ssyncadd.remote.s32 @!p0 $0x1  }
0xb4: {  	s26 =	simm.s32 $execute0_lowered;
	[smem:$0x3FD2] =	sst s25  }
0xb5: {  	s5 =	sshll.u32 s26, $0x1;
	_ =	strace $0x80000058;
	[dreg:$0x1] =	wrdreg $0xFFFFFFFF  }
0xb6: {  	s28 =	simm.s32 $_size_execute0_lowered;
	s3 =	sadd.s32 s3, s5;
	[dreg:$0x0] =	wrdreg $0x0  }
0xb7: {  	s5 =	sshll.u32 s28, $0x1;
	[dreg:$0x2] =	wrdreg s3  }
0xb8: {  	[dreg:$0x3] =	wrdreg s5  }
0xb9: {  	[dreg:$0x4] =	wrdreg $0xC0  }
0xba: {  	_ =	task [dreg:s22], $0x5FFFF  }
0xbb: {  	[dreg:$0x1] =	wrdreg $0xFFFFFFFF  }
0xbc: {  	[dreg:$0x0] =	wrdreg $0x60  }
0xbd: {  	[dreg:$0x2] =	wrdreg s24  }
0xbe: {  	[dreg:$0x3] =	wrdreg $0x91800  }
0xbf: {  	[dreg:$0x4] =	wrdreg $0x9  }
0xc0: {  	_ =	task.clear_ibuf [dreg:s22], $0x5FFFF;
	_ =	strace $0x90000058  }
0xc1: {  	s29 =	simm.s32 $0x9;
	_ =	strace $0x8000005A  }
0xc2: {  	_ =	swait.ge [sflag:s29], $0x1  }
0xc3: {  	[sflag:s29] =	ssyncadd.s32 $0xFFFFFFFF  }
0xc4: {  	_ =	strace $0x9000005A  }
0xc5: {  	_ =	sfence  }
0xc6: {  	s30 =	sld [smem:$0x0];
	_ =	sdelay $0x2  }
0xc7: {  	s31 =	sshll.u32 s1, $0xD;
	s1 =	sshrl.u32 s1, $0x2  }
0xc8: {  	s4 =	sand.u32 $0x4000, s31;
	s1 =	sadd.s32 s1, s30  }
0xc9: {  	s0 =	sor.u32 s4, s0;
	s1 =	sshll.u32 s1, $0x11  }
0xca: {  	s0 =	sor.u32 s1, s0  }
0xcb: {  	s0 =	sadd.s32 $0x8F2B, s0  }
0xcc: {  	[sflag:s0] =	ssyncadd.remote.s32 $0x1  }
0xcd: {  	_ =	sfence.sel $0xFFFF  }
0xce: {  	[dreg:$0x0] =	wrdreg $0xFFFFFFFF;
	(pc) =	sbr.abs _section_cstart, $3  }
0xcf: {  	[dreg:$0x1] =	wrdreg $0xFFFFFFFF  }
0xd0: {  	_ =	task.clear_ibuf [dreg:s22], $0x2FFFF;
	_ =	strace $0x9FFFFFFF  }
0xd1: {  	(tm) =	ssettm $0x7FFFFFFF  }
tec
execute0_lowered:
.L_overlay_start_1:
0x0: {  	(tag) =	ssettag $0x1  }
0x1: {  	s1 =	srdreg.scid;
	s4 =	rddreg [dreg:$0x0]  }
0x2: {  	s0 =	stileid.u32;
	s2 =	rddreg [dreg:$0x1]  }
0x3: {  	s3 =	simm.s32 $0x0;
	s16 =	simm.s32 $0x1;
	s17 =	simm.s32 $0x180  }
0x4: {  	s18 =	simm.s32 $0x118;
	s19 =	simm.s32 $0x0;
	s5 =	sand.u32 $0x1, s1  }
0x5: {  	s22 =	sshll.u32 s0, $0x1;
	s1 =	rddreg [dreg:$0x2];
	s8 =	smul.u32 $0x4F000, s0  }
0x6: {  	[smem:$0x7FF] =	sst s3;
	s12 =	sadd.s32 $0x6000, s4;
	s11 =	smul.u32 $0x13C00, s0  }
0x7: {  	s23 =	sadd.s32 $0x280800, s4;
	p0 =	seq.s32 s0, $0xF;
	s6 =	sor.u32 s5, s22  }
0x8: {  	_ =	strace $0x80000059;
	s9 =	ssub.s32 $0x2, s5;
	s5 =	smul.u32 $0x138800, s5  }
0x9: {  	s7 =	smul.u32 $0x3480, s6;
	s10 =	sshrl.u32 s9, $0x1;
	s24 =	sshrl.u32 s8, $0x2  }
0xa: {  	s25 =	smul.u32 $0x348, s6;
	s9 =	ssub.s32 s9, s10;
	s26 =	sadd.s32 s11, s5  }
0xb: {  	s28 =	sshrl.u32 s5, $0x3;
	s14 =	sadd.s32 s7, s4;
	s4 =	sadd.s32 s24, s2  }
0xc: {  	s6 =	sshrl.u32 s26, $0x3;
	s29 =	sadd.s32 s23, s28;
	s30 =	sshrl.u32 s25, $0x3  }
.Ltmp0:
0xd: {  	s7 =	sadd.s32 $0x128400, s2;
	s8 =	smax.u32 s9, $0x1;
	(pc) =	sbr.rel .LBB2_1-.Ltmp0, $4  }
0xe: {  	s31 =	sadd.s32 $0x20918, s25;
	s5 =	sadd.s32 s23, s6;
	s6 =	sadd.s32 $0x25080, s29  }
0xf: {  	s13 =	sadd.s32 s12, s30;
	s10 =	sadd.s32 $0x217800, s14;
	s11 =	sadd.s32 $0x218980, s14  }
0x10: {  	s15 =	sshrl.u32 s31, $0x3;
	s14 =	sadd.s32 $0x219B00, s14;
	s9 =	sadd.s32 $0x4100, s13  }
0x11: {  	v0 =	vimm.f32 $0.0e+00;
	s12 =	sadd.s32 s12, s15;
	s13 =	sadd.s32 $0x4146, s13;
	s15 =	simm.s32 $0x8D80  }
.LBB2_6:
0x12: {  	[sflag:s16] =	ssyncset.done $0x0  }
0x13: {  	[sflag:s16] =	ssyncadd.s32 $0xFFFFFC00  }
.LBB2_10:
0x14: {  	[bflag:$0x0] =	sbarrier.arrive $0xFFFF  }
0x15: {  	[tilespmem:s3], [sflag:$0x1] =	stream.linear.gather [hbm4b:s9+s3], $0x118, $0x38;
	[tilespmem:$0x1CA00] =	vst v63  }
0x16: {  	_ =	swait.ge [sflag:s16], $0x118  }
0x17: {  	[sflag:s16] =	ssyncset.done $0x0  }
0x18: {  	[sflag:s16] =	ssyncadd.s32 $0xFFFFFEE8  }
0x19: {  	[tilespmem:s17], [sflag:$0x1] =	stream.linear.gather [hbm4b:s10+s3], $0x8C00, $0x38;
	[tilespmem:$0x1CA00] =	vst v63  }
0x1a: {  	_ =	swait.ge [sflag:s16], $0x8C00  }
0x1b: {  	[sflag:s16] =	ssyncset.done $0x0  }
0x1c: {  	[sflag:s16] =	ssyncadd.s32 $0xFFFF7400  }
0x1d: {  	[spmem:s2] =	stream.indirect.scatter.add.f32 [tilespmem:s17], [sflag:$0x1], $0x80, s3, s18, $0xb8;
	[tilespmem:$0x1CA00] =	vst v63  }
0x1e: {  	_ =	swait.ge [sflag:s16], $0x8C00  }
0x1f: {  	[sflag:s16] =	ssyncset.done $0x0  }
0x20: {  	[sflag:s16] =	ssyncadd.s32 $0xFFFF7400  }
0x21: {  	[tilespmem:s3], [sflag:$0x1] =	stream.linear.gather [hbm4b:s12+s3], $0x118, $0x38;
	[tilespmem:$0x1CA00] =	vst v63  }
0x22: {  	_ =	swait.ge [sflag:s16], $0x118  }
0x23: {  	[sflag:s16] =	ssyncset.done $0x0  }
0x24: {  	[sflag:s16] =	ssyncadd.s32 $0xFFFFFEE8  }
0x25: {  	[tilespmem:s17], [sflag:$0x1] =	stream.linear.gather [hbm4b:s11+s3], $0x8C00, $0x38;
	[tilespmem:$0x1CA00] =	vst v63  }
0x26: {  	_ =	swait.ge [sflag:s16], $0x8C00  }
0x27: {  	[sflag:s16] =	ssyncset.done $0x0  }
0x28: {  	[sflag:s16] =	ssyncadd.s32 $0xFFFF7400  }
0x29: {  	[spmem:s2] =	stream.indirect.scatter.add.f32 [tilespmem:s17], [sflag:$0x1], $0x80, s3, s18, $0xb8;
	[tilespmem:$0x1CA00] =	vst v63  }
0x2a: {  	_ =	swait.ge [sflag:s16], $0x8C00  }
0x2b: {  	[sflag:s16] =	ssyncset.done $0x0  }
0x2c: {  	[sflag:s16] =	ssyncadd.s32 $0xFFFF7400  }
0x2d: {  	[tilespmem:s3], [sflag:$0x1] =	stream.linear.gather [hbm4b:s13+s3], $0x118, $0x38;
	[tilespmem:$0x1CA00] =	vst v63  }
0x2e: {  	_ =	swait.ge [sflag:s16], $0x118  }
0x2f: {  	[sflag:s16] =	ssyncset.done $0x0  }
0x30: {  	[sflag:s16] =	ssyncadd.s32 $0xFFFFFEE8  }
0x31: {  	[tilespmem:s17], [sflag:$0x1] =	stream.linear.gather [hbm4b:s14+s3], $0x8C00, $0x38;
	[tilespmem:$0x1CA00] =	vst v63  }
0x32: {  	_ =	swait.ge [sflag:s16], $0x8C00  }
0x33: {  	[sflag:s16] =	ssyncset.done $0x0  }
0x34: {  	[sflag:s16] =	ssyncadd.s32 $0xFFFF7400  }
0x35: {  	[spmem:s2] =	stream.indirect.scatter.add.f32 [tilespmem:s17], [sflag:$0x1], $0x80, s3, s18, $0xb8;
	[tilespmem:$0x1CA00] =	vst v63  }
0x36: {  	_ =	swait.ge [sflag:s16], $0x8C00  }
0x37: {  	[sflag:s16] =	ssyncset.done $0x0  }
0x38: {  	[sflag:s16] =	ssyncadd.s32 $0xFFFF7400  }
0x39: {  	s20 =	sshrl.u32 @p0 s7, $0x3;
	s21 =	simm.s32 @p0 $0x1FC1;
	[bflag:$0x0] =	sbarrier.arrive $0xFFFF  }
0x3a: {  	[hbm:s6], [sflag:s21] =	dma.local @p0 [spmem:s20], $0x2080  }
0x3b: {  	s20 =	simm.s32 @p0 $0x1  }
0x3c: {  	s19 =	sadd.s32 $0x1, s19;
	_ =	swait.ge @p0 [sflag:s20], $0x2080  }
0x3d: {  	p1 =	sne.s32 s19, s8;
	s21 =	sshll.u32 @!p0 s0, $0x6;
	[sflag:s20] =	ssyncset.done @p0 $0x0  }
0x3e: {  	[sflag:s20] =	ssyncadd.s32 @p0 $0xFFFFDF80;
	s20 =	sor.u32 @!p0 $0x1C01, s21;
	s21 =	sshrl.u32 @!p0 s4, $0x3  }
0x3f: {  	[hbm:s5], [sflag:s20] =	dma.local @!p0 [spmem:s21], $0x2780  }
.Ltmp1:
0x40: {  	_ = 	snop;
	(pc) =	sbr.rel @!p1 .LBB2_11-.Ltmp1, $4  }
0x41: {  	s20 =	simm.s32 @!p0 $0x1  }
0x42: {  	_ =	swait.ge @!p0 [sflag:s20], $0x2780  }
0x43: {  	[sflag:s20] =	ssyncset.done @!p0 $0x0  }
0x44: {  	[sflag:s20] =	ssyncadd.s32 @!p0 $0xFFFFD880  }
.LBB2_1:
0x45: {  	s20 =	sand.u32 $0xE00, s3  }
0x46: {  	s21 =	sand.u32 $0x70, s3;
	s22 =	sshrl.u32 s20, $0x2  }
0x47: {  	s20 =	simm.s32 $0x40;
	s22 =	sor.u32 s21, s22;
	s21 =	simm.s32 $0x0  }
.LBB2_2:
0x48: {  	p1 =	sne.s32 s20, $0xFC0  }
0x49: {  	[tilespmem:s22+$0x8D80] =	vst v0;
	s21 =	sadd.s32 $0x10, s21;
	s22 =	smov.u32 s20;
	s20 =	sadd.s32 $0x40, s20  }
.Ltmp2:
0x4a: {  	(pc) =	sbr.rel @p1 .LBB2_2-.Ltmp2, $4  }
0x4b: {  	_ = 	snop  }
0x4c: {  	s22 =	sand.u32 $0xE00, s22  }
0x4d: {  	s23 =	sand.u32 $0x70, s21;
	s22 =	sshrl.u32 s22, $0x2  }
0x4e: {  	s22 =	sor.u32 s23, s22  }
.Ltmp3:
0x4f: {  	(pc) =	sbr.rel @!p0 .LBB2_4-.Ltmp3, $3  }
0x50: {  	_ =	sdelay $0x1  }
0x51: {  	s20 =	simm.s32 $0x0  }
0x52: {  	[tilespmem:s22+$0x8D80] =	vst v0;
	s21 =	sshra.s32 s20, $0x2  }
0x53: {  	s21 =	sadd.s32 s21, s7  }
0x54: {  	[spmem:s21] =	stream.linear.scatter [tilespmem:s15], [sflag:$0x1], $0x400, $0x38;
	[tilespmem:$0x1CA00] =	vst v63  }
0x55: {  	s20 =	sadd.s32 $0x1000, s20;
	_ =	swait.ge [sflag:s16], $0x400  }
.LBB2_8:
0x56: {  	s21 =	sshra.s32 s20, $0x2;
	[sflag:s16] =	ssyncset.done $0x0;
	p1 =	sne.s32 s20, $0x40000  }
.Ltmp4:
0x57: {  	s21 =	sadd.s32 s21, s7;
	[sflag:s16] =	ssyncadd.s32 $0xFFFFFC00;
	(pc) =	sbr.rel @p1 .LBB2_8-.Ltmp4, $3  }
0x58: {  	[spmem:s21] =	stream.linear.scatter [tilespmem:s15], [sflag:$0x1], $0x400, $0x38;
	[tilespmem:$0x1CA00] =	vst v63  }
0x59: {  	s20 =	sadd.s32 $0x1000, s20;
	_ =	sdelay $0x1  }
0x5a: {  	_ =	swait.ge [sflag:s16], $0x400  }
.Ltmp5:
0x5b: {  	(pc) =	sbr.rel .LBB2_10-.Ltmp5, $3  }
0x5c: {  	_ =	sdelay $0x1  }
0x5d: {  	[sflag:s16] =	ssyncset.done $0x0  }
0x5e: {  	[sflag:s16] =	ssyncadd.s32 $0xFFFFFC00  }
.LBB2_4:
0x5f: {  	s21 =	sadd.s32 s21, s4  }
0x60: {  	[spmem:s21] =	stream.linear.scatter [tilespmem:s15], [sflag:$0x1], $0x400, $0x38;
	[tilespmem:$0x1CA00] =	vst v63  }
0x61: {  	s20 =	sadd.s32 $0x1000, s20;
	_ =	swait.ge [sflag:s16], $0x400  }
.LBB2_5:
0x62: {  	s21 =	sshra.s32 s20, $0x2;
	[sflag:s16] =	ssyncset.done $0x0;
	p1 =	seq.s32 s20, $0x4E000  }
.Ltmp6:
0x63: {  	s21 =	sadd.s32 s21, s4;
	[sflag:s16] =	ssyncadd.s32 $0xFFFFFC00;
	(pc) =	sbr.rel @!p1 .LBB2_5-.Ltmp6, $3  }
0x64: {  	[spmem:s21] =	stream.linear.scatter [tilespmem:s15], [sflag:$0x1], $0x400, $0x38;
	[tilespmem:$0x1CA00] =	vst v63  }
0x65: {  	s20 =	sadd.s32 $0x1000, s20;
	_ =	sdelay $0x1  }
0x66: {  	_ =	swait.ge [sflag:s16], $0x400  }
.Ltmp7:
0x67: {  	_ = 	snop;
	(pc) =	sbr.rel .LBB2_6-.Ltmp7, $1  }
0x68: {  	_ =	sdelay $0x3  }
.LBB2_11:
0x69: {  	_ =	sfence.sel $0x180000  }
0x6a: {  	[bflag:$0x0] =	sbarrier.arrive $0xFFFF  }
0x6b: {  	p0 =	sne.s32 s0, $0x0;
	_ =	strace $0x90000059  }
0x6c: {  	s0 =	sadd.s32 @!p0 $0x100000, s1;
	[bflag:$0x2] =	sbarrier.arrive $0xFFFF  }
0x6d: {  	[sflag:s0] =	ssyncadd.tile.s32 @!p0 $0x1;
	_ =	shalt  }
.Lfunc_end2:
_tile_overlayer_lowered:
.L_overlay_start_2:
0x6e: {  	(tag) =	ssettag $0x2  }
0x6f: {  	s0 =	rddreg [dreg:$0x0];
	s2 =	stileid.u32  }
0x70: {  	s1 =	rddreg [dreg:$0x1];
	p0 =	sne.s32 s2, $0x0  }
0x71: {  	s3 =	rddreg [dreg:$0x2];
	[bflag:$0x3] =	sbarrier.arrive $0xFFFF;
	s2 =	simm.s32 @!p0 $0x1C01  }
0x72: {  	[timem:s3], [sflag:s2] =	dma.local @!p0 [hbm:s0], s1  }
0x73: {  	s0 =	simm.s32 @!p0 $0x1  }
0x74: {  	_ =	swait.ge @!p0 [sflag:s0], s1  }
0x75: {  	s1 =	ssub.s32 @!p0 $0x0, s1;
	[sflag:s0] =	ssyncset.done @!p0 $0x0  }
0x76: {  	[sflag:s0] =	ssyncadd.s32 @!p0 s1  }
0x77: {  	[bflag:$0x3] =	sbarrier.arrive $0xFFFF  }
0x78: {  	_ =	shalt  }

</sc_bundles>
